<compile_context>
chip_gen: v7x
topology: tpu7x:2x2x1
jax: 0.10.2.dev20260603
libtpu: 0.0.44.dev20260713+nightly
codegen_flags: <defaults>
</compile_context>

<pallas_src>
import functools

import jax
import jax.numpy as jnp
from jax import lax
from jax.experimental import pallas as pl
from jax.experimental.pallas import tpu as pltpu
from jax.experimental.pallas import tpu_sc as plsc

_VOCAB = 1000
_VP = 1024
_D = 64
_B, _T = 4, 4096
_N = _B * _T
_NC = 2
_NS = 16
_NW = _NC * _NS
_TPT = _N // _NW
_WPB = _T // _TPT
_CH = 128
_NCH = _TPT // _CH
_RPT = _VP // _NS


def _phase1_body(x_hbm, tok_hbm, out_a, out_cnt,
                 idx_v, xv, xca, xcb, sca, scb, ones_v, z64, z16,
                 cnt_v, cnt8,
                 acc_sum, acc_sq, acc_cnt,
                 sem_in, sem_z, sem_s, sem_s2, sem_out):
    c = lax.axis_index("c")
    s = lax.axis_index("s")
    w = s * _NC + c

    ld_idx = pltpu.async_copy(tok_hbm.at[w], idx_v, sem_in)
    ld_x = pltpu.async_copy(x_hbm.at[:, :, w], xv, sem_in)

    iota = lax.iota(jnp.int32, 16)
    fr128 = lax.shift_left(lax.bitwise_and(iota, 7), 7)
    fb_gs = [lax.shift_right_logical(iota, 3) + 2 * g for g in range(4)]

    zeros = jnp.zeros((16,), jnp.float32)
    ones = jnp.ones((16,), jnp.float32)

    def zrow(r, carry):
        for j in range(4):
            z64[r, pl.ds(j * 16, 16)] = zeros
        z16[r] = zeros
        return carry
    lax.fori_loop(0, _RPT, zrow, 0)

    def onesrow(r, carry):
        ones_v[r] = ones
        return carry
    lax.fori_loop(0, _CH, onesrow, 0)

    rows = pl.ds(s * _RPT, _RPT)
    z1 = pltpu.async_copy(z64, acc_sum.at[rows], sem_z)
    z2 = pltpu.async_copy(z64, acc_sq.at[rows], sem_z)
    z3 = pltpu.async_copy(z16, acc_cnt.at[rows], sem_z)

    z1.wait()
    z2.wait()
    z3.wait()
    plsc.subcore_barrier()

    ld_idx.wait()
    ld_x.wait()

    xbufs = [xca, xcb]
    sbufs = [sca, scb]
    sems = [sem_s, sem_s2]
    pend = {}
    ones_cps = []
    for ch in range(_NCH):
        p = ch % 2
        if ch >= 2:
            pend[ch - 2][0].wait()
            pend[ch - 2][1].wait()
        xb, sb = xbufs[p], sbufs[p]
        tbl_v = jnp.zeros((16,), jnp.int32) + ch

        @plsc.parallel_loop(0, _CH // 4, 1, unroll=4)
        def transpose_rows(r):
            for k in range(4):
                tl = r * 4 + k
                col_v = fr128 + tl
                for g in range(4):
                    v = plsc.load_gather(xv, [tbl_v, fb_gs[g], col_v])
                    xb[tl, pl.ds(g * 16, 16)] = v
                    sb[tl, pl.ds(g * 16, 16)] = v * v

        idx = idx_v.at[ch]
        pend[ch] = (
            pltpu.async_copy(xb, acc_sum.at[idx], sems[p], add=True),
            pltpu.async_copy(sb, acc_sq.at[idx], sems[p], add=True),
        )
        ones_cps.append(
            pltpu.async_copy(ones_v, acc_cnt.at[idx], sem_z, add=True))
    for ch in (_NCH - 2, _NCH - 1):
        pend[ch][0].wait()
        pend[ch][1].wait()
    for cp in ones_cps:
        cp.wait()

    plsc.subcore_barrier()

    o1 = pltpu.async_copy(acc_sum.at[rows], out_a.at[c, rows, pl.ds(0, _D)],
                          sem_out)
    o2 = pltpu.async_copy(acc_sq.at[rows], out_a.at[c, rows, pl.ds(_D, _D)],
                          sem_out)
    pltpu.sync_copy(acc_cnt.at[rows], cnt_v)

    def cntrow(r, carry):
        q = r // 8
        j = (r % 8) * 16
        cnt8[q, pl.ds(j, 16)] = cnt_v[r]
        return carry
    lax.fori_loop(0, _RPT, cntrow, 0)
    o3 = pltpu.async_copy(cnt8, out_cnt.at[c, pl.ds(s * (_RPT // 8), _RPT // 8)],
                          sem_out)
    o1.wait()
    o2.wait()
    o3.wait()


_phase1 = functools.partial(
    pl.kernel,
    out_type=(
        jax.ShapeDtypeStruct((_NC, _VP, 2 * _D), jnp.float32),
        jax.ShapeDtypeStruct((_NC, _VP // 8, 2 * _D), jnp.float32),
    ),
    mesh=plsc.VectorSubcoreMesh(
        core_axis_name="c", subcore_axis_name="s",
        num_cores=_NC, num_subcores=_NS),
    scratch_types=[
        pltpu.VMEM((_NCH, _CH), jnp.int32),
        pltpu.VMEM((_B, _D // 8, 1024), jnp.float32),
        pltpu.VMEM((_CH, _D), jnp.float32),
        pltpu.VMEM((_CH, _D), jnp.float32),
        pltpu.VMEM((_CH, _D), jnp.float32),
        pltpu.VMEM((_CH, _D), jnp.float32),
        pltpu.VMEM((_CH, 16), jnp.float32),
        pltpu.VMEM((_RPT, _D), jnp.float32),
        pltpu.VMEM((_RPT, 16), jnp.float32),
        pltpu.VMEM((_RPT, 16), jnp.float32),
        pltpu.VMEM((_RPT // 8, 2 * _D), jnp.float32),
        pltpu.VMEM_SHARED((_VP, _D), jnp.float32),
        pltpu.VMEM_SHARED((_VP, _D), jnp.float32),
        pltpu.VMEM_SHARED((_VP, 16), jnp.float32),
        pltpu.SemaphoreType.DMA,
        pltpu.SemaphoreType.DMA,
        pltpu.SemaphoreType.DMA,
        pltpu.SemaphoreType.DMA,
        pltpu.SemaphoreType.DMA,
    ],
    compiler_params=pltpu.CompilerParams(
        use_tc_tiling_on_sc=False, needs_layout_passes=False,
        disable_bounds_checks=True),
)(_phase1_body)


def _finalize_body(a_ref, cnt_ref, loss_ref, nrep_ref):
    a = a_ref[0] + a_ref[1]
    cnt = cnt_ref[0] + cnt_ref[1]
    c = cnt.reshape(_VP // 8, 8, 16)[:, :, 0:1].reshape(_VP, 1)
    cm = jnp.maximum(c, 1.0)
    lane = lax.broadcasted_iota(jnp.int32, (_VP, 2 * _D), 1)
    contrib = jnp.where(lane >= _D, a, -(a * a) / cm)
    ss_sum = jnp.sum(contrib, axis=1, keepdims=True)
    var_mean = ss_sum / (jnp.maximum(c - 1.0, 1.0) * _D)
    repeated = c >= 2.0
    nrep = jnp.sum(repeated.astype(jnp.float32))
    total = jnp.sum(jnp.where(repeated, var_mean, 0.0))
    avg = total / jnp.maximum(nrep, 1.0)
    loss = jnp.maximum(1.0 - avg, 0.0)
    loss = jnp.where(nrep > 0.0, loss, 0.0)
    loss_ref[0, 0] = loss
    nrep_ref[0, 0] = nrep.astype(jnp.int32)


_finalize = pl.pallas_call(
    _finalize_body,
    out_shape=(
        jax.ShapeDtypeStruct((1, 1), jnp.float32),
        jax.ShapeDtypeStruct((1, 1), jnp.int32),
    ),
    out_specs=(
        pl.BlockSpec(memory_space=pltpu.SMEM),
        pl.BlockSpec(memory_space=pltpu.SMEM),
    ),
)


@jax.jit
def kernel(semantic_state, token_ids):
    x5 = jnp.transpose(
        semantic_state.reshape(_B, _T // 128, 128, _D // 8, 8),
        (0, 3, 1, 4, 2))
    x6 = x5.reshape(_B, _D // 8, _T // 128, 8 * 128)
    tok = jnp.transpose(
        token_ids.astype(jnp.int32).reshape(_B, _NW, _CH), (1, 0, 2))
    pa, pcnt = _phase1(x6, tok)
    loss, nrep = _finalize(pa, pcnt)
    return loss[0, 0], nrep[0, 0]

# --- scband reference (transcript-rebuilt; emitter-appended) ---
"""Pipeline reference for scband-context-contrastive-loss-21835613733420 (READ-ONLY COPY).

The authoritative reference and input builder live on the scoring server;
editing this copy changes nothing except your own understanding.
"""

import jax, jax.numpy as jnp
import numpy as np

VOCAB = 1000
MIN_OCC = 2


def setup_inputs(seed: int = 0) -> dict:
    key = jax.random.key(seed)
    k1, k2 = jax.random.split(key)
    semantic_state = jax.random.normal(k1, (4, 4096, 64), dtype=jnp.float32)
    token_ids = jax.random.randint(k2, (4, 4096), 0, VOCAB, dtype=jnp.int64) if jax.config.jax_enable_x64 else jax.random.randint(k2, (4, 4096), 0, VOCAB, dtype=jnp.int32)
    return {"semantic_state": semantic_state, "token_ids": token_ids}


def _compute_loss(semantic_state, token_ids):
    B, T, D = semantic_state.shape
    x = semantic_state.reshape(B * T, D)
    t = token_ids.reshape(B * T)
    # per-unique-token statistics via segment reductions (equivalent to
    # torch.unique + per-group variance loop, vectorized)
    ones = jnp.ones((B * T,), dtype=jnp.float32)
    counts = jax.ops.segment_sum(ones, t, num_segments=VOCAB)
    sums = jax.ops.segment_sum(x, t, num_segments=VOCAB)
    sumsq = jax.ops.segment_sum(x * x, t, num_segments=VOCAB)
    c = counts[:, None]
    mean = sums / jnp.maximum(c, 1.0)
    ss = sumsq - c * mean * mean
    denom = jnp.maximum(c - 1.0, 1.0)  # unbiased variance (torch .var default ddof=1)
    var = ss / denom
    var_mean = var.mean(axis=1)  # token_reps.var(dim=0).mean()
    repeated = counts >= MIN_OCC
    num_repeated = jnp.sum(repeated.astype(jnp.int32))
    total_variance = jnp.sum(jnp.where(repeated, var_mean, 0.0))
    avg_variance = total_variance / jnp.maximum(num_repeated.astype(jnp.float32), 1.0)
    target_variance = 1.0
    loss = jnp.clip(target_variance - avg_variance, 0.0, None)
    loss = jnp.where(num_repeated > 0, loss, jnp.float32(0.0))
    return loss, num_repeated


def reference(semantic_state, token_ids):
    loss, num_repeated = _compute_loss(semantic_state, token_ids)
    return (loss, num_repeated)

if __name__ == "__main__":
    import jax
    _d = setup_inputs()
    print(jax.jit(kernel)(*tuple(_d.values())))

</pallas_src>

<mosaic_0001>
#map = affine_map<(d0, d1) -> (0, 0, 0, 0)>
#map1 = affine_map<(d0, d1) -> (0, 0, 0)>
module attributes {stable_mosaic.version = 14 : i64} {
  func.func @_phase1_body(%arg0: i32, %arg1: i32, %arg2: memref<4x8x32x1024xf32, #tpu.memory_space<hbm>>, %arg3: memref<32x4x128xi32, #tpu.memory_space<hbm>>, %arg4: memref<2x1024x128xf32, #tpu.memory_space<hbm>>, %arg5: memref<2x128x128xf32, #tpu.memory_space<hbm>>, %arg6: memref<4x128xi32, #tpu.memory_space<vmem>>, %arg7: memref<4x8x1024xf32, #tpu.memory_space<vmem>>, %arg8: memref<128x64xf32, #tpu.memory_space<vmem>>, %arg9: memref<128x64xf32, #tpu.memory_space<vmem>>, %arg10: memref<128x64xf32, #tpu.memory_space<vmem>>, %arg11: memref<128x64xf32, #tpu.memory_space<vmem>>, %arg12: memref<128x16xf32, #tpu.memory_space<vmem>>, %arg13: memref<64x64xf32, #tpu.memory_space<vmem>>, %arg14: memref<64x16xf32, #tpu.memory_space<vmem>>, %arg15: memref<64x16xf32, #tpu.memory_space<vmem>>, %arg16: memref<8x128xf32, #tpu.memory_space<vmem>>, %arg17: memref<1024x64xf32, #tpu.memory_space<vmem_shared>>, %arg18: memref<1024x64xf32, #tpu.memory_space<vmem_shared>>, %arg19: memref<1024x16xf32, #tpu.memory_space<vmem_shared>>, %arg20: memref<!tpu.dma_semaphore, #tpu.memory_space<semaphore_mem>>, %arg21: memref<!tpu.dma_semaphore, #tpu.memory_space<semaphore_mem>>, %arg22: memref<!tpu.dma_semaphore, #tpu.memory_space<semaphore_mem>>, %arg23: memref<!tpu.dma_semaphore, #tpu.memory_space<semaphore_mem>>, %arg24: memref<!tpu.dma_semaphore, #tpu.memory_space<semaphore_mem>>) attributes {dimension_semantics = [#tpu.dimension_semantics<core_parallel>, #tpu.dimension_semantics<subcore_parallel>], iteration_bounds = array<i64: 2, 16>, scalar_prefetch = 0 : i64, scratch_operands = 19 : i64, tpu.core_type = #tpu.core_type<sc_vector_subcore>, window_params = [{transform_indices = #map}, {transform_indices = #map1}, {transform_indices = #map1}, {transform_indices = #map1}]} {
    %mul3A = arith.constant 2 : i32
    %mul3A_0 = arith.muli %arg1, %mul3A : i32
    %add3A = arith.addi %mul3A_0, %arg0 : i32
    %dma_start3A = arith.constant 0 : i32
    %dma_start3A_1 = arith.constant 0 : i32
    %dma_start3A_2 = tpu.memref_slice %arg3[%add3A, %dma_start3A, %dma_start3A_1] : memref<32x4x128xi32, #tpu.memory_space<hbm>> -> memref<1x4x128xi32, #tpu.memory_space<hbm>>
    %dma_start3A_3 = tpu.memref_squeeze %dma_start3A_2 : memref<1x4x128xi32, #tpu.memory_space<hbm>> -> memref<4x128xi32, #tpu.memory_space<hbm>>
    %dma_start3A_4 = arith.constant 0 : i32
    %dma_start3A_5 = arith.constant 0 : i32
    %dma_start3A_6 = tpu.memref_slice %arg3[%add3A, %dma_start3A_4, %dma_start3A_5] : memref<32x4x128xi32, #tpu.memory_space<hbm>> -> memref<1x4x128xi32, #tpu.memory_space<hbm>>
    %dma_start3A_7 = tpu.memref_squeeze %dma_start3A_6 : memref<1x4x128xi32, #tpu.memory_space<hbm>> -> memref<4x128xi32, #tpu.memory_space<hbm>>
    tpu.enqueue_dma source(%dma_start3A_7 : memref<4x128xi32, #tpu.memory_space<hbm>>) target(%arg6 : memref<4x128xi32, #tpu.memory_space<vmem>>) target_semaphore(%arg20 : memref<!tpu.dma_semaphore, #tpu.memory_space<semaphore_mem>>)
    %dma_start3A_8 = arith.constant 0 : i32
    %dma_start3A_9 = arith.constant 0 : i32
    %dma_start3A_10 = arith.constant 0 : i32
    %dma_start3A_11 = tpu.memref_slice %arg2[%dma_start3A_8, %dma_start3A_9, %add3A, %dma_start3A_10] : memref<4x8x32x1024xf32, #tpu.memory_space<hbm>> -> memref<4x8x1x1024xf32, #tpu.memory_space<hbm>>
    %dma_start3A_12 = tpu.memref_squeeze %dma_start3A_11 : memref<4x8x1x1024xf32, #tpu.memory_space<hbm>> -> memref<4x8x1024xf32, #tpu.memory_space<hbm>>
    %dma_start3A_13 = arith.constant 0 : i32
    %dma_start3A_14 = arith.constant 0 : i32
    %dma_start3A_15 = arith.constant 0 : i32
    %dma_start3A_16 = tpu.memref_slice %arg2[%dma_start3A_13, %dma_start3A_14, %add3A, %dma_start3A_15] : memref<4x8x32x1024xf32, #tpu.memory_space<hbm>> -> memref<4x8x1x1024xf32, #tpu.memory_space<hbm>>
    %dma_start3A_17 = tpu.memref_squeeze %dma_start3A_16 : memref<4x8x1x1024xf32, #tpu.memory_space<hbm>> -> memref<4x8x1024xf32, #tpu.memory_space<hbm>>
    tpu.enqueue_dma source(%dma_start3A_17 : memref<4x8x1024xf32, #tpu.memory_space<hbm>>) target(%arg7 : memref<4x8x1024xf32, #tpu.memory_space<vmem>>) target_semaphore(%arg20 : memref<!tpu.dma_semaphore, #tpu.memory_space<semaphore_mem>>)
    %iota3A = tpu.iota {dimensions = array<i32: 0>} : vector<16xi32>
    %and3A = arith.constant 7 : i32
    %and3A_18 = vector.broadcast %and3A : i32 to vector<16xi32>
    %and3A_19 = arith.andi %iota3A, %and3A_18 : vector<16xi32>
    %shift_left3A = arith.constant 7 : i32
    %shift_left3A_20 = vector.broadcast %shift_left3A : i32 to vector<16xi32>
    %shift_left3A_21 = arith.shli %and3A_19, %shift_left3A_20 : vector<16xi32>
    %shift_right_logical3A = arith.constant 3 : i32
    %shift_right_logical3A_22 = vector.broadcast %shift_right_logical3A : i32 to vector<16xi32>
    %shift_right_logical3A_23 = arith.shrui %iota3A, %shift_right_logical3A_22 : vector<16xi32>
    %add3A_24 = arith.constant 0 : i32
    %add3A_25 = vector.broadcast %add3A_24 : i32 to vector<16xi32>
    %add3A_26 = arith.addi %shift_right_logical3A_23, %add3A_25 : vector<16xi32>
    %shift_right_logical3A_27 = arith.constant 3 : i32
    %shift_right_logical3A_28 = vector.broadcast %shift_right_logical3A_27 : i32 to vector<16xi32>
    %shift_right_logical3A_29 = arith.shrui %iota3A, %shift_right_logical3A_28 : vector<16xi32>
    %add3A_30 = arith.constant 2 : i32
    %add3A_31 = vector.broadcast %add3A_30 : i32 to vector<16xi32>
    %add3A_32 = arith.addi %shift_right_logical3A_29, %add3A_31 : vector<16xi32>
    %shift_right_logical3A_33 = arith.constant 3 : i32
    %shift_right_logical3A_34 = vector.broadcast %shift_right_logical3A_33 : i32 to vector<16xi32>
    %shift_right_logical3A_35 = arith.shrui %iota3A, %shift_right_logical3A_34 : vector<16xi32>
    %add3A_36 = arith.constant 4 : i32
    %add3A_37 = vector.broadcast %add3A_36 : i32 to vector<16xi32>
    %add3A_38 = arith.addi %shift_right_logical3A_35, %add3A_37 : vector<16xi32>
    %shift_right_logical3A_39 = arith.constant 3 : i32
    %shift_right_logical3A_40 = vector.broadcast %shift_right_logical3A_39 : i32 to vector<16xi32>
    %shift_right_logical3A_41 = arith.shrui %iota3A, %shift_right_logical3A_40 : vector<16xi32>
    %add3A_42 = arith.constant 6 : i32
    %add3A_43 = vector.broadcast %add3A_42 : i32 to vector<16xi32>
    %add3A_44 = arith.addi %shift_right_logical3A_41, %add3A_43 : vector<16xi32>
    %broadcast_in_dim3A = arith.constant 0.000000e+00 : f32
    %broadcast_in_dim3A_45 = vector.broadcast %broadcast_in_dim3A : f32 to vector<16xf32>
    %broadcast_in_dim3A_46 = arith.constant 1.000000e+00 : f32
    %broadcast_in_dim3A_47 = vector.broadcast %broadcast_in_dim3A_46 : f32 to vector<16xf32>
    %scan3A = arith.constant 0 : i32
    %scan3A_48 = arith.constant 0 : i32
    %scan3A_49 = arith.constant 64 : i32
    %scan3A_50 = arith.addi %scan3A_48, %scan3A_49 : i32
    %scan3A_51 = arith.constant 1 : i32
    scf.for %scan3A_342 = %scan3A_48 to %scan3A_50 step %scan3A_51  : i32 {
      %swap3A = arith.index_cast %scan3A_342 : i32 to index
      %swap3A_343 = arith.constant 0 : index
      %swap3A_344 = tpu.vector_load %arg13[%swap3A, %swap3A_343] {strides = array<i32>} : memref<64x64xf32, #tpu.memory_space<vmem>>, vector<16xf32>,
      tpu.vector_store %arg13[%swap3A, %swap3A_343], %broadcast_in_dim3A_45 {strides = array<i32>} : memref<64x64xf32, #tpu.memory_space<vmem>>, vector<16xf32>,
      %swap3A_345 = arith.index_cast %scan3A_342 : i32 to index
      %swap3A_346 = arith.constant 16 : index
      %swap3A_347 = tpu.vector_load %arg13[%swap3A_345, %swap3A_346] {strides = array<i32>} : memref<64x64xf32, #tpu.memory_space<vmem>>, vector<16xf32>,
      tpu.vector_store %arg13[%swap3A_345, %swap3A_346], %broadcast_in_dim3A_45 {strides = array<i32>} : memref<64x64xf32, #tpu.memory_space<vmem>>, vector<16xf32>,
      %swap3A_348 = arith.index_cast %scan3A_342 : i32 to index
      %swap3A_349 = arith.constant 32 : index
      %swap3A_350 = tpu.vector_load %arg13[%swap3A_348, %swap3A_349] {strides = array<i32>} : memref<64x64xf32, #tpu.memory_space<vmem>>, vector<16xf32>,
      tpu.vector_store %arg13[%swap3A_348, %swap3A_349], %broadcast_in_dim3A_45 {strides = array<i32>} : memref<64x64xf32, #tpu.memory_space<vmem>>, vector<16xf32>,
      %swap3A_351 = arith.index_cast %scan3A_342 : i32 to index
      %swap3A_352 = arith.constant 48 : index
      %swap3A_353 = tpu.vector_load %arg13[%swap3A_351, %swap3A_352] {strides = array<i32>} : memref<64x64xf32, #tpu.memory_space<vmem>>, vector<16xf32>,
      tpu.vector_store %arg13[%swap3A_351, %swap3A_352], %broadcast_in_dim3A_45 {strides = array<i32>} : memref<64x64xf32, #tpu.memory_space<vmem>>, vector<16xf32>,
      %swap3A_354 = arith.index_cast %scan3A_342 : i32 to index
      %swap3A_355 = arith.constant 0 : index
      %swap3A_356 = tpu.vector_load %arg14[%swap3A_354, %swap3A_355] {strides = array<i32>} : memref<64x16xf32, #tpu.memory_space<vmem>>, vector<16xf32>,
      tpu.vector_store %arg14[%swap3A_354, %swap3A_355], %broadcast_in_dim3A_45 {strides = array<i32>} : memref<64x16xf32, #tpu.memory_space<vmem>>, vector<16xf32>,
    }
    %scan3A_52 = arith.constant 64 : i32
    %scan3A_53 = arith.constant 0 : i32
    %scan3A_54 = arith.constant 0 : i32
    %scan3A_55 = arith.constant 128 : i32
    %scan3A_56 = arith.addi %scan3A_54, %scan3A_55 : i32
    %scan3A_57 = arith.constant 1 : i32
    scf.for %scan3A_342 = %scan3A_54 to %scan3A_56 step %scan3A_57  : i32 {
      %swap3A = arith.index_cast %scan3A_342 : i32 to index
      %swap3A_343 = arith.constant 0 : index
      %swap3A_344 = tpu.vector_load %arg12[%swap3A, %swap3A_343] {strides = array<i32>} : memref<128x16xf32, #tpu.memory_space<vmem>>, vector<16xf32>,
      tpu.vector_store %arg12[%swap3A, %swap3A_343], %broadcast_in_dim3A_47 {strides = array<i32>} : memref<128x16xf32, #tpu.memory_space<vmem>>, vector<16xf32>,
    }
    %scan3A_58 = arith.constant 128 : i32
    %mul3A_59 = arith.constant 64 : i32
    %mul3A_60 = arith.muli %arg1, %mul3A_59 : i32
    %dma_start3A_61 = arith.constant 0 : i32
    %dma_start3A_62 = tpu.memref_slice %arg17[%mul3A_60, %dma_start3A_61] : memref<1024x64xf32, #tpu.memory_space<vmem_shared>> -> memref<64x64xf32, #tpu.memory_space<vmem_shared>>
    %dma_start3A_63 = arith.constant 0 : i32
    %dma_start3A_64 = tpu.memref_slice %arg17[%mul3A_60, %dma_start3A_63] : memref<1024x64xf32, #tpu.memory_space<vmem_shared>> -> memref<64x64xf32, #tpu.memory_space<vmem_shared>>
    tpu.enqueue_dma source(%arg13 : memref<64x64xf32, #tpu.memory_space<vmem>>) target(%dma_start3A_64 : memref<64x64xf32, #tpu.memory_space<vmem_shared>>) target_semaphore(%arg21 : memref<!tpu.dma_semaphore, #tpu.memory_space<semaphore_mem>>)
    %dma_start3A_65 = arith.constant 0 : i32
    %dma_start3A_66 = tpu.memref_slice %arg18[%mul3A_60, %dma_start3A_65] : memref<1024x64xf32, #tpu.memory_space<vmem_shared>> -> memref<64x64xf32, #tpu.memory_space<vmem_shared>>
    %dma_start3A_67 = arith.constant 0 : i32
    %dma_start3A_68 = tpu.memref_slice %arg18[%mul3A_60, %dma_start3A_67] : memref<1024x64xf32, #tpu.memory_space<vmem_shared>> -> memref<64x64xf32, #tpu.memory_space<vmem_shared>>
    tpu.enqueue_dma source(%arg13 : memref<64x64xf32, #tpu.memory_space<vmem>>) target(%dma_start3A_68 : memref<64x64xf32, #tpu.memory_space<vmem_shared>>) target_semaphore(%arg21 : memref<!tpu.dma_semaphore, #tpu.memory_space<semaphore_mem>>)
    %dma_start3A_69 = arith.constant 0 : i32
    %dma_start3A_70 = tpu.memref_slice %arg19[%mul3A_60, %dma_start3A_69] : memref<1024x16xf32, #tpu.memory_space<vmem_shared>> -> memref<64x16xf32, #tpu.memory_space<vmem_shared>>
    %dma_start3A_71 = arith.constant 0 : i32
    %dma_start3A_72 = tpu.memref_slice %arg19[%mul3A_60, %dma_start3A_71] : memref<1024x16xf32, #tpu.memory_space<vmem_shared>> -> memref<64x16xf32, #tpu.memory_space<vmem_shared>>
    tpu.enqueue_dma source(%arg14 : memref<64x16xf32, #tpu.memory_space<vmem>>) target(%dma_start3A_72 : memref<64x16xf32, #tpu.memory_space<vmem_shared>>) target_semaphore(%arg21 : memref<!tpu.dma_semaphore, #tpu.memory_space<semaphore_mem>>)
    %dma_wait3A = arith.constant 0 : i32
    %dma_wait3A_73 = tpu.memref_slice %arg17[%mul3A_60, %dma_wait3A] : memref<1024x64xf32, #tpu.memory_space<vmem_shared>> -> memref<64x64xf32, #tpu.memory_space<vmem_shared>>
    %dma_wait3A_74 = arith.constant 0 : i32
    %dma_wait3A_75 = tpu.memref_slice %arg17[%mul3A_60, %dma_wait3A_74] : memref<1024x64xf32, #tpu.memory_space<vmem_shared>> -> memref<64x64xf32, #tpu.memory_space<vmem_shared>>
    tpu.wait_dma2 semaphore(%arg21 : memref<!tpu.dma_semaphore, #tpu.memory_space<semaphore_mem>>) src(%arg13 : memref<64x64xf32, #tpu.memory_space<vmem>>) dst(%dma_wait3A_75 : memref<64x64xf32, #tpu.memory_space<vmem_shared>>)
    %dma_wait3A_76 = arith.constant 0 : i32
    %dma_wait3A_77 = tpu.memref_slice %arg18[%mul3A_60, %dma_wait3A_76] : memref<1024x64xf32, #tpu.memory_space<vmem_shared>> -> memref<64x64xf32, #tpu.memory_space<vmem_shared>>
    %dma_wait3A_78 = arith.constant 0 : i32
    %dma_wait3A_79 = tpu.memref_slice %arg18[%mul3A_60, %dma_wait3A_78] : memref<1024x64xf32, #tpu.memory_space<vmem_shared>> -> memref<64x64xf32, #tpu.memory_space<vmem_shared>>
    tpu.wait_dma2 semaphore(%arg21 : memref<!tpu.dma_semaphore, #tpu.memory_space<semaphore_mem>>) src(%arg13 : memref<64x64xf32, #tpu.memory_space<vmem>>) dst(%dma_wait3A_79 : memref<64x64xf32, #tpu.memory_space<vmem_shared>>)
    %dma_wait3A_80 = arith.constant 0 : i32
    %dma_wait3A_81 = tpu.memref_slice %arg19[%mul3A_60, %dma_wait3A_80] : memref<1024x16xf32, #tpu.memory_space<vmem_shared>> -> memref<64x16xf32, #tpu.memory_space<vmem_shared>>
    %dma_wait3A_82 = arith.constant 0 : i32
    %dma_wait3A_83 = tpu.memref_slice %arg19[%mul3A_60, %dma_wait3A_82] : memref<1024x16xf32, #tpu.memory_space<vmem_shared>> -> memref<64x16xf32, #tpu.memory_space<vmem_shared>>
    tpu.wait_dma2 semaphore(%arg21 : memref<!tpu.dma_semaphore, #tpu.memory_space<semaphore_mem>>) src(%arg14 : memref<64x16xf32, #tpu.memory_space<vmem>>) dst(%dma_wait3A_83 : memref<64x16xf32, #tpu.memory_space<vmem_shared>>)
    %barrier3A = arith.constant 0 : index
    tpu.barrier barrier_id(%barrier3A)
    %dma_wait3A_84 = arith.constant 0 : i32
    %dma_wait3A_85 = arith.constant 0 : i32
    %dma_wait3A_86 = tpu.memref_slice %arg3[%add3A, %dma_wait3A_84, %dma_wait3A_85] : memref<32x4x128xi32, #tpu.memory_space<hbm>> -> memref<1x4x128xi32, #tpu.memory_space<hbm>>
    %dma_wait3A_87 = tpu.memref_squeeze %dma_wait3A_86 : memref<1x4x128xi32, #tpu.memory_space<hbm>> -> memref<4x128xi32, #tpu.memory_space<hbm>>
    %dma_wait3A_88 = arith.constant 0 : i32
    %dma_wait3A_89 = arith.constant 0 : i32
    %dma_wait3A_90 = tpu.memref_slice %arg3[%add3A, %dma_wait3A_88, %dma_wait3A_89] : memref<32x4x128xi32, #tpu.memory_space<hbm>> -> memref<1x4x128xi32, #tpu.memory_space<hbm>>
    %dma_wait3A_91 = tpu.memref_squeeze %dma_wait3A_90 : memref<1x4x128xi32, #tpu.memory_space<hbm>> -> memref<4x128xi32, #tpu.memory_space<hbm>>
    tpu.wait_dma2 semaphore(%arg20 : memref<!tpu.dma_semaphore, #tpu.memory_space<semaphore_mem>>) src(%dma_wait3A_91 : memref<4x128xi32, #tpu.memory_space<hbm>>) dst(%arg6 : memref<4x128xi32, #tpu.memory_space<vmem>>)
    %dma_wait3A_92 = arith.constant 0 : i32
    %dma_wait3A_93 = arith.constant 0 : i32
    %dma_wait3A_94 = arith.constant 0 : i32
    %dma_wait3A_95 = tpu.memref_slice %arg2[%dma_wait3A_92, %dma_wait3A_93, %add3A, %dma_wait3A_94] : memref<4x8x32x1024xf32, #tpu.memory_space<hbm>> -> memref<4x8x1x1024xf32, #tpu.memory_space<hbm>>
    %dma_wait3A_96 = tpu.memref_squeeze %dma_wait3A_95 : memref<4x8x1x1024xf32, #tpu.memory_space<hbm>> -> memref<4x8x1024xf32, #tpu.memory_space<hbm>>
    %dma_wait3A_97 = arith.constant 0 : i32
    %dma_wait3A_98 = arith.constant 0 : i32
    %dma_wait3A_99 = arith.constant 0 : i32
    %dma_wait3A_100 = tpu.memref_slice %arg2[%dma_wait3A_97, %dma_wait3A_98, %add3A, %dma_wait3A_99] : memref<4x8x32x1024xf32, #tpu.memory_space<hbm>> -> memref<4x8x1x1024xf32, #tpu.memory_space<hbm>>
    %dma_wait3A_101 = tpu.memref_squeeze %dma_wait3A_100 : memref<4x8x1x1024xf32, #tpu.memory_space<hbm>> -> memref<4x8x1024xf32, #tpu.memory_space<hbm>>
    tpu.wait_dma2 semaphore(%arg20 : memref<!tpu.dma_semaphore, #tpu.memory_space<semaphore_mem>>) src(%dma_wait3A_101 : memref<4x8x1024xf32, #tpu.memory_space<hbm>>) dst(%arg7 : memref<4x8x1024xf32, #tpu.memory_space<vmem>>)
    %broadcast_in_dim3A_102 = arith.constant 0 : i32
    %broadcast_in_dim3A_103 = vector.broadcast %broadcast_in_dim3A_102 : i32 to vector<16xi32>
    %add3A_104 = arith.constant 0 : i32
    %add3A_105 = vector.broadcast %add3A_104 : i32 to vector<16xi32>
    %add3A_106 = arith.addi %broadcast_in_dim3A_103, %add3A_105 : vector<16xi32>
    %parallel_loop3A = arith.constant 0 : i32
    %parallel_loop3A_107 = arith.constant 32 : i32
    %parallel_loop3A_108 = arith.constant 1 : i32
    scf.for %parallel_loop3A_342 = %parallel_loop3A to %parallel_loop3A_107 step %parallel_loop3A_108  : i32 {
      %parallel_loop3A_343 = arith.constant 4 : i32
      %parallel_loop3A_344 = arith.muli %parallel_loop3A_342, %parallel_loop3A_343 : i32
      %parallel_loop3A_345 = arith.constant 0 : i32
      %parallel_loop3A_346 = arith.addi %parallel_loop3A_344, %parallel_loop3A_345 : i32
      %parallel_loop3A_347 = vector.broadcast %parallel_loop3A_346 : i32 to vector<16xi32>
      %parallel_loop3A_348 = arith.addi %shift_left3A_21, %parallel_loop3A_347 : vector<16xi32>
      %parallel_loop3A_349 = tpu.vector_load_idx %arg7[%add3A_106, %add3A_26, %parallel_loop3A_348] : memref<4x8x1024xf32, #tpu.memory_space<vmem>>[vector<16xi32>, vector<16xi32>, vector<16xi32>], vector<16xf32>,
      %parallel_loop3A_350 = arith.index_cast %parallel_loop3A_346 : i32 to index
      %parallel_loop3A_351 = arith.constant 0 : index
      %parallel_loop3A_352 = tpu.vector_load %arg8[%parallel_loop3A_350, %parallel_loop3A_351] {strides = array<i32>} : memref<128x64xf32, #tpu.memory_space<vmem>>, vector<16xf32>,
      tpu.vector_store %arg8[%parallel_loop3A_350, %parallel_loop3A_351], %parallel_loop3A_349 {strides = array<i32>} : memref<128x64xf32, #tpu.memory_space<vmem>>, vector<16xf32>,
      %parallel_loop3A_353 = arith.mulf %parallel_loop3A_349, %parallel_loop3A_349 : vector<16xf32>
      %parallel_loop3A_354 = arith.index_cast %parallel_loop3A_346 : i32 to index
      %parallel_loop3A_355 = arith.constant 0 : index
      %parallel_loop3A_356 = tpu.vector_load %arg10[%parallel_loop3A_354, %parallel_loop3A_355] {strides = array<i32>} : memref<128x64xf32, #tpu.memory_space<vmem>>, vector<16xf32>,
      tpu.vector_store %arg10[%parallel_loop3A_354, %parallel_loop3A_355], %parallel_loop3A_353 {strides = array<i32>} : memref<128x64xf32, #tpu.memory_space<vmem>>, vector<16xf32>,
      %parallel_loop3A_357 = tpu.vector_load_idx %arg7[%add3A_106, %add3A_32, %parallel_loop3A_348] : memref<4x8x1024xf32, #tpu.memory_space<vmem>>[vector<16xi32>, vector<16xi32>, vector<16xi32>], vector<16xf32>,
      %parallel_loop3A_358 = arith.index_cast %parallel_loop3A_346 : i32 to index
      %parallel_loop3A_359 = arith.constant 16 : index
      %parallel_loop3A_360 = tpu.vector_load %arg8[%parallel_loop3A_358, %parallel_loop3A_359] {strides = array<i32>} : memref<128x64xf32, #tpu.memory_space<vmem>>, vector<16xf32>,
      tpu.vector_store %arg8[%parallel_loop3A_358, %parallel_loop3A_359], %parallel_loop3A_357 {strides = array<i32>} : memref<128x64xf32, #tpu.memory_space<vmem>>, vector<16xf32>,
      %parallel_loop3A_361 = arith.mulf %parallel_loop3A_357, %parallel_loop3A_357 : vector<16xf32>
      %parallel_loop3A_362 = arith.index_cast %parallel_loop3A_346 : i32 to index
      %parallel_loop3A_363 = arith.constant 16 : index
      %parallel_loop3A_364 = tpu.vector_load %arg10[%parallel_loop3A_362, %parallel_loop3A_363] {strides = array<i32>} : memref<128x64xf32, #tpu.memory_space<vmem>>, vector<16xf32>,
      tpu.vector_store %arg10[%parallel_loop3A_362, %parallel_loop3A_363], %parallel_loop3A_361 {strides = array<i32>} : memref<128x64xf32, #tpu.memory_space<vmem>>, vector<16xf32>,
      %parallel_loop3A_365 = tpu.vector_load_idx %arg7[%add3A_106, %add3A_38, %parallel_loop3A_348] : memref<4x8x1024xf32, #tpu.memory_space<vmem>>[vector<16xi32>, vector<16xi32>, vector<16xi32>], vector<16xf32>,
      %parallel_loop3A_366 = arith.index_cast %parallel_loop3A_346 : i32 to index
      %parallel_loop3A_367 = arith.constant 32 : index
      %parallel_loop3A_368 = tpu.vector_load %arg8[%parallel_loop3A_366, %parallel_loop3A_367] {strides = array<i32>} : memref<128x64xf32, #tpu.memory_space<vmem>>, vector<16xf32>,
      tpu.vector_store %arg8[%parallel_loop3A_366, %parallel_loop3A_367], %parallel_loop3A_365 {strides = array<i32>} : memref<128x64xf32, #tpu.memory_space<vmem>>, vector<16xf32>,
      %parallel_loop3A_369 = arith.mulf %parallel_loop3A_365, %parallel_loop3A_365 : vector<16xf32>
      %parallel_loop3A_370 = arith.index_cast %parallel_loop3A_346 : i32 to index
      %parallel_loop3A_371 = arith.constant 32 : index
      %parallel_loop3A_372 = tpu.vector_load %arg10[%parallel_loop3A_370, %parallel_loop3A_371] {strides = array<i32>} : memref<128x64xf32, #tpu.memory_space<vmem>>, vector<16xf32>,
      tpu.vector_store %arg10[%parallel_loop3A_370, %parallel_loop3A_371], %parallel_loop3A_369 {strides = array<i32>} : memref<128x64xf32, #tpu.memory_space<vmem>>, vector<16xf32>,
      %parallel_loop3A_373 = tpu.vector_load_idx %arg7[%add3A_106, %add3A_44, %parallel_loop3A_348] : memref<4x8x1024xf32, #tpu.memory_space<vmem>>[vector<16xi32>, vector<16xi32>, vector<16xi32>], vector<16xf32>,
      %parallel_loop3A_374 = arith.index_cast %parallel_loop3A_346 : i32 to index
      %parallel_loop3A_375 = arith.constant 48 : index
      %parallel_loop3A_376 = tpu.vector_load %arg8[%parallel_loop3A_374, %parallel_loop3A_375] {strides = array<i32>} : memref<128x64xf32, #tpu.memory_space<vmem>>, vector<16xf32>,
      tpu.vector_store %arg8[%parallel_loop3A_374, %parallel_loop3A_375], %parallel_loop3A_373 {strides = array<i32>} : memref<128x64xf32, #tpu.memory_space<vmem>>, vector<16xf32>,
      %parallel_loop3A_377 = arith.mulf %parallel_loop3A_373, %parallel_loop3A_373 : vector<16xf32>
      %parallel_loop3A_378 = arith.index_cast %parallel_loop3A_346 : i32 to index
      %parallel_loop3A_379 = arith.constant 48 : index
      %parallel_loop3A_380 = tpu.vector_load %arg10[%parallel_loop3A_378, %parallel_loop3A_379] {strides = array<i32>} : memref<128x64xf32, #tpu.memory_space<vmem>>, vector<16xf32>,
      tpu.vector_store %arg10[%parallel_loop3A_378, %parallel_loop3A_379], %parallel_loop3A_377 {strides = array<i32>} : memref<128x64xf32, #tpu.memory_space<vmem>>, vector<16xf32>,
      %parallel_loop3A_381 = arith.constant 4 : i32
      %parallel_loop3A_382 = arith.muli %parallel_loop3A_342, %parallel_loop3A_381 : i32
      %parallel_loop3A_383 = arith.constant 1 : i32
      %parallel_loop3A_384 = arith.addi %parallel_loop3A_382, %parallel_loop3A_383 : i32
      %parallel_loop3A_385 = vector.broadcast %parallel_loop3A_384 : i32 to vector<16xi32>
      %parallel_loop3A_386 = arith.addi %shift_left3A_21, %parallel_loop3A_385 : vector<16xi32>
      %parallel_loop3A_387 = tpu.vector_load_idx %arg7[%add3A_106, %add3A_26, %parallel_loop3A_386] : memref<4x8x1024xf32, #tpu.memory_space<vmem>>[vector<16xi32>, vector<16xi32>, vector<16xi32>], vector<16xf32>,
      %parallel_loop3A_388 = arith.index_cast %parallel_loop3A_384 : i32 to index
      %parallel_loop3A_389 = arith.constant 0 : index
      %parallel_loop3A_390 = tpu.vector_load %arg8[%parallel_loop3A_388, %parallel_loop3A_389] {strides = array<i32>} : memref<128x64xf32, #tpu.memory_space<vmem>>, vector<16xf32>,
      tpu.vector_store %arg8[%parallel_loop3A_388, %parallel_loop3A_389], %parallel_loop3A_387 {strides = array<i32>} : memref<128x64xf32, #tpu.memory_space<vmem>>, vector<16xf32>,
      %parallel_loop3A_391 = arith.mulf %parallel_loop3A_387, %parallel_loop3A_387 : vector<16xf32>
      %parallel_loop3A_392 = arith.index_cast %parallel_loop3A_384 : i32 to index
      %parallel_loop3A_393 = arith.constant 0 : index
      %parallel_loop3A_394 = tpu.vector_load %arg10[%parallel_loop3A_392, %parallel_loop3A_393] {strides = array<i32>} : memref<128x64xf32, #tpu.memory_space<vmem>>, vector<16xf32>,
      tpu.vector_store %arg10[%parallel_loop3A_392, %parallel_loop3A_393], %parallel_loop3A_391 {strides = array<i32>} : memref<128x64xf32, #tpu.memory_space<vmem>>, vector<16xf32>,
      %parallel_loop3A_395 = tpu.vector_load_idx %arg7[%add3A_106, %add3A_32, %parallel_loop3A_386] : memref<4x8x1024xf32, #tpu.memory_space<vmem>>[vector<16xi32>, vector<16xi32>, vector<16xi32>], vector<16xf32>,
      %parallel_loop3A_396 = arith.index_cast %parallel_loop3A_384 : i32 to index
      %parallel_loop3A_397 = arith.constant 16 : index
      %parallel_loop3A_398 = tpu.vector_load %arg8[%parallel_loop3A_396, %parallel_loop3A_397] {strides = array<i32>} : memref<128x64xf32, #tpu.memory_space<vmem>>, vector<16xf32>,
      tpu.vector_store %arg8[%parallel_loop3A_396, %parallel_loop3A_397], %parallel_loop3A_395 {strides = array<i32>} : memref<128x64xf32, #tpu.memory_space<vmem>>, vector<16xf32>,
      %parallel_loop3A_399 = arith.mulf %parallel_loop3A_395, %parallel_loop3A_395 : vector<16xf32>
      %parallel_loop3A_400 = arith.index_cast %parallel_loop3A_384 : i32 to index
      %parallel_loop3A_401 = arith.constant 16 : index
      %parallel_loop3A_402 = tpu.vector_load %arg10[%parallel_loop3A_400, %parallel_loop3A_401] {strides = array<i32>} : memref<128x64xf32, #tpu.memory_space<vmem>>, vector<16xf32>,
      tpu.vector_store %arg10[%parallel_loop3A_400, %parallel_loop3A_401], %parallel_loop3A_399 {strides = array<i32>} : memref<128x64xf32, #tpu.memory_space<vmem>>, vector<16xf32>,
      %parallel_loop3A_403 = tpu.vector_load_idx %arg7[%add3A_106, %add3A_38, %parallel_loop3A_386] : memref<4x8x1024xf32, #tpu.memory_space<vmem>>[vector<16xi32>, vector<16xi32>, vector<16xi32>], vector<16xf32>,
      %parallel_loop3A_404 = arith.index_cast %parallel_loop3A_384 : i32 to index
      %parallel_loop3A_405 = arith.constant 32 : index
      %parallel_loop3A_406 = tpu.vector_load %arg8[%parallel_loop3A_404, %parallel_loop3A_405] {strides = array<i32>} : memref<128x64xf32, #tpu.memory_space<vmem>>, vector<16xf32>,
      tpu.vector_store %arg8[%parallel_loop3A_404, %parallel_loop3A_405], %parallel_loop3A_403 {strides = array<i32>} : memref<128x64xf32, #tpu.memory_space<vmem>>, vector<16xf32>,
      %parallel_loop3A_407 = arith.mulf %parallel_loop3A_403, %parallel_loop3A_403 : vector<16xf32>
      %parallel_loop3A_408 = arith.index_cast %parallel_loop3A_384 : i32 to index
      %parallel_loop3A_409 = arith.constant 32 : index
      %parallel_loop3A_410 = tpu.vector_load %arg10[%parallel_loop3A_408, %parallel_loop3A_409] {strides = array<i32>} : memref<128x64xf32, #tpu.memory_space<vmem>>, vector<16xf32>,
      tpu.vector_store %arg10[%parallel_loop3A_408, %parallel_loop3A_409], %parallel_loop3A_407 {strides = array<i32>} : memref<128x64xf32, #tpu.memory_space<vmem>>, vector<16xf32>,
      %parallel_loop3A_411 = tpu.vector_load_idx %arg7[%add3A_106, %add3A_44, %parallel_loop3A_386] : memref<4x8x1024xf32, #tpu.memory_space<vmem>>[vector<16xi32>, vector<16xi32>, vector<16xi32>], vector<16xf32>,
      %parallel_loop3A_412 = arith.index_cast %parallel_loop3A_384 : i32 to index
      %parallel_loop3A_413 = arith.constant 48 : index
      %parallel_loop3A_414 = tpu.vector_load %arg8[%parallel_loop3A_412, %parallel_loop3A_413] {strides = array<i32>} : memref<128x64xf32, #tpu.memory_space<vmem>>, vector<16xf32>,
      tpu.vector_store %arg8[%parallel_loop3A_412, %parallel_loop3A_413], %parallel_loop3A_411 {strides = array<i32>} : memref<128x64xf32, #tpu.memory_space<vmem>>, vector<16xf32>,
      %parallel_loop3A_415 = arith.mulf %parallel_loop3A_411, %parallel_loop3A_411 : vector<16xf32>
      %parallel_loop3A_416 = arith.index_cast %parallel_loop3A_384 : i32 to index
      %parallel_loop3A_417 = arith.constant 48 : index
      %parallel_loop3A_418 = tpu.vector_load %arg10[%parallel_loop3A_416, %parallel_loop3A_417] {strides = array<i32>} : memref<128x64xf32, #tpu.memory_space<vmem>>, vector<16xf32>,
      tpu.vector_store %arg10[%parallel_loop3A_416, %parallel_loop3A_417], %parallel_loop3A_415 {strides = array<i32>} : memref<128x64xf32, #tpu.memory_space<vmem>>, vector<16xf32>,
      %parallel_loop3A_419 = arith.constant 4 : i32
      %parallel_loop3A_420 = arith.muli %parallel_loop3A_342, %parallel_loop3A_419 : i32
      %parallel_loop3A_421 = arith.constant 2 : i32
      %parallel_loop3A_422 = arith.addi %parallel_loop3A_420, %parallel_loop3A_421 : i32
      %parallel_loop3A_423 = vector.broadcast %parallel_loop3A_422 : i32 to vector<16xi32>
      %parallel_loop3A_424 = arith.addi %shift_left3A_21, %parallel_loop3A_423 : vector<16xi32>
      %parallel_loop3A_425 = tpu.vector_load_idx %arg7[%add3A_106, %add3A_26, %parallel_loop3A_424] : memref<4x8x1024xf32, #tpu.memory_space<vmem>>[vector<16xi32>, vector<16xi32>, vector<16xi32>], vector<16xf32>,
      %parallel_loop3A_426 = arith.index_cast %parallel_loop3A_422 : i32 to index
      %parallel_loop3A_427 = arith.constant 0 : index
      %parallel_loop3A_428 = tpu.vector_load %arg8[%parallel_loop3A_426, %parallel_loop3A_427] {strides = array<i32>} : memref<128x64xf32, #tpu.memory_space<vmem>>, vector<16xf32>,
      tpu.vector_store %arg8[%parallel_loop3A_426, %parallel_loop3A_427], %parallel_loop3A_425 {strides = array<i32>} : memref<128x64xf32, #tpu.memory_space<vmem>>, vector<16xf32>,
      %parallel_loop3A_429 = arith.mulf %parallel_loop3A_425, %parallel_loop3A_425 : vector<16xf32>
      %parallel_loop3A_430 = arith.index_cast %parallel_loop3A_422 : i32 to index
      %parallel_loop3A_431 = arith.constant 0 : index
      %parallel_loop3A_432 = tpu.vector_load %arg10[%parallel_loop3A_430, %parallel_loop3A_431] {strides = array<i32>} : memref<128x64xf32, #tpu.memory_space<vmem>>, vector<16xf32>,
      tpu.vector_store %arg10[%parallel_loop3A_430, %parallel_loop3A_431], %parallel_loop3A_429 {strides = array<i32>} : memref<128x64xf32, #tpu.memory_space<vmem>>, vector<16xf32>,
      %parallel_loop3A_433 = tpu.vector_load_idx %arg7[%add3A_106, %add3A_32, %parallel_loop3A_424] : memref<4x8x1024xf32, #tpu.memory_space<vmem>>[vector<16xi32>, vector<16xi32>, vector<16xi32>], vector<16xf32>,
      %parallel_loop3A_434 = arith.index_cast %parallel_loop3A_422 : i32 to index
      %parallel_loop3A_435 = arith.constant 16 : index
      %parallel_loop3A_436 = tpu.vector_load %arg8[%parallel_loop3A_434, %parallel_loop3A_435] {strides = array<i32>} : memref<128x64xf32, #tpu.memory_space<vmem>>, vector<16xf32>,
      tpu.vector_store %arg8[%parallel_loop3A_434, %parallel_loop3A_435], %parallel_loop3A_433 {strides = array<i32>} : memref<128x64xf32, #tpu.memory_space<vmem>>, vector<16xf32>,
      %parallel_loop3A_437 = arith.mulf %parallel_loop3A_433, %parallel_loop3A_433 : vector<16xf32>
      %parallel_loop3A_438 = arith.index_cast %parallel_loop3A_422 : i32 to index
      %parallel_loop3A_439 = arith.constant 16 : index
      %parallel_loop3A_440 = tpu.vector_load %arg10[%parallel_loop3A_438, %parallel_loop3A_439] {strides = array<i32>} : memref<128x64xf32, #tpu.memory_space<vmem>>, vector<16xf32>,
      tpu.vector_store %arg10[%parallel_loop3A_438, %parallel_loop3A_439], %parallel_loop3A_437 {strides = array<i32>} : memref<128x64xf32, #tpu.memory_space<vmem>>, vector<16xf32>,
      %parallel_loop3A_441 = tpu.vector_load_idx %arg7[%add3A_106, %add3A_38, %parallel_loop3A_424] : memref<4x8x1024xf32, #tpu.memory_space<vmem>>[vector<16xi32>, vector<16xi32>, vector<16xi32>], vector<16xf32>,
      %parallel_loop3A_442 = arith.index_cast %parallel_loop3A_422 : i32 to index
      %parallel_loop3A_443 = arith.constant 32 : index
      %parallel_loop3A_444 = tpu.vector_load %arg8[%parallel_loop3A_442, %parallel_loop3A_443] {strides = array<i32>} : memref<128x64xf32, #tpu.memory_space<vmem>>, vector<16xf32>,
      tpu.vector_store %arg8[%parallel_loop3A_442, %parallel_loop3A_443], %parallel_loop3A_441 {strides = array<i32>} : memref<128x64xf32, #tpu.memory_space<vmem>>, vector<16xf32>,
      %parallel_loop3A_445 = arith.mulf %parallel_loop3A_441, %parallel_loop3A_441 : vector<16xf32>
      %parallel_loop3A_446 = arith.index_cast %parallel_loop3A_422 : i32 to index
      %parallel_loop3A_447 = arith.constant 32 : index
      %parallel_loop3A_448 = tpu.vector_load %arg10[%parallel_loop3A_446, %parallel_loop3A_447] {strides = array<i32>} : memref<128x64xf32, #tpu.memory_space<vmem>>, vector<16xf32>,
      tpu.vector_store %arg10[%parallel_loop3A_446, %parallel_loop3A_447], %parallel_loop3A_445 {strides = array<i32>} : memref<128x64xf32, #tpu.memory_space<vmem>>, vector<16xf32>,
      %parallel_loop3A_449 = tpu.vector_load_idx %arg7[%add3A_106, %add3A_44, %parallel_loop3A_424] : memref<4x8x1024xf32, #tpu.memory_space<vmem>>[vector<16xi32>, vector<16xi32>, vector<16xi32>], vector<16xf32>,
      %parallel_loop3A_450 = arith.index_cast %parallel_loop3A_422 : i32 to index
      %parallel_loop3A_451 = arith.constant 48 : index
      %parallel_loop3A_452 = tpu.vector_load %arg8[%parallel_loop3A_450, %parallel_loop3A_451] {strides = array<i32>} : memref<128x64xf32, #tpu.memory_space<vmem>>, vector<16xf32>,
      tpu.vector_store %arg8[%parallel_loop3A_450, %parallel_loop3A_451], %parallel_loop3A_449 {strides = array<i32>} : memref<128x64xf32, #tpu.memory_space<vmem>>, vector<16xf32>,
      %parallel_loop3A_453 = arith.mulf %parallel_loop3A_449, %parallel_loop3A_449 : vector<16xf32>
      %parallel_loop3A_454 = arith.index_cast %parallel_loop3A_422 : i32 to index
      %parallel_loop3A_455 = arith.constant 48 : index
      %parallel_loop3A_456 = tpu.vector_load %arg10[%parallel_loop3A_454, %parallel_loop3A_455] {strides = array<i32>} : memref<128x64xf32, #tpu.memory_space<vmem>>, vector<16xf32>,
      tpu.vector_store %arg10[%parallel_loop3A_454, %parallel_loop3A_455], %parallel_loop3A_453 {strides = array<i32>} : memref<128x64xf32, #tpu.memory_space<vmem>>, vector<16xf32>,
      %parallel_loop3A_457 = arith.constant 4 : i32
      %parallel_loop3A_458 = arith.muli %parallel_loop3A_342, %parallel_loop3A_457 : i32
      %parallel_loop3A_459 = arith.constant 3 : i32
      %parallel_loop3A_460 = arith.addi %parallel_loop3A_458, %parallel_loop3A_459 : i32
      %parallel_loop3A_461 = vector.broadcast %parallel_loop3A_460 : i32 to vector<16xi32>
      %parallel_loop3A_462 = arith.addi %shift_left3A_21, %parallel_loop3A_461 : vector<16xi32>
      %parallel_loop3A_463 = tpu.vector_load_idx %arg7[%add3A_106, %add3A_26, %parallel_loop3A_462] : memref<4x8x1024xf32, #tpu.memory_space<vmem>>[vector<16xi32>, vector<16xi32>, vector<16xi32>], vector<16xf32>,
      %parallel_loop3A_464 = arith.index_cast %parallel_loop3A_460 : i32 to index
      %parallel_loop3A_465 = arith.constant 0 : index
      %parallel_loop3A_466 = tpu.vector_load %arg8[%parallel_loop3A_464, %parallel_loop3A_465] {strides = array<i32>} : memref<128x64xf32, #tpu.memory_space<vmem>>, vector<16xf32>,
      tpu.vector_store %arg8[%parallel_loop3A_464, %parallel_loop3A_465], %parallel_loop3A_463 {strides = array<i32>} : memref<128x64xf32, #tpu.memory_space<vmem>>, vector<16xf32>,
      %parallel_loop3A_467 = arith.mulf %parallel_loop3A_463, %parallel_loop3A_463 : vector<16xf32>
      %parallel_loop3A_468 = arith.index_cast %parallel_loop3A_460 : i32 to index
      %parallel_loop3A_469 = arith.constant 0 : index
      %parallel_loop3A_470 = tpu.vector_load %arg10[%parallel_loop3A_468, %parallel_loop3A_469] {strides = array<i32>} : memref<128x64xf32, #tpu.memory_space<vmem>>, vector<16xf32>,
      tpu.vector_store %arg10[%parallel_loop3A_468, %parallel_loop3A_469], %parallel_loop3A_467 {strides = array<i32>} : memref<128x64xf32, #tpu.memory_space<vmem>>, vector<16xf32>,
      %parallel_loop3A_471 = tpu.vector_load_idx %arg7[%add3A_106, %add3A_32, %parallel_loop3A_462] : memref<4x8x1024xf32, #tpu.memory_space<vmem>>[vector<16xi32>, vector<16xi32>, vector<16xi32>], vector<16xf32>,
      %parallel_loop3A_472 = arith.index_cast %parallel_loop3A_460 : i32 to index
      %parallel_loop3A_473 = arith.constant 16 : index
      %parallel_loop3A_474 = tpu.vector_load %arg8[%parallel_loop3A_472, %parallel_loop3A_473] {strides = array<i32>} : memref<128x64xf32, #tpu.memory_space<vmem>>, vector<16xf32>,
      tpu.vector_store %arg8[%parallel_loop3A_472, %parallel_loop3A_473], %parallel_loop3A_471 {strides = array<i32>} : memref<128x64xf32, #tpu.memory_space<vmem>>, vector<16xf32>,
      %parallel_loop3A_475 = arith.mulf %parallel_loop3A_471, %parallel_loop3A_471 : vector<16xf32>
      %parallel_loop3A_476 = arith.index_cast %parallel_loop3A_460 : i32 to index
      %parallel_loop3A_477 = arith.constant 16 : index
      %parallel_loop3A_478 = tpu.vector_load %arg10[%parallel_loop3A_476, %parallel_loop3A_477] {strides = array<i32>} : memref<128x64xf32, #tpu.memory_space<vmem>>, vector<16xf32>,
      tpu.vector_store %arg10[%parallel_loop3A_476, %parallel_loop3A_477], %parallel_loop3A_475 {strides = array<i32>} : memref<128x64xf32, #tpu.memory_space<vmem>>, vector<16xf32>,
      %parallel_loop3A_479 = tpu.vector_load_idx %arg7[%add3A_106, %add3A_38, %parallel_loop3A_462] : memref<4x8x1024xf32, #tpu.memory_space<vmem>>[vector<16xi32>, vector<16xi32>, vector<16xi32>], vector<16xf32>,
      %parallel_loop3A_480 = arith.index_cast %parallel_loop3A_460 : i32 to index
      %parallel_loop3A_481 = arith.constant 32 : index
      %parallel_loop3A_482 = tpu.vector_load %arg8[%parallel_loop3A_480, %parallel_loop3A_481] {strides = array<i32>} : memref<128x64xf32, #tpu.memory_space<vmem>>, vector<16xf32>,
      tpu.vector_store %arg8[%parallel_loop3A_480, %parallel_loop3A_481], %parallel_loop3A_479 {strides = array<i32>} : memref<128x64xf32, #tpu.memory_space<vmem>>, vector<16xf32>,
      %parallel_loop3A_483 = arith.mulf %parallel_loop3A_479, %parallel_loop3A_479 : vector<16xf32>
      %parallel_loop3A_484 = arith.index_cast %parallel_loop3A_460 : i32 to index
      %parallel_loop3A_485 = arith.constant 32 : index
      %parallel_loop3A_486 = tpu.vector_load %arg10[%parallel_loop3A_484, %parallel_loop3A_485] {strides = array<i32>} : memref<128x64xf32, #tpu.memory_space<vmem>>, vector<16xf32>,
      tpu.vector_store %arg10[%parallel_loop3A_484, %parallel_loop3A_485], %parallel_loop3A_483 {strides = array<i32>} : memref<128x64xf32, #tpu.memory_space<vmem>>, vector<16xf32>,
      %parallel_loop3A_487 = tpu.vector_load_idx %arg7[%add3A_106, %add3A_44, %parallel_loop3A_462] : memref<4x8x1024xf32, #tpu.memory_space<vmem>>[vector<16xi32>, vector<16xi32>, vector<16xi32>], vector<16xf32>,
      %parallel_loop3A_488 = arith.index_cast %parallel_loop3A_460 : i32 to index
      %parallel_loop3A_489 = arith.constant 48 : index
      %parallel_loop3A_490 = tpu.vector_load %arg8[%parallel_loop3A_488, %parallel_loop3A_489] {strides = array<i32>} : memref<128x64xf32, #tpu.memory_space<vmem>>, vector<16xf32>,
      tpu.vector_store %arg8[%parallel_loop3A_488, %parallel_loop3A_489], %parallel_loop3A_487 {strides = array<i32>} : memref<128x64xf32, #tpu.memory_space<vmem>>, vector<16xf32>,
      %parallel_loop3A_491 = arith.mulf %parallel_loop3A_487, %parallel_loop3A_487 : vector<16xf32>
      %parallel_loop3A_492 = arith.index_cast %parallel_loop3A_460 : i32 to index
      %parallel_loop3A_493 = arith.constant 48 : index
      %parallel_loop3A_494 = tpu.vector_load %arg10[%parallel_loop3A_492, %parallel_loop3A_493] {strides = array<i32>} : memref<128x64xf32, #tpu.memory_space<vmem>>, vector<16xf32>,
      tpu.vector_store %arg10[%parallel_loop3A_492, %parallel_loop3A_493], %parallel_loop3A_491 {strides = array<i32>} : memref<128x64xf32, #tpu.memory_space<vmem>>, vector<16xf32>,
    } {sc.loop_unroll_factor = 4 : i64, sc.parallel_access}
    %dma_start3A_109 = arith.constant 0 : i32
    %dma_start3A_110 = arith.constant 0 : i32
    %dma_start3A_111 = tpu.memref_slice %arg6[%dma_start3A_109, %dma_start3A_110] : memref<4x128xi32, #tpu.memory_space<vmem>> -> memref<1x128xi32, #tpu.memory_space<vmem>>
    %dma_start3A_112 = tpu.memref_squeeze %dma_start3A_111 : memref<1x128xi32, #tpu.memory_space<vmem>> -> memref<128xi32, #tpu.memory_space<vmem>>
    %dma_start3A_113 = arith.constant 0 : i32
    %dma_start3A_114 = arith.constant 0 : i32
    %dma_start3A_115 = tpu.memref_slice %arg17[%dma_start3A_113, %dma_start3A_114] : memref<1024x64xf32, #tpu.memory_space<vmem_shared>> -> memref<1024x64xf32, #tpu.memory_space<vmem_shared>>
    tpu.enqueue_indirect_dma source(%arg8 : memref<128x64xf32, #tpu.memory_space<vmem>>) target(%dma_start3A_115 : memref<1024x64xf32, #tpu.memory_space<vmem_shared>>) offsets(%dma_start3A_112 : memref<128xi32, #tpu.memory_space<vmem>>) semaphore(%arg22 : memref<!tpu.dma_semaphore, #tpu.memory_space<semaphore_mem>>) {add = true}
    %dma_start3A_116 = arith.constant 0 : i32
    %dma_start3A_117 = arith.constant 0 : i32
    %dma_start3A_118 = tpu.memref_slice %arg6[%dma_start3A_116, %dma_start3A_117] : memref<4x128xi32, #tpu.memory_space<vmem>> -> memref<1x128xi32, #tpu.memory_space<vmem>>
    %dma_start3A_119 = tpu.memref_squeeze %dma_start3A_118 : memref<1x128xi32, #tpu.memory_space<vmem>> -> memref<128xi32, #tpu.memory_space<vmem>>
    %dma_start3A_120 = arith.constant 0 : i32
    %dma_start3A_121 = arith.constant 0 : i32
    %dma_start3A_122 = tpu.memref_slice %arg18[%dma_start3A_120, %dma_start3A_121] : memref<1024x64xf32, #tpu.memory_space<vmem_shared>> -> memref<1024x64xf32, #tpu.memory_space<vmem_shared>>
    tpu.enqueue_indirect_dma source(%arg10 : memref<128x64xf32, #tpu.memory_space<vmem>>) target(%dma_start3A_122 : memref<1024x64xf32, #tpu.memory_space<vmem_shared>>) offsets(%dma_start3A_119 : memref<128xi32, #tpu.memory_space<vmem>>) semaphore(%arg22 : memref<!tpu.dma_semaphore, #tpu.memory_space<semaphore_mem>>) {add = true}
    %dma_start3A_123 = arith.constant 0 : i32
    %dma_start3A_124 = arith.constant 0 : i32
    %dma_start3A_125 = tpu.memref_slice %arg6[%dma_start3A_123, %dma_start3A_124] : memref<4x128xi32, #tpu.memory_space<vmem>> -> memref<1x128xi32, #tpu.memory_space<vmem>>
    %dma_start3A_126 = tpu.memref_squeeze %dma_start3A_125 : memref<1x128xi32, #tpu.memory_space<vmem>> -> memref<128xi32, #tpu.memory_space<vmem>>
    %dma_start3A_127 = arith.constant 0 : i32
    %dma_start3A_128 = arith.constant 0 : i32
    %dma_start3A_129 = tpu.memref_slice %arg19[%dma_start3A_127, %dma_start3A_128] : memref<1024x16xf32, #tpu.memory_space<vmem_shared>> -> memref<1024x16xf32, #tpu.memory_space<vmem_shared>>
    tpu.enqueue_indirect_dma source(%arg12 : memref<128x16xf32, #tpu.memory_space<vmem>>) target(%dma_start3A_129 : memref<1024x16xf32, #tpu.memory_space<vmem_shared>>) offsets(%dma_start3A_126 : memref<128xi32, #tpu.memory_space<vmem>>) semaphore(%arg21 : memref<!tpu.dma_semaphore, #tpu.memory_space<semaphore_mem>>) {add = true}
    %broadcast_in_dim3A_130 = arith.constant 0 : i32
    %broadcast_in_dim3A_131 = vector.broadcast %broadcast_in_dim3A_130 : i32 to vector<16xi32>
    %add3A_132 = arith.constant 1 : i32
    %add3A_133 = vector.broadcast %add3A_132 : i32 to vector<16xi32>
    %add3A_134 = arith.addi %broadcast_in_dim3A_131, %add3A_133 : vector<16xi32>
    %parallel_loop3A_135 = arith.constant 0 : i32
    %parallel_loop3A_136 = arith.constant 32 : i32
    %parallel_loop3A_137 = arith.constant 1 : i32
    scf.for %parallel_loop3A_342 = %parallel_loop3A_135 to %parallel_loop3A_136 step %parallel_loop3A_137  : i32 {
      %parallel_loop3A_343 = arith.constant 4 : i32
      %parallel_loop3A_344 = arith.muli %parallel_loop3A_342, %parallel_loop3A_343 : i32
      %parallel_loop3A_345 = arith.constant 0 : i32
      %parallel_loop3A_346 = arith.addi %parallel_loop3A_344, %parallel_loop3A_345 : i32
      %parallel_loop3A_347 = vector.broadcast %parallel_loop3A_346 : i32 to vector<16xi32>
      %parallel_loop3A_348 = arith.addi %shift_left3A_21, %parallel_loop3A_347 : vector<16xi32>
      %parallel_loop3A_349 = tpu.vector_load_idx %arg7[%add3A_134, %add3A_26, %parallel_loop3A_348] : memref<4x8x1024xf32, #tpu.memory_space<vmem>>[vector<16xi32>, vector<16xi32>, vector<16xi32>], vector<16xf32>,
      %parallel_loop3A_350 = arith.index_cast %parallel_loop3A_346 : i32 to index
      %parallel_loop3A_351 = arith.constant 0 : index
      %parallel_loop3A_352 = tpu.vector_load %arg9[%parallel_loop3A_350, %parallel_loop3A_351] {strides = array<i32>} : memref<128x64xf32, #tpu.memory_space<vmem>>, vector<16xf32>,
      tpu.vector_store %arg9[%parallel_loop3A_350, %parallel_loop3A_351], %parallel_loop3A_349 {strides = array<i32>} : memref<128x64xf32, #tpu.memory_space<vmem>>, vector<16xf32>,
      %parallel_loop3A_353 = arith.mulf %parallel_loop3A_349, %parallel_loop3A_349 : vector<16xf32>
      %parallel_loop3A_354 = arith.index_cast %parallel_loop3A_346 : i32 to index
      %parallel_loop3A_355 = arith.constant 0 : index
      %parallel_loop3A_356 = tpu.vector_load %arg11[%parallel_loop3A_354, %parallel_loop3A_355] {strides = array<i32>} : memref<128x64xf32, #tpu.memory_space<vmem>>, vector<16xf32>,
      tpu.vector_store %arg11[%parallel_loop3A_354, %parallel_loop3A_355], %parallel_loop3A_353 {strides = array<i32>} : memref<128x64xf32, #tpu.memory_space<vmem>>, vector<16xf32>,
      %parallel_loop3A_357 = tpu.vector_load_idx %arg7[%add3A_134, %add3A_32, %parallel_loop3A_348] : memref<4x8x1024xf32, #tpu.memory_space<vmem>>[vector<16xi32>, vector<16xi32>, vector<16xi32>], vector<16xf32>,
      %parallel_loop3A_358 = arith.index_cast %parallel_loop3A_346 : i32 to index
      %parallel_loop3A_359 = arith.constant 16 : index
      %parallel_loop3A_360 = tpu.vector_load %arg9[%parallel_loop3A_358, %parallel_loop3A_359] {strides = array<i32>} : memref<128x64xf32, #tpu.memory_space<vmem>>, vector<16xf32>,
      tpu.vector_store %arg9[%parallel_loop3A_358, %parallel_loop3A_359], %parallel_loop3A_357 {strides = array<i32>} : memref<128x64xf32, #tpu.memory_space<vmem>>, vector<16xf32>,
      %parallel_loop3A_361 = arith.mulf %parallel_loop3A_357, %parallel_loop3A_357 : vector<16xf32>
      %parallel_loop3A_362 = arith.index_cast %parallel_loop3A_346 : i32 to index
      %parallel_loop3A_363 = arith.constant 16 : index
      %parallel_loop3A_364 = tpu.vector_load %arg11[%parallel_loop3A_362, %parallel_loop3A_363] {strides = array<i32>} : memref<128x64xf32, #tpu.memory_space<vmem>>, vector<16xf32>,
      tpu.vector_store %arg11[%parallel_loop3A_362, %parallel_loop3A_363], %parallel_loop3A_361 {strides = array<i32>} : memref<128x64xf32, #tpu.memory_space<vmem>>, vector<16xf32>,
      %parallel_loop3A_365 = tpu.vector_load_idx %arg7[%add3A_134, %add3A_38, %parallel_loop3A_348] : memref<4x8x1024xf32, #tpu.memory_space<vmem>>[vector<16xi32>, vector<16xi32>, vector<16xi32>], vector<16xf32>,
      %parallel_loop3A_366 = arith.index_cast %parallel_loop3A_346 : i32 to index
      %parallel_loop3A_367 = arith.constant 32 : index
      %parallel_loop3A_368 = tpu.vector_load %arg9[%parallel_loop3A_366, %parallel_loop3A_367] {strides = array<i32>} : memref<128x64xf32, #tpu.memory_space<vmem>>, vector<16xf32>,
      tpu.vector_store %arg9[%parallel_loop3A_366, %parallel_loop3A_367], %parallel_loop3A_365 {strides = array<i32>} : memref<128x64xf32, #tpu.memory_space<vmem>>, vector<16xf32>,
      %parallel_loop3A_369 = arith.mulf %parallel_loop3A_365, %parallel_loop3A_365 : vector<16xf32>
      %parallel_loop3A_370 = arith.index_cast %parallel_loop3A_346 : i32 to index
      %parallel_loop3A_371 = arith.constant 32 : index
      %parallel_loop3A_372 = tpu.vector_load %arg11[%parallel_loop3A_370, %parallel_loop3A_371] {strides = array<i32>} : memref<128x64xf32, #tpu.memory_space<vmem>>, vector<16xf32>,
      tpu.vector_store %arg11[%parallel_loop3A_370, %parallel_loop3A_371], %parallel_loop3A_369 {strides = array<i32>} : memref<128x64xf32, #tpu.memory_space<vmem>>, vector<16xf32>,
      %parallel_loop3A_373 = tpu.vector_load_idx %arg7[%add3A_134, %add3A_44, %parallel_loop3A_348] : memref<4x8x1024xf32, #tpu.memory_space<vmem>>[vector<16xi32>, vector<16xi32>, vector<16xi32>], vector<16xf32>,
      %parallel_loop3A_374 = arith.index_cast %parallel_loop3A_346 : i32 to index
      %parallel_loop3A_375 = arith.constant 48 : index
      %parallel_loop3A_376 = tpu.vector_load %arg9[%parallel_loop3A_374, %parallel_loop3A_375] {strides = array<i32>} : memref<128x64xf32, #tpu.memory_space<vmem>>, vector<16xf32>,
      tpu.vector_store %arg9[%parallel_loop3A_374, %parallel_loop3A_375], %parallel_loop3A_373 {strides = array<i32>} : memref<128x64xf32, #tpu.memory_space<vmem>>, vector<16xf32>,
      %parallel_loop3A_377 = arith.mulf %parallel_loop3A_373, %parallel_loop3A_373 : vector<16xf32>
      %parallel_loop3A_378 = arith.index_cast %parallel_loop3A_346 : i32 to index
      %parallel_loop3A_379 = arith.constant 48 : index
      %parallel_loop3A_380 = tpu.vector_load %arg11[%parallel_loop3A_378, %parallel_loop3A_379] {strides = array<i32>} : memref<128x64xf32, #tpu.memory_space<vmem>>, vector<16xf32>,
      tpu.vector_store %arg11[%parallel_loop3A_378, %parallel_loop3A_379], %parallel_loop3A_377 {strides = array<i32>} : memref<128x64xf32, #tpu.memory_space<vmem>>, vector<16xf32>,
      %parallel_loop3A_381 = arith.constant 4 : i32
      %parallel_loop3A_382 = arith.muli %parallel_loop3A_342, %parallel_loop3A_381 : i32
      %parallel_loop3A_383 = arith.constant 1 : i32
      %parallel_loop3A_384 = arith.addi %parallel_loop3A_382, %parallel_loop3A_383 : i32
      %parallel_loop3A_385 = vector.broadcast %parallel_loop3A_384 : i32 to vector<16xi32>
      %parallel_loop3A_386 = arith.addi %shift_left3A_21, %parallel_loop3A_385 : vector<16xi32>
      %parallel_loop3A_387 = tpu.vector_load_idx %arg7[%add3A_134, %add3A_26, %parallel_loop3A_386] : memref<4x8x1024xf32, #tpu.memory_space<vmem>>[vector<16xi32>, vector<16xi32>, vector<16xi32>], vector<16xf32>,
      %parallel_loop3A_388 = arith.index_cast %parallel_loop3A_384 : i32 to index
      %parallel_loop3A_389 = arith.constant 0 : index
      %parallel_loop3A_390 = tpu.vector_load %arg9[%parallel_loop3A_388, %parallel_loop3A_389] {strides = array<i32>} : memref<128x64xf32, #tpu.memory_space<vmem>>, vector<16xf32>,
      tpu.vector_store %arg9[%parallel_loop3A_388, %parallel_loop3A_389], %parallel_loop3A_387 {strides = array<i32>} : memref<128x64xf32, #tpu.memory_space<vmem>>, vector<16xf32>,
      %parallel_loop3A_391 = arith.mulf %parallel_loop3A_387, %parallel_loop3A_387 : vector<16xf32>
      %parallel_loop3A_392 = arith.index_cast %parallel_loop3A_384 : i32 to index
      %parallel_loop3A_393 = arith.constant 0 : index
      %parallel_loop3A_394 = tpu.vector_load %arg11[%parallel_loop3A_392, %parallel_loop3A_393] {strides = array<i32>} : memref<128x64xf32, #tpu.memory_space<vmem>>, vector<16xf32>,
      tpu.vector_store %arg11[%parallel_loop3A_392, %parallel_loop3A_393], %parallel_loop3A_391 {strides = array<i32>} : memref<128x64xf32, #tpu.memory_space<vmem>>, vector<16xf32>,
      %parallel_loop3A_395 = tpu.vector_load_idx %arg7[%add3A_134, %add3A_32, %parallel_loop3A_386] : memref<4x8x1024xf32, #tpu.memory_space<vmem>>[vector<16xi32>, vector<16xi32>, vector<16xi32>], vector<16xf32>,
      %parallel_loop3A_396 = arith.index_cast %parallel_loop3A_384 : i32 to index
      %parallel_loop3A_397 = arith.constant 16 : index
      %parallel_loop3A_398 = tpu.vector_load %arg9[%parallel_loop3A_396, %parallel_loop3A_397] {strides = array<i32>} : memref<128x64xf32, #tpu.memory_space<vmem>>, vector<16xf32>,
      tpu.vector_store %arg9[%parallel_loop3A_396, %parallel_loop3A_397], %parallel_loop3A_395 {strides = array<i32>} : memref<128x64xf32, #tpu.memory_space<vmem>>, vector<16xf32>,
      %parallel_loop3A_399 = arith.mulf %parallel_loop3A_395, %parallel_loop3A_395 : vector<16xf32>
      %parallel_loop3A_400 = arith.index_cast %parallel_loop3A_384 : i32 to index
      %parallel_loop3A_401 = arith.constant 16 : index
      %parallel_loop3A_402 = tpu.vector_load %arg11[%parallel_loop3A_400, %parallel_loop3A_401] {strides = array<i32>} : memref<128x64xf32, #tpu.memory_space<vmem>>, vector<16xf32>,
      tpu.vector_store %arg11[%parallel_loop3A_400, %parallel_loop3A_401], %parallel_loop3A_399 {strides = array<i32>} : memref<128x64xf32, #tpu.memory_space<vmem>>, vector<16xf32>,
      %parallel_loop3A_403 = tpu.vector_load_idx %arg7[%add3A_134, %add3A_38, %parallel_loop3A_386] : memref<4x8x1024xf32, #tpu.memory_space<vmem>>[vector<16xi32>, vector<16xi32>, vector<16xi32>], vector<16xf32>,
      %parallel_loop3A_404 = arith.index_cast %parallel_loop3A_384 : i32 to index
      %parallel_loop3A_405 = arith.constant 32 : index
      %parallel_loop3A_406 = tpu.vector_load %arg9[%parallel_loop3A_404, %parallel_loop3A_405] {strides = array<i32>} : memref<128x64xf32, #tpu.memory_space<vmem>>, vector<16xf32>,
      tpu.vector_store %arg9[%parallel_loop3A_404, %parallel_loop3A_405], %parallel_loop3A_403 {strides = array<i32>} : memref<128x64xf32, #tpu.memory_space<vmem>>, vector<16xf32>,
      %parallel_loop3A_407 = arith.mulf %parallel_loop3A_403, %parallel_loop3A_403 : vector<16xf32>
      %parallel_loop3A_408 = arith.index_cast %parallel_loop3A_384 : i32 to index
      %parallel_loop3A_409 = arith.constant 32 : index
      %parallel_loop3A_410 = tpu.vector_load %arg11[%parallel_loop3A_408, %parallel_loop3A_409] {strides = array<i32>} : memref<128x64xf32, #tpu.memory_space<vmem>>, vector<16xf32>,
      tpu.vector_store %arg11[%parallel_loop3A_408, %parallel_loop3A_409], %parallel_loop3A_407 {strides = array<i32>} : memref<128x64xf32, #tpu.memory_space<vmem>>, vector<16xf32>,
      %parallel_loop3A_411 = tpu.vector_load_idx %arg7[%add3A_134, %add3A_44, %parallel_loop3A_386] : memref<4x8x1024xf32, #tpu.memory_space<vmem>>[vector<16xi32>, vector<16xi32>, vector<16xi32>], vector<16xf32>,
      %parallel_loop3A_412 = arith.index_cast %parallel_loop3A_384 : i32 to index
      %parallel_loop3A_413 = arith.constant 48 : index
      %parallel_loop3A_414 = tpu.vector_load %arg9[%parallel_loop3A_412, %parallel_loop3A_413] {strides = array<i32>} : memref<128x64xf32, #tpu.memory_space<vmem>>, vector<16xf32>,
      tpu.vector_store %arg9[%parallel_loop3A_412, %parallel_loop3A_413], %parallel_loop3A_411 {strides = array<i32>} : memref<128x64xf32, #tpu.memory_space<vmem>>, vector<16xf32>,
      %parallel_loop3A_415 = arith.mulf %parallel_loop3A_411, %parallel_loop3A_411 : vector<16xf32>
      %parallel_loop3A_416 = arith.index_cast %parallel_loop3A_384 : i32 to index
      %parallel_loop3A_417 = arith.constant 48 : index
      %parallel_loop3A_418 = tpu.vector_load %arg11[%parallel_loop3A_416, %parallel_loop3A_417] {strides = array<i32>} : memref<128x64xf32, #tpu.memory_space<vmem>>, vector<16xf32>,
      tpu.vector_store %arg11[%parallel_loop3A_416, %parallel_loop3A_417], %parallel_loop3A_415 {strides = array<i32>} : memref<128x64xf32, #tpu.memory_space<vmem>>, vector<16xf32>,
      %parallel_loop3A_419 = arith.constant 4 : i32
      %parallel_loop3A_420 = arith.muli %parallel_loop3A_342, %parallel_loop3A_419 : i32
      %parallel_loop3A_421 = arith.constant 2 : i32
      %parallel_loop3A_422 = arith.addi %parallel_loop3A_420, %parallel_loop3A_421 : i32
      %parallel_loop3A_423 = vector.broadcast %parallel_loop3A_422 : i32 to vector<16xi32>
      %parallel_loop3A_424 = arith.addi %shift_left3A_21, %parallel_loop3A_423 : vector<16xi32>
      %parallel_loop3A_425 = tpu.vector_load_idx %arg7[%add3A_134, %add3A_26, %parallel_loop3A_424] : memref<4x8x1024xf32, #tpu.memory_space<vmem>>[vector<16xi32>, vector<16xi32>, vector<16xi32>], vector<16xf32>,
      %parallel_loop3A_426 = arith.index_cast %parallel_loop3A_422 : i32 to index
      %parallel_loop3A_427 = arith.constant 0 : index
      %parallel_loop3A_428 = tpu.vector_load %arg9[%parallel_loop3A_426, %parallel_loop3A_427] {strides = array<i32>} : memref<128x64xf32, #tpu.memory_space<vmem>>, vector<16xf32>,
      tpu.vector_store %arg9[%parallel_loop3A_426, %parallel_loop3A_427], %parallel_loop3A_425 {strides = array<i32>} : memref<128x64xf32, #tpu.memory_space<vmem>>, vector<16xf32>,
      %parallel_loop3A_429 = arith.mulf %parallel_loop3A_425, %parallel_loop3A_425 : vector<16xf32>
      %parallel_loop3A_430 = arith.index_cast %parallel_loop3A_422 : i32 to index
      %parallel_loop3A_431 = arith.constant 0 : index
      %parallel_loop3A_432 = tpu.vector_load %arg11[%parallel_loop3A_430, %parallel_loop3A_431] {strides = array<i32>} : memref<128x64xf32, #tpu.memory_space<vmem>>, vector<16xf32>,
      tpu.vector_store %arg11[%parallel_loop3A_430, %parallel_loop3A_431], %parallel_loop3A_429 {strides = array<i32>} : memref<128x64xf32, #tpu.memory_space<vmem>>, vector<16xf32>,
      %parallel_loop3A_433 = tpu.vector_load_idx %arg7[%add3A_134, %add3A_32, %parallel_loop3A_424] : memref<4x8x1024xf32, #tpu.memory_space<vmem>>[vector<16xi32>, vector<16xi32>, vector<16xi32>], vector<16xf32>,
      %parallel_loop3A_434 = arith.index_cast %parallel_loop3A_422 : i32 to index
      %parallel_loop3A_435 = arith.constant 16 : index
      %parallel_loop3A_436 = tpu.vector_load %arg9[%parallel_loop3A_434, %parallel_loop3A_435] {strides = array<i32>} : memref<128x64xf32, #tpu.memory_space<vmem>>, vector<16xf32>,
      tpu.vector_store %arg9[%parallel_loop3A_434, %parallel_loop3A_435], %parallel_loop3A_433 {strides = array<i32>} : memref<128x64xf32, #tpu.memory_space<vmem>>, vector<16xf32>,
      %parallel_loop3A_437 = arith.mulf %parallel_loop3A_433, %parallel_loop3A_433 : vector<16xf32>
      %parallel_loop3A_438 = arith.index_cast %parallel_loop3A_422 : i32 to index
      %parallel_loop3A_439 = arith.constant 16 : index
      %parallel_loop3A_440 = tpu.vector_load %arg11[%parallel_loop3A_438, %parallel_loop3A_439] {strides = array<i32>} : memref<128x64xf32, #tpu.memory_space<vmem>>, vector<16xf32>,
      tpu.vector_store %arg11[%parallel_loop3A_438, %parallel_loop3A_439], %parallel_loop3A_437 {strides = array<i32>} : memref<128x64xf32, #tpu.memory_space<vmem>>, vector<16xf32>,
      %parallel_loop3A_441 = tpu.vector_load_idx %arg7[%add3A_134, %add3A_38, %parallel_loop3A_424] : memref<4x8x1024xf32, #tpu.memory_space<vmem>>[vector<16xi32>, vector<16xi32>, vector<16xi32>], vector<16xf32>,
      %parallel_loop3A_442 = arith.index_cast %parallel_loop3A_422 : i32 to index
      %parallel_loop3A_443 = arith.constant 32 : index
      %parallel_loop3A_444 = tpu.vector_load %arg9[%parallel_loop3A_442, %parallel_loop3A_443] {strides = array<i32>} : memref<128x64xf32, #tpu.memory_space<vmem>>, vector<16xf32>,
      tpu.vector_store %arg9[%parallel_loop3A_442, %parallel_loop3A_443], %parallel_loop3A_441 {strides = array<i32>} : memref<128x64xf32, #tpu.memory_space<vmem>>, vector<16xf32>,
      %parallel_loop3A_445 = arith.mulf %parallel_loop3A_441, %parallel_loop3A_441 : vector<16xf32>
      %parallel_loop3A_446 = arith.index_cast %parallel_loop3A_422 : i32 to index
      %parallel_loop3A_447 = arith.constant 32 : index
      %parallel_loop3A_448 = tpu.vector_load %arg11[%parallel_loop3A_446, %parallel_loop3A_447] {strides = array<i32>} : memref<128x64xf32, #tpu.memory_space<vmem>>, vector<16xf32>,
      tpu.vector_store %arg11[%parallel_loop3A_446, %parallel_loop3A_447], %parallel_loop3A_445 {strides = array<i32>} : memref<128x64xf32, #tpu.memory_space<vmem>>, vector<16xf32>,
      %parallel_loop3A_449 = tpu.vector_load_idx %arg7[%add3A_134, %add3A_44, %parallel_loop3A_424] : memref<4x8x1024xf32, #tpu.memory_space<vmem>>[vector<16xi32>, vector<16xi32>, vector<16xi32>], vector<16xf32>,
      %parallel_loop3A_450 = arith.index_cast %parallel_loop3A_422 : i32 to index
      %parallel_loop3A_451 = arith.constant 48 : index
      %parallel_loop3A_452 = tpu.vector_load %arg9[%parallel_loop3A_450, %parallel_loop3A_451] {strides = array<i32>} : memref<128x64xf32, #tpu.memory_space<vmem>>, vector<16xf32>,
      tpu.vector_store %arg9[%parallel_loop3A_450, %parallel_loop3A_451], %parallel_loop3A_449 {strides = array<i32>} : memref<128x64xf32, #tpu.memory_space<vmem>>, vector<16xf32>,
      %parallel_loop3A_453 = arith.mulf %parallel_loop3A_449, %parallel_loop3A_449 : vector<16xf32>
      %parallel_loop3A_454 = arith.index_cast %parallel_loop3A_422 : i32 to index
      %parallel_loop3A_455 = arith.constant 48 : index
      %parallel_loop3A_456 = tpu.vector_load %arg11[%parallel_loop3A_454, %parallel_loop3A_455] {strides = array<i32>} : memref<128x64xf32, #tpu.memory_space<vmem>>, vector<16xf32>,
      tpu.vector_store %arg11[%parallel_loop3A_454, %parallel_loop3A_455], %parallel_loop3A_453 {strides = array<i32>} : memref<128x64xf32, #tpu.memory_space<vmem>>, vector<16xf32>,
      %parallel_loop3A_457 = arith.constant 4 : i32
      %parallel_loop3A_458 = arith.muli %parallel_loop3A_342, %parallel_loop3A_457 : i32
      %parallel_loop3A_459 = arith.constant 3 : i32
      %parallel_loop3A_460 = arith.addi %parallel_loop3A_458, %parallel_loop3A_459 : i32
      %parallel_loop3A_461 = vector.broadcast %parallel_loop3A_460 : i32 to vector<16xi32>
      %parallel_loop3A_462 = arith.addi %shift_left3A_21, %parallel_loop3A_461 : vector<16xi32>
      %parallel_loop3A_463 = tpu.vector_load_idx %arg7[%add3A_134, %add3A_26, %parallel_loop3A_462] : memref<4x8x1024xf32, #tpu.memory_space<vmem>>[vector<16xi32>, vector<16xi32>, vector<16xi32>], vector<16xf32>,
      %parallel_loop3A_464 = arith.index_cast %parallel_loop3A_460 : i32 to index
      %parallel_loop3A_465 = arith.constant 0 : index
      %parallel_loop3A_466 = tpu.vector_load %arg9[%parallel_loop3A_464, %parallel_loop3A_465] {strides = array<i32>} : memref<128x64xf32, #tpu.memory_space<vmem>>, vector<16xf32>,
      tpu.vector_store %arg9[%parallel_loop3A_464, %parallel_loop3A_465], %parallel_loop3A_463 {strides = array<i32>} : memref<128x64xf32, #tpu.memory_space<vmem>>, vector<16xf32>,
      %parallel_loop3A_467 = arith.mulf %parallel_loop3A_463, %parallel_loop3A_463 : vector<16xf32>
      %parallel_loop3A_468 = arith.index_cast %parallel_loop3A_460 : i32 to index
      %parallel_loop3A_469 = arith.constant 0 : index
      %parallel_loop3A_470 = tpu.vector_load %arg11[%parallel_loop3A_468, %parallel_loop3A_469] {strides = array<i32>} : memref<128x64xf32, #tpu.memory_space<vmem>>, vector<16xf32>,
      tpu.vector_store %arg11[%parallel_loop3A_468, %parallel_loop3A_469], %parallel_loop3A_467 {strides = array<i32>} : memref<128x64xf32, #tpu.memory_space<vmem>>, vector<16xf32>,
      %parallel_loop3A_471 = tpu.vector_load_idx %arg7[%add3A_134, %add3A_32, %parallel_loop3A_462] : memref<4x8x1024xf32, #tpu.memory_space<vmem>>[vector<16xi32>, vector<16xi32>, vector<16xi32>], vector<16xf32>,
      %parallel_loop3A_472 = arith.index_cast %parallel_loop3A_460 : i32 to index
      %parallel_loop3A_473 = arith.constant 16 : index
      %parallel_loop3A_474 = tpu.vector_load %arg9[%parallel_loop3A_472, %parallel_loop3A_473] {strides = array<i32>} : memref<128x64xf32, #tpu.memory_space<vmem>>, vector<16xf32>,
      tpu.vector_store %arg9[%parallel_loop3A_472, %parallel_loop3A_473], %parallel_loop3A_471 {strides = array<i32>} : memref<128x64xf32, #tpu.memory_space<vmem>>, vector<16xf32>,
      %parallel_loop3A_475 = arith.mulf %parallel_loop3A_471, %parallel_loop3A_471 : vector<16xf32>
      %parallel_loop3A_476 = arith.index_cast %parallel_loop3A_460 : i32 to index
      %parallel_loop3A_477 = arith.constant 16 : index
      %parallel_loop3A_478 = tpu.vector_load %arg11[%parallel_loop3A_476, %parallel_loop3A_477] {strides = array<i32>} : memref<128x64xf32, #tpu.memory_space<vmem>>, vector<16xf32>,
      tpu.vector_store %arg11[%parallel_loop3A_476, %parallel_loop3A_477], %parallel_loop3A_475 {strides = array<i32>} : memref<128x64xf32, #tpu.memory_space<vmem>>, vector<16xf32>,
      %parallel_loop3A_479 = tpu.vector_load_idx %arg7[%add3A_134, %add3A_38, %parallel_loop3A_462] : memref<4x8x1024xf32, #tpu.memory_space<vmem>>[vector<16xi32>, vector<16xi32>, vector<16xi32>], vector<16xf32>,
      %parallel_loop3A_480 = arith.index_cast %parallel_loop3A_460 : i32 to index
      %parallel_loop3A_481 = arith.constant 32 : index
      %parallel_loop3A_482 = tpu.vector_load %arg9[%parallel_loop3A_480, %parallel_loop3A_481] {strides = array<i32>} : memref<128x64xf32, #tpu.memory_space<vmem>>, vector<16xf32>,
      tpu.vector_store %arg9[%parallel_loop3A_480, %parallel_loop3A_481], %parallel_loop3A_479 {strides = array<i32>} : memref<128x64xf32, #tpu.memory_space<vmem>>, vector<16xf32>,
      %parallel_loop3A_483 = arith.mulf %parallel_loop3A_479, %parallel_loop3A_479 : vector<16xf32>
      %parallel_loop3A_484 = arith.index_cast %parallel_loop3A_460 : i32 to index
      %parallel_loop3A_485 = arith.constant 32 : index
      %parallel_loop3A_486 = tpu.vector_load %arg11[%parallel_loop3A_484, %parallel_loop3A_485] {strides = array<i32>} : memref<128x64xf32, #tpu.memory_space<vmem>>, vector<16xf32>,
      tpu.vector_store %arg11[%parallel_loop3A_484, %parallel_loop3A_485], %parallel_loop3A_483 {strides = array<i32>} : memref<128x64xf32, #tpu.memory_space<vmem>>, vector<16xf32>,
      %parallel_loop3A_487 = tpu.vector_load_idx %arg7[%add3A_134, %add3A_44, %parallel_loop3A_462] : memref<4x8x1024xf32, #tpu.memory_space<vmem>>[vector<16xi32>, vector<16xi32>, vector<16xi32>], vector<16xf32>,
      %parallel_loop3A_488 = arith.index_cast %parallel_loop3A_460 : i32 to index
      %parallel_loop3A_489 = arith.constant 48 : index
      %parallel_loop3A_490 = tpu.vector_load %arg9[%parallel_loop3A_488, %parallel_loop3A_489] {strides = array<i32>} : memref<128x64xf32, #tpu.memory_space<vmem>>, vector<16xf32>,
      tpu.vector_store %arg9[%parallel_loop3A_488, %parallel_loop3A_489], %parallel_loop3A_487 {strides = array<i32>} : memref<128x64xf32, #tpu.memory_space<vmem>>, vector<16xf32>,
      %parallel_loop3A_491 = arith.mulf %parallel_loop3A_487, %parallel_loop3A_487 : vector<16xf32>
      %parallel_loop3A_492 = arith.index_cast %parallel_loop3A_460 : i32 to index
      %parallel_loop3A_493 = arith.constant 48 : index
      %parallel_loop3A_494 = tpu.vector_load %arg11[%parallel_loop3A_492, %parallel_loop3A_493] {strides = array<i32>} : memref<128x64xf32, #tpu.memory_space<vmem>>, vector<16xf32>,
      tpu.vector_store %arg11[%parallel_loop3A_492, %parallel_loop3A_493], %parallel_loop3A_491 {strides = array<i32>} : memref<128x64xf32, #tpu.memory_space<vmem>>, vector<16xf32>,
    } {sc.loop_unroll_factor = 4 : i64, sc.parallel_access}
    %dma_start3A_138 = arith.constant 1 : i32
    %dma_start3A_139 = arith.constant 0 : i32
    %dma_start3A_140 = tpu.memref_slice %arg6[%dma_start3A_138, %dma_start3A_139] : memref<4x128xi32, #tpu.memory_space<vmem>> -> memref<1x128xi32, #tpu.memory_space<vmem>>
    %dma_start3A_141 = tpu.memref_squeeze %dma_start3A_140 : memref<1x128xi32, #tpu.memory_space<vmem>> -> memref<128xi32, #tpu.memory_space<vmem>>
    %dma_start3A_142 = arith.constant 0 : i32
    %dma_start3A_143 = arith.constant 0 : i32
    %dma_start3A_144 = tpu.memref_slice %arg17[%dma_start3A_142, %dma_start3A_143] : memref<1024x64xf32, #tpu.memory_space<vmem_shared>> -> memref<1024x64xf32, #tpu.memory_space<vmem_shared>>
    tpu.enqueue_indirect_dma source(%arg9 : memref<128x64xf32, #tpu.memory_space<vmem>>) target(%dma_start3A_144 : memref<1024x64xf32, #tpu.memory_space<vmem_shared>>) offsets(%dma_start3A_141 : memref<128xi32, #tpu.memory_space<vmem>>) semaphore(%arg23 : memref<!tpu.dma_semaphore, #tpu.memory_space<semaphore_mem>>) {add = true}
    %dma_start3A_145 = arith.constant 1 : i32
    %dma_start3A_146 = arith.constant 0 : i32
    %dma_start3A_147 = tpu.memref_slice %arg6[%dma_start3A_145, %dma_start3A_146] : memref<4x128xi32, #tpu.memory_space<vmem>> -> memref<1x128xi32, #tpu.memory_space<vmem>>
    %dma_start3A_148 = tpu.memref_squeeze %dma_start3A_147 : memref<1x128xi32, #tpu.memory_space<vmem>> -> memref<128xi32, #tpu.memory_space<vmem>>
    %dma_start3A_149 = arith.constant 0 : i32
    %dma_start3A_150 = arith.constant 0 : i32
    %dma_start3A_151 = tpu.memref_slice %arg18[%dma_start3A_149, %dma_start3A_150] : memref<1024x64xf32, #tpu.memory_space<vmem_shared>> -> memref<1024x64xf32, #tpu.memory_space<vmem_shared>>
    tpu.enqueue_indirect_dma source(%arg11 : memref<128x64xf32, #tpu.memory_space<vmem>>) target(%dma_start3A_151 : memref<1024x64xf32, #tpu.memory_space<vmem_shared>>) offsets(%dma_start3A_148 : memref<128xi32, #tpu.memory_space<vmem>>) semaphore(%arg23 : memref<!tpu.dma_semaphore, #tpu.memory_space<semaphore_mem>>) {add = true}
    %dma_start3A_152 = arith.constant 1 : i32
    %dma_start3A_153 = arith.constant 0 : i32
    %dma_start3A_154 = tpu.memref_slice %arg6[%dma_start3A_152, %dma_start3A_153] : memref<4x128xi32, #tpu.memory_space<vmem>> -> memref<1x128xi32, #tpu.memory_space<vmem>>
    %dma_start3A_155 = tpu.memref_squeeze %dma_start3A_154 : memref<1x128xi32, #tpu.memory_space<vmem>> -> memref<128xi32, #tpu.memory_space<vmem>>
    %dma_start3A_156 = arith.constant 0 : i32
    %dma_start3A_157 = arith.constant 0 : i32
    %dma_start3A_158 = tpu.memref_slice %arg19[%dma_start3A_156, %dma_start3A_157] : memref<1024x16xf32, #tpu.memory_space<vmem_shared>> -> memref<1024x16xf32, #tpu.memory_space<vmem_shared>>
    tpu.enqueue_indirect_dma source(%arg12 : memref<128x16xf32, #tpu.memory_space<vmem>>) target(%dma_start3A_158 : memref<1024x16xf32, #tpu.memory_space<vmem_shared>>) offsets(%dma_start3A_155 : memref<128xi32, #tpu.memory_space<vmem>>) semaphore(%arg21 : memref<!tpu.dma_semaphore, #tpu.memory_space<semaphore_mem>>) {add = true}
    %dma_wait3A_159 = arith.constant 0 : i32
    %dma_wait3A_160 = arith.constant 0 : i32
    %dma_wait3A_161 = tpu.memref_slice %arg6[%dma_wait3A_159, %dma_wait3A_160] : memref<4x128xi32, #tpu.memory_space<vmem>> -> memref<1x128xi32, #tpu.memory_space<vmem>>
    %dma_wait3A_162 = tpu.memref_squeeze %dma_wait3A_161 : memref<1x128xi32, #tpu.memory_space<vmem>> -> memref<128xi32, #tpu.memory_space<vmem>>
    %dma_wait3A_163 = arith.constant 0 : i32
    %dma_wait3A_164 = arith.constant 0 : i32
    %dma_wait3A_165 = tpu.memref_slice %arg17[%dma_wait3A_163, %dma_wait3A_164] : memref<1024x64xf32, #tpu.memory_space<vmem_shared>> -> memref<1024x64xf32, #tpu.memory_space<vmem_shared>>
    tpu.wait_indirect_dma semaphore(%arg22 : memref<!tpu.dma_semaphore, #tpu.memory_space<semaphore_mem>>) src(%arg8 : memref<128x64xf32, #tpu.memory_space<vmem>>) dst(%dma_wait3A_165 : memref<1024x64xf32, #tpu.memory_space<vmem_shared>>)
    %dma_wait3A_166 = arith.constant 0 : i32
    %dma_wait3A_167 = arith.constant 0 : i32
    %dma_wait3A_168 = tpu.memref_slice %arg6[%dma_wait3A_166, %dma_wait3A_167] : memref<4x128xi32, #tpu.memory_space<vmem>> -> memref<1x128xi32, #tpu.memory_space<vmem>>
    %dma_wait3A_169 = tpu.memref_squeeze %dma_wait3A_168 : memref<1x128xi32, #tpu.memory_space<vmem>> -> memref<128xi32, #tpu.memory_space<vmem>>
    %dma_wait3A_170 = arith.constant 0 : i32
    %dma_wait3A_171 = arith.constant 0 : i32
    %dma_wait3A_172 = tpu.memref_slice %arg18[%dma_wait3A_170, %dma_wait3A_171] : memref<1024x64xf32, #tpu.memory_space<vmem_shared>> -> memref<1024x64xf32, #tpu.memory_space<vmem_shared>>
    tpu.wait_indirect_dma semaphore(%arg22 : memref<!tpu.dma_semaphore, #tpu.memory_space<semaphore_mem>>) src(%arg10 : memref<128x64xf32, #tpu.memory_space<vmem>>) dst(%dma_wait3A_172 : memref<1024x64xf32, #tpu.memory_space<vmem_shared>>)
    %broadcast_in_dim3A_173 = arith.constant 0 : i32
    %broadcast_in_dim3A_174 = vector.broadcast %broadcast_in_dim3A_173 : i32 to vector<16xi32>
    %add3A_175 = arith.constant 2 : i32
    %add3A_176 = vector.broadcast %add3A_175 : i32 to vector<16xi32>
    %add3A_177 = arith.addi %broadcast_in_dim3A_174, %add3A_176 : vector<16xi32>
    %parallel_loop3A_178 = arith.constant 0 : i32
    %parallel_loop3A_179 = arith.constant 32 : i32
    %parallel_loop3A_180 = arith.constant 1 : i32
    scf.for %parallel_loop3A_342 = %parallel_loop3A_178 to %parallel_loop3A_179 step %parallel_loop3A_180  : i32 {
      %parallel_loop3A_343 = arith.constant 4 : i32
      %parallel_loop3A_344 = arith.muli %parallel_loop3A_342, %parallel_loop3A_343 : i32
      %parallel_loop3A_345 = arith.constant 0 : i32
      %parallel_loop3A_346 = arith.addi %parallel_loop3A_344, %parallel_loop3A_345 : i32
      %parallel_loop3A_347 = vector.broadcast %parallel_loop3A_346 : i32 to vector<16xi32>
      %parallel_loop3A_348 = arith.addi %shift_left3A_21, %parallel_loop3A_347 : vector<16xi32>
      %parallel_loop3A_349 = tpu.vector_load_idx %arg7[%add3A_177, %add3A_26, %parallel_loop3A_348] : memref<4x8x1024xf32, #tpu.memory_space<vmem>>[vector<16xi32>, vector<16xi32>, vector<16xi32>], vector<16xf32>,
      %parallel_loop3A_350 = arith.index_cast %parallel_loop3A_346 : i32 to index
      %parallel_loop3A_351 = arith.constant 0 : index
      %parallel_loop3A_352 = tpu.vector_load %arg8[%parallel_loop3A_350, %parallel_loop3A_351] {strides = array<i32>} : memref<128x64xf32, #tpu.memory_space<vmem>>, vector<16xf32>,
      tpu.vector_store %arg8[%parallel_loop3A_350, %parallel_loop3A_351], %parallel_loop3A_349 {strides = array<i32>} : memref<128x64xf32, #tpu.memory_space<vmem>>, vector<16xf32>,
      %parallel_loop3A_353 = arith.mulf %parallel_loop3A_349, %parallel_loop3A_349 : vector<16xf32>
      %parallel_loop3A_354 = arith.index_cast %parallel_loop3A_346 : i32 to index
      %parallel_loop3A_355 = arith.constant 0 : index
      %parallel_loop3A_356 = tpu.vector_load %arg10[%parallel_loop3A_354, %parallel_loop3A_355] {strides = array<i32>} : memref<128x64xf32, #tpu.memory_space<vmem>>, vector<16xf32>,
      tpu.vector_store %arg10[%parallel_loop3A_354, %parallel_loop3A_355], %parallel_loop3A_353 {strides = array<i32>} : memref<128x64xf32, #tpu.memory_space<vmem>>, vector<16xf32>,
      %parallel_loop3A_357 = tpu.vector_load_idx %arg7[%add3A_177, %add3A_32, %parallel_loop3A_348] : memref<4x8x1024xf32, #tpu.memory_space<vmem>>[vector<16xi32>, vector<16xi32>, vector<16xi32>], vector<16xf32>,
      %parallel_loop3A_358 = arith.index_cast %parallel_loop3A_346 : i32 to index
      %parallel_loop3A_359 = arith.constant 16 : index
      %parallel_loop3A_360 = tpu.vector_load %arg8[%parallel_loop3A_358, %parallel_loop3A_359] {strides = array<i32>} : memref<128x64xf32, #tpu.memory_space<vmem>>, vector<16xf32>,
      tpu.vector_store %arg8[%parallel_loop3A_358, %parallel_loop3A_359], %parallel_loop3A_357 {strides = array<i32>} : memref<128x64xf32, #tpu.memory_space<vmem>>, vector<16xf32>,
      %parallel_loop3A_361 = arith.mulf %parallel_loop3A_357, %parallel_loop3A_357 : vector<16xf32>
      %parallel_loop3A_362 = arith.index_cast %parallel_loop3A_346 : i32 to index
      %parallel_loop3A_363 = arith.constant 16 : index
      %parallel_loop3A_364 = tpu.vector_load %arg10[%parallel_loop3A_362, %parallel_loop3A_363] {strides = array<i32>} : memref<128x64xf32, #tpu.memory_space<vmem>>, vector<16xf32>,
      tpu.vector_store %arg10[%parallel_loop3A_362, %parallel_loop3A_363], %parallel_loop3A_361 {strides = array<i32>} : memref<128x64xf32, #tpu.memory_space<vmem>>, vector<16xf32>,
      %parallel_loop3A_365 = tpu.vector_load_idx %arg7[%add3A_177, %add3A_38, %parallel_loop3A_348] : memref<4x8x1024xf32, #tpu.memory_space<vmem>>[vector<16xi32>, vector<16xi32>, vector<16xi32>], vector<16xf32>,
      %parallel_loop3A_366 = arith.index_cast %parallel_loop3A_346 : i32 to index
      %parallel_loop3A_367 = arith.constant 32 : index
      %parallel_loop3A_368 = tpu.vector_load %arg8[%parallel_loop3A_366, %parallel_loop3A_367] {strides = array<i32>} : memref<128x64xf32, #tpu.memory_space<vmem>>, vector<16xf32>,
      tpu.vector_store %arg8[%parallel_loop3A_366, %parallel_loop3A_367], %parallel_loop3A_365 {strides = array<i32>} : memref<128x64xf32, #tpu.memory_space<vmem>>, vector<16xf32>,
      %parallel_loop3A_369 = arith.mulf %parallel_loop3A_365, %parallel_loop3A_365 : vector<16xf32>
      %parallel_loop3A_370 = arith.index_cast %parallel_loop3A_346 : i32 to index
      %parallel_loop3A_371 = arith.constant 32 : index
      %parallel_loop3A_372 = tpu.vector_load %arg10[%parallel_loop3A_370, %parallel_loop3A_371] {strides = array<i32>} : memref<128x64xf32, #tpu.memory_space<vmem>>, vector<16xf32>,
      tpu.vector_store %arg10[%parallel_loop3A_370, %parallel_loop3A_371], %parallel_loop3A_369 {strides = array<i32>} : memref<128x64xf32, #tpu.memory_space<vmem>>, vector<16xf32>,
      %parallel_loop3A_373 = tpu.vector_load_idx %arg7[%add3A_177, %add3A_44, %parallel_loop3A_348] : memref<4x8x1024xf32, #tpu.memory_space<vmem>>[vector<16xi32>, vector<16xi32>, vector<16xi32>], vector<16xf32>,
      %parallel_loop3A_374 = arith.index_cast %parallel_loop3A_346 : i32 to index
      %parallel_loop3A_375 = arith.constant 48 : index
      %parallel_loop3A_376 = tpu.vector_load %arg8[%parallel_loop3A_374, %parallel_loop3A_375] {strides = array<i32>} : memref<128x64xf32, #tpu.memory_space<vmem>>, vector<16xf32>,
      tpu.vector_store %arg8[%parallel_loop3A_374, %parallel_loop3A_375], %parallel_loop3A_373 {strides = array<i32>} : memref<128x64xf32, #tpu.memory_space<vmem>>, vector<16xf32>,
      %parallel_loop3A_377 = arith.mulf %parallel_loop3A_373, %parallel_loop3A_373 : vector<16xf32>
      %parallel_loop3A_378 = arith.index_cast %parallel_loop3A_346 : i32 to index
      %parallel_loop3A_379 = arith.constant 48 : index
      %parallel_loop3A_380 = tpu.vector_load %arg10[%parallel_loop3A_378, %parallel_loop3A_379] {strides = array<i32>} : memref<128x64xf32, #tpu.memory_space<vmem>>, vector<16xf32>,
      tpu.vector_store %arg10[%parallel_loop3A_378, %parallel_loop3A_379], %parallel_loop3A_377 {strides = array<i32>} : memref<128x64xf32, #tpu.memory_space<vmem>>, vector<16xf32>,
      %parallel_loop3A_381 = arith.constant 4 : i32
      %parallel_loop3A_382 = arith.muli %parallel_loop3A_342, %parallel_loop3A_381 : i32
      %parallel_loop3A_383 = arith.constant 1 : i32
      %parallel_loop3A_384 = arith.addi %parallel_loop3A_382, %parallel_loop3A_383 : i32
      %parallel_loop3A_385 = vector.broadcast %parallel_loop3A_384 : i32 to vector<16xi32>
      %parallel_loop3A_386 = arith.addi %shift_left3A_21, %parallel_loop3A_385 : vector<16xi32>
      %parallel_loop3A_387 = tpu.vector_load_idx %arg7[%add3A_177, %add3A_26, %parallel_loop3A_386] : memref<4x8x1024xf32, #tpu.memory_space<vmem>>[vector<16xi32>, vector<16xi32>, vector<16xi32>], vector<16xf32>,
      %parallel_loop3A_388 = arith.index_cast %parallel_loop3A_384 : i32 to index
      %parallel_loop3A_389 = arith.constant 0 : index
      %parallel_loop3A_390 = tpu.vector_load %arg8[%parallel_loop3A_388, %parallel_loop3A_389] {strides = array<i32>} : memref<128x64xf32, #tpu.memory_space<vmem>>, vector<16xf32>,
      tpu.vector_store %arg8[%parallel_loop3A_388, %parallel_loop3A_389], %parallel_loop3A_387 {strides = array<i32>} : memref<128x64xf32, #tpu.memory_space<vmem>>, vector<16xf32>,
      %parallel_loop3A_391 = arith.mulf %parallel_loop3A_387, %parallel_loop3A_387 : vector<16xf32>
      %parallel_loop3A_392 = arith.index_cast %parallel_loop3A_384 : i32 to index
      %parallel_loop3A_393 = arith.constant 0 : index
      %parallel_loop3A_394 = tpu.vector_load %arg10[%parallel_loop3A_392, %parallel_loop3A_393] {strides = array<i32>} : memref<128x64xf32, #tpu.memory_space<vmem>>, vector<16xf32>,
      tpu.vector_store %arg10[%parallel_loop3A_392, %parallel_loop3A_393], %parallel_loop3A_391 {strides = array<i32>} : memref<128x64xf32, #tpu.memory_space<vmem>>, vector<16xf32>,
      %parallel_loop3A_395 = tpu.vector_load_idx %arg7[%add3A_177, %add3A_32, %parallel_loop3A_386] : memref<4x8x1024xf32, #tpu.memory_space<vmem>>[vector<16xi32>, vector<16xi32>, vector<16xi32>], vector<16xf32>,
      %parallel_loop3A_396 = arith.index_cast %parallel_loop3A_384 : i32 to index
      %parallel_loop3A_397 = arith.constant 16 : index
      %parallel_loop3A_398 = tpu.vector_load %arg8[%parallel_loop3A_396, %parallel_loop3A_397] {strides = array<i32>} : memref<128x64xf32, #tpu.memory_space<vmem>>, vector<16xf32>,
      tpu.vector_store %arg8[%parallel_loop3A_396, %parallel_loop3A_397], %parallel_loop3A_395 {strides = array<i32>} : memref<128x64xf32, #tpu.memory_space<vmem>>, vector<16xf32>,
      %parallel_loop3A_399 = arith.mulf %parallel_loop3A_395, %parallel_loop3A_395 : vector<16xf32>
      %parallel_loop3A_400 = arith.index_cast %parallel_loop3A_384 : i32 to index
      %parallel_loop3A_401 = arith.constant 16 : index
      %parallel_loop3A_402 = tpu.vector_load %arg10[%parallel_loop3A_400, %parallel_loop3A_401] {strides = array<i32>} : memref<128x64xf32, #tpu.memory_space<vmem>>, vector<16xf32>,
      tpu.vector_store %arg10[%parallel_loop3A_400, %parallel_loop3A_401], %parallel_loop3A_399 {strides = array<i32>} : memref<128x64xf32, #tpu.memory_space<vmem>>, vector<16xf32>,
      %parallel_loop3A_403 = tpu.vector_load_idx %arg7[%add3A_177, %add3A_38, %parallel_loop3A_386] : memref<4x8x1024xf32, #tpu.memory_space<vmem>>[vector<16xi32>, vector<16xi32>, vector<16xi32>], vector<16xf32>,
      %parallel_loop3A_404 = arith.index_cast %parallel_loop3A_384 : i32 to index
      %parallel_loop3A_405 = arith.constant 32 : index
      %parallel_loop3A_406 = tpu.vector_load %arg8[%parallel_loop3A_404, %parallel_loop3A_405] {strides = array<i32>} : memref<128x64xf32, #tpu.memory_space<vmem>>, vector<16xf32>,
      tpu.vector_store %arg8[%parallel_loop3A_404, %parallel_loop3A_405], %parallel_loop3A_403 {strides = array<i32>} : memref<128x64xf32, #tpu.memory_space<vmem>>, vector<16xf32>,
      %parallel_loop3A_407 = arith.mulf %parallel_loop3A_403, %parallel_loop3A_403 : vector<16xf32>
      %parallel_loop3A_408 = arith.index_cast %parallel_loop3A_384 : i32 to index
      %parallel_loop3A_409 = arith.constant 32 : index
      %parallel_loop3A_410 = tpu.vector_load %arg10[%parallel_loop3A_408, %parallel_loop3A_409] {strides = array<i32>} : memref<128x64xf32, #tpu.memory_space<vmem>>, vector<16xf32>,
      tpu.vector_store %arg10[%parallel_loop3A_408, %parallel_loop3A_409], %parallel_loop3A_407 {strides = array<i32>} : memref<128x64xf32, #tpu.memory_space<vmem>>, vector<16xf32>,
      %parallel_loop3A_411 = tpu.vector_load_idx %arg7[%add3A_177, %add3A_44, %parallel_loop3A_386] : memref<4x8x1024xf32, #tpu.memory_space<vmem>>[vector<16xi32>, vector<16xi32>, vector<16xi32>], vector<16xf32>,
      %parallel_loop3A_412 = arith.index_cast %parallel_loop3A_384 : i32 to index
      %parallel_loop3A_413 = arith.constant 48 : index
      %parallel_loop3A_414 = tpu.vector_load %arg8[%parallel_loop3A_412, %parallel_loop3A_413] {strides = array<i32>} : memref<128x64xf32, #tpu.memory_space<vmem>>, vector<16xf32>,
      tpu.vector_store %arg8[%parallel_loop3A_412, %parallel_loop3A_413], %parallel_loop3A_411 {strides = array<i32>} : memref<128x64xf32, #tpu.memory_space<vmem>>, vector<16xf32>,
      %parallel_loop3A_415 = arith.mulf %parallel_loop3A_411, %parallel_loop3A_411 : vector<16xf32>
      %parallel_loop3A_416 = arith.index_cast %parallel_loop3A_384 : i32 to index
      %parallel_loop3A_417 = arith.constant 48 : index
      %parallel_loop3A_418 = tpu.vector_load %arg10[%parallel_loop3A_416, %parallel_loop3A_417] {strides = array<i32>} : memref<128x64xf32, #tpu.memory_space<vmem>>, vector<16xf32>,
      tpu.vector_store %arg10[%parallel_loop3A_416, %parallel_loop3A_417], %parallel_loop3A_415 {strides = array<i32>} : memref<128x64xf32, #tpu.memory_space<vmem>>, vector<16xf32>,
      %parallel_loop3A_419 = arith.constant 4 : i32
      %parallel_loop3A_420 = arith.muli %parallel_loop3A_342, %parallel_loop3A_419 : i32
      %parallel_loop3A_421 = arith.constant 2 : i32
      %parallel_loop3A_422 = arith.addi %parallel_loop3A_420, %parallel_loop3A_421 : i32
      %parallel_loop3A_423 = vector.broadcast %parallel_loop3A_422 : i32 to vector<16xi32>
      %parallel_loop3A_424 = arith.addi %shift_left3A_21, %parallel_loop3A_423 : vector<16xi32>
      %parallel_loop3A_425 = tpu.vector_load_idx %arg7[%add3A_177, %add3A_26, %parallel_loop3A_424] : memref<4x8x1024xf32, #tpu.memory_space<vmem>>[vector<16xi32>, vector<16xi32>, vector<16xi32>], vector<16xf32>,
      %parallel_loop3A_426 = arith.index_cast %parallel_loop3A_422 : i32 to index
      %parallel_loop3A_427 = arith.constant 0 : index
      %parallel_loop3A_428 = tpu.vector_load %arg8[%parallel_loop3A_426, %parallel_loop3A_427] {strides = array<i32>} : memref<128x64xf32, #tpu.memory_space<vmem>>, vector<16xf32>,
      tpu.vector_store %arg8[%parallel_loop3A_426, %parallel_loop3A_427], %parallel_loop3A_425 {strides = array<i32>} : memref<128x64xf32, #tpu.memory_space<vmem>>, vector<16xf32>,
      %parallel_loop3A_429 = arith.mulf %parallel_loop3A_425, %parallel_loop3A_425 : vector<16xf32>
      %parallel_loop3A_430 = arith.index_cast %parallel_loop3A_422 : i32 to index
      %parallel_loop3A_431 = arith.constant 0 : index
      %parallel_loop3A_432 = tpu.vector_load %arg10[%parallel_loop3A_430, %parallel_loop3A_431] {strides = array<i32>} : memref<128x64xf32, #tpu.memory_space<vmem>>, vector<16xf32>,
      tpu.vector_store %arg10[%parallel_loop3A_430, %parallel_loop3A_431], %parallel_loop3A_429 {strides = array<i32>} : memref<128x64xf32, #tpu.memory_space<vmem>>, vector<16xf32>,
      %parallel_loop3A_433 = tpu.vector_load_idx %arg7[%add3A_177, %add3A_32, %parallel_loop3A_424] : memref<4x8x1024xf32, #tpu.memory_space<vmem>>[vector<16xi32>, vector<16xi32>, vector<16xi32>], vector<16xf32>,
      %parallel_loop3A_434 = arith.index_cast %parallel_loop3A_422 : i32 to index
      %parallel_loop3A_435 = arith.constant 16 : index
      %parallel_loop3A_436 = tpu.vector_load %arg8[%parallel_loop3A_434, %parallel_loop3A_435] {strides = array<i32>} : memref<128x64xf32, #tpu.memory_space<vmem>>, vector<16xf32>,
      tpu.vector_store %arg8[%parallel_loop3A_434, %parallel_loop3A_435], %parallel_loop3A_433 {strides = array<i32>} : memref<128x64xf32, #tpu.memory_space<vmem>>, vector<16xf32>,
      %parallel_loop3A_437 = arith.mulf %parallel_loop3A_433, %parallel_loop3A_433 : vector<16xf32>
      %parallel_loop3A_438 = arith.index_cast %parallel_loop3A_422 : i32 to index
      %parallel_loop3A_439 = arith.constant 16 : index
      %parallel_loop3A_440 = tpu.vector_load %arg10[%parallel_loop3A_438, %parallel_loop3A_439] {strides = array<i32>} : memref<128x64xf32, #tpu.memory_space<vmem>>, vector<16xf32>,
      tpu.vector_store %arg10[%parallel_loop3A_438, %parallel_loop3A_439], %parallel_loop3A_437 {strides = array<i32>} : memref<128x64xf32, #tpu.memory_space<vmem>>, vector<16xf32>,
      %parallel_loop3A_441 = tpu.vector_load_idx %arg7[%add3A_177, %add3A_38, %parallel_loop3A_424] : memref<4x8x1024xf32, #tpu.memory_space<vmem>>[vector<16xi32>, vector<16xi32>, vector<16xi32>], vector<16xf32>,
      %parallel_loop3A_442 = arith.index_cast %parallel_loop3A_422 : i32 to index
      %parallel_loop3A_443 = arith.constant 32 : index
      %parallel_loop3A_444 = tpu.vector_load %arg8[%parallel_loop3A_442, %parallel_loop3A_443] {strides = array<i32>} : memref<128x64xf32, #tpu.memory_space<vmem>>, vector<16xf32>,
      tpu.vector_store %arg8[%parallel_loop3A_442, %parallel_loop3A_443], %parallel_loop3A_441 {strides = array<i32>} : memref<128x64xf32, #tpu.memory_space<vmem>>, vector<16xf32>,
      %parallel_loop3A_445 = arith.mulf %parallel_loop3A_441, %parallel_loop3A_441 : vector<16xf32>
      %parallel_loop3A_446 = arith.index_cast %parallel_loop3A_422 : i32 to index
      %parallel_loop3A_447 = arith.constant 32 : index
      %parallel_loop3A_448 = tpu.vector_load %arg10[%parallel_loop3A_446, %parallel_loop3A_447] {strides = array<i32>} : memref<128x64xf32, #tpu.memory_space<vmem>>, vector<16xf32>,
      tpu.vector_store %arg10[%parallel_loop3A_446, %parallel_loop3A_447], %parallel_loop3A_445 {strides = array<i32>} : memref<128x64xf32, #tpu.memory_space<vmem>>, vector<16xf32>,
      %parallel_loop3A_449 = tpu.vector_load_idx %arg7[%add3A_177, %add3A_44, %parallel_loop3A_424] : memref<4x8x1024xf32, #tpu.memory_space<vmem>>[vector<16xi32>, vector<16xi32>, vector<16xi32>], vector<16xf32>,
      %parallel_loop3A_450 = arith.index_cast %parallel_loop3A_422 : i32 to index
      %parallel_loop3A_451 = arith.constant 48 : index
      %parallel_loop3A_452 = tpu.vector_load %arg8[%parallel_loop3A_450, %parallel_loop3A_451] {strides = array<i32>} : memref<128x64xf32, #tpu.memory_space<vmem>>, vector<16xf32>,
      tpu.vector_store %arg8[%parallel_loop3A_450, %parallel_loop3A_451], %parallel_loop3A_449 {strides = array<i32>} : memref<128x64xf32, #tpu.memory_space<vmem>>, vector<16xf32>,
      %parallel_loop3A_453 = arith.mulf %parallel_loop3A_449, %parallel_loop3A_449 : vector<16xf32>
      %parallel_loop3A_454 = arith.index_cast %parallel_loop3A_422 : i32 to index
      %parallel_loop3A_455 = arith.constant 48 : index
      %parallel_loop3A_456 = tpu.vector_load %arg10[%parallel_loop3A_454, %parallel_loop3A_455] {strides = array<i32>} : memref<128x64xf32, #tpu.memory_space<vmem>>, vector<16xf32>,
      tpu.vector_store %arg10[%parallel_loop3A_454, %parallel_loop3A_455], %parallel_loop3A_453 {strides = array<i32>} : memref<128x64xf32, #tpu.memory_space<vmem>>, vector<16xf32>,
      %parallel_loop3A_457 = arith.constant 4 : i32
      %parallel_loop3A_458 = arith.muli %parallel_loop3A_342, %parallel_loop3A_457 : i32
      %parallel_loop3A_459 = arith.constant 3 : i32
      %parallel_loop3A_460 = arith.addi %parallel_loop3A_458, %parallel_loop3A_459 : i32
      %parallel_loop3A_461 = vector.broadcast %parallel_loop3A_460 : i32 to vector<16xi32>
      %parallel_loop3A_462 = arith.addi %shift_left3A_21, %parallel_loop3A_461 : vector<16xi32>
      %parallel_loop3A_463 = tpu.vector_load_idx %arg7[%add3A_177, %add3A_26, %parallel_loop3A_462] : memref<4x8x1024xf32, #tpu.memory_space<vmem>>[vector<16xi32>, vector<16xi32>, vector<16xi32>], vector<16xf32>,
      %parallel_loop3A_464 = arith.index_cast %parallel_loop3A_460 : i32 to index
      %parallel_loop3A_465 = arith.constant 0 : index
      %parallel_loop3A_466 = tpu.vector_load %arg8[%parallel_loop3A_464, %parallel_loop3A_465] {strides = array<i32>} : memref<128x64xf32, #tpu.memory_space<vmem>>, vector<16xf32>,
      tpu.vector_store %arg8[%parallel_loop3A_464, %parallel_loop3A_465], %parallel_loop3A_463 {strides = array<i32>} : memref<128x64xf32, #tpu.memory_space<vmem>>, vector<16xf32>,
      %parallel_loop3A_467 = arith.mulf %parallel_loop3A_463, %parallel_loop3A_463 : vector<16xf32>
      %parallel_loop3A_468 = arith.index_cast %parallel_loop3A_460 : i32 to index
      %parallel_loop3A_469 = arith.constant 0 : index
      %parallel_loop3A_470 = tpu.vector_load %arg10[%parallel_loop3A_468, %parallel_loop3A_469] {strides = array<i32>} : memref<128x64xf32, #tpu.memory_space<vmem>>, vector<16xf32>,
      tpu.vector_store %arg10[%parallel_loop3A_468, %parallel_loop3A_469], %parallel_loop3A_467 {strides = array<i32>} : memref<128x64xf32, #tpu.memory_space<vmem>>, vector<16xf32>,
      %parallel_loop3A_471 = tpu.vector_load_idx %arg7[%add3A_177, %add3A_32, %parallel_loop3A_462] : memref<4x8x1024xf32, #tpu.memory_space<vmem>>[vector<16xi32>, vector<16xi32>, vector<16xi32>], vector<16xf32>,
      %parallel_loop3A_472 = arith.index_cast %parallel_loop3A_460 : i32 to index
      %parallel_loop3A_473 = arith.constant 16 : index
      %parallel_loop3A_474 = tpu.vector_load %arg8[%parallel_loop3A_472, %parallel_loop3A_473] {strides = array<i32>} : memref<128x64xf32, #tpu.memory_space<vmem>>, vector<16xf32>,
      tpu.vector_store %arg8[%parallel_loop3A_472, %parallel_loop3A_473], %parallel_loop3A_471 {strides = array<i32>} : memref<128x64xf32, #tpu.memory_space<vmem>>, vector<16xf32>,
      %parallel_loop3A_475 = arith.mulf %parallel_loop3A_471, %parallel_loop3A_471 : vector<16xf32>
      %parallel_loop3A_476 = arith.index_cast %parallel_loop3A_460 : i32 to index
      %parallel_loop3A_477 = arith.constant 16 : index
      %parallel_loop3A_478 = tpu.vector_load %arg10[%parallel_loop3A_476, %parallel_loop3A_477] {strides = array<i32>} : memref<128x64xf32, #tpu.memory_space<vmem>>, vector<16xf32>,
      tpu.vector_store %arg10[%parallel_loop3A_476, %parallel_loop3A_477], %parallel_loop3A_475 {strides = array<i32>} : memref<128x64xf32, #tpu.memory_space<vmem>>, vector<16xf32>,
      %parallel_loop3A_479 = tpu.vector_load_idx %arg7[%add3A_177, %add3A_38, %parallel_loop3A_462] : memref<4x8x1024xf32, #tpu.memory_space<vmem>>[vector<16xi32>, vector<16xi32>, vector<16xi32>], vector<16xf32>,
      %parallel_loop3A_480 = arith.index_cast %parallel_loop3A_460 : i32 to index
      %parallel_loop3A_481 = arith.constant 32 : index
      %parallel_loop3A_482 = tpu.vector_load %arg8[%parallel_loop3A_480, %parallel_loop3A_481] {strides = array<i32>} : memref<128x64xf32, #tpu.memory_space<vmem>>, vector<16xf32>,
      tpu.vector_store %arg8[%parallel_loop3A_480, %parallel_loop3A_481], %parallel_loop3A_479 {strides = array<i32>} : memref<128x64xf32, #tpu.memory_space<vmem>>, vector<16xf32>,
      %parallel_loop3A_483 = arith.mulf %parallel_loop3A_479, %parallel_loop3A_479 : vector<16xf32>
      %parallel_loop3A_484 = arith.index_cast %parallel_loop3A_460 : i32 to index
      %parallel_loop3A_485 = arith.constant 32 : index
      %parallel_loop3A_486 = tpu.vector_load %arg10[%parallel_loop3A_484, %parallel_loop3A_485] {strides = array<i32>} : memref<128x64xf32, #tpu.memory_space<vmem>>, vector<16xf32>,
      tpu.vector_store %arg10[%parallel_loop3A_484, %parallel_loop3A_485], %parallel_loop3A_483 {strides = array<i32>} : memref<128x64xf32, #tpu.memory_space<vmem>>, vector<16xf32>,
      %parallel_loop3A_487 = tpu.vector_load_idx %arg7[%add3A_177, %add3A_44, %parallel_loop3A_462] : memref<4x8x1024xf32, #tpu.memory_space<vmem>>[vector<16xi32>, vector<16xi32>, vector<16xi32>], vector<16xf32>,
      %parallel_loop3A_488 = arith.index_cast %parallel_loop3A_460 : i32 to index
      %parallel_loop3A_489 = arith.constant 48 : index
      %parallel_loop3A_490 = tpu.vector_load %arg8[%parallel_loop3A_488, %parallel_loop3A_489] {strides = array<i32>} : memref<128x64xf32, #tpu.memory_space<vmem>>, vector<16xf32>,
      tpu.vector_store %arg8[%parallel_loop3A_488, %parallel_loop3A_489], %parallel_loop3A_487 {strides = array<i32>} : memref<128x64xf32, #tpu.memory_space<vmem>>, vector<16xf32>,
      %parallel_loop3A_491 = arith.mulf %parallel_loop3A_487, %parallel_loop3A_487 : vector<16xf32>
      %parallel_loop3A_492 = arith.index_cast %parallel_loop3A_460 : i32 to index
      %parallel_loop3A_493 = arith.constant 48 : index
      %parallel_loop3A_494 = tpu.vector_load %arg10[%parallel_loop3A_492, %parallel_loop3A_493] {strides = array<i32>} : memref<128x64xf32, #tpu.memory_space<vmem>>, vector<16xf32>,
      tpu.vector_store %arg10[%parallel_loop3A_492, %parallel_loop3A_493], %parallel_loop3A_491 {strides = array<i32>} : memref<128x64xf32, #tpu.memory_space<vmem>>, vector<16xf32>,
    } {sc.loop_unroll_factor = 4 : i64, sc.parallel_access}
    %dma_start3A_181 = arith.constant 2 : i32
    %dma_start3A_182 = arith.constant 0 : i32
    %dma_start3A_183 = tpu.memref_slice %arg6[%dma_start3A_181, %dma_start3A_182] : memref<4x128xi32, #tpu.memory_space<vmem>> -> memref<1x128xi32, #tpu.memory_space<vmem>>
    %dma_start3A_184 = tpu.memref_squeeze %dma_start3A_183 : memref<1x128xi32, #tpu.memory_space<vmem>> -> memref<128xi32, #tpu.memory_space<vmem>>
    %dma_start3A_185 = arith.constant 0 : i32
    %dma_start3A_186 = arith.constant 0 : i32
    %dma_start3A_187 = tpu.memref_slice %arg17[%dma_start3A_185, %dma_start3A_186] : memref<1024x64xf32, #tpu.memory_space<vmem_shared>> -> memref<1024x64xf32, #tpu.memory_space<vmem_shared>>
    tpu.enqueue_indirect_dma source(%arg8 : memref<128x64xf32, #tpu.memory_space<vmem>>) target(%dma_start3A_187 : memref<1024x64xf32, #tpu.memory_space<vmem_shared>>) offsets(%dma_start3A_184 : memref<128xi32, #tpu.memory_space<vmem>>) semaphore(%arg22 : memref<!tpu.dma_semaphore, #tpu.memory_space<semaphore_mem>>) {add = true}
    %dma_start3A_188 = arith.constant 2 : i32
    %dma_start3A_189 = arith.constant 0 : i32
    %dma_start3A_190 = tpu.memref_slice %arg6[%dma_start3A_188, %dma_start3A_189] : memref<4x128xi32, #tpu.memory_space<vmem>> -> memref<1x128xi32, #tpu.memory_space<vmem>>
    %dma_start3A_191 = tpu.memref_squeeze %dma_start3A_190 : memref<1x128xi32, #tpu.memory_space<vmem>> -> memref<128xi32, #tpu.memory_space<vmem>>
    %dma_start3A_192 = arith.constant 0 : i32
    %dma_start3A_193 = arith.constant 0 : i32
    %dma_start3A_194 = tpu.memref_slice %arg18[%dma_start3A_192, %dma_start3A_193] : memref<1024x64xf32, #tpu.memory_space<vmem_shared>> -> memref<1024x64xf32, #tpu.memory_space<vmem_shared>>
    tpu.enqueue_indirect_dma source(%arg10 : memref<128x64xf32, #tpu.memory_space<vmem>>) target(%dma_start3A_194 : memref<1024x64xf32, #tpu.memory_space<vmem_shared>>) offsets(%dma_start3A_191 : memref<128xi32, #tpu.memory_space<vmem>>) semaphore(%arg22 : memref<!tpu.dma_semaphore, #tpu.memory_space<semaphore_mem>>) {add = true}
    %dma_start3A_195 = arith.constant 2 : i32
    %dma_start3A_196 = arith.constant 0 : i32
    %dma_start3A_197 = tpu.memref_slice %arg6[%dma_start3A_195, %dma_start3A_196] : memref<4x128xi32, #tpu.memory_space<vmem>> -> memref<1x128xi32, #tpu.memory_space<vmem>>
    %dma_start3A_198 = tpu.memref_squeeze %dma_start3A_197 : memref<1x128xi32, #tpu.memory_space<vmem>> -> memref<128xi32, #tpu.memory_space<vmem>>
    %dma_start3A_199 = arith.constant 0 : i32
    %dma_start3A_200 = arith.constant 0 : i32
    %dma_start3A_201 = tpu.memref_slice %arg19[%dma_start3A_199, %dma_start3A_200] : memref<1024x16xf32, #tpu.memory_space<vmem_shared>> -> memref<1024x16xf32, #tpu.memory_space<vmem_shared>>
    tpu.enqueue_indirect_dma source(%arg12 : memref<128x16xf32, #tpu.memory_space<vmem>>) target(%dma_start3A_201 : memref<1024x16xf32, #tpu.memory_space<vmem_shared>>) offsets(%dma_start3A_198 : memref<128xi32, #tpu.memory_space<vmem>>) semaphore(%arg21 : memref<!tpu.dma_semaphore, #tpu.memory_space<semaphore_mem>>) {add = true}
    %dma_wait3A_202 = arith.constant 1 : i32
    %dma_wait3A_203 = arith.constant 0 : i32
    %dma_wait3A_204 = tpu.memref_slice %arg6[%dma_wait3A_202, %dma_wait3A_203] : memref<4x128xi32, #tpu.memory_space<vmem>> -> memref<1x128xi32, #tpu.memory_space<vmem>>
    %dma_wait3A_205 = tpu.memref_squeeze %dma_wait3A_204 : memref<1x128xi32, #tpu.memory_space<vmem>> -> memref<128xi32, #tpu.memory_space<vmem>>
    %dma_wait3A_206 = arith.constant 0 : i32
    %dma_wait3A_207 = arith.constant 0 : i32
    %dma_wait3A_208 = tpu.memref_slice %arg17[%dma_wait3A_206, %dma_wait3A_207] : memref<1024x64xf32, #tpu.memory_space<vmem_shared>> -> memref<1024x64xf32, #tpu.memory_space<vmem_shared>>
    tpu.wait_indirect_dma semaphore(%arg23 : memref<!tpu.dma_semaphore, #tpu.memory_space<semaphore_mem>>) src(%arg9 : memref<128x64xf32, #tpu.memory_space<vmem>>) dst(%dma_wait3A_208 : memref<1024x64xf32, #tpu.memory_space<vmem_shared>>)
    %dma_wait3A_209 = arith.constant 1 : i32
    %dma_wait3A_210 = arith.constant 0 : i32
    %dma_wait3A_211 = tpu.memref_slice %arg6[%dma_wait3A_209, %dma_wait3A_210] : memref<4x128xi32, #tpu.memory_space<vmem>> -> memref<1x128xi32, #tpu.memory_space<vmem>>
    %dma_wait3A_212 = tpu.memref_squeeze %dma_wait3A_211 : memref<1x128xi32, #tpu.memory_space<vmem>> -> memref<128xi32, #tpu.memory_space<vmem>>
    %dma_wait3A_213 = arith.constant 0 : i32
    %dma_wait3A_214 = arith.constant 0 : i32
    %dma_wait3A_215 = tpu.memref_slice %arg18[%dma_wait3A_213, %dma_wait3A_214] : memref<1024x64xf32, #tpu.memory_space<vmem_shared>> -> memref<1024x64xf32, #tpu.memory_space<vmem_shared>>
    tpu.wait_indirect_dma semaphore(%arg23 : memref<!tpu.dma_semaphore, #tpu.memory_space<semaphore_mem>>) src(%arg11 : memref<128x64xf32, #tpu.memory_space<vmem>>) dst(%dma_wait3A_215 : memref<1024x64xf32, #tpu.memory_space<vmem_shared>>)
    %broadcast_in_dim3A_216 = arith.constant 0 : i32
    %broadcast_in_dim3A_217 = vector.broadcast %broadcast_in_dim3A_216 : i32 to vector<16xi32>
    %add3A_218 = arith.constant 3 : i32
    %add3A_219 = vector.broadcast %add3A_218 : i32 to vector<16xi32>
    %add3A_220 = arith.addi %broadcast_in_dim3A_217, %add3A_219 : vector<16xi32>
    %parallel_loop3A_221 = arith.constant 0 : i32
    %parallel_loop3A_222 = arith.constant 32 : i32
    %parallel_loop3A_223 = arith.constant 1 : i32
    scf.for %parallel_loop3A_342 = %parallel_loop3A_221 to %parallel_loop3A_222 step %parallel_loop3A_223  : i32 {
      %parallel_loop3A_343 = arith.constant 4 : i32
      %parallel_loop3A_344 = arith.muli %parallel_loop3A_342, %parallel_loop3A_343 : i32
      %parallel_loop3A_345 = arith.constant 0 : i32
      %parallel_loop3A_346 = arith.addi %parallel_loop3A_344, %parallel_loop3A_345 : i32
      %parallel_loop3A_347 = vector.broadcast %parallel_loop3A_346 : i32 to vector<16xi32>
      %parallel_loop3A_348 = arith.addi %shift_left3A_21, %parallel_loop3A_347 : vector<16xi32>
      %parallel_loop3A_349 = tpu.vector_load_idx %arg7[%add3A_220, %add3A_26, %parallel_loop3A_348] : memref<4x8x1024xf32, #tpu.memory_space<vmem>>[vector<16xi32>, vector<16xi32>, vector<16xi32>], vector<16xf32>,
      %parallel_loop3A_350 = arith.index_cast %parallel_loop3A_346 : i32 to index
      %parallel_loop3A_351 = arith.constant 0 : index
      %parallel_loop3A_352 = tpu.vector_load %arg9[%parallel_loop3A_350, %parallel_loop3A_351] {strides = array<i32>} : memref<128x64xf32, #tpu.memory_space<vmem>>, vector<16xf32>,
      tpu.vector_store %arg9[%parallel_loop3A_350, %parallel_loop3A_351], %parallel_loop3A_349 {strides = array<i32>} : memref<128x64xf32, #tpu.memory_space<vmem>>, vector<16xf32>,
      %parallel_loop3A_353 = arith.mulf %parallel_loop3A_349, %parallel_loop3A_349 : vector<16xf32>
      %parallel_loop3A_354 = arith.index_cast %parallel_loop3A_346 : i32 to index
      %parallel_loop3A_355 = arith.constant 0 : index
      %parallel_loop3A_356 = tpu.vector_load %arg11[%parallel_loop3A_354, %parallel_loop3A_355] {strides = array<i32>} : memref<128x64xf32, #tpu.memory_space<vmem>>, vector<16xf32>,
      tpu.vector_store %arg11[%parallel_loop3A_354, %parallel_loop3A_355], %parallel_loop3A_353 {strides = array<i32>} : memref<128x64xf32, #tpu.memory_space<vmem>>, vector<16xf32>,
      %parallel_loop3A_357 = tpu.vector_load_idx %arg7[%add3A_220, %add3A_32, %parallel_loop3A_348] : memref<4x8x1024xf32, #tpu.memory_space<vmem>>[vector<16xi32>, vector<16xi32>, vector<16xi32>], vector<16xf32>,
      %parallel_loop3A_358 = arith.index_cast %parallel_loop3A_346 : i32 to index
      %parallel_loop3A_359 = arith.constant 16 : index
      %parallel_loop3A_360 = tpu.vector_load %arg9[%parallel_loop3A_358, %parallel_loop3A_359] {strides = array<i32>} : memref<128x64xf32, #tpu.memory_space<vmem>>, vector<16xf32>,
      tpu.vector_store %arg9[%parallel_loop3A_358, %parallel_loop3A_359], %parallel_loop3A_357 {strides = array<i32>} : memref<128x64xf32, #tpu.memory_space<vmem>>, vector<16xf32>,
      %parallel_loop3A_361 = arith.mulf %parallel_loop3A_357, %parallel_loop3A_357 : vector<16xf32>
      %parallel_loop3A_362 = arith.index_cast %parallel_loop3A_346 : i32 to index
      %parallel_loop3A_363 = arith.constant 16 : index
      %parallel_loop3A_364 = tpu.vector_load %arg11[%parallel_loop3A_362, %parallel_loop3A_363] {strides = array<i32>} : memref<128x64xf32, #tpu.memory_space<vmem>>, vector<16xf32>,
      tpu.vector_store %arg11[%parallel_loop3A_362, %parallel_loop3A_363], %parallel_loop3A_361 {strides = array<i32>} : memref<128x64xf32, #tpu.memory_space<vmem>>, vector<16xf32>,
      %parallel_loop3A_365 = tpu.vector_load_idx %arg7[%add3A_220, %add3A_38, %parallel_loop3A_348] : memref<4x8x1024xf32, #tpu.memory_space<vmem>>[vector<16xi32>, vector<16xi32>, vector<16xi32>], vector<16xf32>,
      %parallel_loop3A_366 = arith.index_cast %parallel_loop3A_346 : i32 to index
      %parallel_loop3A_367 = arith.constant 32 : index
      %parallel_loop3A_368 = tpu.vector_load %arg9[%parallel_loop3A_366, %parallel_loop3A_367] {strides = array<i32>} : memref<128x64xf32, #tpu.memory_space<vmem>>, vector<16xf32>,
      tpu.vector_store %arg9[%parallel_loop3A_366, %parallel_loop3A_367], %parallel_loop3A_365 {strides = array<i32>} : memref<128x64xf32, #tpu.memory_space<vmem>>, vector<16xf32>,
      %parallel_loop3A_369 = arith.mulf %parallel_loop3A_365, %parallel_loop3A_365 : vector<16xf32>
      %parallel_loop3A_370 = arith.index_cast %parallel_loop3A_346 : i32 to index
      %parallel_loop3A_371 = arith.constant 32 : index
      %parallel_loop3A_372 = tpu.vector_load %arg11[%parallel_loop3A_370, %parallel_loop3A_371] {strides = array<i32>} : memref<128x64xf32, #tpu.memory_space<vmem>>, vector<16xf32>,
      tpu.vector_store %arg11[%parallel_loop3A_370, %parallel_loop3A_371], %parallel_loop3A_369 {strides = array<i32>} : memref<128x64xf32, #tpu.memory_space<vmem>>, vector<16xf32>,
      %parallel_loop3A_373 = tpu.vector_load_idx %arg7[%add3A_220, %add3A_44, %parallel_loop3A_348] : memref<4x8x1024xf32, #tpu.memory_space<vmem>>[vector<16xi32>, vector<16xi32>, vector<16xi32>], vector<16xf32>,
      %parallel_loop3A_374 = arith.index_cast %parallel_loop3A_346 : i32 to index
      %parallel_loop3A_375 = arith.constant 48 : index
      %parallel_loop3A_376 = tpu.vector_load %arg9[%parallel_loop3A_374, %parallel_loop3A_375] {strides = array<i32>} : memref<128x64xf32, #tpu.memory_space<vmem>>, vector<16xf32>,
      tpu.vector_store %arg9[%parallel_loop3A_374, %parallel_loop3A_375], %parallel_loop3A_373 {strides = array<i32>} : memref<128x64xf32, #tpu.memory_space<vmem>>, vector<16xf32>,
      %parallel_loop3A_377 = arith.mulf %parallel_loop3A_373, %parallel_loop3A_373 : vector<16xf32>
      %parallel_loop3A_378 = arith.index_cast %parallel_loop3A_346 : i32 to index
      %parallel_loop3A_379 = arith.constant 48 : index
      %parallel_loop3A_380 = tpu.vector_load %arg11[%parallel_loop3A_378, %parallel_loop3A_379] {strides = array<i32>} : memref<128x64xf32, #tpu.memory_space<vmem>>, vector<16xf32>,
      tpu.vector_store %arg11[%parallel_loop3A_378, %parallel_loop3A_379], %parallel_loop3A_377 {strides = array<i32>} : memref<128x64xf32, #tpu.memory_space<vmem>>, vector<16xf32>,
      %parallel_loop3A_381 = arith.constant 4 : i32
      %parallel_loop3A_382 = arith.muli %parallel_loop3A_342, %parallel_loop3A_381 : i32
      %parallel_loop3A_383 = arith.constant 1 : i32
      %parallel_loop3A_384 = arith.addi %parallel_loop3A_382, %parallel_loop3A_383 : i32
      %parallel_loop3A_385 = vector.broadcast %parallel_loop3A_384 : i32 to vector<16xi32>
      %parallel_loop3A_386 = arith.addi %shift_left3A_21, %parallel_loop3A_385 : vector<16xi32>
      %parallel_loop3A_387 = tpu.vector_load_idx %arg7[%add3A_220, %add3A_26, %parallel_loop3A_386] : memref<4x8x1024xf32, #tpu.memory_space<vmem>>[vector<16xi32>, vector<16xi32>, vector<16xi32>], vector<16xf32>,
      %parallel_loop3A_388 = arith.index_cast %parallel_loop3A_384 : i32 to index
      %parallel_loop3A_389 = arith.constant 0 : index
      %parallel_loop3A_390 = tpu.vector_load %arg9[%parallel_loop3A_388, %parallel_loop3A_389] {strides = array<i32>} : memref<128x64xf32, #tpu.memory_space<vmem>>, vector<16xf32>,
      tpu.vector_store %arg9[%parallel_loop3A_388, %parallel_loop3A_389], %parallel_loop3A_387 {strides = array<i32>} : memref<128x64xf32, #tpu.memory_space<vmem>>, vector<16xf32>,
      %parallel_loop3A_391 = arith.mulf %parallel_loop3A_387, %parallel_loop3A_387 : vector<16xf32>
      %parallel_loop3A_392 = arith.index_cast %parallel_loop3A_384 : i32 to index
      %parallel_loop3A_393 = arith.constant 0 : index
      %parallel_loop3A_394 = tpu.vector_load %arg11[%parallel_loop3A_392, %parallel_loop3A_393] {strides = array<i32>} : memref<128x64xf32, #tpu.memory_space<vmem>>, vector<16xf32>,
      tpu.vector_store %arg11[%parallel_loop3A_392, %parallel_loop3A_393], %parallel_loop3A_391 {strides = array<i32>} : memref<128x64xf32, #tpu.memory_space<vmem>>, vector<16xf32>,
      %parallel_loop3A_395 = tpu.vector_load_idx %arg7[%add3A_220, %add3A_32, %parallel_loop3A_386] : memref<4x8x1024xf32, #tpu.memory_space<vmem>>[vector<16xi32>, vector<16xi32>, vector<16xi32>], vector<16xf32>,
      %parallel_loop3A_396 = arith.index_cast %parallel_loop3A_384 : i32 to index
      %parallel_loop3A_397 = arith.constant 16 : index
      %parallel_loop3A_398 = tpu.vector_load %arg9[%parallel_loop3A_396, %parallel_loop3A_397] {strides = array<i32>} : memref<128x64xf32, #tpu.memory_space<vmem>>, vector<16xf32>,
      tpu.vector_store %arg9[%parallel_loop3A_396, %parallel_loop3A_397], %parallel_loop3A_395 {strides = array<i32>} : memref<128x64xf32, #tpu.memory_space<vmem>>, vector<16xf32>,
      %parallel_loop3A_399 = arith.mulf %parallel_loop3A_395, %parallel_loop3A_395 : vector<16xf32>
      %parallel_loop3A_400 = arith.index_cast %parallel_loop3A_384 : i32 to index
      %parallel_loop3A_401 = arith.constant 16 : index
      %parallel_loop3A_402 = tpu.vector_load %arg11[%parallel_loop3A_400, %parallel_loop3A_401] {strides = array<i32>} : memref<128x64xf32, #tpu.memory_space<vmem>>, vector<16xf32>,
      tpu.vector_store %arg11[%parallel_loop3A_400, %parallel_loop3A_401], %parallel_loop3A_399 {strides = array<i32>} : memref<128x64xf32, #tpu.memory_space<vmem>>, vector<16xf32>,
      %parallel_loop3A_403 = tpu.vector_load_idx %arg7[%add3A_220, %add3A_38, %parallel_loop3A_386] : memref<4x8x1024xf32, #tpu.memory_space<vmem>>[vector<16xi32>, vector<16xi32>, vector<16xi32>], vector<16xf32>,
      %parallel_loop3A_404 = arith.index_cast %parallel_loop3A_384 : i32 to index
      %parallel_loop3A_405 = arith.constant 32 : index
      %parallel_loop3A_406 = tpu.vector_load %arg9[%parallel_loop3A_404, %parallel_loop3A_405] {strides = array<i32>} : memref<128x64xf32, #tpu.memory_space<vmem>>, vector<16xf32>,
      tpu.vector_store %arg9[%parallel_loop3A_404, %parallel_loop3A_405], %parallel_loop3A_403 {strides = array<i32>} : memref<128x64xf32, #tpu.memory_space<vmem>>, vector<16xf32>,
      %parallel_loop3A_407 = arith.mulf %parallel_loop3A_403, %parallel_loop3A_403 : vector<16xf32>
      %parallel_loop3A_408 = arith.index_cast %parallel_loop3A_384 : i32 to index
      %parallel_loop3A_409 = arith.constant 32 : index
      %parallel_loop3A_410 = tpu.vector_load %arg11[%parallel_loop3A_408, %parallel_loop3A_409] {strides = array<i32>} : memref<128x64xf32, #tpu.memory_space<vmem>>, vector<16xf32>,
      tpu.vector_store %arg11[%parallel_loop3A_408, %parallel_loop3A_409], %parallel_loop3A_407 {strides = array<i32>} : memref<128x64xf32, #tpu.memory_space<vmem>>, vector<16xf32>,
      %parallel_loop3A_411 = tpu.vector_load_idx %arg7[%add3A_220, %add3A_44, %parallel_loop3A_386] : memref<4x8x1024xf32, #tpu.memory_space<vmem>>[vector<16xi32>, vector<16xi32>, vector<16xi32>], vector<16xf32>,
      %parallel_loop3A_412 = arith.index_cast %parallel_loop3A_384 : i32 to index
      %parallel_loop3A_413 = arith.constant 48 : index
      %parallel_loop3A_414 = tpu.vector_load %arg9[%parallel_loop3A_412, %parallel_loop3A_413] {strides = array<i32>} : memref<128x64xf32, #tpu.memory_space<vmem>>, vector<16xf32>,
      tpu.vector_store %arg9[%parallel_loop3A_412, %parallel_loop3A_413], %parallel_loop3A_411 {strides = array<i32>} : memref<128x64xf32, #tpu.memory_space<vmem>>, vector<16xf32>,
      %parallel_loop3A_415 = arith.mulf %parallel_loop3A_411, %parallel_loop3A_411 : vector<16xf32>
      %parallel_loop3A_416 = arith.index_cast %parallel_loop3A_384 : i32 to index
      %parallel_loop3A_417 = arith.constant 48 : index
      %parallel_loop3A_418 = tpu.vector_load %arg11[%parallel_loop3A_416, %parallel_loop3A_417] {strides = array<i32>} : memref<128x64xf32, #tpu.memory_space<vmem>>, vector<16xf32>,
      tpu.vector_store %arg11[%parallel_loop3A_416, %parallel_loop3A_417], %parallel_loop3A_415 {strides = array<i32>} : memref<128x64xf32, #tpu.memory_space<vmem>>, vector<16xf32>,
      %parallel_loop3A_419 = arith.constant 4 : i32
      %parallel_loop3A_420 = arith.muli %parallel_loop3A_342, %parallel_loop3A_419 : i32
      %parallel_loop3A_421 = arith.constant 2 : i32
      %parallel_loop3A_422 = arith.addi %parallel_loop3A_420, %parallel_loop3A_421 : i32
      %parallel_loop3A_423 = vector.broadcast %parallel_loop3A_422 : i32 to vector<16xi32>
      %parallel_loop3A_424 = arith.addi %shift_left3A_21, %parallel_loop3A_423 : vector<16xi32>
      %parallel_loop3A_425 = tpu.vector_load_idx %arg7[%add3A_220, %add3A_26, %parallel_loop3A_424] : memref<4x8x1024xf32, #tpu.memory_space<vmem>>[vector<16xi32>, vector<16xi32>, vector<16xi32>], vector<16xf32>,
      %parallel_loop3A_426 = arith.index_cast %parallel_loop3A_422 : i32 to index
      %parallel_loop3A_427 = arith.constant 0 : index
      %parallel_loop3A_428 = tpu.vector_load %arg9[%parallel_loop3A_426, %parallel_loop3A_427] {strides = array<i32>} : memref<128x64xf32, #tpu.memory_space<vmem>>, vector<16xf32>,
      tpu.vector_store %arg9[%parallel_loop3A_426, %parallel_loop3A_427], %parallel_loop3A_425 {strides = array<i32>} : memref<128x64xf32, #tpu.memory_space<vmem>>, vector<16xf32>,
      %parallel_loop3A_429 = arith.mulf %parallel_loop3A_425, %parallel_loop3A_425 : vector<16xf32>
      %parallel_loop3A_430 = arith.index_cast %parallel_loop3A_422 : i32 to index
      %parallel_loop3A_431 = arith.constant 0 : index
      %parallel_loop3A_432 = tpu.vector_load %arg11[%parallel_loop3A_430, %parallel_loop3A_431] {strides = array<i32>} : memref<128x64xf32, #tpu.memory_space<vmem>>, vector<16xf32>,
      tpu.vector_store %arg11[%parallel_loop3A_430, %parallel_loop3A_431], %parallel_loop3A_429 {strides = array<i32>} : memref<128x64xf32, #tpu.memory_space<vmem>>, vector<16xf32>,
      %parallel_loop3A_433 = tpu.vector_load_idx %arg7[%add3A_220, %add3A_32, %parallel_loop3A_424] : memref<4x8x1024xf32, #tpu.memory_space<vmem>>[vector<16xi32>, vector<16xi32>, vector<16xi32>], vector<16xf32>,
      %parallel_loop3A_434 = arith.index_cast %parallel_loop3A_422 : i32 to index
      %parallel_loop3A_435 = arith.constant 16 : index
      %parallel_loop3A_436 = tpu.vector_load %arg9[%parallel_loop3A_434, %parallel_loop3A_435] {strides = array<i32>} : memref<128x64xf32, #tpu.memory_space<vmem>>, vector<16xf32>,
      tpu.vector_store %arg9[%parallel_loop3A_434, %parallel_loop3A_435], %parallel_loop3A_433 {strides = array<i32>} : memref<128x64xf32, #tpu.memory_space<vmem>>, vector<16xf32>,
      %parallel_loop3A_437 = arith.mulf %parallel_loop3A_433, %parallel_loop3A_433 : vector<16xf32>
      %parallel_loop3A_438 = arith.index_cast %parallel_loop3A_422 : i32 to index
      %parallel_loop3A_439 = arith.constant 16 : index
      %parallel_loop3A_440 = tpu.vector_load %arg11[%parallel_loop3A_438, %parallel_loop3A_439] {strides = array<i32>} : memref<128x64xf32, #tpu.memory_space<vmem>>, vector<16xf32>,
      tpu.vector_store %arg11[%parallel_loop3A_438, %parallel_loop3A_439], %parallel_loop3A_437 {strides = array<i32>} : memref<128x64xf32, #tpu.memory_space<vmem>>, vector<16xf32>,
      %parallel_loop3A_441 = tpu.vector_load_idx %arg7[%add3A_220, %add3A_38, %parallel_loop3A_424] : memref<4x8x1024xf32, #tpu.memory_space<vmem>>[vector<16xi32>, vector<16xi32>, vector<16xi32>], vector<16xf32>,
      %parallel_loop3A_442 = arith.index_cast %parallel_loop3A_422 : i32 to index
      %parallel_loop3A_443 = arith.constant 32 : index
      %parallel_loop3A_444 = tpu.vector_load %arg9[%parallel_loop3A_442, %parallel_loop3A_443] {strides = array<i32>} : memref<128x64xf32, #tpu.memory_space<vmem>>, vector<16xf32>,
      tpu.vector_store %arg9[%parallel_loop3A_442, %parallel_loop3A_443], %parallel_loop3A_441 {strides = array<i32>} : memref<128x64xf32, #tpu.memory_space<vmem>>, vector<16xf32>,
      %parallel_loop3A_445 = arith.mulf %parallel_loop3A_441, %parallel_loop3A_441 : vector<16xf32>
      %parallel_loop3A_446 = arith.index_cast %parallel_loop3A_422 : i32 to index
      %parallel_loop3A_447 = arith.constant 32 : index
      %parallel_loop3A_448 = tpu.vector_load %arg11[%parallel_loop3A_446, %parallel_loop3A_447] {strides = array<i32>} : memref<128x64xf32, #tpu.memory_space<vmem>>, vector<16xf32>,
      tpu.vector_store %arg11[%parallel_loop3A_446, %parallel_loop3A_447], %parallel_loop3A_445 {strides = array<i32>} : memref<128x64xf32, #tpu.memory_space<vmem>>, vector<16xf32>,
      %parallel_loop3A_449 = tpu.vector_load_idx %arg7[%add3A_220, %add3A_44, %parallel_loop3A_424] : memref<4x8x1024xf32, #tpu.memory_space<vmem>>[vector<16xi32>, vector<16xi32>, vector<16xi32>], vector<16xf32>,
      %parallel_loop3A_450 = arith.index_cast %parallel_loop3A_422 : i32 to index
      %parallel_loop3A_451 = arith.constant 48 : index
      %parallel_loop3A_452 = tpu.vector_load %arg9[%parallel_loop3A_450, %parallel_loop3A_451] {strides = array<i32>} : memref<128x64xf32, #tpu.memory_space<vmem>>, vector<16xf32>,
      tpu.vector_store %arg9[%parallel_loop3A_450, %parallel_loop3A_451], %parallel_loop3A_449 {strides = array<i32>} : memref<128x64xf32, #tpu.memory_space<vmem>>, vector<16xf32>,
      %parallel_loop3A_453 = arith.mulf %parallel_loop3A_449, %parallel_loop3A_449 : vector<16xf32>
      %parallel_loop3A_454 = arith.index_cast %parallel_loop3A_422 : i32 to index
      %parallel_loop3A_455 = arith.constant 48 : index
      %parallel_loop3A_456 = tpu.vector_load %arg11[%parallel_loop3A_454, %parallel_loop3A_455] {strides = array<i32>} : memref<128x64xf32, #tpu.memory_space<vmem>>, vector<16xf32>,
      tpu.vector_store %arg11[%parallel_loop3A_454, %parallel_loop3A_455], %parallel_loop3A_453 {strides = array<i32>} : memref<128x64xf32, #tpu.memory_space<vmem>>, vector<16xf32>,
      %parallel_loop3A_457 = arith.constant 4 : i32
      %parallel_loop3A_458 = arith.muli %parallel_loop3A_342, %parallel_loop3A_457 : i32
      %parallel_loop3A_459 = arith.constant 3 : i32
      %parallel_loop3A_460 = arith.addi %parallel_loop3A_458, %parallel_loop3A_459 : i32
      %parallel_loop3A_461 = vector.broadcast %parallel_loop3A_460 : i32 to vector<16xi32>
      %parallel_loop3A_462 = arith.addi %shift_left3A_21, %parallel_loop3A_461 : vector<16xi32>
      %parallel_loop3A_463 = tpu.vector_load_idx %arg7[%add3A_220, %add3A_26, %parallel_loop3A_462] : memref<4x8x1024xf32, #tpu.memory_space<vmem>>[vector<16xi32>, vector<16xi32>, vector<16xi32>], vector<16xf32>,
      %parallel_loop3A_464 = arith.index_cast %parallel_loop3A_460 : i32 to index
      %parallel_loop3A_465 = arith.constant 0 : index
      %parallel_loop3A_466 = tpu.vector_load %arg9[%parallel_loop3A_464, %parallel_loop3A_465] {strides = array<i32>} : memref<128x64xf32, #tpu.memory_space<vmem>>, vector<16xf32>,
      tpu.vector_store %arg9[%parallel_loop3A_464, %parallel_loop3A_465], %parallel_loop3A_463 {strides = array<i32>} : memref<128x64xf32, #tpu.memory_space<vmem>>, vector<16xf32>,
      %parallel_loop3A_467 = arith.mulf %parallel_loop3A_463, %parallel_loop3A_463 : vector<16xf32>
      %parallel_loop3A_468 = arith.index_cast %parallel_loop3A_460 : i32 to index
      %parallel_loop3A_469 = arith.constant 0 : index
      %parallel_loop3A_470 = tpu.vector_load %arg11[%parallel_loop3A_468, %parallel_loop3A_469] {strides = array<i32>} : memref<128x64xf32, #tpu.memory_space<vmem>>, vector<16xf32>,
      tpu.vector_store %arg11[%parallel_loop3A_468, %parallel_loop3A_469], %parallel_loop3A_467 {strides = array<i32>} : memref<128x64xf32, #tpu.memory_space<vmem>>, vector<16xf32>,
      %parallel_loop3A_471 = tpu.vector_load_idx %arg7[%add3A_220, %add3A_32, %parallel_loop3A_462] : memref<4x8x1024xf32, #tpu.memory_space<vmem>>[vector<16xi32>, vector<16xi32>, vector<16xi32>], vector<16xf32>,
      %parallel_loop3A_472 = arith.index_cast %parallel_loop3A_460 : i32 to index
      %parallel_loop3A_473 = arith.constant 16 : index
      %parallel_loop3A_474 = tpu.vector_load %arg9[%parallel_loop3A_472, %parallel_loop3A_473] {strides = array<i32>} : memref<128x64xf32, #tpu.memory_space<vmem>>, vector<16xf32>,
      tpu.vector_store %arg9[%parallel_loop3A_472, %parallel_loop3A_473], %parallel_loop3A_471 {strides = array<i32>} : memref<128x64xf32, #tpu.memory_space<vmem>>, vector<16xf32>,
      %parallel_loop3A_475 = arith.mulf %parallel_loop3A_471, %parallel_loop3A_471 : vector<16xf32>
      %parallel_loop3A_476 = arith.index_cast %parallel_loop3A_460 : i32 to index
      %parallel_loop3A_477 = arith.constant 16 : index
      %parallel_loop3A_478 = tpu.vector_load %arg11[%parallel_loop3A_476, %parallel_loop3A_477] {strides = array<i32>} : memref<128x64xf32, #tpu.memory_space<vmem>>, vector<16xf32>,
      tpu.vector_store %arg11[%parallel_loop3A_476, %parallel_loop3A_477], %parallel_loop3A_475 {strides = array<i32>} : memref<128x64xf32, #tpu.memory_space<vmem>>, vector<16xf32>,
      %parallel_loop3A_479 = tpu.vector_load_idx %arg7[%add3A_220, %add3A_38, %parallel_loop3A_462] : memref<4x8x1024xf32, #tpu.memory_space<vmem>>[vector<16xi32>, vector<16xi32>, vector<16xi32>], vector<16xf32>,
      %parallel_loop3A_480 = arith.index_cast %parallel_loop3A_460 : i32 to index
      %parallel_loop3A_481 = arith.constant 32 : index
      %parallel_loop3A_482 = tpu.vector_load %arg9[%parallel_loop3A_480, %parallel_loop3A_481] {strides = array<i32>} : memref<128x64xf32, #tpu.memory_space<vmem>>, vector<16xf32>,
      tpu.vector_store %arg9[%parallel_loop3A_480, %parallel_loop3A_481], %parallel_loop3A_479 {strides = array<i32>} : memref<128x64xf32, #tpu.memory_space<vmem>>, vector<16xf32>,
      %parallel_loop3A_483 = arith.mulf %parallel_loop3A_479, %parallel_loop3A_479 : vector<16xf32>
      %parallel_loop3A_484 = arith.index_cast %parallel_loop3A_460 : i32 to index
      %parallel_loop3A_485 = arith.constant 32 : index
      %parallel_loop3A_486 = tpu.vector_load %arg11[%parallel_loop3A_484, %parallel_loop3A_485] {strides = array<i32>} : memref<128x64xf32, #tpu.memory_space<vmem>>, vector<16xf32>,
      tpu.vector_store %arg11[%parallel_loop3A_484, %parallel_loop3A_485], %parallel_loop3A_483 {strides = array<i32>} : memref<128x64xf32, #tpu.memory_space<vmem>>, vector<16xf32>,
      %parallel_loop3A_487 = tpu.vector_load_idx %arg7[%add3A_220, %add3A_44, %parallel_loop3A_462] : memref<4x8x1024xf32, #tpu.memory_space<vmem>>[vector<16xi32>, vector<16xi32>, vector<16xi32>], vector<16xf32>,
      %parallel_loop3A_488 = arith.index_cast %parallel_loop3A_460 : i32 to index
      %parallel_loop3A_489 = arith.constant 48 : index
      %parallel_loop3A_490 = tpu.vector_load %arg9[%parallel_loop3A_488, %parallel_loop3A_489] {strides = array<i32>} : memref<128x64xf32, #tpu.memory_space<vmem>>, vector<16xf32>,
      tpu.vector_store %arg9[%parallel_loop3A_488, %parallel_loop3A_489], %parallel_loop3A_487 {strides = array<i32>} : memref<128x64xf32, #tpu.memory_space<vmem>>, vector<16xf32>,
      %parallel_loop3A_491 = arith.mulf %parallel_loop3A_487, %parallel_loop3A_487 : vector<16xf32>
      %parallel_loop3A_492 = arith.index_cast %parallel_loop3A_460 : i32 to index
      %parallel_loop3A_493 = arith.constant 48 : index
      %parallel_loop3A_494 = tpu.vector_load %arg11[%parallel_loop3A_492, %parallel_loop3A_493] {strides = array<i32>} : memref<128x64xf32, #tpu.memory_space<vmem>>, vector<16xf32>,
      tpu.vector_store %arg11[%parallel_loop3A_492, %parallel_loop3A_493], %parallel_loop3A_491 {strides = array<i32>} : memref<128x64xf32, #tpu.memory_space<vmem>>, vector<16xf32>,
    } {sc.loop_unroll_factor = 4 : i64, sc.parallel_access}
    %dma_start3A_224 = arith.constant 3 : i32
    %dma_start3A_225 = arith.constant 0 : i32
    %dma_start3A_226 = tpu.memref_slice %arg6[%dma_start3A_224, %dma_start3A_225] : memref<4x128xi32, #tpu.memory_space<vmem>> -> memref<1x128xi32, #tpu.memory_space<vmem>>
    %dma_start3A_227 = tpu.memref_squeeze %dma_start3A_226 : memref<1x128xi32, #tpu.memory_space<vmem>> -> memref<128xi32, #tpu.memory_space<vmem>>
    %dma_start3A_228 = arith.constant 0 : i32
    %dma_start3A_229 = arith.constant 0 : i32
    %dma_start3A_230 = tpu.memref_slice %arg17[%dma_start3A_228, %dma_start3A_229] : memref<1024x64xf32, #tpu.memory_space<vmem_shared>> -> memref<1024x64xf32, #tpu.memory_space<vmem_shared>>
    tpu.enqueue_indirect_dma source(%arg9 : memref<128x64xf32, #tpu.memory_space<vmem>>) target(%dma_start3A_230 : memref<1024x64xf32, #tpu.memory_space<vmem_shared>>) offsets(%dma_start3A_227 : memref<128xi32, #tpu.memory_space<vmem>>) semaphore(%arg23 : memref<!tpu.dma_semaphore, #tpu.memory_space<semaphore_mem>>) {add = true}
    %dma_start3A_231 = arith.constant 3 : i32
    %dma_start3A_232 = arith.constant 0 : i32
    %dma_start3A_233 = tpu.memref_slice %arg6[%dma_start3A_231, %dma_start3A_232] : memref<4x128xi32, #tpu.memory_space<vmem>> -> memref<1x128xi32, #tpu.memory_space<vmem>>
    %dma_start3A_234 = tpu.memref_squeeze %dma_start3A_233 : memref<1x128xi32, #tpu.memory_space<vmem>> -> memref<128xi32, #tpu.memory_space<vmem>>
    %dma_start3A_235 = arith.constant 0 : i32
    %dma_start3A_236 = arith.constant 0 : i32
    %dma_start3A_237 = tpu.memref_slice %arg18[%dma_start3A_235, %dma_start3A_236] : memref<1024x64xf32, #tpu.memory_space<vmem_shared>> -> memref<1024x64xf32, #tpu.memory_space<vmem_shared>>
    tpu.enqueue_indirect_dma source(%arg11 : memref<128x64xf32, #tpu.memory_space<vmem>>) target(%dma_start3A_237 : memref<1024x64xf32, #tpu.memory_space<vmem_shared>>) offsets(%dma_start3A_234 : memref<128xi32, #tpu.memory_space<vmem>>) semaphore(%arg23 : memref<!tpu.dma_semaphore, #tpu.memory_space<semaphore_mem>>) {add = true}
    %dma_start3A_238 = arith.constant 3 : i32
    %dma_start3A_239 = arith.constant 0 : i32
    %dma_start3A_240 = tpu.memref_slice %arg6[%dma_start3A_238, %dma_start3A_239] : memref<4x128xi32, #tpu.memory_space<vmem>> -> memref<1x128xi32, #tpu.memory_space<vmem>>
    %dma_start3A_241 = tpu.memref_squeeze %dma_start3A_240 : memref<1x128xi32, #tpu.memory_space<vmem>> -> memref<128xi32, #tpu.memory_space<vmem>>
    %dma_start3A_242 = arith.constant 0 : i32
    %dma_start3A_243 = arith.constant 0 : i32
    %dma_start3A_244 = tpu.memref_slice %arg19[%dma_start3A_242, %dma_start3A_243] : memref<1024x16xf32, #tpu.memory_space<vmem_shared>> -> memref<1024x16xf32, #tpu.memory_space<vmem_shared>>
    tpu.enqueue_indirect_dma source(%arg12 : memref<128x16xf32, #tpu.memory_space<vmem>>) target(%dma_start3A_244 : memref<1024x16xf32, #tpu.memory_space<vmem_shared>>) offsets(%dma_start3A_241 : memref<128xi32, #tpu.memory_space<vmem>>) semaphore(%arg21 : memref<!tpu.dma_semaphore, #tpu.memory_space<semaphore_mem>>) {add = true}
    %dma_wait3A_245 = arith.constant 2 : i32
    %dma_wait3A_246 = arith.constant 0 : i32
    %dma_wait3A_247 = tpu.memref_slice %arg6[%dma_wait3A_245, %dma_wait3A_246] : memref<4x128xi32, #tpu.memory_space<vmem>> -> memref<1x128xi32, #tpu.memory_space<vmem>>
    %dma_wait3A_248 = tpu.memref_squeeze %dma_wait3A_247 : memref<1x128xi32, #tpu.memory_space<vmem>> -> memref<128xi32, #tpu.memory_space<vmem>>
    %dma_wait3A_249 = arith.constant 0 : i32
    %dma_wait3A_250 = arith.constant 0 : i32
    %dma_wait3A_251 = tpu.memref_slice %arg17[%dma_wait3A_249, %dma_wait3A_250] : memref<1024x64xf32, #tpu.memory_space<vmem_shared>> -> memref<1024x64xf32, #tpu.memory_space<vmem_shared>>
    tpu.wait_indirect_dma semaphore(%arg22 : memref<!tpu.dma_semaphore, #tpu.memory_space<semaphore_mem>>) src(%arg8 : memref<128x64xf32, #tpu.memory_space<vmem>>) dst(%dma_wait3A_251 : memref<1024x64xf32, #tpu.memory_space<vmem_shared>>)
    %dma_wait3A_252 = arith.constant 2 : i32
    %dma_wait3A_253 = arith.constant 0 : i32
    %dma_wait3A_254 = tpu.memref_slice %arg6[%dma_wait3A_252, %dma_wait3A_253] : memref<4x128xi32, #tpu.memory_space<vmem>> -> memref<1x128xi32, #tpu.memory_space<vmem>>
    %dma_wait3A_255 = tpu.memref_squeeze %dma_wait3A_254 : memref<1x128xi32, #tpu.memory_space<vmem>> -> memref<128xi32, #tpu.memory_space<vmem>>
    %dma_wait3A_256 = arith.constant 0 : i32
    %dma_wait3A_257 = arith.constant 0 : i32
    %dma_wait3A_258 = tpu.memref_slice %arg18[%dma_wait3A_256, %dma_wait3A_257] : memref<1024x64xf32, #tpu.memory_space<vmem_shared>> -> memref<1024x64xf32, #tpu.memory_space<vmem_shared>>
    tpu.wait_indirect_dma semaphore(%arg22 : memref<!tpu.dma_semaphore, #tpu.memory_space<semaphore_mem>>) src(%arg10 : memref<128x64xf32, #tpu.memory_space<vmem>>) dst(%dma_wait3A_258 : memref<1024x64xf32, #tpu.memory_space<vmem_shared>>)
    %dma_wait3A_259 = arith.constant 3 : i32
    %dma_wait3A_260 = arith.constant 0 : i32
    %dma_wait3A_261 = tpu.memref_slice %arg6[%dma_wait3A_259, %dma_wait3A_260] : memref<4x128xi32, #tpu.memory_space<vmem>> -> memref<1x128xi32, #tpu.memory_space<vmem>>
    %dma_wait3A_262 = tpu.memref_squeeze %dma_wait3A_261 : memref<1x128xi32, #tpu.memory_space<vmem>> -> memref<128xi32, #tpu.memory_space<vmem>>
    %dma_wait3A_263 = arith.constant 0 : i32
    %dma_wait3A_264 = arith.constant 0 : i32
    %dma_wait3A_265 = tpu.memref_slice %arg17[%dma_wait3A_263, %dma_wait3A_264] : memref<1024x64xf32, #tpu.memory_space<vmem_shared>> -> memref<1024x64xf32, #tpu.memory_space<vmem_shared>>
    tpu.wait_indirect_dma semaphore(%arg23 : memref<!tpu.dma_semaphore, #tpu.memory_space<semaphore_mem>>) src(%arg9 : memref<128x64xf32, #tpu.memory_space<vmem>>) dst(%dma_wait3A_265 : memref<1024x64xf32, #tpu.memory_space<vmem_shared>>)
    %dma_wait3A_266 = arith.constant 3 : i32
    %dma_wait3A_267 = arith.constant 0 : i32
    %dma_wait3A_268 = tpu.memref_slice %arg6[%dma_wait3A_266, %dma_wait3A_267] : memref<4x128xi32, #tpu.memory_space<vmem>> -> memref<1x128xi32, #tpu.memory_space<vmem>>
    %dma_wait3A_269 = tpu.memref_squeeze %dma_wait3A_268 : memref<1x128xi32, #tpu.memory_space<vmem>> -> memref<128xi32, #tpu.memory_space<vmem>>
    %dma_wait3A_270 = arith.constant 0 : i32
    %dma_wait3A_271 = arith.constant 0 : i32
    %dma_wait3A_272 = tpu.memref_slice %arg18[%dma_wait3A_270, %dma_wait3A_271] : memref<1024x64xf32, #tpu.memory_space<vmem_shared>> -> memref<1024x64xf32, #tpu.memory_space<vmem_shared>>
    tpu.wait_indirect_dma semaphore(%arg23 : memref<!tpu.dma_semaphore, #tpu.memory_space<semaphore_mem>>) src(%arg11 : memref<128x64xf32, #tpu.memory_space<vmem>>) dst(%dma_wait3A_272 : memref<1024x64xf32, #tpu.memory_space<vmem_shared>>)
    %dma_wait3A_273 = arith.constant 0 : i32
    %dma_wait3A_274 = arith.constant 0 : i32
    %dma_wait3A_275 = tpu.memref_slice %arg6[%dma_wait3A_273, %dma_wait3A_274] : memref<4x128xi32, #tpu.memory_space<vmem>> -> memref<1x128xi32, #tpu.memory_space<vmem>>
    %dma_wait3A_276 = tpu.memref_squeeze %dma_wait3A_275 : memref<1x128xi32, #tpu.memory_space<vmem>> -> memref<128xi32, #tpu.memory_space<vmem>>
    %dma_wait3A_277 = arith.constant 0 : i32
    %dma_wait3A_278 = arith.constant 0 : i32
    %dma_wait3A_279 = tpu.memref_slice %arg19[%dma_wait3A_277, %dma_wait3A_278] : memref<1024x16xf32, #tpu.memory_space<vmem_shared>> -> memref<1024x16xf32, #tpu.memory_space<vmem_shared>>
    tpu.wait_indirect_dma semaphore(%arg21 : memref<!tpu.dma_semaphore, #tpu.memory_space<semaphore_mem>>) src(%arg12 : memref<128x16xf32, #tpu.memory_space<vmem>>) dst(%dma_wait3A_279 : memref<1024x16xf32, #tpu.memory_space<vmem_shared>>)
    %dma_wait3A_280 = arith.constant 1 : i32
    %dma_wait3A_281 = arith.constant 0 : i32
    %dma_wait3A_282 = tpu.memref_slice %arg6[%dma_wait3A_280, %dma_wait3A_281] : memref<4x128xi32, #tpu.memory_space<vmem>> -> memref<1x128xi32, #tpu.memory_space<vmem>>
    %dma_wait3A_283 = tpu.memref_squeeze %dma_wait3A_282 : memref<1x128xi32, #tpu.memory_space<vmem>> -> memref<128xi32, #tpu.memory_space<vmem>>
    %dma_wait3A_284 = arith.constant 0 : i32
    %dma_wait3A_285 = arith.constant 0 : i32
    %dma_wait3A_286 = tpu.memref_slice %arg19[%dma_wait3A_284, %dma_wait3A_285] : memref<1024x16xf32, #tpu.memory_space<vmem_shared>> -> memref<1024x16xf32, #tpu.memory_space<vmem_shared>>
    tpu.wait_indirect_dma semaphore(%arg21 : memref<!tpu.dma_semaphore, #tpu.memory_space<semaphore_mem>>) src(%arg12 : memref<128x16xf32, #tpu.memory_space<vmem>>) dst(%dma_wait3A_286 : memref<1024x16xf32, #tpu.memory_space<vmem_shared>>)
    %dma_wait3A_287 = arith.constant 2 : i32
    %dma_wait3A_288 = arith.constant 0 : i32
    %dma_wait3A_289 = tpu.memref_slice %arg6[%dma_wait3A_287, %dma_wait3A_288] : memref<4x128xi32, #tpu.memory_space<vmem>> -> memref<1x128xi32, #tpu.memory_space<vmem>>
    %dma_wait3A_290 = tpu.memref_squeeze %dma_wait3A_289 : memref<1x128xi32, #tpu.memory_space<vmem>> -> memref<128xi32, #tpu.memory_space<vmem>>
    %dma_wait3A_291 = arith.constant 0 : i32
    %dma_wait3A_292 = arith.constant 0 : i32
    %dma_wait3A_293 = tpu.memref_slice %arg19[%dma_wait3A_291, %dma_wait3A_292] : memref<1024x16xf32, #tpu.memory_space<vmem_shared>> -> memref<1024x16xf32, #tpu.memory_space<vmem_shared>>
    tpu.wait_indirect_dma semaphore(%arg21 : memref<!tpu.dma_semaphore, #tpu.memory_space<semaphore_mem>>) src(%arg12 : memref<128x16xf32, #tpu.memory_space<vmem>>) dst(%dma_wait3A_293 : memref<1024x16xf32, #tpu.memory_space<vmem_shared>>)
    %dma_wait3A_294 = arith.constant 3 : i32
    %dma_wait3A_295 = arith.constant 0 : i32
    %dma_wait3A_296 = tpu.memref_slice %arg6[%dma_wait3A_294, %dma_wait3A_295] : memref<4x128xi32, #tpu.memory_space<vmem>> -> memref<1x128xi32, #tpu.memory_space<vmem>>
    %dma_wait3A_297 = tpu.memref_squeeze %dma_wait3A_296 : memref<1x128xi32, #tpu.memory_space<vmem>> -> memref<128xi32, #tpu.memory_space<vmem>>
    %dma_wait3A_298 = arith.constant 0 : i32
    %dma_wait3A_299 = arith.constant 0 : i32
    %dma_wait3A_300 = tpu.memref_slice %arg19[%dma_wait3A_298, %dma_wait3A_299] : memref<1024x16xf32, #tpu.memory_space<vmem_shared>> -> memref<1024x16xf32, #tpu.memory_space<vmem_shared>>
    tpu.wait_indirect_dma semaphore(%arg21 : memref<!tpu.dma_semaphore, #tpu.memory_space<semaphore_mem>>) src(%arg12 : memref<128x16xf32, #tpu.memory_space<vmem>>) dst(%dma_wait3A_300 : memref<1024x16xf32, #tpu.memory_space<vmem_shared>>)
    %barrier3A_301 = arith.constant 0 : index
    tpu.barrier barrier_id(%barrier3A_301)
    %dma_start3A_302 = arith.constant 0 : i32
    %dma_start3A_303 = tpu.memref_slice %arg4[%arg0, %mul3A_60, %dma_start3A_302] : memref<2x1024x128xf32, #tpu.memory_space<hbm>> -> memref<1x64x64xf32, #tpu.memory_space<hbm>>
    %dma_start3A_304 = tpu.memref_squeeze %dma_start3A_303 : memref<1x64x64xf32, #tpu.memory_space<hbm>> -> memref<64x64xf32, #tpu.memory_space<hbm>>
    %dma_start3A_305 = arith.constant 0 : i32
    %dma_start3A_306 = tpu.memref_slice %arg17[%mul3A_60, %dma_start3A_305] : memref<1024x64xf32, #tpu.memory_space<vmem_shared>> -> memref<64x64xf32, #tpu.memory_space<vmem_shared>>
    tpu.enqueue_dma source(%dma_start3A_306 : memref<64x64xf32, #tpu.memory_space<vmem_shared>>) target(%dma_start3A_304 : memref<64x64xf32, #tpu.memory_space<hbm>>) target_semaphore(%arg24 : memref<!tpu.dma_semaphore, #tpu.memory_space<semaphore_mem>>)
    %dma_start3A_307 = arith.constant 64 : i32
    %dma_start3A_308 = tpu.memref_slice %arg4[%arg0, %mul3A_60, %dma_start3A_307] : memref<2x1024x128xf32, #tpu.memory_space<hbm>> -> memref<1x64x64xf32, #tpu.memory_space<hbm>>
    %dma_start3A_309 = tpu.memref_squeeze %dma_start3A_308 : memref<1x64x64xf32, #tpu.memory_space<hbm>> -> memref<64x64xf32, #tpu.memory_space<hbm>>
    %dma_start3A_310 = arith.constant 0 : i32
    %dma_start3A_311 = tpu.memref_slice %arg18[%mul3A_60, %dma_start3A_310] : memref<1024x64xf32, #tpu.memory_space<vmem_shared>> -> memref<64x64xf32, #tpu.memory_space<vmem_shared>>
    tpu.enqueue_dma source(%dma_start3A_311 : memref<64x64xf32, #tpu.memory_space<vmem_shared>>) target(%dma_start3A_309 : memref<64x64xf32, #tpu.memory_space<hbm>>) target_semaphore(%arg24 : memref<!tpu.dma_semaphore, #tpu.memory_space<semaphore_mem>>)
    "tpu.region"() ({
      %run_scoped3A = tpu.sem_alloc : memref<!tpu.dma_semaphore, #tpu.memory_space<semaphore_mem>>
      %dma_start3A_342 = arith.constant 0 : i32
      %dma_start3A_343 = tpu.memref_slice %arg19[%mul3A_60, %dma_start3A_342] : memref<1024x16xf32, #tpu.memory_space<vmem_shared>> -> memref<64x16xf32, #tpu.memory_space<vmem_shared>>
      %dma_start3A_344 = arith.constant 0 : i32
      %dma_start3A_345 = tpu.memref_slice %arg19[%mul3A_60, %dma_start3A_344] : memref<1024x16xf32, #tpu.memory_space<vmem_shared>> -> memref<64x16xf32, #tpu.memory_space<vmem_shared>>
      tpu.enqueue_dma source(%dma_start3A_345 : memref<64x16xf32, #tpu.memory_space<vmem_shared>>) target(%arg15 : memref<64x16xf32, #tpu.memory_space<vmem>>) target_semaphore(%run_scoped3A : memref<!tpu.dma_semaphore, #tpu.memory_space<semaphore_mem>>)
      %dma_wait3A_346 = arith.constant 0 : i32
      %dma_wait3A_347 = tpu.memref_slice %arg19[%mul3A_60, %dma_wait3A_346] : memref<1024x16xf32, #tpu.memory_space<vmem_shared>> -> memref<64x16xf32, #tpu.memory_space<vmem_shared>>
      %dma_wait3A_348 = arith.constant 0 : i32
      %dma_wait3A_349 = tpu.memref_slice %arg19[%mul3A_60, %dma_wait3A_348] : memref<1024x16xf32, #tpu.memory_space<vmem_shared>> -> memref<64x16xf32, #tpu.memory_space<vmem_shared>>
      tpu.wait_dma2 semaphore(%run_scoped3A : memref<!tpu.dma_semaphore, #tpu.memory_space<semaphore_mem>>) src(%dma_wait3A_349 : memref<64x16xf32, #tpu.memory_space<vmem_shared>>) dst(%arg15 : memref<64x16xf32, #tpu.memory_space<vmem>>)
      tpu.yield
    }) : () -> ()
    %scan3A_312 = arith.constant 0 : i32
    %scan3A_313 = arith.constant 0 : i32
    %scan3A_314 = arith.constant 64 : i32
    %scan3A_315 = arith.addi %scan3A_313, %scan3A_314 : i32
    %scan3A_316 = arith.constant 1 : i32
    scf.for %scan3A_342 = %scan3A_313 to %scan3A_315 step %scan3A_316  : i32 {
      %jit3A = arith.constant 8 : i32
      %div3A = arith.divsi %scan3A_342, %jit3A : i32
      %sign3A = arith.constant 0 : i32
      %sign3A_343 = arith.cmpi sgt, %scan3A_342, %sign3A : i32
      %sign3A_344 = arith.extui %sign3A_343 : i1 to i32
      %sign3A_345 = arith.constant 0 : i32
      %sign3A_346 = arith.cmpi slt, %scan3A_342, %sign3A_345 : i32
      %sign3A_347 = arith.extui %sign3A_346 : i1 to i32
      %sign3A_348 = arith.subi %sign3A_344, %sign3A_347 : i32
      %sign3A_349 = arith.constant 0 : i32
      %sign3A_350 = arith.cmpi sgt, %jit3A, %sign3A_349 : i32
      %sign3A_351 = arith.extui %sign3A_350 : i1 to i32
      %sign3A_352 = arith.constant 0 : i32
      %sign3A_353 = arith.cmpi slt, %jit3A, %sign3A_352 : i32
      %sign3A_354 = arith.extui %sign3A_353 : i1 to i32
      %sign3A_355 = arith.subi %sign3A_351, %sign3A_354 : i32
      %ne3A = arith.cmpi ne, %sign3A_348, %sign3A_355 : i32
      %rem3A = arith.remsi %scan3A_342, %jit3A : i32
      %ne3A_356 = arith.constant 0 : i32
      %ne3A_357 = arith.cmpi ne, %rem3A, %ne3A_356 : i32
      %and3A_358 = arith.andi %ne3A, %ne3A_357 : i1
      %sub3A = arith.constant 1 : i32
      %sub3A_359 = arith.subi %div3A, %sub3A : i32
      %select_n3A = arith.select %and3A_358, %sub3A_359, %div3A : i32
      %jit3A_360 = arith.constant 8 : i32
      %eq3A = arith.constant 0 : i32
      %eq3A_361 = arith.cmpi eq, %jit3A_360, %eq3A : i32
      %jit3A_362 = arith.constant 1 : i32
      %select_n3A_363 = arith.select %eq3A_361, %jit3A_362, %jit3A_360 : i32
      %rem3A_364 = arith.remsi %scan3A_342, %select_n3A_363 : i32
      %ne3A_365 = arith.constant 0 : i32
      %ne3A_366 = arith.cmpi ne, %rem3A_364, %ne3A_365 : i32
      %lt3A = arith.constant 0 : i32
      %lt3A_367 = arith.cmpi slt, %rem3A_364, %lt3A : i32
      %lt3A_368 = arith.constant 0 : i32
      %lt3A_369 = arith.cmpi slt, %select_n3A_363, %lt3A_368 : i32
      %ne3A_370 = arith.xori %lt3A_367, %lt3A_369 : i1
      %and3A_371 = arith.andi %ne3A_370, %ne3A_366 : i1
      %add3A_372 = arith.addi %rem3A_364, %select_n3A_363 : i32
      %select_n3A_373 = arith.select %and3A_371, %add3A_372, %rem3A_364 : i32
      %mul3A_374 = arith.constant 16 : i32
      %mul3A_375 = arith.muli %select_n3A_373, %mul3A_374 : i32
      %get3A = arith.index_cast %scan3A_342 : i32 to index
      %get3A_376 = arith.constant 0 : index
      %get3A_377 = tpu.vector_load %arg15[%get3A, %get3A_376] {strides = array<i32>} : memref<64x16xf32, #tpu.memory_space<vmem>>, vector<16xf32>,
      %swap3A = arith.index_cast %select_n3A : i32 to index
      %swap3A_378 = arith.index_cast %mul3A_375 : i32 to index
      %swap3A_379 = tpu.vector_load %arg16[%swap3A, %swap3A_378] {strides = array<i32>} : memref<8x128xf32, #tpu.memory_space<vmem>>, vector<16xf32>,
      tpu.vector_store %arg16[%swap3A, %swap3A_378], %get3A_377 {strides = array<i32>} : memref<8x128xf32, #tpu.memory_space<vmem>>, vector<16xf32>,
    }
    %scan3A_317 = arith.constant 64 : i32
    %mul3A_318 = arith.constant 8 : i32
    %mul3A_319 = arith.muli %arg1, %mul3A_318 : i32
    %dma_start3A_320 = arith.constant 0 : i32
    %dma_start3A_321 = tpu.memref_slice %arg5[%arg0, %mul3A_319, %dma_start3A_320] : memref<2x128x128xf32, #tpu.memory_space<hbm>> -> memref<1x8x128xf32, #tpu.memory_space<hbm>>
    %dma_start3A_322 = tpu.memref_squeeze %dma_start3A_321 : memref<1x8x128xf32, #tpu.memory_space<hbm>> -> memref<8x128xf32, #tpu.memory_space<hbm>>
    %dma_start3A_323 = arith.constant 0 : i32
    %dma_start3A_324 = tpu.memref_slice %arg5[%arg0, %mul3A_319, %dma_start3A_323] : memref<2x128x128xf32, #tpu.memory_space<hbm>> -> memref<1x8x128xf32, #tpu.memory_space<hbm>>
    %dma_start3A_325 = tpu.memref_squeeze %dma_start3A_324 : memref<1x8x128xf32, #tpu.memory_space<hbm>> -> memref<8x128xf32, #tpu.memory_space<hbm>>
    tpu.enqueue_dma source(%arg16 : memref<8x128xf32, #tpu.memory_space<vmem>>) target(%dma_start3A_325 : memref<8x128xf32, #tpu.memory_space<hbm>>) target_semaphore(%arg24 : memref<!tpu.dma_semaphore, #tpu.memory_space<semaphore_mem>>)
    %dma_wait3A_326 = arith.constant 0 : i32
    %dma_wait3A_327 = tpu.memref_slice %arg4[%arg0, %mul3A_60, %dma_wait3A_326] : memref<2x1024x128xf32, #tpu.memory_space<hbm>> -> memref<1x64x64xf32, #tpu.memory_space<hbm>>
    %dma_wait3A_328 = tpu.memref_squeeze %dma_wait3A_327 : memref<1x64x64xf32, #tpu.memory_space<hbm>> -> memref<64x64xf32, #tpu.memory_space<hbm>>
    %dma_wait3A_329 = arith.constant 0 : i32
    %dma_wait3A_330 = tpu.memref_slice %arg17[%mul3A_60, %dma_wait3A_329] : memref<1024x64xf32, #tpu.memory_space<vmem_shared>> -> memref<64x64xf32, #tpu.memory_space<vmem_shared>>
    tpu.wait_dma2 semaphore(%arg24 : memref<!tpu.dma_semaphore, #tpu.memory_space<semaphore_mem>>) src(%dma_wait3A_330 : memref<64x64xf32, #tpu.memory_space<vmem_shared>>) dst(%dma_wait3A_328 : memref<64x64xf32, #tpu.memory_space<hbm>>)
    %dma_wait3A_331 = arith.constant 64 : i32
    %dma_wait3A_332 = tpu.memref_slice %arg4[%arg0, %mul3A_60, %dma_wait3A_331] : memref<2x1024x128xf32, #tpu.memory_space<hbm>> -> memref<1x64x64xf32, #tpu.memory_space<hbm>>
    %dma_wait3A_333 = tpu.memref_squeeze %dma_wait3A_332 : memref<1x64x64xf32, #tpu.memory_space<hbm>> -> memref<64x64xf32, #tpu.memory_space<hbm>>
    %dma_wait3A_334 = arith.constant 0 : i32
    %dma_wait3A_335 = tpu.memref_slice %arg18[%mul3A_60, %dma_wait3A_334] : memref<1024x64xf32, #tpu.memory_space<vmem_shared>> -> memref<64x64xf32, #tpu.memory_space<vmem_shared>>
    tpu.wait_dma2 semaphore(%arg24 : memref<!tpu.dma_semaphore, #tpu.memory_space<semaphore_mem>>) src(%dma_wait3A_335 : memref<64x64xf32, #tpu.memory_space<vmem_shared>>) dst(%dma_wait3A_333 : memref<64x64xf32, #tpu.memory_space<hbm>>)
    %dma_wait3A_336 = arith.constant 0 : i32
    %dma_wait3A_337 = tpu.memref_slice %arg5[%arg0, %mul3A_319, %dma_wait3A_336] : memref<2x128x128xf32, #tpu.memory_space<hbm>> -> memref<1x8x128xf32, #tpu.memory_space<hbm>>
    %dma_wait3A_338 = tpu.memref_squeeze %dma_wait3A_337 : memref<1x8x128xf32, #tpu.memory_space<hbm>> -> memref<8x128xf32, #tpu.memory_space<hbm>>
    %dma_wait3A_339 = arith.constant 0 : i32
    %dma_wait3A_340 = tpu.memref_slice %arg5[%arg0, %mul3A_319, %dma_wait3A_339] : memref<2x128x128xf32, #tpu.memory_space<hbm>> -> memref<1x8x128xf32, #tpu.memory_space<hbm>>
    %dma_wait3A_341 = tpu.memref_squeeze %dma_wait3A_340 : memref<1x8x128xf32, #tpu.memory_space<hbm>> -> memref<8x128xf32, #tpu.memory_space<hbm>>
    tpu.wait_dma2 semaphore(%arg24 : memref<!tpu.dma_semaphore, #tpu.memory_space<semaphore_mem>>) src(%arg16 : memref<8x128xf32, #tpu.memory_space<vmem>>) dst(%dma_wait3A_341 : memref<8x128xf32, #tpu.memory_space<hbm>>)
    return
  }
}

module attributes {stable_mosaic.version = 14 : i64} {
  func.func @_finalize_body(%arg0: memref<2x1024x128xf32, #tpu.memory_space<vmem>>, %arg1: memref<2x128x128xf32, #tpu.memory_space<vmem>>, %arg2: memref<1x1xf32, #tpu.memory_space<smem>>, %arg3: memref<1x1xi32, #tpu.memory_space<smem>>) attributes {dimension_semantics = [], scalar_prefetch = 0 : i64, scratch_operands = 0 : i64, tpu.core_type = #tpu.core_type<tc>} {
    %get3A = arith.constant 0 : index
    %get3A_0 = arith.constant 0 : index
    %get3A_1 = arith.constant 0 : index
    %get3A_2 = vector.load %arg0[%get3A, %get3A_0, %get3A_1] : memref<2x1024x128xf32, #tpu.memory_space<vmem>>, vector<1x1024x128xf32>
    %get3A_3 = vector.shape_cast %get3A_2 : vector<1x1024x128xf32> to vector<1024x128xf32>
    %get3A_4 = arith.constant 1 : index
    %get3A_5 = arith.constant 0 : index
    %get3A_6 = arith.constant 0 : index
    %get3A_7 = vector.load %arg0[%get3A_4, %get3A_5, %get3A_6] : memref<2x1024x128xf32, #tpu.memory_space<vmem>>, vector<1x1024x128xf32>
    %get3A_8 = vector.shape_cast %get3A_7 : vector<1x1024x128xf32> to vector<1024x128xf32>
    %add3A = arith.addf %get3A_3, %get3A_8 : vector<1024x128xf32>
    %get3A_9 = arith.constant 0 : index
    %get3A_10 = arith.constant 0 : index
    %get3A_11 = arith.constant 0 : index
    %get3A_12 = vector.load %arg1[%get3A_9, %get3A_10, %get3A_11] : memref<2x128x128xf32, #tpu.memory_space<vmem>>, vector<1x128x128xf32>
    %get3A_13 = vector.shape_cast %get3A_12 : vector<1x128x128xf32> to vector<128x128xf32>
    %get3A_14 = arith.constant 1 : index
    %get3A_15 = arith.constant 0 : index
    %get3A_16 = arith.constant 0 : index
    %get3A_17 = vector.load %arg1[%get3A_14, %get3A_15, %get3A_16] : memref<2x128x128xf32, #tpu.memory_space<vmem>>, vector<1x128x128xf32>
    %get3A_18 = vector.shape_cast %get3A_17 : vector<1x128x128xf32> to vector<128x128xf32>
    %add3A_19 = arith.addf %get3A_13, %get3A_18 : vector<128x128xf32>
    %reshape3A = vector.shape_cast %add3A_19 : vector<128x128xf32> to vector<128x8x16xf32>
    %slice3A = vector.extract_strided_slice %reshape3A {offsets = [0, 0, 0], sizes = [128, 8, 1], strides = [1, 1, 1]} : vector<128x8x16xf32> to vector<128x8x1xf32>
    %reshape3A_20 = vector.shape_cast %slice3A : vector<128x8x1xf32> to vector<1024x1xf32>
    %max3A = arith.constant 1.000000e+00 : f32
    %max3A_21 = vector.broadcast %max3A : f32 to vector<1024x1xf32>
    %max3A_22 = arith.maximumf %reshape3A_20, %max3A_21 : vector<1024x1xf32>
    %iota3A = tpu.iota {dimensions = array<i32: 1>} : vector<1024x128xi32>
    %ge3A = arith.constant 64 : i32
    %ge3A_23 = vector.broadcast %ge3A : i32 to vector<1024x128xi32>
    %ge3A_24 = arith.cmpi sge, %iota3A, %ge3A_23 : vector<1024x128xi32>
    %mul3A = arith.mulf %add3A, %add3A : vector<1024x128xf32>
    %neg3A = arith.constant 0.000000e+00 : f32
    %neg3A_25 = vector.broadcast %neg3A : f32 to vector<1024x128xf32>
    %neg3A_26 = arith.subf %neg3A_25, %mul3A : vector<1024x128xf32>
    %div3A = vector.broadcast %max3A_22 : vector<1024x1xf32> to vector<1024x128xf32>
    %div3A_27 = arith.divf %neg3A_26, %div3A : vector<1024x128xf32>
    %select_n3A = arith.select %ge3A_24, %add3A, %div3A_27 : vector<1024x128xi1>, vector<1024x128xf32>
    %reduce_sum3A = arith.constant dense<0.000000e+00> : vector<1024xf32>
    %reduce_sum3A_28 = vector.multi_reduction <add>, %select_n3A, %reduce_sum3A [1] : vector<1024x128xf32> to vector<1024xf32>
    %broadcast_in_dim3A = vector.shape_cast %reduce_sum3A_28 : vector<1024xf32> to vector<1024x1xf32>
    %sub3A = arith.constant 1.000000e+00 : f32
    %sub3A_29 = vector.broadcast %sub3A : f32 to vector<1024x1xf32>
    %sub3A_30 = arith.subf %reshape3A_20, %sub3A_29 : vector<1024x1xf32>
    %max3A_31 = arith.constant 1.000000e+00 : f32
    %max3A_32 = vector.broadcast %max3A_31 : f32 to vector<1024x1xf32>
    %max3A_33 = arith.maximumf %sub3A_30, %max3A_32 : vector<1024x1xf32>
    %mul3A_34 = arith.constant 6.400000e+01 : f32
    %mul3A_35 = vector.broadcast %mul3A_34 : f32 to vector<1024x1xf32>
    %mul3A_36 = arith.mulf %max3A_33, %mul3A_35 : vector<1024x1xf32>
    %div3A_37 = arith.divf %broadcast_in_dim3A, %mul3A_36 : vector<1024x1xf32>
    %ge3A_38 = arith.constant 2.000000e+00 : f32
    %ge3A_39 = vector.broadcast %ge3A_38 : f32 to vector<1024x1xf32>
    %ge3A_40 = arith.cmpf oge, %reshape3A_20, %ge3A_39 : vector<1024x1xf32>
    %convert_element_type3A = arith.extui %ge3A_40 : vector<1024x1xi1> to vector<1024x1xi32>
    %convert_element_type3A_41 = arith.sitofp %convert_element_type3A : vector<1024x1xi32> to vector<1024x1xf32>
    %reduce_sum3A_42 = vector.shape_cast %convert_element_type3A_41 : vector<1024x1xf32> to vector<1x1024x1xf32>
    %reduce_sum3A_43 = arith.constant dense<0.000000e+00> : vector<1xf32>
    %reduce_sum3A_44 = vector.multi_reduction <add>, %reduce_sum3A_42, %reduce_sum3A_43 [1, 2] : vector<1x1024x1xf32> to vector<1xf32>
    %reduce_sum3A_45 = vector.shape_cast %reduce_sum3A_44 : vector<1xf32> to vector<1x1x1xf32>
    %reduce_sum3A_46 = vector.extract %reduce_sum3A_45[0, 0, 0] : f32 from vector<1x1x1xf32>
    %jit3A = arith.constant 0.000000e+00 : f32
    %broadcast_in_dim3A_47 = vector.broadcast %jit3A : f32 to vector<1024x1xf32>
    %select_n3A_48 = arith.select %ge3A_40, %div3A_37, %broadcast_in_dim3A_47 : vector<1024x1xi1>, vector<1024x1xf32>
    %reduce_sum3A_49 = vector.shape_cast %select_n3A_48 : vector<1024x1xf32> to vector<1x1024x1xf32>
    %reduce_sum3A_50 = arith.constant dense<0.000000e+00> : vector<1xf32>
    %reduce_sum3A_51 = vector.multi_reduction <add>, %reduce_sum3A_49, %reduce_sum3A_50 [1, 2] : vector<1x1024x1xf32> to vector<1xf32>
    %reduce_sum3A_52 = vector.shape_cast %reduce_sum3A_51 : vector<1xf32> to vector<1x1x1xf32>
    %reduce_sum3A_53 = vector.extract %reduce_sum3A_52[0, 0, 0] : f32 from vector<1x1x1xf32>
    %max3A_54 = arith.constant 1.000000e+00 : f32
    %max3A_55 = arith.maximumf %reduce_sum3A_46, %max3A_54 : f32
    %div3A_56 = arith.divf %reduce_sum3A_53, %max3A_55 : f32
    %sub3A_57 = arith.constant 1.000000e+00 : f32
    %sub3A_58 = arith.subf %sub3A_57, %div3A_56 : f32
    %max3A_59 = arith.constant 0.000000e+00 : f32
    %max3A_60 = arith.maximumf %sub3A_58, %max3A_59 : f32
    %gt3A = arith.constant 0.000000e+00 : f32
    %gt3A_61 = arith.cmpf ogt, %reduce_sum3A_46, %gt3A : f32
    %jit3A_62 = arith.constant 0.000000e+00 : f32
    %select_n3A_63 = arith.select %gt3A_61, %max3A_60, %jit3A_62 : f32
    %swap3A = arith.constant 0 : index
    %swap3A_64 = arith.constant 0 : index
    %swap3A_65 = memref.load %arg2[%swap3A, %swap3A_64] : memref<1x1xf32, #tpu.memory_space<smem>>
    memref.store %select_n3A_63, %arg2[%swap3A, %swap3A_64] : memref<1x1xf32, #tpu.memory_space<smem>>
    %convert_element_type3A_66 = arith.fptosi %reduce_sum3A_46 : f32 to i32
    %swap3A_67 = arith.constant 0 : index
    %swap3A_68 = arith.constant 0 : index
    %swap3A_69 = memref.load %arg3[%swap3A_67, %swap3A_68] : memref<1x1xi32, #tpu.memory_space<smem>>
    memref.store %convert_element_type3A_66, %arg3[%swap3A_67, %swap3A_68] : memref<1x1xi32, #tpu.memory_space<smem>>
    return
  }
}

</mosaic_0001>

<sc_bundles>
// kernel: kernel.4.cloned.1.call-start
scs
__scs_entry_jumppad:
0x0: {  	(pc) =	sbr.rel $0x88, $3  }
0x1: {  	(tag) =	ssettag $0x0;
	lr =	simm.s32 $0x1  }
0x2: {  	[smem:$0x3F9F] =	sst lr;
	_ =	strace $0xD0000000  }
0x3: {  	_ = 	snop  }
0x4: {  	_ = 	snop  }
0x5: {  	_ = 	snop  }
0x6: {  	_ = 	snop  }
0x7: {  	_ = 	snop  }
__scs_overlays_trampoline_lowered:
0x8: {  	[smem:$0x3FAE] =	sst s0  }
0x9: {  	[smem:$0x3FAF] =	sst s1  }
0xa: {  	[smem:$0x3FB0] =	sst s2  }
0xb: {  	[smem:$0x3FB1] =	sst s3  }
0xc: {  	[smem:$0x3FB2] =	sst s4  }
0xd: {  	[smem:$0x3FB3] =	sst s5  }
0xe: {  	[smem:$0x3FB4] =	sst s6  }
0xf: {  	[smem:$0x3FB5] =	sst s7  }
0x10: {  	[smem:$0x3FB6] =	sst s8  }
0x11: {  	[smem:$0x3FB7] =	sst s9;
	s0 =	simm.s32 @!p0 $0x0  }
0x12: {  	s1 =	sld [smem:$0x3F9D];
	s0 =	simm.s32 @p0 $0x1  }
0x13: {  	[smem:$0x3FB8] =	sst s0;
	s0 =	simm.s32 @!p1 $0x0  }
0x14: {  	s2 =	sld [smem:$0x3F9C];
	s0 =	simm.s32 @p1 $0x1  }
0x15: {  	[smem:$0x3FB9] =	sst s0;
	s0 =	simm.s32 @!p2 $0x0  }
0x16: {  	s3 =	sld [smem:$0x3FDB];
	s0 =	simm.s32 @p2 $0x1  }
0x17: {  	s4 =	simm.s32 $0x1BF5;
	[smem:$0x3FBB] =	sst s0  }
0x18: {  	s0 =	sld [smem:$0x3F9E];
	_ =	swait.ge [sflag:s4], $0x0  }
0x19: {  	s7 =	sld [smem:$0x3F9F]  }
0x1a: {  	s8 =	sadd.s32 $0xFFFFE003, lr  }
0x1b: {  	s9 =	sadd.s32 $0xFFFFFEF7, lr;
	s5 =	simm.s32 $0xFFFFFFFF;
	p2 =	slt.u32 s8, $0xFFFFF086  }
0x1c: {  	p1 =	slt.u32 s9, $0xF7A;
	s5 =	simm.s32 @!p2 $0x0  }
0x1d: {  	s5 =	simm.s32 @p1 $0x1;
	p0 =	seq.s32 s7, s2  }
0x1e: {  	s7 =	smul.u32 @!p0 $0xF7A, s2;
	p2 =	seq.s32 @!p0 s5, $0x0  }
0x1f: {  	s9 =	smul.u32 $0xF7A, s1;
	s8 =	simm.s32 @!p0 $0x1BF5;
	p2 =	por !p2, p0  }
0x20: {  	[sflag:s8] =	ssyncset.s32 @!p0 $0xFFFFF086;
	s6 =	sadd.s32 @!p0 s3, s7;
	s7 =	simm.s32 @!p0 $0x108  }
0x21: {  	s3 =	sadd.s32 s3, s9;
	s6 =	sadd.s32 @!p0 $0x88, s6;
	s7 =	simm.s32 @p2 $0x1082  }
0x22: {  	[simem:s7], [sflag:s8] =	dma.local @!p0 [hbm:s6], $0xF7A  }
0x23: {  	s9 =	sor.u32 $0xD0000000, s2;
	s6 =	simm.s32 $0x108;
	_ =	swait.ge @!p0 [sflag:s8], $0x0  }
0x24: {  	s3 =	sadd.s32 $0x88, s3;
	s6 =	simm.s32 @!p1 $0x1082;
	[sflag:s4] =	ssyncset.s32 $0xFFFFF086  }
0x25: {  	[simem:s6], [sflag:s4] =	dma.local [hbm:s3], $0xF7A  }
0x26: {  	[smem:$0x3F9F] =	sst s1;
	(tag) =	ssettag s2;
	_ =	strace s9  }
0x27: {  	s1 =	sld [smem:$0x3FAF]  }
0x28: {  	s2 =	sld [smem:$0x3FB0]  }
0x29: {  	s4 =	sld [smem:$0x3FB2]  }
0x2a: {  	p0 =	seq.s32 s5, $0x0;
	s5 =	sld [smem:$0x3FB3]  }
0x2b: {  	s6 =	sld [smem:$0x3FB4]  }
0x2c: {  	s7 =	sld [smem:$0x3FB5]  }
0x2d: {  	s3 =	simm.s32 $0x108;
	s8 =	sld [smem:$0x3FB6]  }
0x2e: {  	s3 =	simm.s32 @!p0 $0x1082;
	s9 =	sld [smem:$0x3FB7]  }
0x2f: {  	lr =	sadd.s32 s0, s3;
	s0 =	sld [smem:$0x3FAE]  }
0x30: {  	s3 =	sld [smem:$0x3FB1]  }
0x31: {  	[smem:$0x3FBA] =	sst s10  }
0x32: {  	s10 =	sld [smem:$0x3FB8];
	_ =	sdelay $0x3  }
0x33: {  	p0 =	seq.s32 s10, $0x1;
	s10 =	sld [smem:$0x3FBA];
	_ =	sdelay $0x3  }
0x34: {  	[smem:$0x3FBA] =	sst s10  }
0x35: {  	s10 =	sld [smem:$0x3FB9];
	_ =	sdelay $0x3  }
0x36: {  	p1 =	seq.s32 s10, $0x1;
	s10 =	sld [smem:$0x3FBA];
	_ =	sdelay $0x3  }
0x37: {  	[smem:$0x3FBA] =	sst s10  }
0x38: {  	s10 =	sld [smem:$0x3FBB]  }
0x39: {  	_ = 	snop;
	(pc) =	sbr.ind lr, $3  }
0x3a: {  	_ = 	snop  }
0x3b: {  	_ = 	snop  }
0x3c: {  	p2 =	seq.s32 s10, $0x1;
	s10 =	sld [smem:$0x3FBA]  }
0x3d: {  	_ =	shalt  }
0x3e: {  	_ =	shalt  }
0x3f: {  	_ =	shalt  }
0x40: {  	_ =	shalt  }
0x41: {  	_ =	shalt  }
0x42: {  	_ =	shalt  }
0x43: {  	_ =	shalt  }
0x44: {  	_ =	shalt  }
0x45: {  	_ =	shalt  }
0x46: {  	_ =	shalt  }
0x47: {  	_ =	shalt  }
0x48: {  	_ =	shalt  }
0x49: {  	_ =	shalt  }
0x4a: {  	_ =	shalt  }
0x4b: {  	_ =	shalt  }
0x4c: {  	_ =	shalt  }
0x4d: {  	_ =	shalt  }
0x4e: {  	_ =	shalt  }
0x4f: {  	_ =	shalt  }
0x50: {  	_ =	shalt  }
0x51: {  	_ =	shalt  }
0x52: {  	_ =	shalt  }
0x53: {  	_ =	shalt  }
0x54: {  	_ =	shalt  }
0x55: {  	_ =	shalt  }
0x56: {  	_ =	shalt  }
0x57: {  	_ =	shalt  }
0x58: {  	_ =	shalt  }
0x59: {  	_ =	shalt  }
0x5a: {  	_ =	shalt  }
0x5b: {  	_ =	shalt  }
0x5c: {  	_ =	shalt  }
0x5d: {  	_ =	shalt  }
0x5e: {  	_ =	shalt  }
0x5f: {  	_ =	shalt  }
0x60: {  	_ =	shalt  }
0x61: {  	_ =	shalt  }
0x62: {  	_ =	shalt  }
0x63: {  	_ =	shalt  }
0x64: {  	_ =	shalt  }
0x65: {  	_ =	shalt  }
0x66: {  	_ =	shalt  }
0x67: {  	_ =	shalt  }
0x68: {  	_ =	shalt  }
0x69: {  	_ =	shalt  }
0x6a: {  	_ =	shalt  }
0x6b: {  	_ =	shalt  }
0x6c: {  	_ =	shalt  }
0x6d: {  	_ =	shalt  }
0x6e: {  	_ =	shalt  }
0x6f: {  	_ =	shalt  }
0x70: {  	_ =	shalt  }
0x71: {  	_ =	shalt  }
0x72: {  	_ =	shalt  }
0x73: {  	_ =	shalt  }
0x74: {  	_ =	shalt  }
0x75: {  	_ =	shalt  }
0x76: {  	_ =	shalt  }
0x77: {  	_ =	shalt  }
0x78: {  	_ =	shalt  }
0x79: {  	_ =	shalt  }
0x7a: {  	_ =	shalt  }
0x7b: {  	_ =	shalt  }
0x7c: {  	_ =	shalt  }
0x7d: {  	_ =	shalt  }
0x7e: {  	_ =	shalt  }
0x7f: {  	_ =	shalt  }
0x80: {  	_ =	shalt  }
0x81: {  	_ =	shalt  }
0x82: {  	_ =	shalt  }
0x83: {  	_ =	shalt  }
0x84: {  	_ =	shalt  }
0x85: {  	_ =	shalt  }
0x86: {  	_ =	shalt  }
0x87: {  	_ =	shalt  }
.Lfunc_end0:
.L_simem_size_0:
called_computation_lowered:
.L_overlay_start_0:
0x88: {  	s2 =	sld [smem:$0x3FD9]  }
0x89: {  	s3 =	sld [smem:$0x3FFE];
	_ =	sdelay $0x1  }
0x8a: {  	s1 =	srdreg.scid  }
0x8b: {  	s0 =	sand.u32 $0x1, s1  }
0x8c: {  	s17 =	sshll.u32 s0, $0xA;
	s2 =	sadd.s32 s3, s2  }
0x8d: {  	s2 =	sadd.s32 s2, s17  }
0x8e: {  	[smem:$0x3FC6] =	sst s2  }
0x8f: {  	_ = 	snop  }
0x90: {  	s2 =	sld [smem:$0x3FC9]  }
0x91: {  	s18 =	sld [smem:$0x3FC8];
	(tm) =	ssettm $0x1  }
0x92: {  	s4 =	sld [smem:$0x3FFB];
	_ =	sdelay $0x3  }
0x93: {  	_ =	strace s4  }
0x94: {  	s4 =	sld [smem:$0x3FFC];
	_ =	sdelay $0x3  }
0x95: {  	_ =	strace s4  }
0x96: {  	s4 =	sld [smem:$0x3FFD];
	_ =	sdelay $0x3  }
0x97: {  	_ =	strace s4  }
0x98: {  	_ =	strace $0x8FFFFFFF  }
0x99: {  	s19 =	sld [smem:$0x3FDB];
	_ =	sdelay $0x1  }
0x9a: {  	s5 =	simm.s32 $_scs_section_size  }
0x9b: {  	s6 =	simm.s32 $_size__tile_overlayer_lowered;
	s7 =	simm.s32 $_tile_overlayer_lowered  }
0x9c: {  	s22 =	simm.s32 $0x1BFF;
	s21 =	sshll.u32 s7, $0x1;
	s4 =	sadd.s32 s5, s19  }
0x9d: {  	s8 =	simm.s32 $0x0;
	s20 =	sshll.u32 s6, $0x1;
	s6 =	sadd.s32 s21, s4  }
0x9e: {  	[timem:s8], [sflag:s22] =	dma.local [hbm:s6], s20  }
0x9f: {  	_ =	swait.ge [sflag:s22], s20  }
0xa0: {  	s5 =	ssub.s32 $0x0, s20;
	[sflag:s22] =	ssyncset.done $0x0  }
0xa1: {  	[sflag:s22] =	ssyncadd.s32 s5;
	_ =	sdelay $0x1  }
0xa2: {  	s23 =	simm.s32 $0x1B8B  }
0xa3: {  	_ =	swait.ge [sflag:s23], $0x1  }
0xa4: {  	[sflag:s23] =	ssyncset.done $0x0  }
0xa5: {  	s25 =	simm.s32 $0x1B8E;
	s24 =	sld [smem:$0x3FFE];
	[sflag:s23] =	ssyncadd.s32 $0xFFFFFFFF  }
0xa6: {  	s26 =	simm.s32 $execute0_lowered;
	[smem:$0x3FD2] =	sst s25  }
0xa7: {  	s6 =	sshll.u32 s26, $0x1;
	_ =	strace $0x80000046;
	[dreg:$0x1] =	wrdreg $0xFFFFFFFF  }
0xa8: {  	s28 =	simm.s32 $_size_execute0_lowered;
	s4 =	sadd.s32 s4, s6;
	[dreg:$0x0] =	wrdreg $0x0  }
0xa9: {  	s6 =	sshll.u32 s28, $0x1;
	[dreg:$0x2] =	wrdreg s4  }
0xaa: {  	[dreg:$0x3] =	wrdreg s6  }
0xab: {  	[dreg:$0x4] =	wrdreg $0xC0  }
0xac: {  	_ =	task [dreg:s8], $0x5FFFF  }
0xad: {  	[dreg:$0x1] =	wrdreg $0xFFFFFFFF  }
0xae: {  	[dreg:$0x0] =	wrdreg $0x60  }
0xaf: {  	[dreg:$0x2] =	wrdreg s2  }
0xb0: {  	[dreg:$0x3] =	wrdreg s18  }
0xb1: {  	[dreg:$0x4] =	wrdreg s24  }
0xb2: {  	[dreg:$0x5] =	wrdreg $0x126000  }
0xb3: {  	[dreg:$0x6] =	wrdreg $0x136000  }
0xb4: {  	[dreg:$0x7] =	wrdreg $0x146000  }
0xb5: {  	[dreg:$0x8] =	wrdreg $0x9  }
0xb6: {  	_ =	task.clear_ibuf [dreg:s8], $0x9FFFF;
	_ =	strace $0x90000046  }
0xb7: {  	s29 =	simm.s32 $0x9;
	_ =	strace $0x80000048  }
0xb8: {  	_ =	swait.ge [sflag:s29], $0x1  }
0xb9: {  	[sflag:s29] =	ssyncadd.s32 $0xFFFFFFFF  }
0xba: {  	_ =	strace $0x90000048  }
0xbb: {  	_ =	sfence  }
0xbc: {  	s30 =	sld [smem:$0x0];
	_ =	sdelay $0x2  }
0xbd: {  	s31 =	sshll.u32 s1, $0xD;
	s1 =	sshrl.u32 s1, $0x2  }
0xbe: {  	s3 =	sand.u32 $0x4000, s31;
	s1 =	sadd.s32 s1, s30  }
0xbf: {  	s0 =	sor.u32 s3, s0;
	s1 =	sshll.u32 s1, $0x11  }
0xc0: {  	s0 =	sor.u32 s1, s0  }
0xc1: {  	s0 =	sadd.s32 $0x8F2B, s0  }
0xc2: {  	[sflag:s0] =	ssyncadd.remote.s32 $0x1  }
0xc3: {  	_ =	sfence.sel $0xFFFF  }
0xc4: {  	[dreg:$0x0] =	wrdreg $0xFFFFFFFF;
	(pc) =	sbr.abs _section_cstart, $3  }
0xc5: {  	[dreg:$0x1] =	wrdreg $0xFFFFFFFF  }
0xc6: {  	_ =	task.clear_ibuf [dreg:s8], $0x2FFFF;
	_ =	strace $0x9FFFFFFF  }
0xc7: {  	(tm) =	ssettm $0x7FFFFFFF  }
tec
execute0_lowered:
.L_overlay_start_1:
0x0: {  	(tag) =	ssettag $0x1  }
0x1: {  	s0 =	rddreg [dreg:$0x0]  }
0x2: {  	s2 =	rddreg [dreg:$0x1]  }
0x3: {  	s6 =	rddreg [dreg:$0x2]  }
0x4: {  	s1 =	rddreg [dreg:$0x3];
	s5 =	srdreg.scid;
	v0 =	vlaneseq.u32  }
0x5: {  	s3 =	rddreg [dreg:$0x4];
	s7 =	sand.u32 $0x1, s5;
	s5 =	simm.s32 $0x0;
	v15 =	vmul.u32 $0x80, v0  }
0x6: {  	[smem:$0x7FF] =	sst s5  }
0x7: {  	s4 =	rddreg [dreg:$0x5];
	v1 =	vshrl.u32 v0, $0x3;
	_ =	strace $0x80000047;
	v16 =	vor.u32 $0x800, v15;
	[tilespmem:$0x1FE90] =	vst v15  }
0x8: {  	v3 =	vmul.u32 $0x400, v1;
	v17 =	vor.u32 $0x1000, v15;
	[tilespmem:$0x1FEA0] =	vst v16  }
0x9: {  	v18 =	vor.u32 $0x1800, v15;
	[tilespmem:$0x1FEB0] =	vst v17  }
0xa: {  	v19 =	vor.u32 $0x1, v3;
	[tilespmem:$0x1FEC0] =	vst v18  }
0xb: {  	v20 =	vor.u32 $0x801, v3;
	[tilespmem:$0x1FED0] =	vst v19  }
0xc: {  	v21 =	vor.u32 $0x1001, v3;
	[tilespmem:$0x1FEE0] =	vst v20  }
0xd: {  	v22 =	vor.u32 $0x1801, v3;
	[tilespmem:$0x1FEF0] =	vst v21  }
0xe: {  	v23 =	vor.u32 $0x2, v3;
	[tilespmem:$0x1FF00] =	vst v22  }
0xf: {  	s13 =	stileid.u32;
	s17 =	simm.s32 $0x200;
	v24 =	vor.u32 $0x802, v3;
	[tilespmem:$0x1FF10] =	vst v23  }
0x10: {  	s29 =	simm.s32 $0x3;
	s30 =	simm.s32 $0x100;
	s31 =	simm.s32 $0x4;
	v25 =	vor.u32 $0x1002, v3;
	[tilespmem:$0x1FF20] =	vst v24  }
0x11: {  	s9 =	sshll.u32 s13, $0xA;
	s19 =	sshll.u32 s13, $0x7;
	s12 =	sshll.u32 s13, $0x1;
	v26 =	vor.u32 $0x1802, v3;
	[tilespmem:$0x1FF30] =	vst v25  }
0x12: {  	s22 =	sshll.u32 s13, $0xC;
	s8 =	sshll.u32 s7, $0xE;
	s18 =	ssub.s32 $0x2, s7;
	v43 =	vor.u32 $0x3, v3;
	[tilespmem:$0x1FF40] =	vst v26  }
0x13: {  	s20 =	sor.u32 s7, s12;
	s23 =	sshrl.u32 s22, $0x2;
	s24 =	sshll.u32 s7, $0xB;
	v44 =	vor.u32 $0x803, v3;
	[tilespmem:$0x1FF50] =	vst v43  }
0x14: {  	s8 =	sor.u32 s9, s8;
	s10 =	sshrl.u32 s18, $0x1;
	s21 =	sshll.u32 s20, $0x6;
	v45 =	vor.u32 $0x1003, v3;
	[tilespmem:$0x1FF60] =	vst v44  }
0x15: {  	s9 =	sadd.s32 s22, s3;
	s11 =	sadd.s32 s8, s6;
	s6 =	sadd.s32 s19, s6;
	v46 =	vor.u32 $0x1803, v3;
	[tilespmem:$0x1FF70] =	vst v45  }
0x16: {  	s14 =	ssub.s32 s18, s10;
	s8 =	sshll.u32 s20, $0x7;
	s2 =	sadd.s32 s2, s21;
	v47 =	vor.u32 $0x4, v3;
	[tilespmem:$0x1FF80] =	vst v46  }
0x17: {  	s10 =	sadd.s32 s23, s4;
	s20 =	simm.s32 $0x2;
	s21 =	simm.s32 $0x1;
	v48 =	vor.u32 $0x804, v3;
	[tilespmem:$0x1FF90] =	vst v47  }
0x18: {  	v2 =	vimm.f32 $0.0e+00;
	v0 =	vand.u32 $0x7, v0;
	v49 =	vor.u32 $0x1004, v3;
	s19 =	simm.s32 $0x6;
	s18 =	simm.s32 $0x0;
	[dreg:$0x7] =	wrdreg s2;
	[tilespmem:$0x1FFA0] =	vst v48  }
0x19: {  	v4 =	vimm.f32 $1.000000000e+00;
	v7 =	vmul.u32 $0x80, v0;
	v50 =	vor.u32 $0x1804, v3;
	s0 =	sadd.s32 s0, s8;
	s8 =	sadd.s32 s22, s1;
	s25 =	sadd.s32 $0xE00, s11;
	[tilespmem:$0x1FFB0] =	vst v49  }
0x1a: {  	v51 =	vor.u32 $0x5, v3;
	v52 =	vor.u32 $0x805, v3;
	v53 =	vor.u32 $0x1005, v3;
	s26 =	sadd.s32 s24, s6;
	s28 =	sadd.s32 $0xE08, s11;
	[tilespmem:$0x1FFC0] =	vst v50;
	[dreg:$0x8] =	wrdreg s0  }
0x1b: {  	v27 =	vor.u32 $0x1805, v3;
	v28 =	vor.u32 $0x6, v3;
	v29 =	vor.u32 $0x806, v3;
	s14 =	smax.u32 s14, $0x1;
	s22 =	simm.s32 $0x80;
	[tilespmem:$0x1FFD0] =	vst v51;
	[dreg:$0x9] =	wrdreg s25  }
0x1c: {  	v30 =	vor.u32 $0x1006, v3;
	v31 =	vor.u32 $0x1806, v3;
	v32 =	vor.u32 $0x7, v3;
	s2 =	simm.s32 $0x5;
	[tilespmem:$0x1FFE0] =	vst v52;
	[dreg:$0xa] =	wrdreg s28;
	s0 =	sadd.s32 $0x8E00, s26  }
0x1d: {  	v33 =	vor.u32 $0x807, v3;
	v34 =	vor.u32 $0x1007, v3;
	v35 =	vor.u32 $0x1807, v3;
	[tilespmem:$0x1FFF0] =	vst v53;
	s25 =	simm.s32 $0x10200;
	[dreg:$0xb] =	wrdreg s0;
	s0 =	simm.s32 $0x180  }
.LBB2_1:
0x1e: {  	s6 =	rddreg [dreg:$0x7]  }
0x1f: {  	[tilespmem:s5], [sflag:$0x1] =	stream.linear.gather [hbm4b:s6+s5], $0x200, $0x38;
	[tilespmem:$0x14A00] =	vst v63  }
0x20: {  	s28 =	rddreg [dreg:$0x8];
	s7 =	simm.s32 $0x400;
	s11 =	simm.s32 $0x8000  }
0x21: {  	[tilespmem:s17], [sflag:$0x1] =	stream.strided.gather [hbm4b:s28+s7], $0x8000, s11, s7, $0x38;
	[tilespmem:$0x14A00] =	vst v63  }
0x22: {  	s6 =	simm.s32 $0x10A20;
	s7 =	simm.s32 $0x0  }
.LBB2_2:
0x23: {  	p0 =	sne.s32 s7, $0xFC0  }
.Ltmp0:
0x24: {  	[tilespmem:s6+$0xFFFFFFE0] =	vst v2;
	(pc) =	sbr.rel @p0 .LBB2_2-.Ltmp0, $4  }
0x25: {  	[tilespmem:s6+$0xFFFFFFF0] =	vst v2  }
0x26: {  	[tilespmem:s6+$0x0] =	vst v2  }
0x27: {  	[tilespmem:s6+$0x10] =	vst v2;
	s11 =	sshra.s32 s7, $0x2  }
0x28: {  	s6 =	sadd.s32 $0x40, s6;
	s7 =	sadd.s32 $0x40, s7;
	[tilespmem:s11+$0x11A00] =	vst v2  }
0x29: {  	s6 =	simm.s32 $0x40;
	s7 =	simm.s32 $0x0  }
.LBB2_4:
0x2a: {  	p0 =	sne.s32 s6, $0x1FC0;
	[tilespmem:s7+$0x10200] =	vst v4;
	s7 =	smov.u32 s6;
	s6 =	sadd.s32 $0x40, s6  }
.Ltmp1:
0x2b: {  	(pc) =	sbr.rel @p0 .LBB2_4-.Ltmp1, $2  }
0x2c: {  	_ =	sdelay $0x2  }
0x2d: {  	s7 =	sshra.s32 s7, $0x2  }
0x2e: {  	[tilespmem:s7+$0x10200] =	vst v4;
	s6 =	simm.s32 $0x10A00  }
0x2f: {  	[spmem:s8] =	stream.linear.scatter [tilespmem:s6], [sflag:$0x2], $0x1000, $0x38;
	[tilespmem:$0x14A00] =	vst v63  }
0x30: {  	_ = 	snop  }
0x31: {  	[spmem:s9] =	stream.linear.scatter [tilespmem:s6], [sflag:$0x2], $0x1000, $0x38;
	[tilespmem:$0x14A00] =	vst v63  }
0x32: {  	s11 =	simm.s32 $0x11A00  }
0x33: {  	[spmem:s10] =	stream.linear.scatter [tilespmem:s11], [sflag:$0x2], $0x400, $0x38;
	[tilespmem:$0x14A00] =	vst v63  }
0x34: {  	_ =	swait.ge [sflag:s20], $0x1000  }
0x35: {  	[sflag:s20] =	ssyncset.done $0x0  }
0x36: {  	[sflag:s20] =	ssyncadd.s32 $0xFFFFF000  }
0x37: {  	_ =	swait.ge [sflag:s20], $0x1000  }
0x38: {  	[sflag:s20] =	ssyncset.done $0x0  }
0x39: {  	[sflag:s20] =	ssyncadd.s32 $0xFFFFF000  }
0x3a: {  	_ =	swait.ge [sflag:s20], $0x400  }
0x3b: {  	[sflag:s20] =	ssyncset.done $0x0  }
0x3c: {  	s12 =	simm.s32 $0xC;
	[sflag:s20] =	ssyncadd.s32 $0xFFFFFC00  }
0x3d: {  	v0 =	vor.u32 s12, v7;
	[bflag:$0x0] =	sbarrier.arrive $0xFFFF  }
0x3e: {  	v0 =	vand.u32 $0x3F8, v0;
	_ =	swait.ge [sflag:s21], $0x200  }
0x3f: {  	v1 =	vor.u32 v47, v0;
	[sflag:s21] =	ssyncset.done $0x0  }
0x40: {  	[sflag:s21] =	ssyncadd.s32 $0xFFFFFE00  }
0x41: {  	_ =	swait.ge [sflag:s21], $0x8000  }
0x42: {  	[sflag:s21] =	ssyncset.done $0x0  }
0x43: {  	[sflag:s21] =	ssyncadd.s32 $0xFFFF8000  }
0x44: {  	v1 =	vld.idx.msk [tilespmem:v1+s17+$0x0], $0xffff;
	_ =	sdelay $0x2  }
0x45: {  	v2 =	vor.u32 v48, v0  }
0x46: {  	s13 =	simm.s32 $0x8  }
0x47: {  	s24 =	simm.s32 $0x8400;
	v4 =	vor.u32 s13, v15;
	v5 =	vmul.f32 v1, v1  }
0x48: {  	s23 =	simm.s32 $0xC400;
	[tilespmem:s24+$0x100] =	vst v1  }
0x49: {  	[tilespmem:s23+$0x100] =	vst v5  }
0x4a: {  	v1 =	vld.idx.msk [tilespmem:v2+s17+$0x0], $0xffff;
	_ =	sdelay $0x1  }
0x4b: {  	v2 =	vld.idx.msk [tilespmem:v4+s17+$0x0], $0xffff  }
0x4c: {  	v4 =	vor.u32 v49, v0;
	_ =	sdelay $0x1  }
0x4d: {  	v5 =	vor.u32 s13, v16;
	v6 =	vmul.f32 v1, v1  }
0x4e: {  	s15 =	simm.s32 $0x0;
	[tilespmem:s24+$0x110] =	vst v1  }
0x4f: {  	v1 =	vor.u32 s15, v15;
	v8 =	vmul.f32 v2, v2;
	[tilespmem:s23+$0x110] =	vst v6  }
0x50: {  	[tilespmem:s24+$0x0] =	vst v2;
	v2 =	vld.idx.msk [tilespmem:v4+s17+$0x0], $0xffff  }
0x51: {  	[tilespmem:s23+$0x0] =	vst v8  }
0x52: {  	v4 =	vld.idx.msk [tilespmem:v5+s17+$0x0], $0xffff  }
0x53: {  	v0 =	vor.u32 v50, v0  }
0x54: {  	v1 =	vld.idx.msk [tilespmem:v1+s17+$0x0], $0xffff  }
0x55: {  	v5 =	vor.u32 s13, v17;
	v6 =	vmul.f32 v2, v2  }
0x56: {  	s11 =	simm.s32 $0x4;
	[tilespmem:s24+$0x120] =	vst v2  }
0x57: {  	v8 =	vor.u32 s15, v16;
	v2 =	vor.u32 s11, v7;
	v9 =	vmul.f32 v4, v4;
	[tilespmem:s23+$0x120] =	vst v6  }
0x58: {  	s16 =	simm.s32 $0xD;
	[tilespmem:s24+$0x10] =	vst v4;
	v2 =	vand.u32 $0x3F0, v2;
	v0 =	vld.idx.msk [tilespmem:v0+s17+$0x0], $0xffff  }
0x59: {  	v4 =	vor.u32 v47, v2;
	v6 =	vmul.f32 v1, v1;
	[tilespmem:s23+$0x10] =	vst v9;
	v9 =	vor.u32 s16, v7  }
0x5a: {  	[tilespmem:s24+$0xFFFFFE00] =	vst v1;
	v1 =	vld.idx.msk [tilespmem:v5+s17+$0x0], $0xffff;
	v5 =	vand.u32 $0x3F8, v9  }
0x5b: {  	[tilespmem:s23+$0xFFFFFE00] =	vst v6;
	v6 =	vor.u32 v51, v5  }
0x5c: {  	v8 =	vld.idx.msk [tilespmem:v8+s17+$0x0], $0xffff  }
0x5d: {  	v9 =	vor.u32 s13, v18;
	v10 =	vmul.f32 v0, v0  }
0x5e: {  	v4 =	vld.idx.msk [tilespmem:v4+s17+$0x0], $0xffff;
	[tilespmem:s24+$0x130] =	vst v0  }
0x5f: {  	v0 =	vor.u32 s15, v17;
	v11 =	vmul.f32 v1, v1;
	[tilespmem:s23+$0x130] =	vst v10  }
0x60: {  	[tilespmem:s24+$0x20] =	vst v1;
	v1 =	vld.idx.msk [tilespmem:v6+s17+$0x0], $0xffff  }
0x61: {  	v10 =	vor.u32 v48, v2;
	[tilespmem:s23+$0x20] =	vst v11;
	v6 =	vmul.f32 v8, v8  }
0x62: {  	s26 =	simm.s32 $0x9;
	[tilespmem:s24+$0xFFFFFE10] =	vst v8;
	v8 =	vld.idx.msk [tilespmem:v9+s17+$0x0], $0xffff  }
0x63: {  	v11 =	vor.u32 v52, v5;
	v9 =	vmul.f32 v4, v4;
	[tilespmem:s23+$0xFFFFFE10] =	vst v6;
	v6 =	vor.u32 s26, v7  }
0x64: {  	[tilespmem:s24+$0xFFFFFF00] =	vst v4;
	v0 =	vld.idx.msk [tilespmem:v0+s17+$0x0], $0xffff;
	v4 =	vand.u32 $0x3F8, v6  }
0x65: {  	[tilespmem:s23+$0xFFFFFF00] =	vst v9;
	v6 =	vor.u32 v19, v4;
	v9 =	vmul.f32 v1, v1  }
0x66: {  	v10 =	vld.idx.msk [tilespmem:v10+s17+$0x0], $0xffff;
	[tilespmem:s24+$0x140] =	vst v1  }
0x67: {  	v1 =	vor.u32 s15, v18;
	v12 =	vmul.f32 v8, v8;
	[tilespmem:s23+$0x140] =	vst v9  }
0x68: {  	[tilespmem:s24+$0x30] =	vst v8;
	v8 =	vld.idx.msk [tilespmem:v11+s17+$0x0], $0xffff  }
0x69: {  	v9 =	vor.u32 v49, v2;
	[tilespmem:s23+$0x30] =	vst v12;
	v11 =	vmul.f32 v0, v0  }
0x6a: {  	[tilespmem:s24+$0xFFFFFE20] =	vst v0;
	v0 =	vld.idx.msk [tilespmem:v6+s17+$0x0], $0xffff  }
0x6b: {  	v6 =	vmul.f32 v10, v10;
	[tilespmem:s23+$0xFFFFFE20] =	vst v11;
	v11 =	vor.u32 v53, v5  }
0x6c: {  	s11 =	simm.s32 $0x1;
	[tilespmem:s24+$0xFFFFFF10] =	vst v10;
	v1 =	vld.idx.msk [tilespmem:v1+s17+$0x0], $0xffff  }
0x6d: {  	v10 =	vor.u32 s11, v7;
	[tilespmem:s23+$0xFFFFFF10] =	vst v6;
	v6 =	vor.u32 v20, v4;
	v12 =	vmul.f32 v8, v8  }
0x6e: {  	v10 =	vand.u32 $0x3F0, v10;
	v9 =	vld.idx.msk [tilespmem:v9+s17+$0x0], $0xffff;
	[tilespmem:s24+$0x150] =	vst v8  }
0x6f: {  	v8 =	vor.u32 v19, v10;
	v13 =	vmul.f32 v0, v0;
	[tilespmem:s23+$0x150] =	vst v12  }
0x70: {  	[tilespmem:s24+$0x40] =	vst v0;
	v0 =	vld.idx.msk [tilespmem:v11+s17+$0x0], $0xffff  }
0x71: {  	v2 =	vor.u32 v50, v2;
	v11 =	vmul.f32 v1, v1;
	[tilespmem:s23+$0x40] =	vst v13  }
0x72: {  	[tilespmem:s24+$0xFFFFFE30] =	vst v1;
	v1 =	vld.idx.msk [tilespmem:v6+s17+$0x0], $0xffff  }
0x73: {  	v5 =	vor.u32 v27, v5;
	v6 =	vmul.f32 v9, v9;
	[tilespmem:s23+$0xFFFFFE30] =	vst v11  }
0x74: {  	[tilespmem:s24+$0xFFFFFF20] =	vst v9;
	v8 =	vld.idx.msk [tilespmem:v8+s17+$0x0], $0xffff  }
0x75: {  	[tilespmem:s23+$0xFFFFFF20] =	vst v6;
	v6 =	vor.u32 v21, v4;
	v9 =	vmul.f32 v0, v0  }
0x76: {  	s12 =	simm.s32 $0x5;
	v2 =	vld.idx.msk [tilespmem:v2+s17+$0x0], $0xffff;
	[tilespmem:s24+$0x160] =	vst v0  }
0x77: {  	v11 =	vor.u32 s12, v7;
	v0 =	vor.u32 v20, v10;
	v12 =	vmul.f32 v1, v1;
	[tilespmem:s23+$0x160] =	vst v9  }
0x78: {  	s13 =	simm.s32 $0xE;
	[tilespmem:s24+$0x50] =	vst v1;
	v9 =	vand.u32 $0x3F0, v11;
	v1 =	vld.idx.msk [tilespmem:v5+s17+$0x0], $0xffff  }
0x79: {  	v5 =	vmul.f32 v8, v8;
	v11 =	vor.u32 v51, v9;
	[tilespmem:s23+$0x50] =	vst v12;
	v12 =	vor.u32 s13, v7  }
0x7a: {  	[tilespmem:s24+$0xFFFFFE40] =	vst v8;
	v6 =	vld.idx.msk [tilespmem:v6+s17+$0x0], $0xffff;
	v8 =	vand.u32 $0x3F8, v12  }
0x7b: {  	[tilespmem:s23+$0xFFFFFE40] =	vst v5;
	v5 =	vmul.f32 v2, v2;
	v12 =	vor.u32 v28, v8  }
0x7c: {  	[tilespmem:s24+$0xFFFFFF30] =	vst v2;
	v0 =	vld.idx.msk [tilespmem:v0+s17+$0x0], $0xffff  }
0x7d: {  	v2 =	vor.u32 v22, v4;
	[tilespmem:s23+$0xFFFFFF30] =	vst v5;
	v4 =	vmul.f32 v1, v1  }
0x7e: {  	v5 =	vld.idx.msk [tilespmem:v11+s17+$0x0], $0xffff;
	[tilespmem:s24+$0x170] =	vst v1  }
0x7f: {  	v1 =	vor.u32 v21, v10;
	v11 =	vmul.f32 v6, v6;
	[tilespmem:s23+$0x170] =	vst v4  }
0x80: {  	[tilespmem:s24+$0x60] =	vst v6;
	v4 =	vld.idx.msk [tilespmem:v12+s17+$0x0], $0xffff  }
0x81: {  	v6 =	vmul.f32 v0, v0;
	v12 =	vor.u32 v52, v9;
	[tilespmem:s23+$0x60] =	vst v11  }
0x82: {  	s15 =	simm.s32 $0xA;
	[tilespmem:s24+$0xFFFFFE50] =	vst v0;
	v0 =	vld.idx.msk [tilespmem:v2+s17+$0x0], $0xffff  }
0x83: {  	v11 =	vor.u32 s15, v7;
	[tilespmem:s23+$0xFFFFFE50] =	vst v6;
	v2 =	vmul.f32 v5, v5;
	v6 =	vor.u32 v29, v8  }
0x84: {  	[tilespmem:s24+$0xFFFFFF40] =	vst v5;
	v5 =	vand.u32 $0x3F8, v11;
	v1 =	vld.idx.msk [tilespmem:v1+s17+$0x0], $0xffff  }
0x85: {  	v11 =	vor.u32 v23, v5;
	[tilespmem:s23+$0xFFFFFF40] =	vst v2;
	v2 =	vmul.f32 v4, v4  }
0x86: {  	v12 =	vld.idx.msk [tilespmem:v12+s17+$0x0], $0xffff;
	[tilespmem:s24+$0x180] =	vst v4  }
0x87: {  	v4 =	vor.u32 v22, v10;
	[tilespmem:s23+$0x180] =	vst v2;
	v2 =	vmul.f32 v0, v0  }
0x88: {  	[tilespmem:s24+$0x70] =	vst v0;
	v0 =	vld.idx.msk [tilespmem:v6+s17+$0x0], $0xffff  }
0x89: {  	v10 =	vor.u32 v53, v9;
	v6 =	vmul.f32 v1, v1;
	[tilespmem:s23+$0x70] =	vst v2  }
0x8a: {  	[tilespmem:s24+$0xFFFFFE60] =	vst v1;
	v1 =	vld.idx.msk [tilespmem:v11+s17+$0x0], $0xffff  }
0x8b: {  	[tilespmem:s23+$0xFFFFFE60] =	vst v6;
	v2 =	vmul.f32 v12, v12;
	v6 =	vor.u32 v30, v8  }
0x8c: {  	s16 =	simm.s32 $0x2;
	[tilespmem:s24+$0xFFFFFF50] =	vst v12;
	v11 =	vld.idx.msk [tilespmem:v4+s17+$0x0], $0xffff  }
0x8d: {  	v12 =	vor.u32 v24, v5;
	[tilespmem:s23+$0xFFFFFF50] =	vst v2;
	v2 =	vor.u32 s16, v7;
	v13 =	vmul.f32 v0, v0  }
0x8e: {  	v10 =	vld.idx.msk [tilespmem:v10+s17+$0x0], $0xffff;
	v4 =	vand.u32 $0x3F0, v2;
	[tilespmem:s24+$0x190] =	vst v0  }
0x8f: {  	v0 =	vor.u32 v23, v4;
	v2 =	vmul.f32 v1, v1;
	[tilespmem:s23+$0x190] =	vst v13  }
0x90: {  	[tilespmem:s24+$0x80] =	vst v1;
	v1 =	vld.idx.msk [tilespmem:v6+s17+$0x0], $0xffff  }
0x91: {  	v9 =	vor.u32 v27, v9;
	v6 =	vmul.f32 v11, v11;
	[tilespmem:s23+$0x80] =	vst v2  }
0x92: {  	[tilespmem:s24+$0xFFFFFE70] =	vst v11;
	v2 =	vld.idx.msk [tilespmem:v12+s17+$0x0], $0xffff  }
0x93: {  	v8 =	vor.u32 v31, v8;
	[tilespmem:s23+$0xFFFFFE70] =	vst v6;
	v6 =	vmul.f32 v10, v10  }
0x94: {  	[tilespmem:s24+$0xFFFFFF60] =	vst v10;
	v0 =	vld.idx.msk [tilespmem:v0+s17+$0x0], $0xffff  }
0x95: {  	[tilespmem:s23+$0xFFFFFF60] =	vst v6;
	v6 =	vor.u32 v25, v5;
	v10 =	vmul.f32 v1, v1  }
0x96: {  	s26 =	simm.s32 $0x6;
	v9 =	vld.idx.msk [tilespmem:v9+s17+$0x0], $0xffff;
	[tilespmem:s24+$0x1A0] =	vst v1  }
0x97: {  	v11 =	vor.u32 v24, v4;
	v1 =	vor.u32 s26, v7;
	v12 =	vmul.f32 v2, v2;
	[tilespmem:s23+$0x1A0] =	vst v10  }
0x98: {  	s7 =	simm.s32 $0xF;
	v10 =	vand.u32 $0x3F0, v1;
	[tilespmem:s24+$0x90] =	vst v2;
	v2 =	vld.idx.msk [tilespmem:v8+s17+$0x0], $0xffff  }
0x99: {  	v1 =	vor.u32 s7, v7;
	v8 =	vmul.f32 v0, v0;
	v13 =	vor.u32 v28, v10;
	[tilespmem:s23+$0x90] =	vst v12  }
0x9a: {  	[tilespmem:s24+$0xFFFFFE80] =	vst v0;
	v1 =	vand.u32 $0x3F8, v1;
	v0 =	vld.idx.msk [tilespmem:v6+s17+$0x0], $0xffff  }
0x9b: {  	v6 =	vmul.f32 v9, v9;
	[tilespmem:s23+$0xFFFFFE80] =	vst v8;
	v8 =	vor.u32 v32, v1  }
0x9c: {  	[tilespmem:s24+$0xFFFFFF70] =	vst v9;
	v9 =	vld.idx.msk [tilespmem:v11+s17+$0x0], $0xffff  }
0x9d: {  	v5 =	vor.u32 v26, v5;
	[tilespmem:s23+$0xFFFFFF70] =	vst v6;
	v6 =	vmul.f32 v2, v2  }
0x9e: {  	v11 =	vld.idx.msk [tilespmem:v13+s17+$0x0], $0xffff;
	[tilespmem:s24+$0x1B0] =	vst v2  }
0x9f: {  	v2 =	vmul.f32 v0, v0;
	[tilespmem:s23+$0x1B0] =	vst v6  }
0xa0: {  	[tilespmem:s24+$0xA0] =	vst v0;
	v0 =	vld.idx.msk [tilespmem:v8+s17+$0x0], $0xffff  }
0xa1: {  	v6 =	vor.u32 v25, v4;
	v8 =	vmul.f32 v9, v9;
	[tilespmem:s23+$0xA0] =	vst v2  }
0xa2: {  	s11 =	simm.s32 $0xB;
	[tilespmem:s24+$0xFFFFFE90] =	vst v9;
	v9 =	vor.u32 v29, v10;
	v5 =	vld.idx.msk [tilespmem:v5+s17+$0x0], $0xffff  }
0xa3: {  	v12 =	vor.u32 v33, v1;
	v2 =	vor.u32 s11, v7;
	[tilespmem:s23+$0xFFFFFE90] =	vst v8;
	v8 =	vmul.f32 v11, v11  }
0xa4: {  	[tilespmem:s24+$0xFFFFFF80] =	vst v11;
	v2 =	vand.u32 $0x3F8, v2  }
0xa5: {  	s12 =	simm.s32 $0x1C;
	[tilespmem:s23+$0xFFFFFF80] =	vst v8;
	v8 =	vor.u32 v43, v2;
	v11 =	vmul.f32 v0, v0  }
0xa6: {  	v6 =	vld.idx.msk [tilespmem:v6+s17+$0x0], $0xffff;
	[tilespmem:s24+$0x1C0] =	vst v0;
	v0 =	vor.u32 s12, v7  }
0xa7: {  	v9 =	vld.idx.msk [tilespmem:v9+s17+$0x0], $0xffff;
	v0 =	vand.u32 $0x3F8, v0;
	v13 =	vmul.f32 v5, v5;
	[tilespmem:s23+$0x1C0] =	vst v11  }
0xa8: {  	[tilespmem:s24+$0xB0] =	vst v5;
	v11 =	vor.u32 v47, v0;
	v5 =	vld.idx.msk [tilespmem:v12+s17+$0x0], $0xffff  }
0xa9: {  	s13 =	simm.s32 $0x18;
	[tilespmem:s23+$0xB0] =	vst v13  }
0xaa: {  	v12 =	vor.u32 s13, v15;
	v8 =	vld.idx.msk [tilespmem:v8+s17+$0x0], $0xffff  }
0xab: {  	s15 =	simm.s32 $0x14;
	[tilespmem:s24+$0xFFFFFEA0] =	vst v6;
	v6 =	vmul.f32 v6, v6  }
0xac: {  	s16 =	simm.s32 $0x10;
	v13 =	vor.u32 s15, v7;
	[tilespmem:s24+$0xFFFFFF90] =	vst v9  }
0xad: {  	v14 =	vor.u32 s16, v15;
	v13 =	vand.u32 $0x3F0, v13;
	[tilespmem:s23+$0xFFFFFEA0] =	vst v6;
	v11 =	vld.idx.msk [tilespmem:v11+s17+$0x0], $0xffff;
	v6 =	vmul.f32 v5, v5  }
0xae: {  	v36 =	vor.u32 v47, v13;
	[tilespmem:s24+$0x1D0] =	vst v5  }
0xaf: {  	v5 =	vor.u32 v44, v2;
	v12 =	vld.idx.msk [tilespmem:v12+s17+$0x0], $0xffff;
	[tilespmem:s23+$0x1D0] =	vst v6;
	v6 =	vmul.f32 v8, v8  }
0xb0: {  	[tilespmem:s24+$0xC0] =	vst v8  }
0xb1: {  	s26 =	simm.s32 $0x8800;
	v8 =	vmul.f32 v9, v9;
	v9 =	vor.u32 v48, v0;
	[tilespmem:s23+$0xC0] =	vst v6  }
0xb2: {  	v6 =	vld.idx.msk [tilespmem:v14+s17+$0x0], $0xffff;
	[tilespmem:s26+$0x100] =	vst v11  }
0xb3: {  	v14 =	vld.idx.msk [tilespmem:v36+s17+$0x0], $0xffff;
	v11 =	vmul.f32 v11, v11;
	[tilespmem:s23+$0xFFFFFF90] =	vst v8  }
0xb4: {  	s28 =	simm.s32 $0xC800;
	v5 =	vld.idx.msk [tilespmem:v5+s17+$0x0], $0xffff;
	[tilespmem:s26+$0x0] =	vst v12;
	v12 =	vmul.f32 v12, v12  }
0xb5: {  	[tilespmem:s28+$0x100] =	vst v11;
	v11 =	vor.u32 s13, v16  }
0xb6: {  	v8 =	vor.u32 s16, v16;
	v9 =	vld.idx.msk [tilespmem:v9+s17+$0x0], $0xffff;
	[tilespmem:s28+$0x0] =	vst v12  }
0xb7: {  	[tilespmem:s26+$0xFFFFFE00] =	vst v6  }
0xb8: {  	v55 =	vor.u32 v30, v10;
	v6 =	vmul.f32 v6, v6;
	[tilespmem:s26+$0xFFFFFF00] =	vst v14  }
0xb9: {  	[tilespmem:s24+$0xD0] =	vst v5  }
0xba: {  	[tilespmem:s28+$0xFFFFFE00] =	vst v6;
	v6 =	vmul.f32 v5, v5;
	v5 =	vld.idx.msk [tilespmem:v11+s17+$0x0], $0xffff  }
0xbb: {  	v12 =	vmul.f32 v14, v14;
	v11 =	vor.u32 v49, v0;
	v8 =	vld.idx.msk [tilespmem:v8+s17+$0x0], $0xffff;
	[tilespmem:s26+$0x110] =	vst v9  }
0xbc: {  	v9 =	vmul.f32 v9, v9;
	[tilespmem:s23+$0xD0] =	vst v6;
	v6 =	vor.u32 v45, v2  }
0xbd: {  	v14 =	vld.idx.msk [tilespmem:v55+s17+$0x0], $0xffff;
	[tilespmem:s28+$0xFFFFFF00] =	vst v12  }
0xbe: {  	[tilespmem:s28+$0x110] =	vst v9;
	v9 =	vor.u32 s13, v17  }
0xbf: {  	v12 =	vor.u32 s16, v17;
	[tilespmem:s26+$0x10] =	vst v5;
	v56 =	vmul.f32 v5, v5  }
0xc0: {  	v11 =	vld.idx.msk [tilespmem:v11+s17+$0x0], $0xffff;
	[tilespmem:s26+$0xFFFFFE10] =	vst v8;
	v8 =	vmul.f32 v8, v8  }
0xc1: {  	v5 =	vld.idx.msk [tilespmem:v6+s17+$0x0], $0xffff;
	[tilespmem:s28+$0x10] =	vst v56  }
0xc2: {  	[tilespmem:s28+$0xFFFFFE10] =	vst v8;
	v8 =	vmul.f32 v14, v14  }
0xc3: {  	[tilespmem:s24+$0xFFFFFFA0] =	vst v14;
	v6 =	vor.u32 v31, v10;
	v9 =	vld.idx.msk [tilespmem:v9+s17+$0x0], $0xffff  }
0xc4: {  	v0 =	vor.u32 v50, v0;
	v10 =	vld.idx.msk [tilespmem:v12+s17+$0x0], $0xffff;
	[tilespmem:s23+$0xFFFFFFA0] =	vst v8  }
0xc5: {  	v12 =	vor.u32 v48, v13;
	[tilespmem:s26+$0x120] =	vst v11;
	v8 =	vmul.f32 v11, v11  }
0xc6: {  	[tilespmem:s24+$0xE0] =	vst v5  }
0xc7: {  	[tilespmem:s28+$0x120] =	vst v8  }
0xc8: {  	v6 =	vld.idx.msk [tilespmem:v6+s17+$0x0], $0xffff;
	v5 =	vmul.f32 v5, v5;
	[tilespmem:s26+$0x20] =	vst v9  }
0xc9: {  	v11 =	vor.u32 s16, v18;
	v0 =	vld.idx.msk [tilespmem:v0+s17+$0x0], $0xffff;
	v9 =	vmul.f32 v9, v9;
	[tilespmem:s26+$0xFFFFFE20] =	vst v10  }
0xca: {  	v8 =	vld.idx.msk [tilespmem:v12+s17+$0x0], $0xffff;
	v12 =	vor.u32 s13, v18;
	v10 =	vmul.f32 v10, v10;
	[tilespmem:s23+$0xE0] =	vst v5  }
0xcb: {  	s11 =	simm.s32 $0x1D;
	[tilespmem:s28+$0x20] =	vst v9  }
0xcc: {  	[tilespmem:s28+$0xFFFFFE20] =	vst v10;
	v10 =	vor.u32 s11, v7  }
0xcd: {  	v9 =	vor.u32 v49, v13;
	v10 =	vand.u32 $0x3F8, v10;
	[tilespmem:s24+$0xFFFFFFB0] =	vst v6  }
0xce: {  	s12 =	simm.s32 $0x11;
	v11 =	vld.idx.msk [tilespmem:v11+s17+$0x0], $0xffff;
	v6 =	vmul.f32 v6, v6;
	v14 =	vor.u32 v51, v10;
	[tilespmem:s26+$0x130] =	vst v0  }
0xcf: {  	v57 =	vor.u32 s12, v7;
	s13 =	simm.s32 $0x19;
	v12 =	vld.idx.msk [tilespmem:v12+s17+$0x0], $0xffff;
	[tilespmem:s26+$0xFFFFFF10] =	vst v8;
	v8 =	vmul.f32 v8, v8  }
0xd0: {  	v36 =	vand.u32 $0x3F0, v57;
	v37 =	vor.u32 s13, v7;
	v0 =	vmul.f32 v0, v0;
	[tilespmem:s23+$0xFFFFFFB0] =	vst v6  }
0xd1: {  	v37 =	vand.u32 $0x3F8, v37;
	[tilespmem:s28+$0xFFFFFF10] =	vst v8;
	v8 =	vor.u32 v19, v36  }
0xd2: {  	s15 =	simm.s32 $0x7;
	[tilespmem:s28+$0x130] =	vst v0;
	v0 =	vld.idx.msk [tilespmem:v9+s17+$0x0], $0xffff;
	v9 =	vor.u32 v19, v37  }
0xd3: {  	v38 =	vor.u32 s15, v7;
	[tilespmem:s26+$0xFFFFFE30] =	vst v11;
	v11 =	vmul.f32 v11, v11;
	v14 =	vld.idx.msk [tilespmem:v14+s17+$0x0], $0xffff  }
0xd4: {  	v38 =	vand.u32 $0x3F0, v38;
	[tilespmem:s26+$0x30] =	vst v12;
	v12 =	vmul.f32 v12, v12  }
0xd5: {  	[tilespmem:s28+$0xFFFFFE30] =	vst v11;
	v11 =	vor.u32 v32, v38  }
0xd6: {  	[tilespmem:s28+$0x30] =	vst v12;
	v8 =	vld.idx.msk [tilespmem:v8+s17+$0x0], $0xffff;
	v12 =	vor.u32 v50, v13  }
0xd7: {  	v6 =	vld.idx.msk [tilespmem:v9+s17+$0x0], $0xffff;
	[tilespmem:s26+$0xFFFFFF20] =	vst v0;
	v0 =	vmul.f32 v0, v0  }
0xd8: {  	v9 =	vor.u32 v52, v10;
	[tilespmem:s26+$0x140] =	vst v14;
	v13 =	vmul.f32 v14, v14  }
0xd9: {  	[tilespmem:s28+$0xFFFFFF20] =	vst v0  }
0xda: {  	v0 =	vld.idx.msk [tilespmem:v11+s17+$0x0], $0xffff;
	v11 =	vor.u32 v20, v36;
	[tilespmem:s28+$0x140] =	vst v13  }
0xdb: {  	v12 =	vld.idx.msk [tilespmem:v12+s17+$0x0], $0xffff;
	[tilespmem:s26+$0xFFFFFE40] =	vst v8;
	v8 =	vmul.f32 v8, v8  }
0xdc: {  	s16 =	simm.s32 $0x15;
	v13 =	vor.u32 v20, v37;
	[tilespmem:s26+$0x40] =	vst v6;
	v6 =	vmul.f32 v6, v6  }
0xdd: {  	v14 =	vor.u32 s16, v7;
	v9 =	vld.idx.msk [tilespmem:v9+s17+$0x0], $0xffff;
	[tilespmem:s28+$0xFFFFFE40] =	vst v8  }
0xde: {  	v8 =	vand.u32 $0x3F0, v14;
	[tilespmem:s28+$0x40] =	vst v6  }
0xdf: {  	v6 =	vld.idx.msk [tilespmem:v11+s17+$0x0], $0xffff;
	v11 =	vor.u32 v51, v8;
	[tilespmem:s24+$0xFFFFFFC0] =	vst v0;
	v0 =	vmul.f32 v0, v0  }
0xe0: {  	v14 =	vor.u32 v53, v10;
	[tilespmem:s26+$0xFFFFFF30] =	vst v12  }
0xe1: {  	v13 =	vld.idx.msk [tilespmem:v13+s17+$0x0], $0xffff;
	v12 =	vmul.f32 v12, v12;
	[tilespmem:s23+$0xFFFFFFC0] =	vst v0  }
0xe2: {  	[tilespmem:s26+$0x150] =	vst v9;
	v9 =	vmul.f32 v9, v9  }
0xe3: {  	[tilespmem:s28+$0xFFFFFF30] =	vst v12;
	v12 =	vor.u32 v21, v36  }
0xe4: {  	[tilespmem:s28+$0x150] =	vst v9;
	v9 =	vld.idx.msk [tilespmem:v11+s17+$0x0], $0xffff;
	v11 =	vor.u32 v21, v37  }
0xe5: {  	v39 =	vor.u32 v33, v38;
	[tilespmem:s26+$0xFFFFFE50] =	vst v6;
	v6 =	vmul.f32 v6, v6;
	v14 =	vld.idx.msk [tilespmem:v14+s17+$0x0], $0xffff  }
0xe6: {  	[tilespmem:s26+$0x50] =	vst v13;
	v13 =	vmul.f32 v13, v13  }
0xe7: {  	[tilespmem:s28+$0xFFFFFE50] =	vst v6  }
0xe8: {  	[tilespmem:s28+$0x50] =	vst v13;
	v6 =	vld.idx.msk [tilespmem:v12+s17+$0x0], $0xffff;
	v12 =	vor.u32 v52, v8  }
0xe9: {  	v10 =	vor.u32 v27, v10;
	v0 =	vld.idx.msk [tilespmem:v11+s17+$0x0], $0xffff;
	[tilespmem:s26+$0xFFFFFF40] =	vst v9;
	v9 =	vmul.f32 v9, v9  }
0xea: {  	v11 =	vld.idx.msk [tilespmem:v39+s17+$0x0], $0xffff;
	[tilespmem:s26+$0x160] =	vst v14;
	v13 =	vmul.f32 v14, v14  }
0xeb: {  	[tilespmem:s28+$0xFFFFFF40] =	vst v9  }
0xec: {  	[tilespmem:s28+$0x160] =	vst v13  }
0xed: {  	v9 =	vor.u32 v22, v36;
	v12 =	vld.idx.msk [tilespmem:v12+s17+$0x0], $0xffff;
	[tilespmem:s26+$0xFFFFFE60] =	vst v6  }
0xee: {  	v13 =	vor.u32 v34, v38;
	v6 =	vmul.f32 v6, v6;
	v10 =	vld.idx.msk [tilespmem:v10+s17+$0x0], $0xffff;
	[tilespmem:s26+$0x60] =	vst v0  }
0xef: {  	s7 =	simm.s32 $0x1E;
	[tilespmem:s24+$0xFFFFFFD0] =	vst v11;
	v11 =	vmul.f32 v11, v11  }
0xf0: {  	[tilespmem:s28+$0xFFFFFE60] =	vst v6;
	v6 =	vor.u32 s7, v7  }
0xf1: {  	[tilespmem:s23+$0xFFFFFFD0] =	vst v11;
	v11 =	vor.u32 v53, v8;
	v6 =	vand.u32 $0x3F8, v6  }
0xf2: {  	v9 =	vld.idx.msk [tilespmem:v9+s17+$0x0], $0xffff;
	v14 =	vor.u32 v28, v6;
	[tilespmem:s26+$0xFFFFFF50] =	vst v12;
	v12 =	vmul.f32 v12, v12  }
0xf3: {  	v13 =	vld.idx.msk [tilespmem:v13+s17+$0x0], $0xffff;
	[tilespmem:s26+$0x170] =	vst v10;
	v10 =	vmul.f32 v10, v10  }
0xf4: {  	v0 =	vmul.f32 v0, v0;
	[tilespmem:s28+$0xFFFFFF50] =	vst v12  }
0xf5: {  	[tilespmem:s28+$0x170] =	vst v10;
	v10 =	vor.u32 v22, v37  }
0xf6: {  	s11 =	simm.s32 $0x12;
	[tilespmem:s28+$0x60] =	vst v0;
	v0 =	vld.idx.msk [tilespmem:v11+s17+$0x0], $0xffff;
	v11 =	vor.u32 v35, v38  }
0xf7: {  	[tilespmem:s26+$0xFFFFFE70] =	vst v9;
	v9 =	vmul.f32 v9, v9;
	v12 =	vld.idx.msk [tilespmem:v14+s17+$0x0], $0xffff;
	v14 =	vor.u32 s11, v7  }
0xf8: {  	v58 =	vor.u32 v46, v2;
	[tilespmem:s24+$0xFFFFFFE0] =	vst v13;
	v13 =	vmul.f32 v13, v13;
	v2 =	vand.u32 $0x3F0, v14  }
0xf9: {  	[tilespmem:s28+$0xFFFFFE70] =	vst v9;
	v9 =	vor.u32 v23, v2  }
0xfa: {  	v8 =	vor.u32 v27, v8;
	[tilespmem:s23+$0xFFFFFFE0] =	vst v13;
	v10 =	vld.idx.msk [tilespmem:v10+s17+$0x0], $0xffff  }
0xfb: {  	v5 =	vmul.f32 v0, v0;
	v11 =	vld.idx.msk [tilespmem:v11+s17+$0x0], $0xffff;
	[tilespmem:s26+$0xFFFFFF60] =	vst v0  }
0xfc: {  	s12 =	simm.s32 $0x1A;
	v14 =	vmul.f32 v12, v12;
	[tilespmem:s26+$0x180] =	vst v12  }
0xfd: {  	v13 =	vor.u32 s12, v7;
	v0 =	vor.u32 v29, v6;
	v12 =	vld.idx.msk [tilespmem:v58+s17+$0x0], $0xffff;
	[tilespmem:s28+$0xFFFFFF60] =	vst v5  }
0xfe: {  	v4 =	vor.u32 v26, v4;
	v13 =	vand.u32 $0x3F8, v13;
	v5 =	vld.idx.msk [tilespmem:v9+s17+$0x0], $0xffff;
	[tilespmem:s28+$0x180] =	vst v14  }
0xff: {  	v9 =	vor.u32 v23, v13;
	v8 =	vld.idx.msk [tilespmem:v8+s17+$0x0], $0xffff;
	[tilespmem:s26+$0x70] =	vst v10;
	v10 =	vmul.f32 v10, v10  }
0x100: {  	[tilespmem:s24+$0xFFFFFFF0] =	vst v11  }
0x101: {  	[tilespmem:s28+$0x70] =	vst v10  }
0x102: {  	v0 =	vld.idx.msk [tilespmem:v0+s17+$0x0], $0xffff;
	[tilespmem:s24+$0xF0] =	vst v12  }
0x103: {  	v14 =	vld.idx.msk [tilespmem:v4+s17+$0x0], $0xffff;
	v4 =	vmul.f32 v12, v12;
	[tilespmem:s26+$0xFFFFFE80] =	vst v5  }
0x104: {  	v10 =	vor.u32 v24, v2;
	v9 =	vld.idx.msk [tilespmem:v9+s17+$0x0], $0xffff;
	v5 =	vmul.f32 v5, v5;
	[tilespmem:s26+$0xFFFFFF70] =	vst v8  }
0x105: {  	v12 =	vor.u32 v30, v6;
	[tilespmem:s23+$0xF0] =	vst v4  }
0x106: {  	s13 =	simm.s32 $0x3;
	[tilespmem:s28+$0xFFFFFE80] =	vst v5  }
0x107: {  	v59 =	vor.u32 s13, v7;
	[tilespmem:s26+$0x190] =	vst v0;
	v0 =	vmul.f32 v0, v0;
	v5 =	vor.u32 v24, v13  }
0x108: {  	v60 =	vand.u32 $0x3F0, v59;
	[tilespmem:s24+$0xFFFFFEB0] =	vst v14  }
0x109: {  	v10 =	vld.idx.msk [tilespmem:v10+s17+$0x0], $0xffff;
	[tilespmem:s28+$0x190] =	vst v0;
	v0 =	vor.u32 v43, v60;
	v4 =	vmul.f32 v9, v9  }
0x10a: {  	v61 =	vmul.f32 v14, v14;
	[tilespmem:s26+$0x80] =	vst v9;
	v12 =	vld.idx.msk [tilespmem:v12+s17+$0x0], $0xffff  }
0x10b: {  	v8 =	vmul.f32 v8, v8;
	[tilespmem:s28+$0x80] =	vst v4  }
0x10c: {  	s15 =	simm.s32 $0x16;
	[tilespmem:s23+$0xFFFFFEB0] =	vst v61;
	v14 =	vld.idx.msk [tilespmem:v5+s17+$0x0], $0xffff  }
0x10d: {  	v6 =	vor.u32 v31, v6;
	[tilespmem:s28+$0xFFFFFF70] =	vst v8;
	v9 =	vor.u32 s15, v7  }
0x10e: {  	v8 =	vor.u32 v34, v1;
	v4 =	vand.u32 $0x3F0, v9;
	[tilespmem:s26+$0xFFFFFE90] =	vst v10;
	v10 =	vmul.f32 v10, v10;
	v0 =	vld.idx.msk [tilespmem:v0+s17+$0x0], $0xffff  }
0x10f: {  	v9 =	vor.u32 v28, v4;
	[tilespmem:s26+$0x1A0] =	vst v12;
	v12 =	vmul.f32 v12, v12  }
0x110: {  	v62 =	vor.u32 v25, v13;
	[tilespmem:s28+$0xFFFFFE90] =	vst v10  }
0x111: {  	[tilespmem:s28+$0x1A0] =	vst v12;
	v10 =	vmul.f32 v14, v14  }
0x112: {  	s15 =	simm.s32 $0x1F;
	v12 =	vor.u32 v44, v60;
	[tilespmem:s26+$0x90] =	vst v14;
	v6 =	vld.idx.msk [tilespmem:v6+s17+$0x0], $0xffff  }
0x113: {  	v8 =	vld.idx.msk [tilespmem:v8+s17+$0x0], $0xffff;
	v14 =	vor.u32 s15, v7;
	[tilespmem:s28+$0x90] =	vst v10;
	v10 =	vmul.f32 v0, v0  }
0x114: {  	v11 =	vmul.f32 v11, v11;
	v9 =	vld.idx.msk [tilespmem:v9+s17+$0x0], $0xffff;
	[tilespmem:s24+$0xFFFFFEC0] =	vst v0;
	v36 =	vand.u32 $0x3F8, v14  }
0x115: {  	v0 =	vld.idx.msk [tilespmem:v62+s17+$0x0], $0xffff;
	[tilespmem:s23+$0xFFFFFEC0] =	vst v10;
	v10 =	vor.u32 v32, v36  }
0x116: {  	[tilespmem:s23+$0xFFFFFFF0] =	vst v11  }
0x117: {  	v12 =	vld.idx.msk [tilespmem:v12+s17+$0x0], $0xffff;
	[tilespmem:s26+$0x1B0] =	vst v6;
	v6 =	vmul.f32 v6, v6  }
0x118: {  	v5 =	vor.u32 v25, v2;
	[tilespmem:s24+$0x1E0] =	vst v8  }
0x119: {  	v13 =	vor.u32 v26, v13;
	[tilespmem:s28+$0x1B0] =	vst v6  }
0x11a: {  	[tilespmem:s26+$0xFFFFFF80] =	vst v9;
	v14 =	vmul.f32 v0, v0;
	v6 =	vld.idx.msk [tilespmem:v10+s17+$0x0], $0xffff  }
0x11b: {  	[tilespmem:s26+$0xA0] =	vst v0;
	v0 =	vor.u32 v45, v60  }
0x11c: {  	[tilespmem:s28+$0xA0] =	vst v14;
	v14 =	vmul.f32 v12, v12  }
0x11d: {  	s16 =	simm.s32 $0x1B;
	v63 =	vor.u32 v29, v4;
	v5 =	vld.idx.msk [tilespmem:v5+s17+$0x0], $0xffff;
	[tilespmem:s24+$0xFFFFFED0] =	vst v12  }
0x11e: {  	v11 =	vor.u32 s16, v7;
	v8 =	vmul.f32 v8, v8;
	v12 =	vor.u32 v35, v1;
	v10 =	vld.idx.msk [tilespmem:v13+s17+$0x0], $0xffff;
	[tilespmem:s23+$0xFFFFFED0] =	vst v14  }
0x11f: {  	v9 =	vmul.f32 v9, v9;
	[tilespmem:s26+$0x1C0] =	vst v6;
	v13 =	vmul.f32 v6, v6;
	v6 =	vor.u32 v33, v36  }
0x120: {  	v37 =	vand.u32 $0x3F8, v11;
	[tilespmem:s23+$0x1E0] =	vst v8;
	v1 =	vld.idx.msk [tilespmem:v0+s17+$0x0], $0xffff  }
0x121: {  	[tilespmem:s28+$0xFFFFFF80] =	vst v9;
	v0 =	vor.u32 v43, v37  }
0x122: {  	[tilespmem:s26+$0xFFFFFEA0] =	vst v5;
	v9 =	vld.idx.msk [tilespmem:v63+s17+$0x0], $0xffff  }
0x123: {  	s6 =	simm.s32 $0x4;
	v38 =	vor.u32 v46, v60;
	s16 =	simm.s32 $0x2F;
	v8 =	vld.idx.msk [tilespmem:v12+s17+$0x0], $0xffff;
	v11 =	vmul.f32 v10, v10;
	[tilespmem:s28+$0x1C0] =	vst v13  }
.LBB2_6:
0x124: {  	s7 =	sadd.s32 $0xFFFFFFF5, s16;
	s11 =	sadd.s32 $0xFFFFFFFD, s16;
	s6 =	sadd.s32 $0x4, s6;
	[tilespmem:s26+$0xB0] =	vst v10;
	v10 =	vld.idx.msk [tilespmem:v6+s17+$0x0], $0xffff  }
0x125: {  	v6 =	vor.u32 s7, v7;
	v12 =	vor.u32 s11, v7;
	p0 =	slt.u32 s6, $0x1C;
	[tilespmem:s28+$0xB0] =	vst v11;
	v11 =	vmul.f32 v1, v1  }
0x126: {  	v2 =	vor.u32 v26, v2;
	v6 =	vand.u32 $0x3F0, v6;
	v12 =	vand.u32 $0x3F8, v12;
	v0 =	vld.idx.msk [tilespmem:v0+s17+$0x0], $0xffff;
	[tilespmem:s24+$0xFFFFFEE0] =	vst v1  }
0x127: {  	v13 =	vor.u32 v47, v12;
	v14 =	vor.u32 v48, v12;
	v39 =	vor.u32 v50, v12;
	[tilespmem:s23+$0xFFFFFEE0] =	vst v11  }
0x128: {  	s7 =	sadd.s32 $0xFFFFFFF9, s16;
	v1 =	vmul.f32 v5, v5;
	v11 =	vor.u32 v47, v6;
	[tilespmem:s26+$0xFFFFFF90] =	vst v9;
	v5 =	vld.idx.msk [tilespmem:v38+s17+$0x0], $0xffff  }
0x129: {  	v38 =	vor.u32 s7, v15;
	[tilespmem:s24+$0x1F0] =	vst v8  }
0x12a: {  	v41 =	vor.u32 v34, v36;
	s11 =	sadd.s32 $0xFFFFFFF1, s16;
	v40 =	vmul.f32 v10, v10;
	[tilespmem:s28+$0xFFFFFEA0] =	vst v1  }
0x12b: {  	v42 =	vor.u32 s11, v15;
	v1 =	vld.idx.msk [tilespmem:v2+s17+$0x0], $0xffff;
	[tilespmem:s26+$0x1D0] =	vst v10  }
0x12c: {  	v10 =	vor.u32 v44, v37;
	v2 =	vld.idx.msk [tilespmem:v13+s17+$0x0], $0xffff;
	[tilespmem:s28+$0x1D0] =	vst v40  }
0x12d: {  	v11 =	vld.idx.msk [tilespmem:v11+s17+$0x0], $0xffff;
	[tilespmem:s26+$0xC0] =	vst v0;
	v0 =	vmul.f32 v0, v0  }
0x12e: {  	v8 =	vmul.f32 v8, v8;
	v13 =	vld.idx.msk [tilespmem:v38+s17+$0x0], $0xffff;
	[tilespmem:s24+$0xFFFFFEF0] =	vst v5;
	v5 =	vmul.f32 v5, v5;
	s24 =	smov.u32 s26  }
0x12f: {  	v40 =	vor.u32 v30, v4;
	[tilespmem:s28+$0xC0] =	vst v0;
	v38 =	vld.idx.msk [tilespmem:v41+s17+$0x0], $0xffff  }
0x130: {  	v0 =	vld.idx.msk [tilespmem:v42+s17+$0x0], $0xffff;
	[tilespmem:s23+$0xFFFFFEF0] =	vst v5  }
0x131: {  	s26 =	sadd.s32 $0x400, s26;
	v5 =	vmul.f32 v9, v9;
	v9 =	vld.idx.msk [tilespmem:v10+s17+$0x0], $0xffff;
	[tilespmem:s23+$0x1F0] =	vst v8;
	s23 =	smov.u32 s28  }
0x132: {  	[tilespmem:s26+$0x100] =	vst v2  }
0x133: {  	s28 =	sadd.s32 $0x400, s28;
	v2 =	vmul.f32 v2, v2;
	[tilespmem:s23+$0xFFFFFF90] =	vst v5  }
0x134: {  	v5 =	vor.u32 s11, v16;
	[tilespmem:s26+$0x0] =	vst v13;
	v8 =	vld.idx.msk [tilespmem:v40+s17+$0x0], $0xffff  }
0x135: {  	v10 =	vor.u32 s7, v16;
	[tilespmem:s28+$0x100] =	vst v2  }
0x136: {  	[tilespmem:s26+$0xFFFFFE00] =	vst v0;
	v0 =	vmul.f32 v0, v0;
	v2 =	vld.idx.msk [tilespmem:v14+s17+$0x0], $0xffff  }
0x137: {  	v13 =	vmul.f32 v13, v13;
	v14 =	vor.u32 v45, v37;
	[tilespmem:s26+$0xFFFFFF00] =	vst v11  }
0x138: {  	[tilespmem:s28+$0xFFFFFE00] =	vst v0  }
0x139: {  	v40 =	vor.u32 v49, v6;
	v0 =	vld.idx.msk [tilespmem:v5+s17+$0x0], $0xffff;
	[tilespmem:s28+$0x0] =	vst v13;
	v5 =	vmul.f32 v9, v9  }
0x13a: {  	v12 =	vor.u32 v49, v12;
	v10 =	vld.idx.msk [tilespmem:v10+s17+$0x0], $0xffff;
	[tilespmem:s24+$0xD0] =	vst v9  }
0x13b: {  	v9 =	vmul.f32 v11, v11;
	[tilespmem:s23+$0xD0] =	vst v5  }
0x13c: {  	[tilespmem:s26+$0x110] =	vst v2;
	v2 =	vmul.f32 v2, v2;
	v5 =	vld.idx.msk [tilespmem:v14+s17+$0x0], $0xffff  }
0x13d: {  	v11 =	vor.u32 s11, v17;
	[tilespmem:s28+$0xFFFFFF00] =	vst v9  }
0x13e: {  	v9 =	vor.u32 s7, v17;
	[tilespmem:s28+$0x110] =	vst v2  }
0x13f: {  	[tilespmem:s26+$0xFFFFFE10] =	vst v0;
	v0 =	vmul.f32 v0, v0;
	v2 =	vld.idx.msk [tilespmem:v12+s17+$0x0], $0xffff  }
0x140: {  	v4 =	vor.u32 v31, v4;
	[tilespmem:s26+$0x10] =	vst v10;
	v10 =	vmul.f32 v10, v10  }
0x141: {  	[tilespmem:s28+$0xFFFFFE10] =	vst v0  }
0x142: {  	v0 =	vld.idx.msk [tilespmem:v11+s17+$0x0], $0xffff;
	v11 =	vor.u32 v48, v6;
	[tilespmem:s28+$0x10] =	vst v10;
	v10 =	vmul.f32 v8, v8  }
0x143: {  	v9 =	vld.idx.msk [tilespmem:v9+s17+$0x0], $0xffff;
	[tilespmem:s24+$0xFFFFFFA0] =	vst v8  }
0x144: {  	[tilespmem:s23+$0xFFFFFFA0] =	vst v10  }
0x145: {  	[tilespmem:s26+$0x120] =	vst v2;
	v2 =	vmul.f32 v2, v2;
	v4 =	vld.idx.msk [tilespmem:v4+s17+$0x0], $0xffff  }
0x146: {  	v8 =	vor.u32 s11, v18;
	[tilespmem:s24+$0xE0] =	vst v5  }
0x147: {  	v10 =	vld.idx.msk [tilespmem:v11+s17+$0x0], $0xffff;
	v11 =	vor.u32 s7, v18;
	[tilespmem:s28+$0x120] =	vst v2  }
0x148: {  	[tilespmem:s26+$0xFFFFFE20] =	vst v0;
	v0 =	vmul.f32 v0, v0;
	v2 =	vld.idx.msk [tilespmem:v39+s17+$0x0], $0xffff  }
0x149: {  	s7 =	sadd.s32 $0xFFFFFFFE, s16;
	[tilespmem:s26+$0x20] =	vst v9;
	v9 =	vmul.f32 v9, v9  }
0x14a: {  	[tilespmem:s28+$0xFFFFFE20] =	vst v0;
	v0 =	vor.u32 s7, v7  }
0x14b: {  	v8 =	vld.idx.msk [tilespmem:v8+s17+$0x0], $0xffff;
	[tilespmem:s28+$0x20] =	vst v9;
	v0 =	vand.u32 $0x3F8, v0  }
0x14c: {  	s7 =	sadd.s32 $0xFFFFFFF2, s16;
	v9 =	vld.idx.msk [tilespmem:v11+s17+$0x0], $0xffff;
	v11 =	vor.u32 v51, v0;
	[tilespmem:s24+$0xFFFFFFB0] =	vst v4  }
0x14d: {  	v12 =	vor.u32 s7, v7;
	s7 =	sadd.s32 $0xFFFFFFFA, s16;
	[tilespmem:s26+$0xFFFFFF10] =	vst v10;
	v10 =	vmul.f32 v10, v10  }
0x14e: {  	v12 =	vand.u32 $0x3F0, v12;
	v13 =	vor.u32 s7, v7;
	s7 =	sadd.s32 $0xFFFFFFF8, s15;
	[tilespmem:s26+$0x130] =	vst v2;
	v2 =	vmul.f32 v2, v2  }
0x14f: {  	v14 =	vor.u32 v19, v12;
	[tilespmem:s28+$0xFFFFFF10] =	vst v10;
	v10 =	vand.u32 $0x3F8, v13;
	v13 =	vor.u32 s7, v7  }
0x150: {  	v39 =	vld.idx.msk [tilespmem:v40+s17+$0x0], $0xffff;
	v40 =	vor.u32 v19, v10;
	[tilespmem:s28+$0x130] =	vst v2;
	v2 =	vand.u32 $0x3F0, v13  }
0x151: {  	[tilespmem:s26+$0xFFFFFE30] =	vst v8;
	v8 =	vmul.f32 v8, v8;
	v11 =	vld.idx.msk [tilespmem:v11+s17+$0x0], $0xffff;
	v13 =	vor.u32 v32, v2  }
0x152: {  	[tilespmem:s26+$0x30] =	vst v9;
	v9 =	vmul.f32 v9, v9  }
0x153: {  	v4 =	vmul.f32 v4, v4;
	[tilespmem:s28+$0xFFFFFE30] =	vst v8  }
0x154: {  	v6 =	vor.u32 v50, v6;
	v8 =	vld.idx.msk [tilespmem:v14+s17+$0x0], $0xffff;
	[tilespmem:s28+$0x30] =	vst v9  }
0x155: {  	v14 =	vor.u32 v52, v0;
	v9 =	vld.idx.msk [tilespmem:v40+s17+$0x0], $0xffff;
	[tilespmem:s23+$0xFFFFFFB0] =	vst v4  }
0x156: {  	v4 =	vmul.f32 v39, v39;
	[tilespmem:s26+$0xFFFFFF20] =	vst v39;
	v13 =	vld.idx.msk [tilespmem:v13+s17+$0x0], $0xffff  }
0x157: {  	[tilespmem:s26+$0x140] =	vst v11;
	v11 =	vmul.f32 v11, v11  }
0x158: {  	v39 =	vor.u32 v20, v12;
	[tilespmem:s28+$0xFFFFFF20] =	vst v4  }
0x159: {  	v4 =	vld.idx.msk [tilespmem:v6+s17+$0x0], $0xffff;
	v6 =	vor.u32 v20, v10;
	[tilespmem:s28+$0x140] =	vst v11  }
0x15a: {  	s7 =	sadd.s32 $0xFFFFFFF6, s16;
	[tilespmem:s26+$0xFFFFFE40] =	vst v8;
	v8 =	vmul.f32 v8, v8;
	v11 =	vld.idx.msk [tilespmem:v14+s17+$0x0], $0xffff  }
0x15b: {  	v14 =	vor.u32 s7, v7;
	[tilespmem:s26+$0x40] =	vst v9;
	v9 =	vmul.f32 v9, v9  }
0x15c: {  	[tilespmem:s28+$0xFFFFFE40] =	vst v8;
	v8 =	vand.u32 $0x3F0, v14  }
0x15d: {  	v14 =	vld.idx.msk [tilespmem:v39+s17+$0x0], $0xffff;
	v39 =	vor.u32 v51, v8;
	[tilespmem:s28+$0x40] =	vst v9  }
0x15e: {  	v9 =	vor.u32 v53, v0;
	v6 =	vld.idx.msk [tilespmem:v6+s17+$0x0], $0xffff;
	[tilespmem:s24+$0xFFFFFFC0] =	vst v13  }
0x15f: {  	[tilespmem:s26+$0xFFFFFF30] =	vst v4;
	v4 =	vmul.f32 v4, v4  }
0x160: {  	[tilespmem:s26+$0x150] =	vst v11;
	v11 =	vmul.f32 v11, v11  }
0x161: {  	v40 =	vor.u32 v21, v12;
	[tilespmem:s28+$0xFFFFFF30] =	vst v4  }
0x162: {  	v4 =	vld.idx.msk [tilespmem:v39+s17+$0x0], $0xffff;
	v39 =	vor.u32 v21, v10;
	[tilespmem:s28+$0x150] =	vst v11  }
0x163: {  	v11 =	vmul.f32 v14, v14;
	[tilespmem:s26+$0xFFFFFE50] =	vst v14;
	v9 =	vld.idx.msk [tilespmem:v9+s17+$0x0], $0xffff;
	v14 =	vor.u32 v33, v2  }
0x164: {  	[tilespmem:s26+$0x50] =	vst v6;
	v6 =	vmul.f32 v6, v6  }
0x165: {  	[tilespmem:s28+$0xFFFFFE50] =	vst v11;
	v11 =	vmul.f32 v13, v13  }
0x166: {  	v13 =	vld.idx.msk [tilespmem:v40+s17+$0x0], $0xffff;
	v40 =	vor.u32 v52, v8;
	[tilespmem:s28+$0x50] =	vst v6  }
0x167: {  	v0 =	vor.u32 v27, v0;
	v6 =	vld.idx.msk [tilespmem:v39+s17+$0x0], $0xffff;
	[tilespmem:s23+$0xFFFFFFC0] =	vst v11  }
0x168: {  	[tilespmem:s26+$0xFFFFFF40] =	vst v4;
	v4 =	vmul.f32 v4, v4;
	v11 =	vld.idx.msk [tilespmem:v14+s17+$0x0], $0xffff  }
0x169: {  	[tilespmem:s26+$0x160] =	vst v9;
	v9 =	vmul.f32 v9, v9  }
0x16a: {  	v12 =	vor.u32 v22, v12;
	[tilespmem:s28+$0xFFFFFF40] =	vst v4  }
0x16b: {  	v10 =	vor.u32 v22, v10;
	v4 =	vld.idx.msk [tilespmem:v40+s17+$0x0], $0xffff;
	[tilespmem:s28+$0x160] =	vst v9  }
0x16c: {  	v9 =	vmul.f32 v13, v13;
	[tilespmem:s26+$0xFFFFFE60] =	vst v13;
	v0 =	vld.idx.msk [tilespmem:v0+s17+$0x0], $0xffff;
	v13 =	vor.u32 v34, v2  }
0x16d: {  	s7 =	sadd.s32 $0xFFFFFFFF, s16;
	[tilespmem:s26+$0x60] =	vst v6;
	v6 =	vmul.f32 v6, v6  }
0x16e: {  	v14 =	vor.u32 s7, v7;
	[tilespmem:s24+$0xFFFFFFD0] =	vst v11;
	v11 =	vmul.f32 v11, v11  }
0x16f: {  	v14 =	vand.u32 $0x3F8, v14;
	[tilespmem:s28+$0xFFFFFE60] =	vst v9;
	v9 =	vor.u32 v53, v8  }
0x170: {  	v39 =	vor.u32 v28, v14;
	v12 =	vld.idx.msk [tilespmem:v12+s17+$0x0], $0xffff;
	[tilespmem:s23+$0xFFFFFFD0] =	vst v11  }
0x171: {  	[tilespmem:s26+$0xFFFFFF50] =	vst v4;
	v4 =	vmul.f32 v4, v4;
	v11 =	vld.idx.msk [tilespmem:v13+s17+$0x0], $0xffff  }
0x172: {  	[tilespmem:s26+$0x170] =	vst v0;
	v0 =	vmul.f32 v0, v0  }
0x173: {  	[tilespmem:s28+$0xFFFFFF50] =	vst v4  }
0x174: {  	v4 =	vld.idx.msk [tilespmem:v9+s17+$0x0], $0xffff;
	[tilespmem:s28+$0x170] =	vst v0  }
0x175: {  	s7 =	sadd.s32 $0xFFFFFFF3, s16;
	[tilespmem:s28+$0x60] =	vst v6;
	v0 =	vld.idx.msk [tilespmem:v39+s17+$0x0], $0xffff;
	v6 =	vor.u32 v35, v2  }
0x176: {  	v9 =	vmul.f32 v12, v12;
	v2 =	vor.u32 s7, v7;
	[tilespmem:s26+$0xFFFFFE70] =	vst v12;
	v12 =	vor.u32 v46, v37  }
0x177: {  	v2 =	vand.u32 $0x3F0, v2;
	[tilespmem:s24+$0xFFFFFFE0] =	vst v11;
	v11 =	vmul.f32 v11, v11  }
0x178: {  	v5 =	vmul.f32 v5, v5;
	[tilespmem:s28+$0xFFFFFE70] =	vst v9;
	v9 =	vor.u32 v23, v2  }
0x179: {  	v8 =	vor.u32 v27, v8;
	v10 =	vld.idx.msk [tilespmem:v10+s17+$0x0], $0xffff;
	[tilespmem:s23+$0xFFFFFFE0] =	vst v11  }
0x17a: {  	v13 =	vor.u32 v29, v14;
	s7 =	sadd.s32 $0xFFFFFFFB, s16;
	v11 =	vmul.f32 v4, v4;
	v6 =	vld.idx.msk [tilespmem:v6+s17+$0x0], $0xffff;
	[tilespmem:s23+$0xE0] =	vst v5  }
0x17b: {  	v5 =	vmul.f32 v0, v0;
	[tilespmem:s26+$0xFFFFFF60] =	vst v4;
	v4 =	vor.u32 s7, v7;
	v12 =	vld.idx.msk [tilespmem:v12+s17+$0x0], $0xffff  }
0x17c: {  	v37 =	vand.u32 $0x3F8, v4;
	[tilespmem:s26+$0x180] =	vst v0  }
0x17d: {  	v0 =	vld.idx.msk [tilespmem:v9+s17+$0x0], $0xffff;
	[tilespmem:s28+$0xFFFFFF60] =	vst v11;
	v4 =	vor.u32 v23, v37  }
0x17e: {  	v8 =	vld.idx.msk [tilespmem:v8+s17+$0x0], $0xffff;
	[tilespmem:s28+$0x180] =	vst v5  }
0x17f: {  	v5 =	vmul.f32 v10, v10;
	[tilespmem:s26+$0x70] =	vst v10;
	v9 =	vld.idx.msk [tilespmem:v13+s17+$0x0], $0xffff  }
0x180: {  	v11 =	vmul.f32 v6, v6;
	[tilespmem:s24+$0xFFFFFFF0] =	vst v6  }
0x181: {  	v6 =	vor.u32 v24, v2;
	[tilespmem:s28+$0x70] =	vst v5;
	v5 =	vmul.f32 v12, v12  }
0x182: {  	v10 =	vld.idx.msk [tilespmem:v4+s17+$0x0], $0xffff;
	[tilespmem:s24+$0xF0] =	vst v12  }
0x183: {  	[tilespmem:s26+$0xFFFFFE80] =	vst v0;
	v0 =	vmul.f32 v0, v0  }
0x184: {  	v12 =	vor.u32 v30, v14;
	[tilespmem:s26+$0xFFFFFF70] =	vst v8;
	v8 =	vmul.f32 v8, v8  }
0x185: {  	s7 =	sadd.s32 $0xFFFFFFF4, s15;
	s15 =	smov.u32 s16;
	[tilespmem:s28+$0xFFFFFE80] =	vst v0  }
0x186: {  	v4 =	vmul.f32 v9, v9;
	v0 =	vld.idx.msk [tilespmem:v6+s17+$0x0], $0xffff;
	v6 =	vor.u32 v24, v37;
	[tilespmem:s26+$0x190] =	vst v9;
	v9 =	vor.u32 s7, v7  }
0x187: {  	s7 =	sadd.s32 $0xFFFFFFF7, s16;
	v13 =	vand.u32 $0x3F0, v9;
	[tilespmem:s23+$0xF0] =	vst v5  }
0x188: {  	v5 =	vor.u32 s7, v7;
	v9 =	vmul.f32 v10, v10;
	[tilespmem:s28+$0x190] =	vst v4;
	v39 =	vor.u32 v43, v13  }
0x189: {  	v4 =	vand.u32 $0x3F0, v5;
	[tilespmem:s26+$0x80] =	vst v10;
	v5 =	vld.idx.msk [tilespmem:v12+s17+$0x0], $0xffff  }
0x18a: {  	v10 =	vor.u32 v28, v4;
	[tilespmem:s28+$0x80] =	vst v9;
	v9 =	vmul.f32 v1, v1  }
0x18b: {  	v6 =	vld.idx.msk [tilespmem:v6+s17+$0x0], $0xffff;
	[tilespmem:s24+$0xFFFFFEB0] =	vst v1  }
0x18c: {  	v1 =	vor.u32 v25, v2;
	[tilespmem:s23+$0xFFFFFEB0] =	vst v9  }
0x18d: {  	v9 =	vor.u32 v31, v14;
	[tilespmem:s26+$0xFFFFFE90] =	vst v0;
	v12 =	vld.idx.msk [tilespmem:v39+s17+$0x0], $0xffff  }
0x18e: {  	v0 =	vmul.f32 v0, v0;
	[tilespmem:s28+$0xFFFFFF70] =	vst v8  }
0x18f: {  	v14 =	vmul.f32 v5, v5;
	v8 =	vld.idx.msk [tilespmem:v10+s17+$0x0], $0xffff;
	v10 =	vor.u32 v25, v37;
	[tilespmem:s26+$0x1A0] =	vst v5  }
0x190: {  	[tilespmem:s28+$0xFFFFFE90] =	vst v0  }
0x191: {  	v0 =	vmul.f32 v6, v6;
	v5 =	vld.idx.msk [tilespmem:v1+s17+$0x0], $0xffff;
	[tilespmem:s28+$0x1A0] =	vst v14;
	v1 =	vor.u32 v44, v13  }
0x192: {  	[tilespmem:s26+$0x90] =	vst v6;
	v6 =	vld.idx.msk [tilespmem:v9+s17+$0x0], $0xffff  }
0x193: {  	[tilespmem:s28+$0x90] =	vst v0;
	v0 =	vmul.f32 v12, v12  }
0x194: {  	v9 =	vld.idx.msk [tilespmem:v10+s17+$0x0], $0xffff;
	v10 =	vor.u32 s16, v7;
	[tilespmem:s24+$0xFFFFFEC0] =	vst v12  }
0x195: {  	v12 =	vand.u32 $0x3F8, v10;
	[tilespmem:s23+$0xFFFFFEC0] =	vst v0  }
0x196: {  	[tilespmem:s26+$0xFFFFFF80] =	vst v8;
	v0 =	vor.u32 v32, v12;
	v1 =	vld.idx.msk [tilespmem:v1+s17+$0x0], $0xffff  }
0x197: {  	[tilespmem:s26+$0xFFFFFEA0] =	vst v5  }
0x198: {  	v10 =	vor.u32 v26, v37;
	[tilespmem:s26+$0x1B0] =	vst v6;
	v6 =	vmul.f32 v6, v6  }
0x199: {  	[tilespmem:s24+$0x1E0] =	vst v38  }
0x19a: {  	v37 =	vor.u32 v45, v13;
	v14 =	vmul.f32 v9, v9;
	[tilespmem:s28+$0x1B0] =	vst v6  }
0x19b: {  	[tilespmem:s26+$0xA0] =	vst v9;
	v39 =	vld.idx.msk [tilespmem:v0+s17+$0x0], $0xffff  }
0x19c: {  	v0 =	vor.u32 v29, v4;
	v6 =	vmul.f32 v1, v1;
	[tilespmem:s28+$0xA0] =	vst v14  }
0x19d: {  	v10 =	vld.idx.msk [tilespmem:v10+s17+$0x0], $0xffff;
	[tilespmem:s24+$0xFFFFFED0] =	vst v1  }
0x19e: {  	s7 =	sadd.s32 $0xFFFFFFFC, s16;
	v8 =	vmul.f32 v8, v8;
	v14 =	vor.u32 v35, v36;
	v36 =	vmov v12;
	[tilespmem:s23+$0xFFFFFED0] =	vst v6  }
.Ltmp2:
0x19f: {  	v9 =	vor.u32 s7, v7;
	v6 =	vor.u32 v33, v36;
	v1 =	vld.idx.msk [tilespmem:v37+s17+$0x0], $0xffff;
	[tilespmem:s23+$0xFFFFFFF0] =	vst v11;
	(pc) =	sbr.rel @p0 .LBB2_6-.Ltmp2, $4  }
0x1a0: {  	v37 =	vand.u32 $0x3F8, v9;
	[tilespmem:s28+$0xFFFFFF80] =	vst v8;
	v8 =	vmul.f32 v38, v38  }
0x1a1: {  	v12 =	vmul.f32 v39, v39;
	v9 =	vld.idx.msk [tilespmem:v0+s17+$0x0], $0xffff;
	v0 =	vor.u32 v43, v37;
	[tilespmem:s26+$0x1C0] =	vst v39  }
0x1a2: {  	[tilespmem:s23+$0x1E0] =	vst v8  }
0x1a3: {  	s16 =	sadd.s32 $0x10, s16;
	v38 =	vor.u32 v46, v13;
	v11 =	vmul.f32 v10, v10;
	[tilespmem:s28+$0x1C0] =	vst v12;
	v8 =	vld.idx.msk [tilespmem:v14+s17+$0x0], $0xffff  }
0x1a4: {  	v12 =	vor.u32 v30, v4;
	_ =	sdelay $0x1  }
0x1a5: {  	v13 =	vmul.f32 v9, v9  }
0x1a6: {  	[tilespmem:s26+$0xFFFFFF90] =	vst v9  }
0x1a7: {  	[tilespmem:s28+$0xFFFFFF90] =	vst v13  }
0x1a8: {  	v9 =	vld.idx.msk [tilespmem:v12+s17+$0x0], $0xffff;
	_ =	sdelay $0x2  }
0x1a9: {  	v4 =	vor.u32 v31, v4;
	_ =	sdelay $0x1  }
0x1aa: {  	v12 =	vmul.f32 v9, v9  }
0x1ab: {  	[tilespmem:s26+$0xFFFFFFA0] =	vst v9  }
0x1ac: {  	[tilespmem:s28+$0xFFFFFFA0] =	vst v12  }
0x1ad: {  	v2 =	vor.u32 v26, v2;
	s6 =	sadd.s32 $0xFFFFFFF8, s15;
	v4 =	vld.idx.msk [tilespmem:v4+s17+$0x0], $0xffff  }
0x1ae: {  	v9 =	vor.u32 s6, v7  }
0x1af: {  	[tilespmem:s26+$0xB0] =	vst v10;
	v5 =	vmul.f32 v5, v5;
	v9 =	vand.u32 $0x3F0, v9  }
0x1b0: {  	[tilespmem:s28+$0xB0] =	vst v11;
	v10 =	vor.u32 v32, v9  }
0x1b1: {  	v0 =	vld.idx.msk [tilespmem:v0+s17+$0x0], $0xffff;
	[tilespmem:s28+$0xFFFFFEA0] =	vst v5  }
0x1b2: {  	s13 =	sadd.s32 $0xFFFFFFF4, s15;
	v2 =	vld.idx.msk [tilespmem:v2+s17+$0x0], $0xffff;
	v5 =	vmul.f32 v4, v4  }
0x1b3: {  	[tilespmem:s26+$0xFFFFFFB0] =	vst v4;
	v4 =	vor.u32 s13, v7  }
0x1b4: {  	v11 =	vor.u32 v44, v37;
	v4 =	vand.u32 $0x3F0, v4;
	[tilespmem:s28+$0xFFFFFFB0] =	vst v5  }
0x1b5: {  	[tilespmem:s24+$0xFFFFFEE0] =	vst v1;
	v12 =	vor.u32 v43, v4;
	v10 =	vld.idx.msk [tilespmem:v10+s17+$0x0], $0xffff  }
0x1b6: {  	[tilespmem:s26+$0xC0] =	vst v0;
	v5 =	vmul.f32 v0, v0  }
0x1b7: {  	[tilespmem:s26+$0xFFFFFEB0] =	vst v2;
	v0 =	vmul.f32 v2, v2  }
0x1b8: {  	v1 =	vmul.f32 v1, v1;
	[tilespmem:s28+$0xC0] =	vst v5;
	v5 =	vld.idx.msk [tilespmem:v6+s17+$0x0], $0xffff;
	v6 =	vor.u32 v33, v9  }
0x1b9: {  	[tilespmem:s28+$0xFFFFFEB0] =	vst v0;
	v2 =	vld.idx.msk [tilespmem:v11+s17+$0x0], $0xffff  }
0x1ba: {  	[tilespmem:s23+$0xFFFFFEE0] =	vst v1;
	v1 =	vld.idx.msk [tilespmem:v12+s17+$0x0], $0xffff;
	v0 =	vmul.f32 v10, v10  }
0x1bb: {  	[tilespmem:s26+$0xFFFFFFC0] =	vst v10  }
0x1bc: {  	[tilespmem:s28+$0xFFFFFFC0] =	vst v0  }
0x1bd: {  	[tilespmem:s24+$0x1F0] =	vst v8;
	v0 =	vld.idx.msk [tilespmem:v6+s17+$0x0], $0xffff;
	v6 =	vor.u32 v44, v4  }
0x1be: {  	[tilespmem:s26+$0x1D0] =	vst v5  }
0x1bf: {  	v10 =	vor.u32 v45, v37;
	[tilespmem:s26+$0xD0] =	vst v2;
	v11 =	vmul.f32 v1, v1  }
0x1c0: {  	v13 =	vor.u32 v34, v9;
	v12 =	vld.idx.msk [tilespmem:v38+s17+$0x0], $0xffff;
	v2 =	vmul.f32 v2, v2;
	[tilespmem:s26+$0xFFFFFEC0] =	vst v1  }
0x1c1: {  	[tilespmem:s28+$0xFFFFFEC0] =	vst v11  }
0x1c2: {  	[tilespmem:s28+$0xD0] =	vst v2;
	v1 =	vmul.f32 v0, v0;
	v2 =	vld.idx.msk [tilespmem:v6+s17+$0x0], $0xffff  }
0x1c3: {  	v5 =	vmul.f32 v5, v5;
	v6 =	vor.u32 v34, v36;
	[tilespmem:s26+$0xFFFFFFD0] =	vst v0  }
0x1c4: {  	v0 =	vld.idx.msk [tilespmem:v10+s17+$0x0], $0xffff;
	[tilespmem:s28+$0xFFFFFFD0] =	vst v1  }
0x1c5: {  	[tilespmem:s28+$0x1D0] =	vst v5;
	v10 =	vor.u32 v45, v4;
	v1 =	vmul.f32 v12, v12;
	v5 =	vld.idx.msk [tilespmem:v13+s17+$0x0], $0xffff  }
0x1c6: {  	[tilespmem:s24+$0xFFFFFEF0] =	vst v12  }
0x1c7: {  	[tilespmem:s23+$0xFFFFFEF0] =	vst v1;
	v1 =	vmul.f32 v2, v2  }
0x1c8: {  	v6 =	vld.idx.msk [tilespmem:v6+s17+$0x0], $0xffff;
	[tilespmem:s26+$0xFFFFFED0] =	vst v2  }
0x1c9: {  	v2 =	vor.u32 v46, v37;
	[tilespmem:s28+$0xFFFFFED0] =	vst v1  }
0x1ca: {  	v9 =	vor.u32 v35, v9;
	[tilespmem:s26+$0xE0] =	vst v0;
	v1 =	vmul.f32 v5, v5;
	v10 =	vld.idx.msk [tilespmem:v10+s17+$0x0], $0xffff  }
0x1cb: {  	v0 =	vmul.f32 v0, v0;
	[tilespmem:s26+$0xFFFFFFE0] =	vst v5  }
0x1cc: {  	[tilespmem:s28+$0xFFFFFFE0] =	vst v1;
	v1 =	vor.u32 v35, v36  }
0x1cd: {  	v4 =	vor.u32 v46, v4;
	[tilespmem:s28+$0xE0] =	vst v0;
	v0 =	vmul.f32 v6, v6  }
0x1ce: {  	v2 =	vld.idx.msk [tilespmem:v2+s17+$0x0], $0xffff;
	[tilespmem:s26+$0x1E0] =	vst v6  }
0x1cf: {  	v5 =	vld.idx.msk [tilespmem:v9+s17+$0x0], $0xffff;
	[tilespmem:s28+$0x1E0] =	vst v0;
	v0 =	vmul.f32 v10, v10  }
0x1d0: {  	v6 =	vmul.f32 v8, v8;
	[tilespmem:s26+$0xFFFFFEE0] =	vst v10  }
0x1d1: {  	v1 =	vld.idx.msk [tilespmem:v1+s17+$0x0], $0xffff;
	[tilespmem:s28+$0xFFFFFEE0] =	vst v0  }
0x1d2: {  	[tilespmem:s23+$0x1F0] =	vst v6;
	v0 =	vld.idx.msk [tilespmem:v4+s17+$0x0], $0xffff  }
0x1d3: {  	[tilespmem:s26+$0xF0] =	vst v2;
	v4 =	vmul.f32 v2, v2  }
0x1d4: {  	[tilespmem:s26+$0xFFFFFFF0] =	vst v5;
	v5 =	vmul.f32 v5, v5  }
0x1d5: {  	[tilespmem:s28+$0xF0] =	vst v4  }
0x1d6: {  	[tilespmem:s28+$0xFFFFFFF0] =	vst v5  }
0x1d7: {  	[tilespmem:s26+$0x1F0] =	vst v1;
	v2 =	vmul.f32 v0, v0  }
0x1d8: {  	[tilespmem:s26+$0xFFFFFEF0] =	vst v0;
	v0 =	vmul.f32 v1, v1  }
0x1d9: {  	[tilespmem:s28+$0xFFFFFEF0] =	vst v2  }
0x1da: {  	s15 =	simm.s32 $0x8;
	s7 =	simm.s32 $0x8200;
	s16 =	simm.s32 $0x0;
	v36 =	vor.u32 $0x2000, v15;
	[tilespmem:s28+$0x1F0] =	vst v0  }
0x1db: {  	v0 =	vor.u32 s15, v36;
	[spmem:s1] =	stream.indirect.scatter.add.f32 [tilespmem:s7], [sflag:$0x3], $0x40, s5, s22, $0xb8;
	[tilespmem:$0x14A00] =	vst v63  }
0x1dc: {  	s11 =	simm.s32 $0xC200;
	s23 =	simm.s32 $0x4;
	v1 =	vor.u32 s16, v36  }
0x1dd: {  	[spmem:s3] =	stream.indirect.scatter.add.f32 [tilespmem:s11], [sflag:$0x3], $0x40, s5, s22, $0xb8;
	[tilespmem:$0x14A00] =	vst v63  }
0x1de: {  	v2 =	vor.u32 s23, v7  }
0x1df: {  	v37 =	vor.u32 $0x2004, v3;
	v2 =	vand.u32 $0x3F0, v2;
	[spmem:s4] =	stream.indirect.scatter.add.f32 [tilespmem:s25], [sflag:$0x2], $0x10, s5, s22, $0xb8;
	[tilespmem:$0x14A00] =	vst v63  }
0x1e0: {  	v4 =	vor.u32 v37, v2;
	v0 =	vld.idx.msk [tilespmem:v0+s17+$0x0], $0xffff  }
0x1e1: {  	v1 =	vld.idx.msk [tilespmem:v1+s17+$0x0], $0xffff  }
0x1e2: {  	v38 =	vor.u32 $0x2800, v15  }
0x1e3: {  	s24 =	simm.s32 $0xC;
	v5 =	vor.u32 s15, v38  }
0x1e4: {  	v8 =	vor.u32 s16, v38;
	v6 =	vor.u32 s24, v7;
	s23 =	simm.s32 $0xA400  }
0x1e5: {  	v6 =	vand.u32 $0x3F8, v6;
	v4 =	vld.idx.msk [tilespmem:v4+s17+$0x0], $0xffff;
	v9 =	vmul.f32 v0, v0;
	[tilespmem:s23+$0x0] =	vst v0  }
0x1e6: {  	s24 =	simm.s32 $0xE400;
	v0 =	vor.u32 v37, v6;
	v10 =	vmul.f32 v1, v1;
	[tilespmem:s23+$0xFFFFFE00] =	vst v1  }
0x1e7: {  	v39 =	vor.u32 $0x2804, v3;
	[tilespmem:s24+$0x0] =	vst v9  }
0x1e8: {  	[tilespmem:s24+$0xFFFFFE00] =	vst v10;
	v1 =	vld.idx.msk [tilespmem:v5+s17+$0x0], $0xffff;
	v5 =	vor.u32 v39, v2  }
0x1e9: {  	v8 =	vld.idx.msk [tilespmem:v8+s17+$0x0], $0xffff  }
0x1ea: {  	v40 =	vor.u32 $0x3000, v15;
	v9 =	vmul.f32 v4, v4  }
0x1eb: {  	[tilespmem:s23+$0xFFFFFF00] =	vst v4;
	v10 =	vor.u32 s15, v40;
	v0 =	vld.idx.msk [tilespmem:v0+s17+$0x0], $0xffff  }
0x1ec: {  	v4 =	vor.u32 s16, v40;
	[tilespmem:s24+$0xFFFFFF00] =	vst v9  }
0x1ed: {  	v9 =	vmul.f32 v1, v1;
	v5 =	vld.idx.msk [tilespmem:v5+s17+$0x0], $0xffff;
	[tilespmem:s23+$0x10] =	vst v1  }
0x1ee: {  	v1 =	vmul.f32 v8, v8;
	[tilespmem:s23+$0xFFFFFE10] =	vst v8  }
0x1ef: {  	[tilespmem:s24+$0x10] =	vst v9;
	v9 =	vor.u32 v39, v6  }
0x1f0: {  	v41 =	vor.u32 $0x3004, v3;
	[tilespmem:s24+$0xFFFFFE10] =	vst v1;
	v8 =	vld.idx.msk [tilespmem:v10+s17+$0x0], $0xffff;
	v10 =	vmul.f32 v0, v0  }
0x1f1: {  	v11 =	vor.u32 v41, v2;
	[tilespmem:s23+$0x100] =	vst v0;
	v0 =	vld.idx.msk [tilespmem:v4+s17+$0x0], $0xffff  }
0x1f2: {  	v42 =	vor.u32 $0x3800, v15;
	[tilespmem:s24+$0x100] =	vst v10;
	v1 =	vmul.f32 v5, v5  }
0x1f3: {  	v4 =	vor.u32 s15, v42;
	[tilespmem:s23+$0xFFFFFF10] =	vst v5  }
0x1f4: {  	v5 =	vld.idx.msk [tilespmem:v9+s17+$0x0], $0xffff;
	[tilespmem:s24+$0xFFFFFF10] =	vst v1;
	v1 =	vor.u32 s16, v42  }
0x1f5: {  	v9 =	vmul.f32 v8, v8;
	[tilespmem:s23+$0x20] =	vst v8  }
0x1f6: {  	v10 =	vld.idx.msk [tilespmem:v11+s17+$0x0], $0xffff;
	v8 =	vmul.f32 v0, v0;
	[tilespmem:s23+$0xFFFFFE20] =	vst v0  }
0x1f7: {  	[tilespmem:s24+$0x20] =	vst v9  }
0x1f8: {  	v43 =	vor.u32 $0x3804, v3;
	v9 =	vor.u32 v41, v6;
	[tilespmem:s24+$0xFFFFFE20] =	vst v8;
	v0 =	vld.idx.msk [tilespmem:v4+s17+$0x0], $0xffff  }
0x1f9: {  	s26 =	simm.s32 $0x1;
	v2 =	vor.u32 v43, v2;
	v4 =	vmul.f32 v5, v5;
	v1 =	vld.idx.msk [tilespmem:v1+s17+$0x0], $0xffff  }
0x1fa: {  	v44 =	vor.u32 $0x2001, v3;
	s7 =	simm.s32 $0x9;
	v8 =	vor.u32 s26, v7;
	[tilespmem:s23+$0x110] =	vst v5  }
0x1fb: {  	v5 =	vmul.f32 v10, v10;
	[tilespmem:s24+$0x110] =	vst v4;
	v4 =	vand.u32 $0x3F0, v8;
	v8 =	vor.u32 s7, v7  }
0x1fc: {  	[tilespmem:s23+$0xFFFFFF20] =	vst v10;
	v10 =	vor.u32 v44, v4;
	v8 =	vand.u32 $0x3F8, v8  }
0x1fd: {  	v9 =	vld.idx.msk [tilespmem:v9+s17+$0x0], $0xffff;
	[tilespmem:s24+$0xFFFFFF20] =	vst v5;
	v5 =	vor.u32 v44, v8  }
0x1fe: {  	s11 =	simm.s32 $0x5;
	v2 =	vld.idx.msk [tilespmem:v2+s17+$0x0], $0xffff;
	[tilespmem:s23+$0x30] =	vst v0;
	v11 =	vmul.f32 v1, v1  }
0x1ff: {  	v12 =	vor.u32 s11, v7;
	v0 =	vmul.f32 v0, v0;
	[tilespmem:s23+$0xFFFFFE30] =	vst v1  }
0x200: {  	v45 =	vor.u32 $0x2005, v3;
	v6 =	vor.u32 v43, v6;
	v1 =	vand.u32 $0x3F0, v12;
	[tilespmem:s24+$0xFFFFFE30] =	vst v11  }
0x201: {  	[tilespmem:s24+$0x30] =	vst v0;
	v11 =	vor.u32 v45, v1;
	v10 =	vld.idx.msk [tilespmem:v10+s17+$0x0], $0xffff  }
0x202: {  	v12 =	vmul.f32 v9, v9;
	[tilespmem:s23+$0x120] =	vst v9;
	v0 =	vld.idx.msk [tilespmem:v5+s17+$0x0], $0xffff  }
0x203: {  	v46 =	vor.u32 $0x2801, v3;
	v5 =	vmul.f32 v2, v2;
	[tilespmem:s23+$0xFFFFFF30] =	vst v2  }
0x204: {  	v9 =	vor.u32 v46, v4;
	[tilespmem:s24+$0x120] =	vst v12  }
0x205: {  	s12 =	simm.s32 $0xD;
	v2 =	vor.u32 v46, v8;
	v6 =	vld.idx.msk [tilespmem:v6+s17+$0x0], $0xffff;
	[tilespmem:s24+$0xFFFFFF30] =	vst v5  }
0x206: {  	v5 =	vor.u32 s12, v7;
	v11 =	vld.idx.msk [tilespmem:v11+s17+$0x0], $0xffff;
	[tilespmem:s23+$0xFFFFFE40] =	vst v10;
	v10 =	vmul.f32 v10, v10  }
0x207: {  	v5 =	vand.u32 $0x3F8, v5;
	[tilespmem:s23+$0x40] =	vst v0;
	v0 =	vmul.f32 v0, v0  }
0x208: {  	v47 =	vor.u32 $0x2805, v3;
	v12 =	vor.u32 v45, v5;
	[tilespmem:s24+$0xFFFFFE40] =	vst v10  }
0x209: {  	v10 =	vor.u32 v47, v1;
	v9 =	vld.idx.msk [tilespmem:v9+s17+$0x0], $0xffff;
	[tilespmem:s24+$0x40] =	vst v0  }
0x20a: {  	v13 =	vmul.f32 v6, v6;
	[tilespmem:s23+$0x130] =	vst v6;
	v0 =	vld.idx.msk [tilespmem:v2+s17+$0x0], $0xffff  }
0x20b: {  	v2 =	vmul.f32 v11, v11;
	[tilespmem:s23+$0xFFFFFF40] =	vst v11  }
0x20c: {  	v48 =	vor.u32 $0x3001, v3;
	[tilespmem:s24+$0x130] =	vst v13  }
0x20d: {  	v11 =	vor.u32 v48, v8;
	v6 =	vld.idx.msk [tilespmem:v12+s17+$0x0], $0xffff;
	[tilespmem:s24+$0xFFFFFF40] =	vst v2  }
0x20e: {  	v2 =	vor.u32 v48, v4;
	v10 =	vld.idx.msk [tilespmem:v10+s17+$0x0], $0xffff  }
0x20f: {  	[tilespmem:s23+$0xFFFFFE50] =	vst v9;
	v12 =	vmul.f32 v0, v0  }
0x210: {  	v49 =	vor.u32 $0x3005, v3;
	[tilespmem:s23+$0x50] =	vst v0;
	v0 =	vmul.f32 v9, v9  }
0x211: {  	v9 =	vor.u32 v49, v1;
	[tilespmem:s24+$0x50] =	vst v12  }
0x212: {  	[tilespmem:s24+$0xFFFFFE50] =	vst v0;
	v0 =	vld.idx.msk [tilespmem:v11+s17+$0x0], $0xffff  }
0x213: {  	v12 =	vor.u32 v47, v5;
	[tilespmem:s23+$0x140] =	vst v6;
	v11 =	vmul.f32 v10, v10;
	v2 =	vld.idx.msk [tilespmem:v2+s17+$0x0], $0xffff  }
0x214: {  	v6 =	vmul.f32 v6, v6;
	[tilespmem:s23+$0xFFFFFF50] =	vst v10  }
0x215: {  	v50 =	vor.u32 $0x3801, v3;
	[tilespmem:s24+$0xFFFFFF50] =	vst v11  }
0x216: {  	v4 =	vor.u32 v50, v4;
	[tilespmem:s24+$0x140] =	vst v6;
	v6 =	vld.idx.msk [tilespmem:v9+s17+$0x0], $0xffff  }
0x217: {  	v8 =	vor.u32 v50, v8  }
0x218: {  	v51 =	vor.u32 $0x3805, v3;
	v9 =	vld.idx.msk [tilespmem:v12+s17+$0x0], $0xffff;
	[tilespmem:s23+$0x60] =	vst v0;
	v10 =	vmul.f32 v2, v2  }
0x219: {  	v1 =	vor.u32 v51, v1;
	v0 =	vmul.f32 v0, v0;
	[tilespmem:s23+$0xFFFFFE60] =	vst v2  }
0x21a: {  	[tilespmem:s24+$0xFFFFFE60] =	vst v10  }
0x21b: {  	s13 =	simm.s32 $0x2;
	v2 =	vor.u32 v49, v5;
	[tilespmem:s24+$0x60] =	vst v0;
	v0 =	vmul.f32 v6, v6;
	v4 =	vld.idx.msk [tilespmem:v4+s17+$0x0], $0xffff  }
0x21c: {  	v52 =	vor.u32 $0x2002, v3;
	s15 =	simm.s32 $0xA;
	[tilespmem:s23+$0xFFFFFF60] =	vst v6;
	v8 =	vld.idx.msk [tilespmem:v8+s17+$0x0], $0xffff;
	v6 =	vor.u32 s13, v7  }
0x21d: {  	v10 =	vmul.f32 v9, v9;
	[tilespmem:s24+$0xFFFFFF60] =	vst v0;
	v0 =	vand.u32 $0x3F0, v6;
	v6 =	vor.u32 s15, v7  }
0x21e: {  	s16 =	simm.s32 $0x6;
	[tilespmem:s23+$0x150] =	vst v9;
	v1 =	vld.idx.msk [tilespmem:v1+s17+$0x0], $0xffff;
	v9 =	vor.u32 v52, v0;
	v60 =	vand.u32 $0x3F8, v6  }
0x21f: {  	[tilespmem:s24+$0x150] =	vst v10;
	v6 =	vor.u32 s16, v7;
	v10 =	vor.u32 v52, v60  }
0x220: {  	v53 =	vor.u32 $0x2006, v3;
	v2 =	vld.idx.msk [tilespmem:v2+s17+$0x0], $0xffff;
	v6 =	vand.u32 $0x3F0, v6;
	[tilespmem:s23+$0xFFFFFE70] =	vst v4;
	v4 =	vmul.f32 v4, v4  }
0x221: {  	v11 =	vor.u32 v53, v6;
	[tilespmem:s23+$0x70] =	vst v8;
	v8 =	vmul.f32 v8, v8  }
0x222: {  	[tilespmem:s24+$0xFFFFFE70] =	vst v4  }
0x223: {  	v4 =	vor.u32 v51, v5;
	[tilespmem:s24+$0x70] =	vst v8;
	v5 =	vld.idx.msk [tilespmem:v9+s17+$0x0], $0xffff;
	v9 =	vmul.f32 v1, v1  }
0x224: {  	[tilespmem:s23+$0xFFFFFF70] =	vst v1;
	v1 =	vld.idx.msk [tilespmem:v10+s17+$0x0], $0xffff  }
0x225: {  	v54 =	vor.u32 $0x2802, v3;
	v8 =	vmul.f32 v2, v2;
	[tilespmem:s24+$0xFFFFFF70] =	vst v9  }
0x226: {  	[tilespmem:s23+$0x160] =	vst v2;
	v9 =	vor.u32 v54, v0;
	v2 =	vld.idx.msk [tilespmem:v11+s17+$0x0], $0xffff  }
0x227: {  	v10 =	vor.u32 v54, v60;
	[tilespmem:s24+$0x160] =	vst v8  }
0x228: {  	v55 =	vor.u32 $0x2806, v3;
	v4 =	vld.idx.msk [tilespmem:v4+s17+$0x0], $0xffff;
	[tilespmem:s23+$0xFFFFFE80] =	vst v5;
	v5 =	vmul.f32 v5, v5  }
0x229: {  	s26 =	simm.s32 $0xE;
	v11 =	vor.u32 v55, v6;
	[tilespmem:s23+$0x80] =	vst v1;
	v1 =	vmul.f32 v1, v1  }
0x22a: {  	v8 =	vor.u32 s26, v7;
	[tilespmem:s24+$0xFFFFFE80] =	vst v5  }
0x22b: {  	v8 =	vand.u32 $0x3F8, v8;
	v5 =	vld.idx.msk [tilespmem:v9+s17+$0x0], $0xffff;
	v9 =	vmul.f32 v2, v2;
	[tilespmem:s24+$0x80] =	vst v1  }
0x22c: {  	v1 =	vor.u32 v53, v8;
	[tilespmem:s23+$0xFFFFFF80] =	vst v2;
	v2 =	vld.idx.msk [tilespmem:v10+s17+$0x0], $0xffff  }
0x22d: {  	v56 =	vor.u32 $0x3002, v3;
	v10 =	vmul.f32 v4, v4;
	[tilespmem:s24+$0xFFFFFF80] =	vst v9  }
0x22e: {  	[tilespmem:s23+$0x170] =	vst v4;
	v9 =	vor.u32 v56, v0;
	v4 =	vld.idx.msk [tilespmem:v11+s17+$0x0], $0xffff  }
0x22f: {  	[tilespmem:s24+$0x170] =	vst v10;
	v10 =	vor.u32 v56, v60  }
0x230: {  	v57 =	vor.u32 $0x3006, v3;
	[tilespmem:s23+$0xFFFFFE90] =	vst v5;
	v5 =	vmul.f32 v5, v5  }
0x231: {  	v14 =	vor.u32 v57, v6;
	v1 =	vld.idx.msk [tilespmem:v1+s17+$0x0], $0xffff;
	[tilespmem:s23+$0x90] =	vst v2;
	v2 =	vmul.f32 v2, v2  }
0x232: {  	[tilespmem:s24+$0xFFFFFE90] =	vst v5  }
0x233: {  	v5 =	vmul.f32 v4, v4;
	[tilespmem:s24+$0x90] =	vst v2;
	v11 =	vld.idx.msk [tilespmem:v9+s17+$0x0], $0xffff  }
0x234: {  	v13 =	vor.u32 v55, v8;
	[tilespmem:s23+$0xFFFFFF90] =	vst v4;
	v12 =	vld.idx.msk [tilespmem:v10+s17+$0x0], $0xffff  }
0x235: {  	[tilespmem:s24+$0xFFFFFF90] =	vst v5  }
0x236: {  	v59 =	vor.u32 $0x3802, v3;
	s6 =	simm.s32 $0x1F;
	s28 =	simm.s32 $0xE400;
	v10 =	vld.idx.msk [tilespmem:v14+s17+$0x0], $0xffff;
	v14 =	vmul.f32 v1, v1  }
0x237: {  	v58 =	vor.u32 $0x3806, v3;
	s15 =	simm.s32 $0xF;
	s16 =	simm.s32 $0x0;
	s26 =	simm.s32 $0xA400;
	v9 =	vor.u32 v59, v0;
	v0 =	vor.u32 v59, v60;
	[tilespmem:s23+$0x180] =	vst v1  }
.LBB2_8:
0x238: {  	s7 =	sadd.s32 $0xFFFFFFF1, s6;
	s11 =	sadd.s32 $0xFFFFFFF5, s6;
	s12 =	sadd.s32 $0xFFFFFFFD, s6;
	v1 =	vmul.f32 v11, v11;
	[tilespmem:s24+$0x180] =	vst v14  }
0x239: {  	s16 =	sadd.s32 $0x4, s16;
	v5 =	vmul.f32 v12, v12;
	v2 =	vor.u32 s11, v7;
	v4 =	vor.u32 s12, v7;
	[tilespmem:s23+$0xA0] =	vst v12;
	v12 =	vld.idx.msk [tilespmem:v13+s17+$0x0], $0xffff  }
0x23a: {  	p0 =	slt.u32 s16, $0x1C;
	v13 =	vand.u32 $0x3F0, v2;
	v14 =	vand.u32 $0x3F8, v4;
	[tilespmem:s23+$0xFFFFFEA0] =	vst v11;
	v2 =	vor.u32 v58, v6  }
0x23b: {  	v11 =	vor.u32 s7, v36;
	v61 =	vor.u32 v37, v13;
	v62 =	vor.u32 v37, v14;
	[tilespmem:s24+$0xA0] =	vst v5  }
0x23c: {  	[tilespmem:s24+$0xFFFFFEA0] =	vst v1;
	v1 =	vmul.f32 v10, v10;
	v0 =	vld.idx.msk [tilespmem:v0+s17+$0x0], $0xffff  }
0x23d: {  	s11 =	sadd.s32 $0xFFFFFFFC, s15;
	v5 =	vld.idx.msk [tilespmem:v9+s17+$0x0], $0xffff;
	[tilespmem:s23+$0xFFFFFFA0] =	vst v10  }
0x23e: {  	v60 =	vor.u32 $0x2003, v3;
	s12 =	sadd.s32 $0xFFFFFFF4, s15;
	v9 =	vor.u32 v57, v8;
	[tilespmem:s24+$0xFFFFFFA0] =	vst v1;
	v1 =	vor.u32 s11, v7  }
0x23f: {  	v10 =	vor.u32 s12, v7;
	v6 =	vld.idx.msk [tilespmem:v2+s17+$0x0], $0xffff;
	v4 =	vand.u32 $0x3F8, v1;
	[tilespmem:s23+$0x190] =	vst v12;
	v1 =	vmul.f32 v12, v12  }
0x240: {  	v2 =	vand.u32 $0x3F0, v10;
	v12 =	vld.idx.msk [tilespmem:v61+s17+$0x0], $0xffff;
	v10 =	vor.u32 v60, v4  }
0x241: {  	v61 =	vor.u32 v60, v2;
	[tilespmem:s24+$0x190] =	vst v1  }
0x242: {  	v1 =	vld.idx.msk [tilespmem:v62+s17+$0x0], $0xffff;
	[tilespmem:s23+$0xB0] =	vst v0;
	v0 =	vmul.f32 v0, v0  }
0x243: {  	s11 =	sadd.s32 $0xFFFFFFF9, s6;
	s23 =	sadd.s32 $0x400, s23;
	[tilespmem:s26+$0xFFFFFEB0] =	vst v5;
	v5 =	vmul.f32 v5, v5;
	v9 =	vld.idx.msk [tilespmem:v9+s17+$0x0], $0xffff  }
0x244: {  	v63 =	vor.u32 v39, v14;
	v62 =	vor.u32 v39, v13;
	[tilespmem:s24+$0xB0] =	vst v0  }
0x245: {  	v0 =	vor.u32 s11, v36;
	[tilespmem:s24+$0xFFFFFEB0] =	vst v5;
	v5 =	vld.idx.msk [tilespmem:v10+s17+$0x0], $0xffff  }
0x246: {  	v10 =	vmul.f32 v12, v12;
	[tilespmem:s23+$0xFFFFFF00] =	vst v12;
	v12 =	vld.idx.msk [tilespmem:v61+s17+$0x0], $0xffff  }
0x247: {  	s24 =	sadd.s32 $0x400, s24;
	[tilespmem:s26+$0xFFFFFFB0] =	vst v6  }
0x248: {  	v61 =	vor.u32 $0x2803, v3;
	v11 =	vld.idx.msk [tilespmem:v11+s17+$0x0], $0xffff;
	[tilespmem:s23+$0x100] =	vst v1;
	v1 =	vmul.f32 v1, v1  }
0x249: {  	v15 =	vor.u32 v61, v4;
	[tilespmem:s26+$0x1A0] =	vst v9  }
0x24a: {  	v0 =	vld.idx.msk [tilespmem:v0+s17+$0x0], $0xffff;
	[tilespmem:s24+$0x100] =	vst v1;
	v1 =	vor.u32 v58, v8  }
0x24b: {  	[tilespmem:s24+$0xFFFFFF00] =	vst v10;
	v8 =	vld.idx.msk [tilespmem:v63+s17+$0x0], $0xffff;
	v10 =	vmul.f32 v5, v5  }
0x24c: {  	[tilespmem:s26+$0xC0] =	vst v5;
	v5 =	vmul.f32 v9, v9  }
0x24d: {  	v17 =	vor.u32 v41, v13;
	v18 =	vor.u32 v41, v14;
	v16 =	vld.idx.msk [tilespmem:v62+s17+$0x0], $0xffff;
	[tilespmem:s28+$0xC0] =	vst v10  }
0x24e: {  	v9 =	vor.u32 v61, v2;
	v10 =	vld.idx.msk [tilespmem:v15+s17+$0x0], $0xffff;
	[tilespmem:s28+$0x1A0] =	vst v5  }
0x24f: {  	v5 =	vmul.f32 v12, v12;
	[tilespmem:s26+$0xFFFFFEC0] =	vst v12;
	v1 =	vld.idx.msk [tilespmem:v1+s17+$0x0], $0xffff  }
0x250: {  	v19 =	vor.u32 s11, v38;
	v12 =	vor.u32 s7, v38;
	v15 =	vmul.f32 v0, v0;
	[tilespmem:s23+$0xFFFFFE00] =	vst v11  }
0x251: {  	[tilespmem:s23+$0x0] =	vst v0;
	v0 =	vmul.f32 v8, v8  }
0x252: {  	v11 =	vmul.f32 v11, v11;
	[tilespmem:s28+$0xFFFFFEC0] =	vst v5  }
0x253: {  	v62 =	vor.u32 $0x3003, v3;
	[tilespmem:s23+$0xFFFFFF10] =	vst v16;
	v5 =	vld.idx.msk [tilespmem:v9+s17+$0x0], $0xffff  }
0x254: {  	v63 =	vor.u32 $0x2007, v3;
	v20 =	vor.u32 v62, v4;
	v9 =	vor.u32 s15, v7;
	[tilespmem:s26+$0xD0] =	vst v10  }
0x255: {  	v10 =	vmul.f32 v10, v10;
	v9 =	vand.u32 $0x3F8, v9;
	[tilespmem:s26+$0x1B0] =	vst v1  }
0x256: {  	[tilespmem:s24+$0xFFFFFE00] =	vst v11;
	v11 =	vor.u32 v43, v13;
	v13 =	vor.u32 v43, v14;
	v14 =	vor.u32 v63, v9  }
0x257: {  	v1 =	vmul.f32 v1, v1;
	[tilespmem:s24+$0x0] =	vst v15  }
0x258: {  	v15 =	vld.idx.msk [tilespmem:v19+s17+$0x0], $0xffff;
	[tilespmem:s28+$0xD0] =	vst v10  }
0x259: {  	v10 =	vor.u32 v62, v2;
	v19 =	vld.idx.msk [tilespmem:v20+s17+$0x0], $0xffff;
	[tilespmem:s28+$0x1B0] =	vst v1  }
0x25a: {  	v20 =	vor.u32 s11, v40;
	v1 =	vld.idx.msk [tilespmem:v12+s17+$0x0], $0xffff;
	v12 =	vor.u32 s7, v40;
	[tilespmem:s23+$0x110] =	vst v8  }
0x25b: {  	[tilespmem:s26+$0xFFFFFED0] =	vst v5;
	v5 =	vmul.f32 v5, v5;
	v14 =	vld.idx.msk [tilespmem:v14+s17+$0x0], $0xffff  }
0x25c: {  	s13 =	sadd.s32 $0xFFFFFFFE, s6;
	s12 =	sadd.s32 $0xFFFFFFF6, s6;
	v8 =	vmul.f32 v16, v16;
	[tilespmem:s24+$0x110] =	vst v0  }
0x25d: {  	v0 =	vor.u32 s12, v7;
	v16 =	vld.idx.msk [tilespmem:v18+s17+$0x0], $0xffff;
	v18 =	vor.u32 s13, v7;
	[tilespmem:s28+$0xFFFFFED0] =	vst v5  }
0x25e: {  	v0 =	vand.u32 $0x3F0, v0;
	[tilespmem:s24+$0xFFFFFF10] =	vst v8;
	v18 =	vand.u32 $0x3F8, v18;
	v5 =	vld.idx.msk [tilespmem:v10+s17+$0x0], $0xffff  }
0x25f: {  	v10 =	vld.idx.msk [tilespmem:v17+s17+$0x0], $0xffff;
	v17 =	vor.u32 v45, v0;
	v21 =	vor.u32 v45, v18;
	[tilespmem:s26+$0xE0] =	vst v19  }
0x260: {  	v8 =	vor.u32 v51, v0;
	v22 =	vmul.f32 v1, v1;
	[tilespmem:s23+$0x10] =	vst v15  }
0x261: {  	[tilespmem:s23+$0xFFFFFE10] =	vst v1  }
0x262: {  	[tilespmem:s26+$0x1C0] =	vst v14  }
0x263: {  	v23 =	vor.u32 s7, v42;
	v24 =	vor.u32 s11, v42;
	v15 =	vmul.f32 v15, v15;
	[tilespmem:s23+$0x120] =	vst v16  }
0x264: {  	v19 =	vmul.f32 v19, v19;
	v1 =	vor.u32 $0x3803, v3;
	[tilespmem:s24+$0xFFFFFE10] =	vst v22  }
0x265: {  	[tilespmem:s24+$0x10] =	vst v15;
	v15 =	vor.u32 v1, v2;
	v2 =	vor.u32 $0x2807, v3  }
0x266: {  	v16 =	vmul.f32 v16, v16;
	[tilespmem:s23+$0xFFFFFF20] =	vst v10;
	v20 =	vld.idx.msk [tilespmem:v20+s17+$0x0], $0xffff;
	v22 =	vor.u32 v2, v9  }
0x267: {  	[tilespmem:s26+$0xFFFFFEE0] =	vst v5;
	v5 =	vmul.f32 v5, v5  }
0x268: {  	v25 =	vor.u32 v47, v0;
	v14 =	vmul.f32 v14, v14;
	v12 =	vld.idx.msk [tilespmem:v12+s17+$0x0], $0xffff;
	[tilespmem:s24+$0x120] =	vst v16  }
0x269: {  	s7 =	sadd.s32 $0xFFFFFFF2, s6;
	v4 =	vor.u32 v1, v4;
	v10 =	vmul.f32 v10, v10;
	[tilespmem:s28+$0xFFFFFEE0] =	vst v5  }
0x26a: {  	v16 =	vor.u32 v47, v18;
	v5 =	vor.u32 s7, v7;
	v15 =	vld.idx.msk [tilespmem:v15+s17+$0x0], $0xffff;
	[tilespmem:s28+$0x1C0] =	vst v14  }
0x26b: {  	s7 =	sadd.s32 $0xFFFFFFFA, s6;
	v14 =	vand.u32 $0x3F0, v5;
	[tilespmem:s24+$0xFFFFFF20] =	vst v10;
	v5 =	vld.idx.msk [tilespmem:v22+s17+$0x0], $0xffff  }
0x26c: {  	v10 =	vor.u32 v44, v14;
	v22 =	vor.u32 s7, v7;
	[tilespmem:s23+$0x20] =	vst v20;
	v20 =	vmul.f32 v20, v20;
	v13 =	vld.idx.msk [tilespmem:v13+s17+$0x0], $0xffff  }
0x26d: {  	v22 =	vand.u32 $0x3F8, v22;
	[tilespmem:s28+$0xE0] =	vst v19  }
0x26e: {  	v19 =	vmul.f32 v12, v12;
	[tilespmem:s24+$0x20] =	vst v20;
	v20 =	vor.u32 v44, v22;
	v26 =	vld.idx.msk [tilespmem:v4+s17+$0x0], $0xffff  }
0x26f: {  	[tilespmem:s23+$0xFFFFFE20] =	vst v12;
	v12 =	vld.idx.msk [tilespmem:v24+s17+$0x0], $0xffff  }
0x270: {  	[tilespmem:s26+$0xFFFFFEF0] =	vst v15  }
0x271: {  	v0 =	vor.u32 v49, v0;
	v4 =	vor.u32 $0x3007, v3;
	[tilespmem:s24+$0xFFFFFE20] =	vst v19  }
0x272: {  	v24 =	vor.u32 v4, v9;
	v19 =	vld.idx.msk [tilespmem:v23+s17+$0x0], $0xffff;
	v23 =	vmul.f32 v13, v13;
	[tilespmem:s26+$0x1D0] =	vst v5  }
0x273: {  	v11 =	vld.idx.msk [tilespmem:v11+s17+$0x0], $0xffff;
	[tilespmem:s23+$0x130] =	vst v13;
	v13 =	vor.u32 v49, v18  }
0x274: {  	v5 =	vmul.f32 v5, v5;
	[tilespmem:s24+$0x130] =	vst v23  }
0x275: {  	v15 =	vmul.f32 v15, v15;
	[tilespmem:s23+$0x30] =	vst v12;
	v12 =	vmul.f32 v12, v12;
	v21 =	vld.idx.msk [tilespmem:v21+s17+$0x0], $0xffff  }
0x276: {  	[tilespmem:s28+$0x1D0] =	vst v5  }
0x277: {  	v23 =	vor.u32 v46, v22;
	[tilespmem:s28+$0xFFFFFEF0] =	vst v15;
	v15 =	vld.idx.msk [tilespmem:v24+s17+$0x0], $0xffff  }
0x278: {  	v5 =	vmul.f32 v19, v19;
	[tilespmem:s23+$0xFFFFFE30] =	vst v19  }
0x279: {  	v19 =	vor.u32 v46, v14;
	[tilespmem:s23+$0xFFFFFF30] =	vst v11;
	v11 =	vmul.f32 v11, v11  }
0x27a: {  	[tilespmem:s24+$0xFFFFFE30] =	vst v5;
	v5 =	vor.u32 $0x3807, v3  }
0x27b: {  	v10 =	vld.idx.msk [tilespmem:v10+s17+$0x0], $0xffff;
	[tilespmem:s24+$0xFFFFFF30] =	vst v11;
	v9 =	vor.u32 v5, v9  }
0x27c: {  	v11 =	vld.idx.msk [tilespmem:v17+s17+$0x0], $0xffff;
	[tilespmem:s24+$0x30] =	vst v12;
	v12 =	vmul.f32 v21, v21;
	v17 =	vor.u32 v51, v18  }
0x27d: {  	v18 =	vld.idx.msk [tilespmem:v20+s17+$0x0], $0xffff;
	[tilespmem:s23+$0x140] =	vst v21  }
0x27e: {  	[tilespmem:s24+$0x140] =	vst v12;
	v12 =	vmul.f32 v15, v15  }
0x27f: {  	v16 =	vld.idx.msk [tilespmem:v16+s17+$0x0], $0xffff;
	[tilespmem:s26+$0x1E0] =	vst v15  }
0x280: {  	v15 =	vor.u32 v48, v22;
	[tilespmem:s28+$0x1E0] =	vst v12  }
0x281: {  	[tilespmem:s23+$0xFFFFFE40] =	vst v10;
	v9 =	vld.idx.msk [tilespmem:v9+s17+$0x0], $0xffff  }
0x282: {  	v12 =	vor.u32 v48, v14;
	v10 =	vmul.f32 v10, v10;
	[tilespmem:s23+$0xFFFFFF40] =	vst v11  }
0x283: {  	[tilespmem:s23+$0x40] =	vst v18;
	v18 =	vmul.f32 v18, v18  }
0x284: {  	[tilespmem:s24+$0xFFFFFE40] =	vst v10;
	v10 =	vmul.f32 v11, v11  }
0x285: {  	v11 =	vld.idx.msk [tilespmem:v19+s17+$0x0], $0xffff;
	[tilespmem:s24+$0x40] =	vst v18  }
0x286: {  	[tilespmem:s24+$0xFFFFFF40] =	vst v10;
	v10 =	vld.idx.msk [tilespmem:v23+s17+$0x0], $0xffff  }
0x287: {  	v18 =	vld.idx.msk [tilespmem:v25+s17+$0x0], $0xffff;
	[tilespmem:s23+$0x150] =	vst v16;
	v16 =	vmul.f32 v16, v16  }
0x288: {  	[tilespmem:s26+$0x1F0] =	vst v9;
	v9 =	vmul.f32 v9, v9  }
0x289: {  	v19 =	vor.u32 v50, v22;
	[tilespmem:s24+$0x150] =	vst v16  }
0x28a: {  	v13 =	vld.idx.msk [tilespmem:v13+s17+$0x0], $0xffff;
	[tilespmem:s28+$0x1F0] =	vst v9  }
0x28b: {  	v9 =	vor.u32 v50, v14;
	[tilespmem:s23+$0xFFFFFE50] =	vst v11  }
0x28c: {  	[tilespmem:s23+$0x50] =	vst v10;
	v10 =	vmul.f32 v10, v10  }
0x28d: {  	s7 =	sadd.s32 $0xFFFFFFF8, s15;
	s15 =	smov.u32 s6;
	v11 =	vmul.f32 v11, v11;
	[tilespmem:s23+$0xFFFFFF50] =	vst v18  }
0x28e: {  	[tilespmem:s24+$0x50] =	vst v10;
	v10 =	vor.u32 s7, v7  }
0x28f: {  	[tilespmem:s24+$0xFFFFFE50] =	vst v11;
	v11 =	vmul.f32 v18, v18;
	v14 =	vld.idx.msk [tilespmem:v15+s17+$0x0], $0xffff;
	v10 =	vand.u32 $0x3F0, v10  }
0x290: {  	v12 =	vld.idx.msk [tilespmem:v12+s17+$0x0], $0xffff;
	[tilespmem:s23+$0x160] =	vst v13;
	v15 =	vor.u32 v63, v10;
	v16 =	vor.u32 v5, v10  }
0x291: {  	[tilespmem:s24+$0xFFFFFF50] =	vst v11;
	v11 =	vmul.f32 v26, v26  }
0x292: {  	v6 =	vmul.f32 v6, v6;
	v0 =	vld.idx.msk [tilespmem:v0+s17+$0x0], $0xffff;
	[tilespmem:s26+$0xF0] =	vst v26  }
0x293: {  	[tilespmem:s28+$0xF0] =	vst v11  }
0x294: {  	[tilespmem:s28+$0xFFFFFFB0] =	vst v6  }
0x295: {  	v6 =	vmul.f32 v14, v14;
	[tilespmem:s23+$0x60] =	vst v14;
	v11 =	vld.idx.msk [tilespmem:v15+s17+$0x0], $0xffff  }
0x296: {  	[tilespmem:s23+$0xFFFFFE60] =	vst v12;
	v12 =	vmul.f32 v12, v12  }
0x297: {  	[tilespmem:s24+$0x60] =	vst v6;
	v6 =	vmul.f32 v13, v13  }
0x298: {  	[tilespmem:s24+$0xFFFFFE60] =	vst v12;
	v12 =	vmul.f32 v0, v0  }
0x299: {  	v13 =	vld.idx.msk [tilespmem:v9+s17+$0x0], $0xffff;
	[tilespmem:s24+$0x160] =	vst v6;
	v6 =	vor.u32 v2, v10  }
0x29a: {  	s7 =	sadd.s32 $0xFFFFFFF3, s6;
	[tilespmem:s23+$0xFFFFFF60] =	vst v0;
	v0 =	vld.idx.msk [tilespmem:v19+s17+$0x0], $0xffff  }
0x29b: {  	v9 =	vor.u32 s7, v7;
	s7 =	sadd.s32 $0xFFFFFFFB, s6;
	v14 =	vmul.f32 v11, v11;
	[tilespmem:s24+$0xFFFFFF60] =	vst v12;
	v12 =	vld.idx.msk [tilespmem:v17+s17+$0x0], $0xffff  }
0x29c: {  	v15 =	vand.u32 $0x3F0, v9;
	v17 =	vor.u32 s7, v7;
	v8 =	vld.idx.msk [tilespmem:v8+s17+$0x0], $0xffff;
	[tilespmem:s26+$0xFFFFFFC0] =	vst v11  }
0x29d: {  	v9 =	vor.u32 v59, v15;
	s7 =	sadd.s32 $0xFFFFFFF7, s6;
	v11 =	vor.u32 v52, v15;
	v17 =	vand.u32 $0x3F8, v17;
	[tilespmem:s28+$0xFFFFFFC0] =	vst v14  }
0x29e: {  	v14 =	vor.u32 s7, v7;
	v18 =	vor.u32 v52, v17;
	v19 =	vld.idx.msk [tilespmem:v6+s17+$0x0], $0xffff  }
0x29f: {  	v6 =	vand.u32 $0x3F0, v14;
	[tilespmem:s23+$0xFFFFFE70] =	vst v13;
	v13 =	vmul.f32 v13, v13  }
0x2a0: {  	v14 =	vor.u32 v53, v6;
	[tilespmem:s23+$0x70] =	vst v0;
	v0 =	vmul.f32 v0, v0  }
0x2a1: {  	[tilespmem:s24+$0xFFFFFE70] =	vst v13  }
0x2a2: {  	v13 =	vmul.f32 v8, v8;
	v11 =	vld.idx.msk [tilespmem:v11+s17+$0x0], $0xffff;
	[tilespmem:s24+$0x70] =	vst v0  }
0x2a3: {  	[tilespmem:s23+$0xFFFFFF70] =	vst v8;
	v0 =	vld.idx.msk [tilespmem:v18+s17+$0x0], $0xffff;
	v8 =	vor.u32 v4, v10  }
0x2a4: {  	[tilespmem:s24+$0xFFFFFF70] =	vst v13  }
0x2a5: {  	v13 =	vmul.f32 v19, v19;
	v10 =	vld.idx.msk [tilespmem:v14+s17+$0x0], $0xffff;
	[tilespmem:s23+$0x170] =	vst v12  }
0x2a6: {  	v14 =	vor.u32 v54, v15;
	[tilespmem:s26+$0xFFFFFFD0] =	vst v19  }
0x2a7: {  	s7 =	sadd.s32 $0xFFFFFFFF, s6;
	v18 =	vor.u32 v54, v17;
	[tilespmem:s28+$0xFFFFFFD0] =	vst v13  }
0x2a8: {  	v13 =	vor.u32 s7, v7;
	[tilespmem:s23+$0xFFFFFE80] =	vst v11;
	v11 =	vmul.f32 v11, v11;
	v19 =	vld.idx.msk [tilespmem:v8+s17+$0x0], $0xffff  }
0x2a9: {  	v20 =	vor.u32 v55, v6;
	v8 =	vand.u32 $0x3F8, v13;
	[tilespmem:s23+$0x80] =	vst v0;
	v0 =	vmul.f32 v0, v0  }
0x2aa: {  	[tilespmem:s24+$0xFFFFFE80] =	vst v11;
	v11 =	vor.u32 v53, v8  }
0x2ab: {  	v13 =	vld.idx.msk [tilespmem:v14+s17+$0x0], $0xffff;
	v14 =	vmul.f32 v10, v10;
	[tilespmem:s24+$0x80] =	vst v0  }
0x2ac: {  	[tilespmem:s23+$0xFFFFFF80] =	vst v10;
	v0 =	vld.idx.msk [tilespmem:v18+s17+$0x0], $0xffff;
	v10 =	vmul.f32 v12, v12  }
0x2ad: {  	[tilespmem:s24+$0xFFFFFF80] =	vst v14  }
0x2ae: {  	v12 =	vld.idx.msk [tilespmem:v20+s17+$0x0], $0xffff;
	[tilespmem:s24+$0x170] =	vst v10;
	v10 =	vmul.f32 v19, v19  }
0x2af: {  	v14 =	vor.u32 v56, v15;
	v15 =	vld.idx.msk [tilespmem:v11+s17+$0x0], $0xffff;
	[tilespmem:s26+$0xFFFFFFE0] =	vst v19  }
0x2b0: {  	v18 =	vor.u32 v56, v17;
	[tilespmem:s28+$0xFFFFFFE0] =	vst v10  }
0x2b1: {  	v10 =	vmul.f32 v13, v13;
	[tilespmem:s23+$0xFFFFFE90] =	vst v13;
	v16 =	vld.idx.msk [tilespmem:v16+s17+$0x0], $0xffff  }
0x2b2: {  	v19 =	vor.u32 v57, v6;
	[tilespmem:s23+$0x90] =	vst v0;
	v0 =	vmul.f32 v0, v0  }
0x2b3: {  	[tilespmem:s24+$0xFFFFFE90] =	vst v10  }
0x2b4: {  	v10 =	vmul.f32 v12, v12;
	v11 =	vld.idx.msk [tilespmem:v14+s17+$0x0], $0xffff;
	[tilespmem:s24+$0x90] =	vst v0  }
.Ltmp3:
0x2b5: {  	[tilespmem:s23+$0xFFFFFF90] =	vst v12;
	v12 =	vld.idx.msk [tilespmem:v18+s17+$0x0], $0xffff;
	(pc) =	sbr.rel @p0 .LBB2_8-.Ltmp3, $4  }
0x2b6: {  	v13 =	vor.u32 v55, v8;
	[tilespmem:s24+$0xFFFFFF90] =	vst v10  }
0x2b7: {  	v18 =	vmul.f32 v16, v16;
	v10 =	vld.idx.msk [tilespmem:v19+s17+$0x0], $0xffff;
	[tilespmem:s23+$0x180] =	vst v15  }
0x2b8: {  	v14 =	vmul.f32 v15, v15;
	[tilespmem:s26+$0xFFFFFFF0] =	vst v16;
	s26 =	smov.u32 s23  }
0x2b9: {  	s6 =	sadd.s32 $0x10, s6;
	v0 =	vor.u32 v59, v17;
	[tilespmem:s28+$0xFFFFFFF0] =	vst v18;
	s28 =	smov.u32 s24  }
0x2ba: {  	_ =	sdelay $0x2  }
0x2bb: {  	[tilespmem:s24+$0x180] =	vst v14  }
0x2bc: {  	v13 =	vld.idx.msk [tilespmem:v13+s17+$0x0], $0xffff;
	_ =	sdelay $0x2  }
0x2bd: {  	v14 =	vor.u32 v57, v8;
	_ =	sdelay $0x1  }
0x2be: {  	v15 =	vmul.f32 v13, v13  }
0x2bf: {  	[tilespmem:s23+$0x190] =	vst v13  }
0x2c0: {  	[tilespmem:s24+$0x190] =	vst v15  }
0x2c1: {  	v13 =	vld.idx.msk [tilespmem:v14+s17+$0x0], $0xffff;
	_ =	sdelay $0x2  }
0x2c2: {  	v8 =	vor.u32 v58, v8;
	v14 =	vmul.f32 v11, v11  }
0x2c3: {  	[tilespmem:s23+$0xFFFFFEA0] =	vst v11  }
0x2c4: {  	[tilespmem:s24+$0xFFFFFEA0] =	vst v14;
	v11 =	vmul.f32 v13, v13  }
0x2c5: {  	s6 =	sadd.s32 $0xFFFFFFF4, s15;
	v9 =	vld.idx.msk [tilespmem:v9+s17+$0x0], $0xffff;
	[tilespmem:s26+$0x1A0] =	vst v13  }
0x2c6: {  	v6 =	vor.u32 v58, v6;
	v14 =	vor.u32 s6, v7;
	v13 =	vmul.f32 v12, v12;
	[tilespmem:s28+$0x1A0] =	vst v11  }
0x2c7: {  	[tilespmem:s23+$0xA0] =	vst v12;
	v11 =	vand.u32 $0x3F0, v14;
	v8 =	vld.idx.msk [tilespmem:v8+s17+$0x0], $0xffff  }
0x2c8: {  	v12 =	vmul.f32 v10, v10;
	[tilespmem:s24+$0xA0] =	vst v13;
	v14 =	vor.u32 s15, v7;
	v13 =	vor.u32 v60, v11  }
0x2c9: {  	s11 =	sadd.s32 $0xFFFFFFFC, s15;
	[tilespmem:s23+$0xFFFFFFA0] =	vst v10;
	v0 =	vld.idx.msk [tilespmem:v0+s17+$0x0], $0xffff;
	v10 =	vand.u32 $0x3F8, v14  }
0x2ca: {  	[tilespmem:s24+$0xFFFFFFA0] =	vst v12;
	v12 =	vor.u32 s11, v7;
	v14 =	vmul.f32 v9, v9;
	v15 =	vor.u32 v63, v10  }
0x2cb: {  	s12 =	sadd.s32 $0xFFFFFFF8, s15;
	v6 =	vld.idx.msk [tilespmem:v6+s17+$0x0], $0xffff;
	v12 =	vand.u32 $0x3F8, v12;
	[tilespmem:s26+$0xFFFFFEB0] =	vst v9  }
0x2cc: {  	v16 =	vor.u32 s12, v7;
	v9 =	vor.u32 v60, v12;
	[tilespmem:s24+$0xFFFFFEB0] =	vst v14;
	v14 =	vmul.f32 v8, v8  }
0x2cd: {  	v13 =	vld.idx.msk [tilespmem:v13+s17+$0x0], $0xffff;
	[tilespmem:s26+$0x1B0] =	vst v8;
	v8 =	vand.u32 $0x3F0, v16  }
0x2ce: {  	v59 =	vmul.f32 v0, v0;
	[tilespmem:s28+$0x1B0] =	vst v14;
	v14 =	vor.u32 v63, v8  }
0x2cf: {  	[tilespmem:s23+$0xB0] =	vst v0;
	v0 =	vld.idx.msk [tilespmem:v15+s17+$0x0], $0xffff  }
0x2d0: {  	v60 =	vmul.f32 v6, v6;
	[tilespmem:s24+$0xB0] =	vst v59;
	v15 =	vor.u32 v61, v11  }
0x2d1: {  	[tilespmem:s26+$0xFFFFFFB0] =	vst v6;
	v9 =	vld.idx.msk [tilespmem:v9+s17+$0x0], $0xffff  }
0x2d2: {  	v17 =	vor.u32 v2, v10;
	[tilespmem:s28+$0xFFFFFFB0] =	vst v60;
	v6 =	vmul.f32 v13, v13  }
0x2d3: {  	[tilespmem:s26+$0xFFFFFEC0] =	vst v13;
	v13 =	vld.idx.msk [tilespmem:v14+s17+$0x0], $0xffff  }
0x2d4: {  	v14 =	vor.u32 v61, v12;
	[tilespmem:s28+$0xFFFFFEC0] =	vst v6;
	v6 =	vmul.f32 v0, v0  }
0x2d5: {  	v15 =	vld.idx.msk [tilespmem:v15+s17+$0x0], $0xffff;
	[tilespmem:s26+$0x1C0] =	vst v0  }
0x2d6: {  	v2 =	vor.u32 v2, v8;
	v0 =	vmul.f32 v9, v9;
	[tilespmem:s28+$0x1C0] =	vst v6  }
0x2d7: {  	[tilespmem:s26+$0xC0] =	vst v9;
	v6 =	vld.idx.msk [tilespmem:v17+s17+$0x0], $0xffff  }
0x2d8: {  	[tilespmem:s28+$0xC0] =	vst v0;
	v0 =	vor.u32 v62, v11;
	v9 =	vmul.f32 v13, v13  }
0x2d9: {  	v14 =	vld.idx.msk [tilespmem:v14+s17+$0x0], $0xffff;
	[tilespmem:s26+$0xFFFFFFC0] =	vst v13  }
0x2da: {  	v63 =	vor.u32 v4, v10;
	v13 =	vmul.f32 v15, v15;
	[tilespmem:s28+$0xFFFFFFC0] =	vst v9  }
0x2db: {  	[tilespmem:s26+$0xFFFFFED0] =	vst v15;
	v2 =	vld.idx.msk [tilespmem:v2+s17+$0x0], $0xffff  }
0x2dc: {  	v9 =	vor.u32 v62, v12;
	[tilespmem:s28+$0xFFFFFED0] =	vst v13;
	v13 =	vmul.f32 v6, v6  }
0x2dd: {  	v0 =	vld.idx.msk [tilespmem:v0+s17+$0x0], $0xffff;
	[tilespmem:s26+$0x1D0] =	vst v6  }
0x2de: {  	v4 =	vor.u32 v4, v8;
	v6 =	vmul.f32 v14, v14;
	[tilespmem:s28+$0x1D0] =	vst v13  }
0x2df: {  	[tilespmem:s26+$0xD0] =	vst v14;
	v13 =	vld.idx.msk [tilespmem:v63+s17+$0x0], $0xffff  }
0x2e0: {  	[tilespmem:s28+$0xD0] =	vst v6;
	v6 =	vor.u32 v1, v11;
	v11 =	vmul.f32 v2, v2  }
0x2e1: {  	v9 =	vld.idx.msk [tilespmem:v9+s17+$0x0], $0xffff;
	[tilespmem:s26+$0xFFFFFFD0] =	vst v2  }
0x2e2: {  	v10 =	vor.u32 v5, v10;
	v2 =	vmul.f32 v0, v0;
	[tilespmem:s28+$0xFFFFFFD0] =	vst v11  }
0x2e3: {  	[tilespmem:s26+$0xFFFFFEE0] =	vst v0;
	v0 =	vld.idx.msk [tilespmem:v4+s17+$0x0], $0xffff  }
0x2e4: {  	v1 =	vor.u32 v1, v12;
	[tilespmem:s28+$0xFFFFFEE0] =	vst v2;
	v2 =	vmul.f32 v13, v13  }
0x2e5: {  	v4 =	vld.idx.msk [tilespmem:v6+s17+$0x0], $0xffff;
	[tilespmem:s26+$0x1E0] =	vst v13  }
0x2e6: {  	v6 =	vmul.f32 v9, v9;
	[tilespmem:s28+$0x1E0] =	vst v2;
	v2 =	vor.u32 v5, v8  }
0x2e7: {  	[tilespmem:s26+$0xE0] =	vst v9;
	v5 =	vld.idx.msk [tilespmem:v10+s17+$0x0], $0xffff  }
0x2e8: {  	[tilespmem:s28+$0xE0] =	vst v6;
	v6 =	vmul.f32 v0, v0  }
0x2e9: {  	v1 =	vld.idx.msk [tilespmem:v1+s17+$0x0], $0xffff;
	[tilespmem:s26+$0xFFFFFFE0] =	vst v0  }
0x2ea: {  	v0 =	vmul.f32 v4, v4;
	[tilespmem:s28+$0xFFFFFFE0] =	vst v6  }
0x2eb: {  	[tilespmem:s26+$0xFFFFFEF0] =	vst v4;
	v2 =	vld.idx.msk [tilespmem:v2+s17+$0x0], $0xffff  }
0x2ec: {  	[tilespmem:s28+$0xFFFFFEF0] =	vst v0;
	v0 =	vmul.f32 v5, v5  }
0x2ed: {  	[tilespmem:s26+$0x1F0] =	vst v5  }
0x2ee: {  	[tilespmem:s28+$0x1F0] =	vst v0;
	v0 =	vmul.f32 v1, v1  }
0x2ef: {  	[tilespmem:s26+$0xF0] =	vst v1  }
0x2f0: {  	[tilespmem:s28+$0xF0] =	vst v0;
	v0 =	vmul.f32 v2, v2  }
0x2f1: {  	[tilespmem:s26+$0xFFFFFFF0] =	vst v2  }
0x2f2: {  	s13 =	simm.s32 $0xA200;
	[tilespmem:s28+$0xFFFFFFF0] =	vst v0  }
0x2f3: {  	[spmem:s1] =	stream.indirect.scatter.add.f32 [tilespmem:s13], [sflag:$0x4], $0x40, s22, s22, $0xb8;
	[tilespmem:$0x14A00] =	vst v63  }
0x2f4: {  	s15 =	simm.s32 $0xE200  }
0x2f5: {  	[spmem:s3] =	stream.indirect.scatter.add.f32 [tilespmem:s15], [sflag:$0x4], $0x40, s22, s22, $0xb8;
	[tilespmem:$0x14A00] =	vst v63  }
0x2f6: {  	_ = 	snop  }
0x2f7: {  	[spmem:s4] =	stream.indirect.scatter.add.f32 [tilespmem:s25], [sflag:$0x2], $0x10, s22, s22, $0xb8;
	[tilespmem:$0x14A00] =	vst v63  }
0x2f8: {  	_ =	swait.ge [sflag:s29], $0x2000  }
0x2f9: {  	v12 =	vld [tilespmem:$0x1FE90];
	_ =	sdelay $0x4  }
0x2fa: {  	s16 =	simm.s32 $0x8;
	v36 =	vor.u32 $0x4000, v12  }
0x2fb: {  	s7 =	simm.s32 $0x0;
	[sflag:s29] =	ssyncset.done $0x0;
	v0 =	vor.u32 s16, v36  }
0x2fc: {  	[sflag:s29] =	ssyncadd.s32 $0xFFFFE000;
	v1 =	vor.u32 s7, v36  }
0x2fd: {  	s11 =	simm.s32 $0x4;
	_ =	swait.ge [sflag:s29], $0x2000  }
0x2fe: {  	v2 =	vor.u32 s11, v7;
	[sflag:s29] =	ssyncset.done $0x0  }
0x2ff: {  	v37 =	vor.u32 $0x4004, v3;
	v2 =	vand.u32 $0x3F0, v2;
	[sflag:s29] =	ssyncadd.s32 $0xFFFFE000  }
0x300: {  	v4 =	vor.u32 v37, v2;
	v0 =	vld.idx.msk [tilespmem:v0+s17+$0x0], $0xffff  }
0x301: {  	v1 =	vld.idx.msk [tilespmem:v1+s17+$0x0], $0xffff  }
0x302: {  	v38 =	vor.u32 $0x4800, v12  }
0x303: {  	s24 =	simm.s32 $0xC;
	v5 =	vor.u32 s16, v38  }
0x304: {  	s23 =	simm.s32 $0x8400;
	v6 =	vor.u32 s24, v7;
	v8 =	vor.u32 s7, v38  }
0x305: {  	v6 =	vand.u32 $0x3F8, v6;
	v4 =	vld.idx.msk [tilespmem:v4+s17+$0x0], $0xffff;
	v9 =	vmul.f32 v0, v0;
	[tilespmem:s23+$0x0] =	vst v0  }
0x306: {  	s24 =	simm.s32 $0xC400;
	v0 =	vor.u32 v37, v6;
	v10 =	vmul.f32 v1, v1;
	[tilespmem:s23+$0xFFFFFE00] =	vst v1  }
0x307: {  	v39 =	vor.u32 $0x4804, v3;
	[tilespmem:s24+$0x0] =	vst v9  }
0x308: {  	[tilespmem:s24+$0xFFFFFE00] =	vst v10;
	v1 =	vld.idx.msk [tilespmem:v5+s17+$0x0], $0xffff;
	v5 =	vor.u32 v39, v2  }
0x309: {  	v8 =	vld.idx.msk [tilespmem:v8+s17+$0x0], $0xffff  }
0x30a: {  	v40 =	vor.u32 $0x5000, v12;
	v9 =	vmul.f32 v4, v4  }
0x30b: {  	[tilespmem:s23+$0xFFFFFF00] =	vst v4;
	v10 =	vor.u32 s16, v40;
	v0 =	vld.idx.msk [tilespmem:v0+s17+$0x0], $0xffff  }
0x30c: {  	v4 =	vor.u32 s7, v40;
	[tilespmem:s24+$0xFFFFFF00] =	vst v9  }
0x30d: {  	v9 =	vmul.f32 v1, v1;
	v5 =	vld.idx.msk [tilespmem:v5+s17+$0x0], $0xffff;
	[tilespmem:s23+$0x10] =	vst v1  }
0x30e: {  	v1 =	vmul.f32 v8, v8;
	[tilespmem:s23+$0xFFFFFE10] =	vst v8  }
0x30f: {  	[tilespmem:s24+$0x10] =	vst v9;
	v9 =	vor.u32 v39, v6  }
0x310: {  	v41 =	vor.u32 $0x5004, v3;
	[tilespmem:s24+$0xFFFFFE10] =	vst v1;
	v8 =	vld.idx.msk [tilespmem:v10+s17+$0x0], $0xffff;
	v10 =	vmul.f32 v0, v0  }
0x311: {  	v11 =	vor.u32 v41, v2;
	[tilespmem:s23+$0x100] =	vst v0;
	v0 =	vld.idx.msk [tilespmem:v4+s17+$0x0], $0xffff  }
0x312: {  	v42 =	vor.u32 $0x5800, v12;
	[tilespmem:s24+$0x100] =	vst v10;
	v1 =	vmul.f32 v5, v5  }
0x313: {  	v4 =	vor.u32 s16, v42;
	[tilespmem:s23+$0xFFFFFF10] =	vst v5  }
0x314: {  	v5 =	vld.idx.msk [tilespmem:v9+s17+$0x0], $0xffff;
	[tilespmem:s24+$0xFFFFFF10] =	vst v1;
	v1 =	vor.u32 s7, v42  }
0x315: {  	v9 =	vmul.f32 v8, v8;
	[tilespmem:s23+$0x20] =	vst v8  }
0x316: {  	v10 =	vld.idx.msk [tilespmem:v11+s17+$0x0], $0xffff;
	v8 =	vmul.f32 v0, v0;
	[tilespmem:s23+$0xFFFFFE20] =	vst v0  }
0x317: {  	[tilespmem:s24+$0x20] =	vst v9  }
0x318: {  	v43 =	vor.u32 $0x5804, v3;
	v9 =	vor.u32 v41, v6;
	[tilespmem:s24+$0xFFFFFE20] =	vst v8;
	v0 =	vld.idx.msk [tilespmem:v4+s17+$0x0], $0xffff  }
0x319: {  	s26 =	simm.s32 $0x1;
	v2 =	vor.u32 v43, v2;
	v4 =	vmul.f32 v5, v5;
	v1 =	vld.idx.msk [tilespmem:v1+s17+$0x0], $0xffff  }
0x31a: {  	v44 =	vor.u32 $0x4001, v3;
	s7 =	simm.s32 $0x9;
	v8 =	vor.u32 s26, v7;
	[tilespmem:s23+$0x110] =	vst v5  }
0x31b: {  	v5 =	vmul.f32 v10, v10;
	[tilespmem:s24+$0x110] =	vst v4;
	v4 =	vand.u32 $0x3F0, v8;
	v8 =	vor.u32 s7, v7  }
0x31c: {  	[tilespmem:s23+$0xFFFFFF20] =	vst v10;
	v10 =	vor.u32 v44, v4;
	v8 =	vand.u32 $0x3F8, v8  }
0x31d: {  	v9 =	vld.idx.msk [tilespmem:v9+s17+$0x0], $0xffff;
	[tilespmem:s24+$0xFFFFFF20] =	vst v5;
	v5 =	vor.u32 v44, v8  }
0x31e: {  	s11 =	simm.s32 $0x5;
	v2 =	vld.idx.msk [tilespmem:v2+s17+$0x0], $0xffff;
	[tilespmem:s23+$0x30] =	vst v0;
	v11 =	vmul.f32 v1, v1  }
0x31f: {  	v12 =	vor.u32 s11, v7;
	v0 =	vmul.f32 v0, v0;
	[tilespmem:s23+$0xFFFFFE30] =	vst v1  }
0x320: {  	v45 =	vor.u32 $0x4005, v3;
	v6 =	vor.u32 v43, v6;
	v1 =	vand.u32 $0x3F0, v12;
	[tilespmem:s24+$0xFFFFFE30] =	vst v11  }
0x321: {  	[tilespmem:s24+$0x30] =	vst v0;
	v11 =	vor.u32 v45, v1;
	v10 =	vld.idx.msk [tilespmem:v10+s17+$0x0], $0xffff  }
0x322: {  	v12 =	vmul.f32 v9, v9;
	[tilespmem:s23+$0x120] =	vst v9;
	v0 =	vld.idx.msk [tilespmem:v5+s17+$0x0], $0xffff  }
0x323: {  	v46 =	vor.u32 $0x4801, v3;
	v5 =	vmul.f32 v2, v2;
	[tilespmem:s23+$0xFFFFFF30] =	vst v2  }
0x324: {  	v9 =	vor.u32 v46, v4;
	[tilespmem:s24+$0x120] =	vst v12  }
0x325: {  	s12 =	simm.s32 $0xD;
	v2 =	vor.u32 v46, v8;
	v6 =	vld.idx.msk [tilespmem:v6+s17+$0x0], $0xffff;
	[tilespmem:s24+$0xFFFFFF30] =	vst v5  }
0x326: {  	v5 =	vor.u32 s12, v7;
	v11 =	vld.idx.msk [tilespmem:v11+s17+$0x0], $0xffff;
	[tilespmem:s23+$0xFFFFFE40] =	vst v10;
	v10 =	vmul.f32 v10, v10  }
0x327: {  	v5 =	vand.u32 $0x3F8, v5;
	[tilespmem:s23+$0x40] =	vst v0;
	v0 =	vmul.f32 v0, v0  }
0x328: {  	v47 =	vor.u32 $0x4805, v3;
	v12 =	vor.u32 v45, v5;
	[tilespmem:s24+$0xFFFFFE40] =	vst v10  }
0x329: {  	v10 =	vor.u32 v47, v1;
	v9 =	vld.idx.msk [tilespmem:v9+s17+$0x0], $0xffff;
	[tilespmem:s24+$0x40] =	vst v0  }
0x32a: {  	v13 =	vmul.f32 v6, v6;
	[tilespmem:s23+$0x130] =	vst v6;
	v0 =	vld.idx.msk [tilespmem:v2+s17+$0x0], $0xffff  }
0x32b: {  	v2 =	vmul.f32 v11, v11;
	[tilespmem:s23+$0xFFFFFF40] =	vst v11  }
0x32c: {  	v48 =	vor.u32 $0x5001, v3;
	[tilespmem:s24+$0x130] =	vst v13  }
0x32d: {  	v11 =	vor.u32 v48, v8;
	v6 =	vld.idx.msk [tilespmem:v12+s17+$0x0], $0xffff;
	[tilespmem:s24+$0xFFFFFF40] =	vst v2  }
0x32e: {  	v2 =	vor.u32 v48, v4;
	v10 =	vld.idx.msk [tilespmem:v10+s17+$0x0], $0xffff  }
0x32f: {  	[tilespmem:s23+$0xFFFFFE50] =	vst v9;
	v12 =	vmul.f32 v0, v0  }
0x330: {  	v49 =	vor.u32 $0x5005, v3;
	[tilespmem:s23+$0x50] =	vst v0;
	v0 =	vmul.f32 v9, v9  }
0x331: {  	v9 =	vor.u32 v49, v1;
	[tilespmem:s24+$0x50] =	vst v12  }
0x332: {  	[tilespmem:s24+$0xFFFFFE50] =	vst v0;
	v0 =	vld.idx.msk [tilespmem:v11+s17+$0x0], $0xffff  }
0x333: {  	v12 =	vor.u32 v47, v5;
	[tilespmem:s23+$0x140] =	vst v6;
	v11 =	vmul.f32 v10, v10;
	v2 =	vld.idx.msk [tilespmem:v2+s17+$0x0], $0xffff  }
0x334: {  	v6 =	vmul.f32 v6, v6;
	[tilespmem:s23+$0xFFFFFF50] =	vst v10  }
0x335: {  	v50 =	vor.u32 $0x5801, v3;
	[tilespmem:s24+$0xFFFFFF50] =	vst v11  }
0x336: {  	v4 =	vor.u32 v50, v4;
	[tilespmem:s24+$0x140] =	vst v6;
	v6 =	vld.idx.msk [tilespmem:v9+s17+$0x0], $0xffff  }
0x337: {  	v8 =	vor.u32 v50, v8  }
0x338: {  	v51 =	vor.u32 $0x5805, v3;
	v9 =	vld.idx.msk [tilespmem:v12+s17+$0x0], $0xffff;
	[tilespmem:s23+$0x60] =	vst v0;
	v10 =	vmul.f32 v2, v2  }
0x339: {  	v1 =	vor.u32 v51, v1;
	v0 =	vmul.f32 v0, v0;
	[tilespmem:s23+$0xFFFFFE60] =	vst v2  }
0x33a: {  	[tilespmem:s24+$0xFFFFFE60] =	vst v10  }
0x33b: {  	s13 =	simm.s32 $0x2;
	v2 =	vor.u32 v49, v5;
	[tilespmem:s24+$0x60] =	vst v0;
	v0 =	vmul.f32 v6, v6;
	v4 =	vld.idx.msk [tilespmem:v4+s17+$0x0], $0xffff  }
0x33c: {  	v52 =	vor.u32 $0x4002, v3;
	s15 =	simm.s32 $0xA;
	[tilespmem:s23+$0xFFFFFF60] =	vst v6;
	v8 =	vld.idx.msk [tilespmem:v8+s17+$0x0], $0xffff;
	v6 =	vor.u32 s13, v7  }
0x33d: {  	v10 =	vmul.f32 v9, v9;
	[tilespmem:s24+$0xFFFFFF60] =	vst v0;
	v0 =	vand.u32 $0x3F0, v6;
	v6 =	vor.u32 s15, v7  }
0x33e: {  	s16 =	simm.s32 $0x6;
	[tilespmem:s23+$0x150] =	vst v9;
	v1 =	vld.idx.msk [tilespmem:v1+s17+$0x0], $0xffff;
	v9 =	vor.u32 v52, v0;
	v15 =	vand.u32 $0x3F8, v6  }
0x33f: {  	[tilespmem:s24+$0x150] =	vst v10;
	v6 =	vor.u32 s16, v7;
	v10 =	vor.u32 v52, v15  }
0x340: {  	v53 =	vor.u32 $0x4006, v3;
	v2 =	vld.idx.msk [tilespmem:v2+s17+$0x0], $0xffff;
	v6 =	vand.u32 $0x3F0, v6;
	[tilespmem:s23+$0xFFFFFE70] =	vst v4;
	v4 =	vmul.f32 v4, v4  }
0x341: {  	v11 =	vor.u32 v53, v6;
	[tilespmem:s23+$0x70] =	vst v8;
	v8 =	vmul.f32 v8, v8  }
0x342: {  	[tilespmem:s24+$0xFFFFFE70] =	vst v4  }
0x343: {  	v4 =	vor.u32 v51, v5;
	[tilespmem:s24+$0x70] =	vst v8;
	v5 =	vld.idx.msk [tilespmem:v9+s17+$0x0], $0xffff;
	v9 =	vmul.f32 v1, v1  }
0x344: {  	[tilespmem:s23+$0xFFFFFF70] =	vst v1;
	v1 =	vld.idx.msk [tilespmem:v10+s17+$0x0], $0xffff  }
0x345: {  	v54 =	vor.u32 $0x4802, v3;
	v8 =	vmul.f32 v2, v2;
	[tilespmem:s24+$0xFFFFFF70] =	vst v9  }
0x346: {  	[tilespmem:s23+$0x160] =	vst v2;
	v9 =	vor.u32 v54, v0;
	v2 =	vld.idx.msk [tilespmem:v11+s17+$0x0], $0xffff  }
0x347: {  	v10 =	vor.u32 v54, v15;
	[tilespmem:s24+$0x160] =	vst v8  }
0x348: {  	v55 =	vor.u32 $0x4806, v3;
	v4 =	vld.idx.msk [tilespmem:v4+s17+$0x0], $0xffff;
	[tilespmem:s23+$0xFFFFFE80] =	vst v5;
	v5 =	vmul.f32 v5, v5  }
0x349: {  	s26 =	simm.s32 $0xE;
	v11 =	vor.u32 v55, v6;
	[tilespmem:s23+$0x80] =	vst v1;
	v1 =	vmul.f32 v1, v1  }
0x34a: {  	v8 =	vor.u32 s26, v7;
	[tilespmem:s24+$0xFFFFFE80] =	vst v5  }
0x34b: {  	v8 =	vand.u32 $0x3F8, v8;
	v5 =	vld.idx.msk [tilespmem:v9+s17+$0x0], $0xffff;
	v9 =	vmul.f32 v2, v2;
	[tilespmem:s24+$0x80] =	vst v1  }
0x34c: {  	v1 =	vor.u32 v53, v8;
	[tilespmem:s23+$0xFFFFFF80] =	vst v2;
	v2 =	vld.idx.msk [tilespmem:v10+s17+$0x0], $0xffff  }
0x34d: {  	v56 =	vor.u32 $0x5002, v3;
	v10 =	vmul.f32 v4, v4;
	[tilespmem:s24+$0xFFFFFF80] =	vst v9  }
0x34e: {  	[tilespmem:s23+$0x170] =	vst v4;
	v9 =	vor.u32 v56, v0;
	v4 =	vld.idx.msk [tilespmem:v11+s17+$0x0], $0xffff  }
0x34f: {  	[tilespmem:s24+$0x170] =	vst v10;
	v10 =	vor.u32 v56, v15  }
0x350: {  	v57 =	vor.u32 $0x5006, v3;
	[tilespmem:s23+$0xFFFFFE90] =	vst v5;
	v5 =	vmul.f32 v5, v5  }
0x351: {  	v14 =	vor.u32 v57, v6;
	v1 =	vld.idx.msk [tilespmem:v1+s17+$0x0], $0xffff;
	[tilespmem:s23+$0x90] =	vst v2;
	v2 =	vmul.f32 v2, v2  }
0x352: {  	[tilespmem:s24+$0xFFFFFE90] =	vst v5  }
0x353: {  	v5 =	vmul.f32 v4, v4;
	[tilespmem:s24+$0x90] =	vst v2;
	v11 =	vld.idx.msk [tilespmem:v9+s17+$0x0], $0xffff  }
0x354: {  	v13 =	vor.u32 v55, v8;
	[tilespmem:s23+$0xFFFFFF90] =	vst v4;
	v12 =	vld.idx.msk [tilespmem:v10+s17+$0x0], $0xffff  }
0x355: {  	[tilespmem:s24+$0xFFFFFF90] =	vst v5  }
0x356: {  	s6 =	simm.s32 $0x1F;
	v59 =	vor.u32 $0x5802, v3;
	s28 =	simm.s32 $0xC400;
	v10 =	vld.idx.msk [tilespmem:v14+s17+$0x0], $0xffff;
	v14 =	vmul.f32 v1, v1  }
0x357: {  	v58 =	vor.u32 $0x5806, v3;
	s15 =	simm.s32 $0xF;
	s16 =	simm.s32 $0x0;
	s26 =	simm.s32 $0x8400;
	v9 =	vor.u32 v59, v0;
	v0 =	vor.u32 v59, v15;
	[tilespmem:s23+$0x180] =	vst v1  }
.LBB2_10:
0x358: {  	s7 =	sadd.s32 $0xFFFFFFF1, s6;
	s11 =	sadd.s32 $0xFFFFFFF5, s6;
	s12 =	sadd.s32 $0xFFFFFFFD, s6;
	v1 =	vmul.f32 v11, v11;
	[tilespmem:s24+$0x180] =	vst v14  }
0x359: {  	s16 =	sadd.s32 $0x4, s16;
	v5 =	vmul.f32 v12, v12;
	v2 =	vor.u32 s11, v7;
	v4 =	vor.u32 s12, v7;
	[tilespmem:s23+$0xA0] =	vst v12;
	v12 =	vld.idx.msk [tilespmem:v13+s17+$0x0], $0xffff  }
0x35a: {  	p0 =	slt.u32 s16, $0x1C;
	v13 =	vand.u32 $0x3F0, v2;
	v14 =	vand.u32 $0x3F8, v4;
	[tilespmem:s23+$0xFFFFFEA0] =	vst v11;
	v2 =	vor.u32 v58, v6  }
0x35b: {  	v11 =	vor.u32 s7, v36;
	v15 =	vor.u32 v37, v13;
	v16 =	vor.u32 v37, v14;
	[tilespmem:s24+$0xA0] =	vst v5  }
0x35c: {  	[tilespmem:s24+$0xFFFFFEA0] =	vst v1;
	v1 =	vmul.f32 v10, v10;
	v0 =	vld.idx.msk [tilespmem:v0+s17+$0x0], $0xffff  }
0x35d: {  	s11 =	sadd.s32 $0xFFFFFFFC, s15;
	v5 =	vld.idx.msk [tilespmem:v9+s17+$0x0], $0xffff;
	[tilespmem:s23+$0xFFFFFFA0] =	vst v10  }
0x35e: {  	v60 =	vor.u32 $0x4003, v3;
	s12 =	sadd.s32 $0xFFFFFFF4, s15;
	v9 =	vor.u32 v57, v8;
	[tilespmem:s24+$0xFFFFFFA0] =	vst v1;
	v1 =	vor.u32 s11, v7  }
0x35f: {  	v10 =	vor.u32 s12, v7;
	v6 =	vld.idx.msk [tilespmem:v2+s17+$0x0], $0xffff;
	v4 =	vand.u32 $0x3F8, v1;
	[tilespmem:s23+$0x190] =	vst v12;
	v1 =	vmul.f32 v12, v12  }
0x360: {  	v2 =	vand.u32 $0x3F0, v10;
	v12 =	vld.idx.msk [tilespmem:v15+s17+$0x0], $0xffff;
	v10 =	vor.u32 v60, v4  }
0x361: {  	v15 =	vor.u32 v60, v2;
	[tilespmem:s24+$0x190] =	vst v1  }
0x362: {  	v1 =	vld.idx.msk [tilespmem:v16+s17+$0x0], $0xffff;
	[tilespmem:s23+$0xB0] =	vst v0;
	v0 =	vmul.f32 v0, v0  }
0x363: {  	s11 =	sadd.s32 $0xFFFFFFF9, s6;
	s23 =	sadd.s32 $0x400, s23;
	[tilespmem:s26+$0xFFFFFEB0] =	vst v5;
	v5 =	vmul.f32 v5, v5;
	v9 =	vld.idx.msk [tilespmem:v9+s17+$0x0], $0xffff  }
0x364: {  	v17 =	vor.u32 v39, v14;
	v16 =	vor.u32 v39, v13;
	[tilespmem:s24+$0xB0] =	vst v0  }
0x365: {  	v0 =	vor.u32 s11, v36;
	[tilespmem:s24+$0xFFFFFEB0] =	vst v5;
	v5 =	vld.idx.msk [tilespmem:v10+s17+$0x0], $0xffff  }
0x366: {  	v10 =	vmul.f32 v12, v12;
	[tilespmem:s23+$0xFFFFFF00] =	vst v12;
	v12 =	vld.idx.msk [tilespmem:v15+s17+$0x0], $0xffff  }
0x367: {  	s24 =	sadd.s32 $0x400, s24;
	[tilespmem:s26+$0xFFFFFFB0] =	vst v6  }
0x368: {  	v61 =	vor.u32 $0x4803, v3;
	v11 =	vld.idx.msk [tilespmem:v11+s17+$0x0], $0xffff;
	[tilespmem:s23+$0x100] =	vst v1;
	v1 =	vmul.f32 v1, v1  }
0x369: {  	v15 =	vor.u32 v61, v4;
	[tilespmem:s26+$0x1A0] =	vst v9  }
0x36a: {  	v0 =	vld.idx.msk [tilespmem:v0+s17+$0x0], $0xffff;
	[tilespmem:s24+$0x100] =	vst v1;
	v1 =	vor.u32 v58, v8  }
0x36b: {  	[tilespmem:s24+$0xFFFFFF00] =	vst v10;
	v8 =	vld.idx.msk [tilespmem:v17+s17+$0x0], $0xffff;
	v10 =	vmul.f32 v5, v5  }
0x36c: {  	[tilespmem:s26+$0xC0] =	vst v5;
	v5 =	vmul.f32 v9, v9  }
0x36d: {  	v18 =	vor.u32 v41, v14;
	v17 =	vor.u32 v41, v13;
	v16 =	vld.idx.msk [tilespmem:v16+s17+$0x0], $0xffff;
	[tilespmem:s28+$0xC0] =	vst v10  }
0x36e: {  	v9 =	vor.u32 v61, v2;
	v10 =	vld.idx.msk [tilespmem:v15+s17+$0x0], $0xffff;
	[tilespmem:s28+$0x1A0] =	vst v5  }
0x36f: {  	v5 =	vmul.f32 v12, v12;
	[tilespmem:s26+$0xFFFFFEC0] =	vst v12;
	v1 =	vld.idx.msk [tilespmem:v1+s17+$0x0], $0xffff  }
0x370: {  	v19 =	vor.u32 s11, v38;
	v12 =	vor.u32 s7, v38;
	v15 =	vmul.f32 v0, v0;
	[tilespmem:s23+$0xFFFFFE00] =	vst v11  }
0x371: {  	[tilespmem:s23+$0x0] =	vst v0;
	v0 =	vmul.f32 v8, v8  }
0x372: {  	v11 =	vmul.f32 v11, v11;
	[tilespmem:s28+$0xFFFFFEC0] =	vst v5  }
0x373: {  	v62 =	vor.u32 $0x5003, v3;
	[tilespmem:s23+$0xFFFFFF10] =	vst v16;
	v5 =	vld.idx.msk [tilespmem:v9+s17+$0x0], $0xffff  }
0x374: {  	v63 =	vor.u32 $0x4007, v3;
	v20 =	vor.u32 v62, v4;
	v9 =	vor.u32 s15, v7;
	[tilespmem:s26+$0xD0] =	vst v10  }
0x375: {  	v10 =	vmul.f32 v10, v10;
	v9 =	vand.u32 $0x3F8, v9;
	[tilespmem:s26+$0x1B0] =	vst v1  }
0x376: {  	[tilespmem:s24+$0xFFFFFE00] =	vst v11;
	v11 =	vor.u32 v43, v13;
	v13 =	vor.u32 v43, v14;
	v14 =	vor.u32 v63, v9  }
0x377: {  	v1 =	vmul.f32 v1, v1;
	[tilespmem:s24+$0x0] =	vst v15  }
0x378: {  	v15 =	vld.idx.msk [tilespmem:v19+s17+$0x0], $0xffff;
	[tilespmem:s28+$0xD0] =	vst v10  }
0x379: {  	v10 =	vor.u32 v62, v2;
	v19 =	vld.idx.msk [tilespmem:v20+s17+$0x0], $0xffff;
	[tilespmem:s28+$0x1B0] =	vst v1  }
0x37a: {  	v20 =	vor.u32 s11, v40;
	v1 =	vld.idx.msk [tilespmem:v12+s17+$0x0], $0xffff;
	v12 =	vor.u32 s7, v40;
	[tilespmem:s23+$0x110] =	vst v8  }
0x37b: {  	[tilespmem:s26+$0xFFFFFED0] =	vst v5;
	v5 =	vmul.f32 v5, v5;
	v14 =	vld.idx.msk [tilespmem:v14+s17+$0x0], $0xffff  }
0x37c: {  	s13 =	sadd.s32 $0xFFFFFFFE, s6;
	s12 =	sadd.s32 $0xFFFFFFF6, s6;
	v8 =	vmul.f32 v16, v16;
	[tilespmem:s24+$0x110] =	vst v0  }
0x37d: {  	v0 =	vor.u32 s12, v7;
	v16 =	vld.idx.msk [tilespmem:v18+s17+$0x0], $0xffff;
	v18 =	vor.u32 s13, v7;
	[tilespmem:s28+$0xFFFFFED0] =	vst v5  }
0x37e: {  	v0 =	vand.u32 $0x3F0, v0;
	[tilespmem:s24+$0xFFFFFF10] =	vst v8;
	v18 =	vand.u32 $0x3F8, v18;
	v5 =	vld.idx.msk [tilespmem:v10+s17+$0x0], $0xffff  }
0x37f: {  	v10 =	vld.idx.msk [tilespmem:v17+s17+$0x0], $0xffff;
	v17 =	vor.u32 v45, v0;
	v21 =	vor.u32 v45, v18;
	[tilespmem:s26+$0xE0] =	vst v19  }
0x380: {  	v8 =	vor.u32 v51, v0;
	v22 =	vmul.f32 v1, v1;
	[tilespmem:s23+$0x10] =	vst v15  }
0x381: {  	[tilespmem:s23+$0xFFFFFE10] =	vst v1  }
0x382: {  	[tilespmem:s26+$0x1C0] =	vst v14  }
0x383: {  	v23 =	vor.u32 s7, v42;
	v24 =	vor.u32 s11, v42;
	v15 =	vmul.f32 v15, v15;
	[tilespmem:s23+$0x120] =	vst v16  }
0x384: {  	v19 =	vmul.f32 v19, v19;
	v1 =	vor.u32 $0x5803, v3;
	[tilespmem:s24+$0xFFFFFE10] =	vst v22  }
0x385: {  	[tilespmem:s24+$0x10] =	vst v15;
	v15 =	vor.u32 v1, v2;
	v2 =	vor.u32 $0x4807, v3  }
0x386: {  	v16 =	vmul.f32 v16, v16;
	[tilespmem:s23+$0xFFFFFF20] =	vst v10;
	v20 =	vld.idx.msk [tilespmem:v20+s17+$0x0], $0xffff;
	v22 =	vor.u32 v2, v9  }
0x387: {  	[tilespmem:s26+$0xFFFFFEE0] =	vst v5;
	v5 =	vmul.f32 v5, v5  }
0x388: {  	v25 =	vor.u32 v47, v0;
	v14 =	vmul.f32 v14, v14;
	v12 =	vld.idx.msk [tilespmem:v12+s17+$0x0], $0xffff;
	[tilespmem:s24+$0x120] =	vst v16  }
0x389: {  	s7 =	sadd.s32 $0xFFFFFFF2, s6;
	v4 =	vor.u32 v1, v4;
	v10 =	vmul.f32 v10, v10;
	[tilespmem:s28+$0xFFFFFEE0] =	vst v5  }
0x38a: {  	v16 =	vor.u32 v47, v18;
	v5 =	vor.u32 s7, v7;
	v15 =	vld.idx.msk [tilespmem:v15+s17+$0x0], $0xffff;
	[tilespmem:s28+$0x1C0] =	vst v14  }
0x38b: {  	s7 =	sadd.s32 $0xFFFFFFFA, s6;
	v14 =	vand.u32 $0x3F0, v5;
	[tilespmem:s24+$0xFFFFFF20] =	vst v10;
	v5 =	vld.idx.msk [tilespmem:v22+s17+$0x0], $0xffff  }
0x38c: {  	v10 =	vor.u32 v44, v14;
	v22 =	vor.u32 s7, v7;
	[tilespmem:s23+$0x20] =	vst v20;
	v20 =	vmul.f32 v20, v20;
	v13 =	vld.idx.msk [tilespmem:v13+s17+$0x0], $0xffff  }
0x38d: {  	v22 =	vand.u32 $0x3F8, v22;
	[tilespmem:s28+$0xE0] =	vst v19  }
0x38e: {  	v19 =	vmul.f32 v12, v12;
	[tilespmem:s24+$0x20] =	vst v20;
	v20 =	vor.u32 v44, v22;
	v26 =	vld.idx.msk [tilespmem:v4+s17+$0x0], $0xffff  }
0x38f: {  	[tilespmem:s23+$0xFFFFFE20] =	vst v12;
	v12 =	vld.idx.msk [tilespmem:v24+s17+$0x0], $0xffff  }
0x390: {  	[tilespmem:s26+$0xFFFFFEF0] =	vst v15  }
0x391: {  	v0 =	vor.u32 v49, v0;
	v4 =	vor.u32 $0x5007, v3;
	[tilespmem:s24+$0xFFFFFE20] =	vst v19  }
0x392: {  	v24 =	vor.u32 v4, v9;
	v19 =	vld.idx.msk [tilespmem:v23+s17+$0x0], $0xffff;
	v23 =	vmul.f32 v13, v13;
	[tilespmem:s26+$0x1D0] =	vst v5  }
0x393: {  	v11 =	vld.idx.msk [tilespmem:v11+s17+$0x0], $0xffff;
	[tilespmem:s23+$0x130] =	vst v13;
	v13 =	vor.u32 v49, v18  }
0x394: {  	v5 =	vmul.f32 v5, v5;
	[tilespmem:s24+$0x130] =	vst v23  }
0x395: {  	v15 =	vmul.f32 v15, v15;
	[tilespmem:s23+$0x30] =	vst v12;
	v12 =	vmul.f32 v12, v12;
	v21 =	vld.idx.msk [tilespmem:v21+s17+$0x0], $0xffff  }
0x396: {  	[tilespmem:s28+$0x1D0] =	vst v5  }
0x397: {  	v23 =	vor.u32 v46, v22;
	[tilespmem:s28+$0xFFFFFEF0] =	vst v15;
	v15 =	vld.idx.msk [tilespmem:v24+s17+$0x0], $0xffff  }
0x398: {  	v5 =	vmul.f32 v19, v19;
	[tilespmem:s23+$0xFFFFFE30] =	vst v19  }
0x399: {  	v19 =	vor.u32 v46, v14;
	[tilespmem:s23+$0xFFFFFF30] =	vst v11;
	v11 =	vmul.f32 v11, v11  }
0x39a: {  	[tilespmem:s24+$0xFFFFFE30] =	vst v5;
	v5 =	vor.u32 $0x5807, v3  }
0x39b: {  	v10 =	vld.idx.msk [tilespmem:v10+s17+$0x0], $0xffff;
	[tilespmem:s24+$0xFFFFFF30] =	vst v11;
	v9 =	vor.u32 v5, v9  }
0x39c: {  	v11 =	vld.idx.msk [tilespmem:v17+s17+$0x0], $0xffff;
	[tilespmem:s24+$0x30] =	vst v12;
	v12 =	vmul.f32 v21, v21;
	v17 =	vor.u32 v51, v18  }
0x39d: {  	v18 =	vld.idx.msk [tilespmem:v20+s17+$0x0], $0xffff;
	[tilespmem:s23+$0x140] =	vst v21  }
0x39e: {  	[tilespmem:s24+$0x140] =	vst v12;
	v12 =	vmul.f32 v15, v15  }
0x39f: {  	v16 =	vld.idx.msk [tilespmem:v16+s17+$0x0], $0xffff;
	[tilespmem:s26+$0x1E0] =	vst v15  }
0x3a0: {  	v15 =	vor.u32 v48, v22;
	[tilespmem:s28+$0x1E0] =	vst v12  }
0x3a1: {  	[tilespmem:s23+$0xFFFFFE40] =	vst v10;
	v9 =	vld.idx.msk [tilespmem:v9+s17+$0x0], $0xffff  }
0x3a2: {  	v12 =	vor.u32 v48, v14;
	v10 =	vmul.f32 v10, v10;
	[tilespmem:s23+$0xFFFFFF40] =	vst v11  }
0x3a3: {  	[tilespmem:s23+$0x40] =	vst v18;
	v18 =	vmul.f32 v18, v18  }
0x3a4: {  	[tilespmem:s24+$0xFFFFFE40] =	vst v10;
	v10 =	vmul.f32 v11, v11  }
0x3a5: {  	v11 =	vld.idx.msk [tilespmem:v19+s17+$0x0], $0xffff;
	[tilespmem:s24+$0x40] =	vst v18  }
0x3a6: {  	[tilespmem:s24+$0xFFFFFF40] =	vst v10;
	v10 =	vld.idx.msk [tilespmem:v23+s17+$0x0], $0xffff  }
0x3a7: {  	v18 =	vld.idx.msk [tilespmem:v25+s17+$0x0], $0xffff;
	[tilespmem:s23+$0x150] =	vst v16;
	v16 =	vmul.f32 v16, v16  }
0x3a8: {  	[tilespmem:s26+$0x1F0] =	vst v9;
	v9 =	vmul.f32 v9, v9  }
0x3a9: {  	v19 =	vor.u32 v50, v22;
	[tilespmem:s24+$0x150] =	vst v16  }
0x3aa: {  	v13 =	vld.idx.msk [tilespmem:v13+s17+$0x0], $0xffff;
	[tilespmem:s28+$0x1F0] =	vst v9  }
0x3ab: {  	v9 =	vor.u32 v50, v14;
	[tilespmem:s23+$0xFFFFFE50] =	vst v11  }
0x3ac: {  	[tilespmem:s23+$0x50] =	vst v10;
	v10 =	vmul.f32 v10, v10  }
0x3ad: {  	s7 =	sadd.s32 $0xFFFFFFF8, s15;
	s15 =	smov.u32 s6;
	v11 =	vmul.f32 v11, v11;
	[tilespmem:s23+$0xFFFFFF50] =	vst v18  }
0x3ae: {  	[tilespmem:s24+$0x50] =	vst v10;
	v10 =	vor.u32 s7, v7  }
0x3af: {  	[tilespmem:s24+$0xFFFFFE50] =	vst v11;
	v11 =	vmul.f32 v18, v18;
	v14 =	vld.idx.msk [tilespmem:v15+s17+$0x0], $0xffff;
	v10 =	vand.u32 $0x3F0, v10  }
0x3b0: {  	v12 =	vld.idx.msk [tilespmem:v12+s17+$0x0], $0xffff;
	[tilespmem:s23+$0x160] =	vst v13;
	v15 =	vor.u32 v63, v10;
	v16 =	vor.u32 v5, v10  }
0x3b1: {  	[tilespmem:s24+$0xFFFFFF50] =	vst v11;
	v11 =	vmul.f32 v26, v26  }
0x3b2: {  	v6 =	vmul.f32 v6, v6;
	v0 =	vld.idx.msk [tilespmem:v0+s17+$0x0], $0xffff;
	[tilespmem:s26+$0xF0] =	vst v26  }
0x3b3: {  	[tilespmem:s28+$0xF0] =	vst v11  }
0x3b4: {  	[tilespmem:s28+$0xFFFFFFB0] =	vst v6  }
0x3b5: {  	v6 =	vmul.f32 v14, v14;
	[tilespmem:s23+$0x60] =	vst v14;
	v11 =	vld.idx.msk [tilespmem:v15+s17+$0x0], $0xffff  }
0x3b6: {  	[tilespmem:s23+$0xFFFFFE60] =	vst v12;
	v12 =	vmul.f32 v12, v12  }
0x3b7: {  	[tilespmem:s24+$0x60] =	vst v6;
	v6 =	vmul.f32 v13, v13  }
0x3b8: {  	[tilespmem:s24+$0xFFFFFE60] =	vst v12;
	v12 =	vmul.f32 v0, v0  }
0x3b9: {  	v13 =	vld.idx.msk [tilespmem:v9+s17+$0x0], $0xffff;
	[tilespmem:s24+$0x160] =	vst v6;
	v6 =	vor.u32 v2, v10  }
0x3ba: {  	s7 =	sadd.s32 $0xFFFFFFF3, s6;
	[tilespmem:s23+$0xFFFFFF60] =	vst v0;
	v0 =	vld.idx.msk [tilespmem:v19+s17+$0x0], $0xffff  }
0x3bb: {  	v9 =	vor.u32 s7, v7;
	s7 =	sadd.s32 $0xFFFFFFFB, s6;
	v14 =	vmul.f32 v11, v11;
	[tilespmem:s24+$0xFFFFFF60] =	vst v12;
	v12 =	vld.idx.msk [tilespmem:v17+s17+$0x0], $0xffff  }
0x3bc: {  	v15 =	vand.u32 $0x3F0, v9;
	v17 =	vor.u32 s7, v7;
	v8 =	vld.idx.msk [tilespmem:v8+s17+$0x0], $0xffff;
	[tilespmem:s26+$0xFFFFFFC0] =	vst v11  }
0x3bd: {  	v9 =	vor.u32 v59, v15;
	s7 =	sadd.s32 $0xFFFFFFF7, s6;
	v11 =	vor.u32 v52, v15;
	v17 =	vand.u32 $0x3F8, v17;
	[tilespmem:s28+$0xFFFFFFC0] =	vst v14  }
0x3be: {  	v14 =	vor.u32 s7, v7;
	v18 =	vor.u32 v52, v17;
	v19 =	vld.idx.msk [tilespmem:v6+s17+$0x0], $0xffff  }
0x3bf: {  	v6 =	vand.u32 $0x3F0, v14;
	[tilespmem:s23+$0xFFFFFE70] =	vst v13;
	v13 =	vmul.f32 v13, v13  }
0x3c0: {  	v14 =	vor.u32 v53, v6;
	[tilespmem:s23+$0x70] =	vst v0;
	v0 =	vmul.f32 v0, v0  }
0x3c1: {  	[tilespmem:s24+$0xFFFFFE70] =	vst v13  }
0x3c2: {  	v13 =	vmul.f32 v8, v8;
	v11 =	vld.idx.msk [tilespmem:v11+s17+$0x0], $0xffff;
	[tilespmem:s24+$0x70] =	vst v0  }
0x3c3: {  	[tilespmem:s23+$0xFFFFFF70] =	vst v8;
	v0 =	vld.idx.msk [tilespmem:v18+s17+$0x0], $0xffff;
	v8 =	vor.u32 v4, v10  }
0x3c4: {  	[tilespmem:s24+$0xFFFFFF70] =	vst v13  }
0x3c5: {  	v13 =	vmul.f32 v19, v19;
	v10 =	vld.idx.msk [tilespmem:v14+s17+$0x0], $0xffff;
	[tilespmem:s23+$0x170] =	vst v12  }
0x3c6: {  	v14 =	vor.u32 v54, v15;
	[tilespmem:s26+$0xFFFFFFD0] =	vst v19  }
0x3c7: {  	s7 =	sadd.s32 $0xFFFFFFFF, s6;
	v18 =	vor.u32 v54, v17;
	[tilespmem:s28+$0xFFFFFFD0] =	vst v13  }
0x3c8: {  	v13 =	vor.u32 s7, v7;
	[tilespmem:s23+$0xFFFFFE80] =	vst v11;
	v11 =	vmul.f32 v11, v11;
	v19 =	vld.idx.msk [tilespmem:v8+s17+$0x0], $0xffff  }
0x3c9: {  	v20 =	vor.u32 v55, v6;
	v8 =	vand.u32 $0x3F8, v13;
	[tilespmem:s23+$0x80] =	vst v0;
	v0 =	vmul.f32 v0, v0  }
0x3ca: {  	[tilespmem:s24+$0xFFFFFE80] =	vst v11;
	v11 =	vor.u32 v53, v8  }
0x3cb: {  	v13 =	vld.idx.msk [tilespmem:v14+s17+$0x0], $0xffff;
	v14 =	vmul.f32 v10, v10;
	[tilespmem:s24+$0x80] =	vst v0  }
0x3cc: {  	[tilespmem:s23+$0xFFFFFF80] =	vst v10;
	v0 =	vld.idx.msk [tilespmem:v18+s17+$0x0], $0xffff;
	v10 =	vmul.f32 v12, v12  }
0x3cd: {  	[tilespmem:s24+$0xFFFFFF80] =	vst v14  }
0x3ce: {  	v12 =	vld.idx.msk [tilespmem:v20+s17+$0x0], $0xffff;
	[tilespmem:s24+$0x170] =	vst v10;
	v10 =	vmul.f32 v19, v19  }
0x3cf: {  	v14 =	vor.u32 v56, v15;
	v15 =	vld.idx.msk [tilespmem:v11+s17+$0x0], $0xffff;
	[tilespmem:s26+$0xFFFFFFE0] =	vst v19  }
0x3d0: {  	v18 =	vor.u32 v56, v17;
	[tilespmem:s28+$0xFFFFFFE0] =	vst v10  }
0x3d1: {  	v10 =	vmul.f32 v13, v13;
	[tilespmem:s23+$0xFFFFFE90] =	vst v13;
	v16 =	vld.idx.msk [tilespmem:v16+s17+$0x0], $0xffff  }
0x3d2: {  	v19 =	vor.u32 v57, v6;
	[tilespmem:s23+$0x90] =	vst v0;
	v0 =	vmul.f32 v0, v0  }
0x3d3: {  	[tilespmem:s24+$0xFFFFFE90] =	vst v10  }
0x3d4: {  	v10 =	vmul.f32 v12, v12;
	v11 =	vld.idx.msk [tilespmem:v14+s17+$0x0], $0xffff;
	[tilespmem:s24+$0x90] =	vst v0  }
.Ltmp4:
0x3d5: {  	[tilespmem:s23+$0xFFFFFF90] =	vst v12;
	v12 =	vld.idx.msk [tilespmem:v18+s17+$0x0], $0xffff;
	(pc) =	sbr.rel @p0 .LBB2_10-.Ltmp4, $4  }
0x3d6: {  	v13 =	vor.u32 v55, v8;
	[tilespmem:s24+$0xFFFFFF90] =	vst v10  }
0x3d7: {  	v18 =	vmul.f32 v16, v16;
	v10 =	vld.idx.msk [tilespmem:v19+s17+$0x0], $0xffff;
	[tilespmem:s23+$0x180] =	vst v15  }
0x3d8: {  	v14 =	vmul.f32 v15, v15;
	[tilespmem:s26+$0xFFFFFFF0] =	vst v16;
	s26 =	smov.u32 s23  }
0x3d9: {  	s6 =	sadd.s32 $0x10, s6;
	v0 =	vor.u32 v59, v17;
	[tilespmem:s28+$0xFFFFFFF0] =	vst v18;
	s28 =	smov.u32 s24  }
0x3da: {  	_ =	sdelay $0x2  }
0x3db: {  	[tilespmem:s24+$0x180] =	vst v14  }
0x3dc: {  	v13 =	vld.idx.msk [tilespmem:v13+s17+$0x0], $0xffff;
	_ =	sdelay $0x2  }
0x3dd: {  	v14 =	vor.u32 v57, v8;
	_ =	sdelay $0x1  }
0x3de: {  	v15 =	vmul.f32 v13, v13  }
0x3df: {  	[tilespmem:s23+$0x190] =	vst v13  }
0x3e0: {  	[tilespmem:s24+$0x190] =	vst v15  }
0x3e1: {  	v13 =	vld.idx.msk [tilespmem:v14+s17+$0x0], $0xffff;
	_ =	sdelay $0x2  }
0x3e2: {  	v8 =	vor.u32 v58, v8;
	v14 =	vmul.f32 v11, v11  }
0x3e3: {  	[tilespmem:s23+$0xFFFFFEA0] =	vst v11  }
0x3e4: {  	[tilespmem:s24+$0xFFFFFEA0] =	vst v14;
	v11 =	vmul.f32 v13, v13  }
0x3e5: {  	s6 =	sadd.s32 $0xFFFFFFF4, s15;
	v9 =	vld.idx.msk [tilespmem:v9+s17+$0x0], $0xffff;
	[tilespmem:s26+$0x1A0] =	vst v13  }
0x3e6: {  	v6 =	vor.u32 v58, v6;
	v14 =	vor.u32 s6, v7;
	v13 =	vmul.f32 v12, v12;
	[tilespmem:s28+$0x1A0] =	vst v11  }
0x3e7: {  	[tilespmem:s23+$0xA0] =	vst v12;
	v11 =	vand.u32 $0x3F0, v14;
	v8 =	vld.idx.msk [tilespmem:v8+s17+$0x0], $0xffff  }
0x3e8: {  	v12 =	vmul.f32 v10, v10;
	[tilespmem:s24+$0xA0] =	vst v13;
	v14 =	vor.u32 s15, v7;
	v13 =	vor.u32 v60, v11  }
0x3e9: {  	s11 =	sadd.s32 $0xFFFFFFFC, s15;
	[tilespmem:s23+$0xFFFFFFA0] =	vst v10;
	v0 =	vld.idx.msk [tilespmem:v0+s17+$0x0], $0xffff;
	v10 =	vand.u32 $0x3F8, v14  }
0x3ea: {  	[tilespmem:s24+$0xFFFFFFA0] =	vst v12;
	v12 =	vor.u32 s11, v7;
	v14 =	vmul.f32 v9, v9;
	v15 =	vor.u32 v63, v10  }
0x3eb: {  	s12 =	sadd.s32 $0xFFFFFFF8, s15;
	v6 =	vld.idx.msk [tilespmem:v6+s17+$0x0], $0xffff;
	v12 =	vand.u32 $0x3F8, v12;
	[tilespmem:s26+$0xFFFFFEB0] =	vst v9  }
0x3ec: {  	v16 =	vor.u32 s12, v7;
	v9 =	vor.u32 v60, v12;
	[tilespmem:s24+$0xFFFFFEB0] =	vst v14;
	v14 =	vmul.f32 v8, v8  }
0x3ed: {  	v13 =	vld.idx.msk [tilespmem:v13+s17+$0x0], $0xffff;
	[tilespmem:s26+$0x1B0] =	vst v8;
	v8 =	vand.u32 $0x3F0, v16  }
0x3ee: {  	v59 =	vmul.f32 v0, v0;
	[tilespmem:s28+$0x1B0] =	vst v14;
	v14 =	vor.u32 v63, v8  }
0x3ef: {  	[tilespmem:s23+$0xB0] =	vst v0;
	v0 =	vld.idx.msk [tilespmem:v15+s17+$0x0], $0xffff  }
0x3f0: {  	v60 =	vmul.f32 v6, v6;
	[tilespmem:s24+$0xB0] =	vst v59;
	v15 =	vor.u32 v61, v11  }
0x3f1: {  	[tilespmem:s26+$0xFFFFFFB0] =	vst v6;
	v9 =	vld.idx.msk [tilespmem:v9+s17+$0x0], $0xffff  }
0x3f2: {  	v17 =	vor.u32 v2, v10;
	[tilespmem:s28+$0xFFFFFFB0] =	vst v60;
	v6 =	vmul.f32 v13, v13  }
0x3f3: {  	[tilespmem:s26+$0xFFFFFEC0] =	vst v13;
	v13 =	vld.idx.msk [tilespmem:v14+s17+$0x0], $0xffff  }
0x3f4: {  	v14 =	vor.u32 v61, v12;
	[tilespmem:s28+$0xFFFFFEC0] =	vst v6;
	v6 =	vmul.f32 v0, v0  }
0x3f5: {  	v15 =	vld.idx.msk [tilespmem:v15+s17+$0x0], $0xffff;
	[tilespmem:s26+$0x1C0] =	vst v0  }
0x3f6: {  	v2 =	vor.u32 v2, v8;
	v0 =	vmul.f32 v9, v9;
	[tilespmem:s28+$0x1C0] =	vst v6  }
0x3f7: {  	[tilespmem:s26+$0xC0] =	vst v9;
	v6 =	vld.idx.msk [tilespmem:v17+s17+$0x0], $0xffff  }
0x3f8: {  	[tilespmem:s28+$0xC0] =	vst v0;
	v0 =	vor.u32 v62, v11;
	v9 =	vmul.f32 v13, v13  }
0x3f9: {  	v14 =	vld.idx.msk [tilespmem:v14+s17+$0x0], $0xffff;
	[tilespmem:s26+$0xFFFFFFC0] =	vst v13  }
0x3fa: {  	v63 =	vor.u32 v4, v10;
	v13 =	vmul.f32 v15, v15;
	[tilespmem:s28+$0xFFFFFFC0] =	vst v9  }
0x3fb: {  	[tilespmem:s26+$0xFFFFFED0] =	vst v15;
	v2 =	vld.idx.msk [tilespmem:v2+s17+$0x0], $0xffff  }
0x3fc: {  	v9 =	vor.u32 v62, v12;
	[tilespmem:s28+$0xFFFFFED0] =	vst v13;
	v13 =	vmul.f32 v6, v6  }
0x3fd: {  	v0 =	vld.idx.msk [tilespmem:v0+s17+$0x0], $0xffff;
	[tilespmem:s26+$0x1D0] =	vst v6  }
0x3fe: {  	v4 =	vor.u32 v4, v8;
	v6 =	vmul.f32 v14, v14;
	[tilespmem:s28+$0x1D0] =	vst v13  }
0x3ff: {  	[tilespmem:s26+$0xD0] =	vst v14;
	v13 =	vld.idx.msk [tilespmem:v63+s17+$0x0], $0xffff  }
0x400: {  	[tilespmem:s28+$0xD0] =	vst v6;
	v6 =	vor.u32 v1, v11;
	v11 =	vmul.f32 v2, v2  }
0x401: {  	v9 =	vld.idx.msk [tilespmem:v9+s17+$0x0], $0xffff;
	[tilespmem:s26+$0xFFFFFFD0] =	vst v2  }
0x402: {  	v10 =	vor.u32 v5, v10;
	v2 =	vmul.f32 v0, v0;
	[tilespmem:s28+$0xFFFFFFD0] =	vst v11  }
0x403: {  	[tilespmem:s26+$0xFFFFFEE0] =	vst v0;
	v0 =	vld.idx.msk [tilespmem:v4+s17+$0x0], $0xffff  }
0x404: {  	v1 =	vor.u32 v1, v12;
	[tilespmem:s28+$0xFFFFFEE0] =	vst v2;
	v2 =	vmul.f32 v13, v13  }
0x405: {  	v4 =	vld.idx.msk [tilespmem:v6+s17+$0x0], $0xffff;
	[tilespmem:s26+$0x1E0] =	vst v13  }
0x406: {  	v6 =	vmul.f32 v9, v9;
	[tilespmem:s28+$0x1E0] =	vst v2;
	v2 =	vor.u32 v5, v8  }
0x407: {  	[tilespmem:s26+$0xE0] =	vst v9;
	v5 =	vld.idx.msk [tilespmem:v10+s17+$0x0], $0xffff  }
0x408: {  	[tilespmem:s28+$0xE0] =	vst v6;
	v6 =	vmul.f32 v0, v0  }
0x409: {  	v1 =	vld.idx.msk [tilespmem:v1+s17+$0x0], $0xffff;
	[tilespmem:s26+$0xFFFFFFE0] =	vst v0  }
0x40a: {  	v0 =	vmul.f32 v4, v4;
	[tilespmem:s28+$0xFFFFFFE0] =	vst v6  }
0x40b: {  	[tilespmem:s26+$0xFFFFFEF0] =	vst v4;
	v2 =	vld.idx.msk [tilespmem:v2+s17+$0x0], $0xffff  }
0x40c: {  	[tilespmem:s28+$0xFFFFFEF0] =	vst v0;
	v0 =	vmul.f32 v5, v5  }
0x40d: {  	[tilespmem:s26+$0x1F0] =	vst v5  }
0x40e: {  	[tilespmem:s28+$0x1F0] =	vst v0;
	v0 =	vmul.f32 v1, v1  }
0x40f: {  	[tilespmem:s26+$0xF0] =	vst v1  }
0x410: {  	[tilespmem:s28+$0xF0] =	vst v0;
	v0 =	vmul.f32 v2, v2  }
0x411: {  	[tilespmem:s26+$0xFFFFFFF0] =	vst v2  }
0x412: {  	s13 =	simm.s32 $0x8200;
	[tilespmem:s28+$0xFFFFFFF0] =	vst v0  }
0x413: {  	[spmem:s1] =	stream.indirect.scatter.add.f32 [tilespmem:s13], [sflag:$0x3], $0x40, s30, s22, $0xb8;
	[tilespmem:$0x14A00] =	vst v63  }
0x414: {  	s15 =	simm.s32 $0xC200  }
0x415: {  	[spmem:s3] =	stream.indirect.scatter.add.f32 [tilespmem:s15], [sflag:$0x3], $0x40, s30, s22, $0xb8;
	[tilespmem:$0x14A00] =	vst v63  }
0x416: {  	_ = 	snop  }
0x417: {  	[spmem:s4] =	stream.indirect.scatter.add.f32 [tilespmem:s25], [sflag:$0x2], $0x10, s30, s22, $0xb8;
	[tilespmem:$0x14A00] =	vst v63  }
0x418: {  	_ =	swait.ge [sflag:s31], $0x2000  }
0x419: {  	v12 =	vld [tilespmem:$0x1FE90];
	_ =	sdelay $0x4  }
0x41a: {  	s16 =	simm.s32 $0x8;
	v36 =	vor.u32 $0x6000, v12  }
0x41b: {  	s7 =	simm.s32 $0x0;
	[sflag:s31] =	ssyncset.done $0x0;
	v0 =	vor.u32 s16, v36  }
0x41c: {  	[sflag:s31] =	ssyncadd.s32 $0xFFFFE000;
	v1 =	vor.u32 s7, v36  }
0x41d: {  	s11 =	simm.s32 $0x4;
	_ =	swait.ge [sflag:s31], $0x2000  }
0x41e: {  	v2 =	vor.u32 s11, v7;
	[sflag:s31] =	ssyncset.done $0x0  }
0x41f: {  	v37 =	vor.u32 $0x6004, v3;
	v2 =	vand.u32 $0x3F0, v2;
	[sflag:s31] =	ssyncadd.s32 $0xFFFFE000  }
0x420: {  	v4 =	vor.u32 v37, v2;
	v0 =	vld.idx.msk [tilespmem:v0+s17+$0x0], $0xffff  }
0x421: {  	v1 =	vld.idx.msk [tilespmem:v1+s17+$0x0], $0xffff  }
0x422: {  	v38 =	vor.u32 $0x6800, v12  }
0x423: {  	s24 =	simm.s32 $0xC;
	v5 =	vor.u32 s16, v38  }
0x424: {  	s23 =	simm.s32 $0xA400;
	v6 =	vor.u32 s24, v7;
	v8 =	vor.u32 s7, v38  }
0x425: {  	v6 =	vand.u32 $0x3F8, v6;
	v4 =	vld.idx.msk [tilespmem:v4+s17+$0x0], $0xffff;
	v9 =	vmul.f32 v0, v0;
	[tilespmem:s23+$0x0] =	vst v0  }
0x426: {  	s24 =	simm.s32 $0xE400;
	v0 =	vor.u32 v37, v6;
	v10 =	vmul.f32 v1, v1;
	[tilespmem:s23+$0xFFFFFE00] =	vst v1  }
0x427: {  	v39 =	vor.u32 $0x6804, v3;
	[tilespmem:s24+$0x0] =	vst v9  }
0x428: {  	[tilespmem:s24+$0xFFFFFE00] =	vst v10;
	v1 =	vld.idx.msk [tilespmem:v5+s17+$0x0], $0xffff;
	v5 =	vor.u32 v39, v2  }
0x429: {  	v8 =	vld.idx.msk [tilespmem:v8+s17+$0x0], $0xffff  }
0x42a: {  	v40 =	vor.u32 $0x7000, v12;
	v9 =	vmul.f32 v4, v4  }
0x42b: {  	[tilespmem:s23+$0xFFFFFF00] =	vst v4;
	v10 =	vor.u32 s16, v40;
	v0 =	vld.idx.msk [tilespmem:v0+s17+$0x0], $0xffff  }
0x42c: {  	v4 =	vor.u32 s7, v40;
	[tilespmem:s24+$0xFFFFFF00] =	vst v9  }
0x42d: {  	v9 =	vmul.f32 v1, v1;
	v5 =	vld.idx.msk [tilespmem:v5+s17+$0x0], $0xffff;
	[tilespmem:s23+$0x10] =	vst v1  }
0x42e: {  	v1 =	vmul.f32 v8, v8;
	[tilespmem:s23+$0xFFFFFE10] =	vst v8  }
0x42f: {  	[tilespmem:s24+$0x10] =	vst v9;
	v9 =	vor.u32 v39, v6  }
0x430: {  	v41 =	vor.u32 $0x7004, v3;
	[tilespmem:s24+$0xFFFFFE10] =	vst v1;
	v8 =	vld.idx.msk [tilespmem:v10+s17+$0x0], $0xffff;
	v10 =	vmul.f32 v0, v0  }
0x431: {  	v11 =	vor.u32 v41, v2;
	[tilespmem:s23+$0x100] =	vst v0;
	v0 =	vld.idx.msk [tilespmem:v4+s17+$0x0], $0xffff  }
0x432: {  	v42 =	vor.u32 $0x7800, v12;
	[tilespmem:s24+$0x100] =	vst v10;
	v1 =	vmul.f32 v5, v5  }
0x433: {  	v4 =	vor.u32 s16, v42;
	[tilespmem:s23+$0xFFFFFF10] =	vst v5  }
0x434: {  	v5 =	vld.idx.msk [tilespmem:v9+s17+$0x0], $0xffff;
	[tilespmem:s24+$0xFFFFFF10] =	vst v1;
	v1 =	vor.u32 s7, v42  }
0x435: {  	v9 =	vmul.f32 v8, v8;
	[tilespmem:s23+$0x20] =	vst v8  }
0x436: {  	v10 =	vld.idx.msk [tilespmem:v11+s17+$0x0], $0xffff;
	v8 =	vmul.f32 v0, v0;
	[tilespmem:s23+$0xFFFFFE20] =	vst v0  }
0x437: {  	[tilespmem:s24+$0x20] =	vst v9  }
0x438: {  	v43 =	vor.u32 $0x7804, v3;
	v9 =	vor.u32 v41, v6;
	[tilespmem:s24+$0xFFFFFE20] =	vst v8;
	v0 =	vld.idx.msk [tilespmem:v4+s17+$0x0], $0xffff  }
0x439: {  	s26 =	simm.s32 $0x1;
	v2 =	vor.u32 v43, v2;
	v4 =	vmul.f32 v5, v5;
	v1 =	vld.idx.msk [tilespmem:v1+s17+$0x0], $0xffff  }
0x43a: {  	v44 =	vor.u32 $0x6001, v3;
	s7 =	simm.s32 $0x9;
	v8 =	vor.u32 s26, v7;
	[tilespmem:s23+$0x110] =	vst v5  }
0x43b: {  	v5 =	vmul.f32 v10, v10;
	[tilespmem:s24+$0x110] =	vst v4;
	v4 =	vand.u32 $0x3F0, v8;
	v8 =	vor.u32 s7, v7  }
0x43c: {  	[tilespmem:s23+$0xFFFFFF20] =	vst v10;
	v10 =	vor.u32 v44, v4;
	v8 =	vand.u32 $0x3F8, v8  }
0x43d: {  	v9 =	vld.idx.msk [tilespmem:v9+s17+$0x0], $0xffff;
	[tilespmem:s24+$0xFFFFFF20] =	vst v5;
	v5 =	vor.u32 v44, v8  }
0x43e: {  	s11 =	simm.s32 $0x5;
	v2 =	vld.idx.msk [tilespmem:v2+s17+$0x0], $0xffff;
	[tilespmem:s23+$0x30] =	vst v0;
	v11 =	vmul.f32 v1, v1  }
0x43f: {  	v12 =	vor.u32 s11, v7;
	v0 =	vmul.f32 v0, v0;
	[tilespmem:s23+$0xFFFFFE30] =	vst v1  }
0x440: {  	v45 =	vor.u32 $0x6005, v3;
	v6 =	vor.u32 v43, v6;
	v1 =	vand.u32 $0x3F0, v12;
	[tilespmem:s24+$0xFFFFFE30] =	vst v11  }
0x441: {  	[tilespmem:s24+$0x30] =	vst v0;
	v11 =	vor.u32 v45, v1;
	v10 =	vld.idx.msk [tilespmem:v10+s17+$0x0], $0xffff  }
0x442: {  	v12 =	vmul.f32 v9, v9;
	[tilespmem:s23+$0x120] =	vst v9;
	v0 =	vld.idx.msk [tilespmem:v5+s17+$0x0], $0xffff  }
0x443: {  	v46 =	vor.u32 $0x6801, v3;
	v5 =	vmul.f32 v2, v2;
	[tilespmem:s23+$0xFFFFFF30] =	vst v2  }
0x444: {  	v9 =	vor.u32 v46, v4;
	[tilespmem:s24+$0x120] =	vst v12  }
0x445: {  	s12 =	simm.s32 $0xD;
	v2 =	vor.u32 v46, v8;
	v6 =	vld.idx.msk [tilespmem:v6+s17+$0x0], $0xffff;
	[tilespmem:s24+$0xFFFFFF30] =	vst v5  }
0x446: {  	v5 =	vor.u32 s12, v7;
	v11 =	vld.idx.msk [tilespmem:v11+s17+$0x0], $0xffff;
	[tilespmem:s23+$0xFFFFFE40] =	vst v10;
	v10 =	vmul.f32 v10, v10  }
0x447: {  	v5 =	vand.u32 $0x3F8, v5;
	[tilespmem:s23+$0x40] =	vst v0;
	v0 =	vmul.f32 v0, v0  }
0x448: {  	v47 =	vor.u32 $0x6805, v3;
	v12 =	vor.u32 v45, v5;
	[tilespmem:s24+$0xFFFFFE40] =	vst v10  }
0x449: {  	v10 =	vor.u32 v47, v1;
	v9 =	vld.idx.msk [tilespmem:v9+s17+$0x0], $0xffff;
	[tilespmem:s24+$0x40] =	vst v0  }
0x44a: {  	v13 =	vmul.f32 v6, v6;
	[tilespmem:s23+$0x130] =	vst v6;
	v0 =	vld.idx.msk [tilespmem:v2+s17+$0x0], $0xffff  }
0x44b: {  	v2 =	vmul.f32 v11, v11;
	[tilespmem:s23+$0xFFFFFF40] =	vst v11  }
0x44c: {  	v48 =	vor.u32 $0x7001, v3;
	[tilespmem:s24+$0x130] =	vst v13  }
0x44d: {  	v11 =	vor.u32 v48, v8;
	v6 =	vld.idx.msk [tilespmem:v12+s17+$0x0], $0xffff;
	[tilespmem:s24+$0xFFFFFF40] =	vst v2  }
0x44e: {  	v2 =	vor.u32 v48, v4;
	v10 =	vld.idx.msk [tilespmem:v10+s17+$0x0], $0xffff  }
0x44f: {  	[tilespmem:s23+$0xFFFFFE50] =	vst v9;
	v12 =	vmul.f32 v0, v0  }
0x450: {  	v49 =	vor.u32 $0x7005, v3;
	[tilespmem:s23+$0x50] =	vst v0;
	v0 =	vmul.f32 v9, v9  }
0x451: {  	v9 =	vor.u32 v49, v1;
	[tilespmem:s24+$0x50] =	vst v12  }
0x452: {  	[tilespmem:s24+$0xFFFFFE50] =	vst v0;
	v0 =	vld.idx.msk [tilespmem:v11+s17+$0x0], $0xffff  }
0x453: {  	v12 =	vor.u32 v47, v5;
	[tilespmem:s23+$0x140] =	vst v6;
	v11 =	vmul.f32 v10, v10;
	v2 =	vld.idx.msk [tilespmem:v2+s17+$0x0], $0xffff  }
0x454: {  	v6 =	vmul.f32 v6, v6;
	[tilespmem:s23+$0xFFFFFF50] =	vst v10  }
0x455: {  	v50 =	vor.u32 $0x7801, v3;
	[tilespmem:s24+$0xFFFFFF50] =	vst v11  }
0x456: {  	v4 =	vor.u32 v50, v4;
	[tilespmem:s24+$0x140] =	vst v6;
	v6 =	vld.idx.msk [tilespmem:v9+s17+$0x0], $0xffff  }
0x457: {  	v8 =	vor.u32 v50, v8  }
0x458: {  	v51 =	vor.u32 $0x7805, v3;
	v9 =	vld.idx.msk [tilespmem:v12+s17+$0x0], $0xffff;
	[tilespmem:s23+$0x60] =	vst v0;
	v10 =	vmul.f32 v2, v2  }
0x459: {  	v1 =	vor.u32 v51, v1;
	v0 =	vmul.f32 v0, v0;
	[tilespmem:s23+$0xFFFFFE60] =	vst v2  }
0x45a: {  	[tilespmem:s24+$0xFFFFFE60] =	vst v10  }
0x45b: {  	s13 =	simm.s32 $0x2;
	v2 =	vor.u32 v49, v5;
	[tilespmem:s24+$0x60] =	vst v0;
	v0 =	vmul.f32 v6, v6;
	v4 =	vld.idx.msk [tilespmem:v4+s17+$0x0], $0xffff  }
0x45c: {  	v52 =	vor.u32 $0x6002, v3;
	s15 =	simm.s32 $0xA;
	[tilespmem:s23+$0xFFFFFF60] =	vst v6;
	v8 =	vld.idx.msk [tilespmem:v8+s17+$0x0], $0xffff;
	v6 =	vor.u32 s13, v7  }
0x45d: {  	v10 =	vmul.f32 v9, v9;
	[tilespmem:s24+$0xFFFFFF60] =	vst v0;
	v0 =	vand.u32 $0x3F0, v6;
	v6 =	vor.u32 s15, v7  }
0x45e: {  	s16 =	simm.s32 $0x6;
	[tilespmem:s23+$0x150] =	vst v9;
	v1 =	vld.idx.msk [tilespmem:v1+s17+$0x0], $0xffff;
	v9 =	vor.u32 v52, v0;
	v15 =	vand.u32 $0x3F8, v6  }
0x45f: {  	[tilespmem:s24+$0x150] =	vst v10;
	v6 =	vor.u32 s16, v7;
	v10 =	vor.u32 v52, v15  }
0x460: {  	v53 =	vor.u32 $0x6006, v3;
	v2 =	vld.idx.msk [tilespmem:v2+s17+$0x0], $0xffff;
	v6 =	vand.u32 $0x3F0, v6;
	[tilespmem:s23+$0xFFFFFE70] =	vst v4;
	v4 =	vmul.f32 v4, v4  }
0x461: {  	v11 =	vor.u32 v53, v6;
	[tilespmem:s23+$0x70] =	vst v8;
	v8 =	vmul.f32 v8, v8  }
0x462: {  	[tilespmem:s24+$0xFFFFFE70] =	vst v4  }
0x463: {  	v4 =	vor.u32 v51, v5;
	[tilespmem:s24+$0x70] =	vst v8;
	v5 =	vld.idx.msk [tilespmem:v9+s17+$0x0], $0xffff;
	v9 =	vmul.f32 v1, v1  }
0x464: {  	[tilespmem:s23+$0xFFFFFF70] =	vst v1;
	v1 =	vld.idx.msk [tilespmem:v10+s17+$0x0], $0xffff  }
0x465: {  	v54 =	vor.u32 $0x6802, v3;
	v8 =	vmul.f32 v2, v2;
	[tilespmem:s24+$0xFFFFFF70] =	vst v9  }
0x466: {  	[tilespmem:s23+$0x160] =	vst v2;
	v9 =	vor.u32 v54, v0;
	v2 =	vld.idx.msk [tilespmem:v11+s17+$0x0], $0xffff  }
0x467: {  	v10 =	vor.u32 v54, v15;
	[tilespmem:s24+$0x160] =	vst v8  }
0x468: {  	v55 =	vor.u32 $0x6806, v3;
	v4 =	vld.idx.msk [tilespmem:v4+s17+$0x0], $0xffff;
	[tilespmem:s23+$0xFFFFFE80] =	vst v5;
	v5 =	vmul.f32 v5, v5  }
0x469: {  	s26 =	simm.s32 $0xE;
	v11 =	vor.u32 v55, v6;
	[tilespmem:s23+$0x80] =	vst v1;
	v1 =	vmul.f32 v1, v1  }
0x46a: {  	v8 =	vor.u32 s26, v7;
	[tilespmem:s24+$0xFFFFFE80] =	vst v5  }
0x46b: {  	v8 =	vand.u32 $0x3F8, v8;
	v5 =	vld.idx.msk [tilespmem:v9+s17+$0x0], $0xffff;
	v9 =	vmul.f32 v2, v2;
	[tilespmem:s24+$0x80] =	vst v1  }
0x46c: {  	v1 =	vor.u32 v53, v8;
	[tilespmem:s23+$0xFFFFFF80] =	vst v2;
	v2 =	vld.idx.msk [tilespmem:v10+s17+$0x0], $0xffff  }
0x46d: {  	v56 =	vor.u32 $0x7002, v3;
	v10 =	vmul.f32 v4, v4;
	[tilespmem:s24+$0xFFFFFF80] =	vst v9  }
0x46e: {  	[tilespmem:s23+$0x170] =	vst v4;
	v9 =	vor.u32 v56, v0;
	v4 =	vld.idx.msk [tilespmem:v11+s17+$0x0], $0xffff  }
0x46f: {  	[tilespmem:s24+$0x170] =	vst v10;
	v10 =	vor.u32 v56, v15  }
0x470: {  	v57 =	vor.u32 $0x7006, v3;
	[tilespmem:s23+$0xFFFFFE90] =	vst v5;
	v5 =	vmul.f32 v5, v5  }
0x471: {  	v14 =	vor.u32 v57, v6;
	v1 =	vld.idx.msk [tilespmem:v1+s17+$0x0], $0xffff;
	[tilespmem:s23+$0x90] =	vst v2;
	v2 =	vmul.f32 v2, v2  }
0x472: {  	[tilespmem:s24+$0xFFFFFE90] =	vst v5  }
0x473: {  	v5 =	vmul.f32 v4, v4;
	[tilespmem:s24+$0x90] =	vst v2;
	v11 =	vld.idx.msk [tilespmem:v9+s17+$0x0], $0xffff  }
0x474: {  	v13 =	vor.u32 v55, v8;
	[tilespmem:s23+$0xFFFFFF90] =	vst v4;
	v12 =	vld.idx.msk [tilespmem:v10+s17+$0x0], $0xffff  }
0x475: {  	[tilespmem:s24+$0xFFFFFF90] =	vst v5  }
0x476: {  	s6 =	simm.s32 $0x1F;
	v59 =	vor.u32 $0x7802, v3;
	s28 =	simm.s32 $0xE400;
	v10 =	vld.idx.msk [tilespmem:v14+s17+$0x0], $0xffff;
	v14 =	vmul.f32 v1, v1  }
0x477: {  	v58 =	vor.u32 $0x7806, v3;
	s15 =	simm.s32 $0xF;
	s16 =	simm.s32 $0x0;
	s26 =	simm.s32 $0xA400;
	v9 =	vor.u32 v59, v0;
	v0 =	vor.u32 v59, v15;
	[tilespmem:s23+$0x180] =	vst v1  }
.LBB2_12:
0x478: {  	s7 =	sadd.s32 $0xFFFFFFF1, s6;
	s11 =	sadd.s32 $0xFFFFFFF5, s6;
	s12 =	sadd.s32 $0xFFFFFFFD, s6;
	v1 =	vmul.f32 v11, v11;
	[tilespmem:s24+$0x180] =	vst v14  }
0x479: {  	s16 =	sadd.s32 $0x4, s16;
	v5 =	vmul.f32 v12, v12;
	v2 =	vor.u32 s11, v7;
	v4 =	vor.u32 s12, v7;
	[tilespmem:s23+$0xA0] =	vst v12;
	v12 =	vld.idx.msk [tilespmem:v13+s17+$0x0], $0xffff  }
0x47a: {  	p0 =	slt.u32 s16, $0x1C;
	v13 =	vand.u32 $0x3F0, v2;
	v14 =	vand.u32 $0x3F8, v4;
	[tilespmem:s23+$0xFFFFFEA0] =	vst v11;
	v2 =	vor.u32 v58, v6  }
0x47b: {  	v11 =	vor.u32 s7, v36;
	v15 =	vor.u32 v37, v13;
	v16 =	vor.u32 v37, v14;
	[tilespmem:s24+$0xA0] =	vst v5  }
0x47c: {  	[tilespmem:s24+$0xFFFFFEA0] =	vst v1;
	v1 =	vmul.f32 v10, v10;
	v0 =	vld.idx.msk [tilespmem:v0+s17+$0x0], $0xffff  }
0x47d: {  	s11 =	sadd.s32 $0xFFFFFFFC, s15;
	v5 =	vld.idx.msk [tilespmem:v9+s17+$0x0], $0xffff;
	[tilespmem:s23+$0xFFFFFFA0] =	vst v10  }
0x47e: {  	v60 =	vor.u32 $0x6003, v3;
	s12 =	sadd.s32 $0xFFFFFFF4, s15;
	v9 =	vor.u32 v57, v8;
	[tilespmem:s24+$0xFFFFFFA0] =	vst v1;
	v1 =	vor.u32 s11, v7  }
0x47f: {  	v10 =	vor.u32 s12, v7;
	v6 =	vld.idx.msk [tilespmem:v2+s17+$0x0], $0xffff;
	v4 =	vand.u32 $0x3F8, v1;
	[tilespmem:s23+$0x190] =	vst v12;
	v1 =	vmul.f32 v12, v12  }
0x480: {  	v2 =	vand.u32 $0x3F0, v10;
	v12 =	vld.idx.msk [tilespmem:v15+s17+$0x0], $0xffff;
	v10 =	vor.u32 v60, v4  }
0x481: {  	v15 =	vor.u32 v60, v2;
	[tilespmem:s24+$0x190] =	vst v1  }
0x482: {  	v1 =	vld.idx.msk [tilespmem:v16+s17+$0x0], $0xffff;
	[tilespmem:s23+$0xB0] =	vst v0;
	v0 =	vmul.f32 v0, v0  }
0x483: {  	s11 =	sadd.s32 $0xFFFFFFF9, s6;
	s23 =	sadd.s32 $0x400, s23;
	[tilespmem:s26+$0xFFFFFEB0] =	vst v5;
	v5 =	vmul.f32 v5, v5;
	v9 =	vld.idx.msk [tilespmem:v9+s17+$0x0], $0xffff  }
0x484: {  	v17 =	vor.u32 v39, v14;
	v16 =	vor.u32 v39, v13;
	[tilespmem:s24+$0xB0] =	vst v0  }
0x485: {  	v0 =	vor.u32 s11, v36;
	[tilespmem:s24+$0xFFFFFEB0] =	vst v5;
	v5 =	vld.idx.msk [tilespmem:v10+s17+$0x0], $0xffff  }
0x486: {  	v10 =	vmul.f32 v12, v12;
	[tilespmem:s23+$0xFFFFFF00] =	vst v12;
	v12 =	vld.idx.msk [tilespmem:v15+s17+$0x0], $0xffff  }
0x487: {  	s24 =	sadd.s32 $0x400, s24;
	[tilespmem:s26+$0xFFFFFFB0] =	vst v6  }
0x488: {  	v61 =	vor.u32 $0x6803, v3;
	v11 =	vld.idx.msk [tilespmem:v11+s17+$0x0], $0xffff;
	[tilespmem:s23+$0x100] =	vst v1;
	v1 =	vmul.f32 v1, v1  }
0x489: {  	v15 =	vor.u32 v61, v4;
	[tilespmem:s26+$0x1A0] =	vst v9  }
0x48a: {  	v0 =	vld.idx.msk [tilespmem:v0+s17+$0x0], $0xffff;
	[tilespmem:s24+$0x100] =	vst v1;
	v1 =	vor.u32 v58, v8  }
0x48b: {  	[tilespmem:s24+$0xFFFFFF00] =	vst v10;
	v8 =	vld.idx.msk [tilespmem:v17+s17+$0x0], $0xffff;
	v10 =	vmul.f32 v5, v5  }
0x48c: {  	[tilespmem:s26+$0xC0] =	vst v5;
	v5 =	vmul.f32 v9, v9  }
0x48d: {  	v18 =	vor.u32 v41, v14;
	v17 =	vor.u32 v41, v13;
	v16 =	vld.idx.msk [tilespmem:v16+s17+$0x0], $0xffff;
	[tilespmem:s28+$0xC0] =	vst v10  }
0x48e: {  	v9 =	vor.u32 v61, v2;
	v10 =	vld.idx.msk [tilespmem:v15+s17+$0x0], $0xffff;
	[tilespmem:s28+$0x1A0] =	vst v5  }
0x48f: {  	v5 =	vmul.f32 v12, v12;
	[tilespmem:s26+$0xFFFFFEC0] =	vst v12;
	v1 =	vld.idx.msk [tilespmem:v1+s17+$0x0], $0xffff  }
0x490: {  	v19 =	vor.u32 s11, v38;
	v12 =	vor.u32 s7, v38;
	v15 =	vmul.f32 v0, v0;
	[tilespmem:s23+$0xFFFFFE00] =	vst v11  }
0x491: {  	[tilespmem:s23+$0x0] =	vst v0;
	v0 =	vmul.f32 v8, v8  }
0x492: {  	v11 =	vmul.f32 v11, v11;
	[tilespmem:s28+$0xFFFFFEC0] =	vst v5  }
0x493: {  	v62 =	vor.u32 $0x7003, v3;
	[tilespmem:s23+$0xFFFFFF10] =	vst v16;
	v5 =	vld.idx.msk [tilespmem:v9+s17+$0x0], $0xffff  }
0x494: {  	v63 =	vor.u32 $0x6007, v3;
	v20 =	vor.u32 v62, v4;
	v9 =	vor.u32 s15, v7;
	[tilespmem:s26+$0xD0] =	vst v10  }
0x495: {  	v10 =	vmul.f32 v10, v10;
	v9 =	vand.u32 $0x3F8, v9;
	[tilespmem:s26+$0x1B0] =	vst v1  }
0x496: {  	[tilespmem:s24+$0xFFFFFE00] =	vst v11;
	v11 =	vor.u32 v43, v13;
	v13 =	vor.u32 v43, v14;
	v14 =	vor.u32 v63, v9  }
0x497: {  	v1 =	vmul.f32 v1, v1;
	[tilespmem:s24+$0x0] =	vst v15  }
0x498: {  	v15 =	vld.idx.msk [tilespmem:v19+s17+$0x0], $0xffff;
	[tilespmem:s28+$0xD0] =	vst v10  }
0x499: {  	v10 =	vor.u32 v62, v2;
	v19 =	vld.idx.msk [tilespmem:v20+s17+$0x0], $0xffff;
	[tilespmem:s28+$0x1B0] =	vst v1  }
0x49a: {  	v20 =	vor.u32 s11, v40;
	v1 =	vld.idx.msk [tilespmem:v12+s17+$0x0], $0xffff;
	v12 =	vor.u32 s7, v40;
	[tilespmem:s23+$0x110] =	vst v8  }
0x49b: {  	[tilespmem:s26+$0xFFFFFED0] =	vst v5;
	v5 =	vmul.f32 v5, v5;
	v14 =	vld.idx.msk [tilespmem:v14+s17+$0x0], $0xffff  }
0x49c: {  	s13 =	sadd.s32 $0xFFFFFFFE, s6;
	s12 =	sadd.s32 $0xFFFFFFF6, s6;
	v8 =	vmul.f32 v16, v16;
	[tilespmem:s24+$0x110] =	vst v0  }
0x49d: {  	v0 =	vor.u32 s12, v7;
	v16 =	vld.idx.msk [tilespmem:v18+s17+$0x0], $0xffff;
	v18 =	vor.u32 s13, v7;
	[tilespmem:s28+$0xFFFFFED0] =	vst v5  }
0x49e: {  	v0 =	vand.u32 $0x3F0, v0;
	[tilespmem:s24+$0xFFFFFF10] =	vst v8;
	v18 =	vand.u32 $0x3F8, v18;
	v5 =	vld.idx.msk [tilespmem:v10+s17+$0x0], $0xffff  }
0x49f: {  	v10 =	vld.idx.msk [tilespmem:v17+s17+$0x0], $0xffff;
	v17 =	vor.u32 v45, v0;
	v21 =	vor.u32 v45, v18;
	[tilespmem:s26+$0xE0] =	vst v19  }
0x4a0: {  	v8 =	vor.u32 v51, v0;
	v22 =	vmul.f32 v1, v1;
	[tilespmem:s23+$0x10] =	vst v15  }
0x4a1: {  	[tilespmem:s23+$0xFFFFFE10] =	vst v1  }
0x4a2: {  	[tilespmem:s26+$0x1C0] =	vst v14  }
0x4a3: {  	v23 =	vor.u32 s7, v42;
	v24 =	vor.u32 s11, v42;
	v15 =	vmul.f32 v15, v15;
	[tilespmem:s23+$0x120] =	vst v16  }
0x4a4: {  	v19 =	vmul.f32 v19, v19;
	v1 =	vor.u32 $0x7803, v3;
	[tilespmem:s24+$0xFFFFFE10] =	vst v22  }
0x4a5: {  	[tilespmem:s24+$0x10] =	vst v15;
	v15 =	vor.u32 v1, v2;
	v2 =	vor.u32 $0x6807, v3  }
0x4a6: {  	v16 =	vmul.f32 v16, v16;
	[tilespmem:s23+$0xFFFFFF20] =	vst v10;
	v20 =	vld.idx.msk [tilespmem:v20+s17+$0x0], $0xffff;
	v22 =	vor.u32 v2, v9  }
0x4a7: {  	[tilespmem:s26+$0xFFFFFEE0] =	vst v5;
	v5 =	vmul.f32 v5, v5  }
0x4a8: {  	v25 =	vor.u32 v47, v0;
	v14 =	vmul.f32 v14, v14;
	v12 =	vld.idx.msk [tilespmem:v12+s17+$0x0], $0xffff;
	[tilespmem:s24+$0x120] =	vst v16  }
0x4a9: {  	s7 =	sadd.s32 $0xFFFFFFF2, s6;
	v4 =	vor.u32 v1, v4;
	v10 =	vmul.f32 v10, v10;
	[tilespmem:s28+$0xFFFFFEE0] =	vst v5  }
0x4aa: {  	v16 =	vor.u32 v47, v18;
	v5 =	vor.u32 s7, v7;
	v15 =	vld.idx.msk [tilespmem:v15+s17+$0x0], $0xffff;
	[tilespmem:s28+$0x1C0] =	vst v14  }
0x4ab: {  	s7 =	sadd.s32 $0xFFFFFFFA, s6;
	v14 =	vand.u32 $0x3F0, v5;
	[tilespmem:s24+$0xFFFFFF20] =	vst v10;
	v5 =	vld.idx.msk [tilespmem:v22+s17+$0x0], $0xffff  }
0x4ac: {  	v10 =	vor.u32 v44, v14;
	v22 =	vor.u32 s7, v7;
	[tilespmem:s23+$0x20] =	vst v20;
	v20 =	vmul.f32 v20, v20;
	v13 =	vld.idx.msk [tilespmem:v13+s17+$0x0], $0xffff  }
0x4ad: {  	v22 =	vand.u32 $0x3F8, v22;
	[tilespmem:s28+$0xE0] =	vst v19  }
0x4ae: {  	v19 =	vmul.f32 v12, v12;
	[tilespmem:s24+$0x20] =	vst v20;
	v20 =	vor.u32 v44, v22;
	v26 =	vld.idx.msk [tilespmem:v4+s17+$0x0], $0xffff  }
0x4af: {  	[tilespmem:s23+$0xFFFFFE20] =	vst v12;
	v12 =	vld.idx.msk [tilespmem:v24+s17+$0x0], $0xffff  }
0x4b0: {  	[tilespmem:s26+$0xFFFFFEF0] =	vst v15  }
0x4b1: {  	v0 =	vor.u32 v49, v0;
	v4 =	vor.u32 $0x7007, v3;
	[tilespmem:s24+$0xFFFFFE20] =	vst v19  }
0x4b2: {  	v24 =	vor.u32 v4, v9;
	v19 =	vld.idx.msk [tilespmem:v23+s17+$0x0], $0xffff;
	v23 =	vmul.f32 v13, v13;
	[tilespmem:s26+$0x1D0] =	vst v5  }
0x4b3: {  	v11 =	vld.idx.msk [tilespmem:v11+s17+$0x0], $0xffff;
	[tilespmem:s23+$0x130] =	vst v13;
	v13 =	vor.u32 v49, v18  }
0x4b4: {  	v5 =	vmul.f32 v5, v5;
	[tilespmem:s24+$0x130] =	vst v23  }
0x4b5: {  	v15 =	vmul.f32 v15, v15;
	[tilespmem:s23+$0x30] =	vst v12;
	v12 =	vmul.f32 v12, v12;
	v21 =	vld.idx.msk [tilespmem:v21+s17+$0x0], $0xffff  }
0x4b6: {  	[tilespmem:s28+$0x1D0] =	vst v5  }
0x4b7: {  	v23 =	vor.u32 v46, v22;
	[tilespmem:s28+$0xFFFFFEF0] =	vst v15;
	v15 =	vld.idx.msk [tilespmem:v24+s17+$0x0], $0xffff  }
0x4b8: {  	v5 =	vmul.f32 v19, v19;
	[tilespmem:s23+$0xFFFFFE30] =	vst v19  }
0x4b9: {  	v19 =	vor.u32 v46, v14;
	[tilespmem:s23+$0xFFFFFF30] =	vst v11;
	v11 =	vmul.f32 v11, v11  }
0x4ba: {  	[tilespmem:s24+$0xFFFFFE30] =	vst v5;
	v5 =	vor.u32 $0x7807, v3  }
0x4bb: {  	v10 =	vld.idx.msk [tilespmem:v10+s17+$0x0], $0xffff;
	[tilespmem:s24+$0xFFFFFF30] =	vst v11;
	v9 =	vor.u32 v5, v9  }
0x4bc: {  	v11 =	vld.idx.msk [tilespmem:v17+s17+$0x0], $0xffff;
	[tilespmem:s24+$0x30] =	vst v12;
	v12 =	vmul.f32 v21, v21;
	v17 =	vor.u32 v51, v18  }
0x4bd: {  	v18 =	vld.idx.msk [tilespmem:v20+s17+$0x0], $0xffff;
	[tilespmem:s23+$0x140] =	vst v21  }
0x4be: {  	[tilespmem:s24+$0x140] =	vst v12;
	v12 =	vmul.f32 v15, v15  }
0x4bf: {  	v16 =	vld.idx.msk [tilespmem:v16+s17+$0x0], $0xffff;
	[tilespmem:s26+$0x1E0] =	vst v15  }
0x4c0: {  	v15 =	vor.u32 v48, v22;
	[tilespmem:s28+$0x1E0] =	vst v12  }
0x4c1: {  	[tilespmem:s23+$0xFFFFFE40] =	vst v10;
	v9 =	vld.idx.msk [tilespmem:v9+s17+$0x0], $0xffff  }
0x4c2: {  	v12 =	vor.u32 v48, v14;
	v10 =	vmul.f32 v10, v10;
	[tilespmem:s23+$0xFFFFFF40] =	vst v11  }
0x4c3: {  	[tilespmem:s23+$0x40] =	vst v18;
	v18 =	vmul.f32 v18, v18  }
0x4c4: {  	[tilespmem:s24+$0xFFFFFE40] =	vst v10;
	v10 =	vmul.f32 v11, v11  }
0x4c5: {  	v11 =	vld.idx.msk [tilespmem:v19+s17+$0x0], $0xffff;
	[tilespmem:s24+$0x40] =	vst v18  }
0x4c6: {  	[tilespmem:s24+$0xFFFFFF40] =	vst v10;
	v10 =	vld.idx.msk [tilespmem:v23+s17+$0x0], $0xffff  }
0x4c7: {  	v18 =	vld.idx.msk [tilespmem:v25+s17+$0x0], $0xffff;
	[tilespmem:s23+$0x150] =	vst v16;
	v16 =	vmul.f32 v16, v16  }
0x4c8: {  	[tilespmem:s26+$0x1F0] =	vst v9;
	v9 =	vmul.f32 v9, v9  }
0x4c9: {  	v19 =	vor.u32 v50, v22;
	[tilespmem:s24+$0x150] =	vst v16  }
0x4ca: {  	v13 =	vld.idx.msk [tilespmem:v13+s17+$0x0], $0xffff;
	[tilespmem:s28+$0x1F0] =	vst v9  }
0x4cb: {  	v9 =	vor.u32 v50, v14;
	[tilespmem:s23+$0xFFFFFE50] =	vst v11  }
0x4cc: {  	[tilespmem:s23+$0x50] =	vst v10;
	v10 =	vmul.f32 v10, v10  }
0x4cd: {  	s7 =	sadd.s32 $0xFFFFFFF8, s15;
	s15 =	smov.u32 s6;
	v11 =	vmul.f32 v11, v11;
	[tilespmem:s23+$0xFFFFFF50] =	vst v18  }
0x4ce: {  	[tilespmem:s24+$0x50] =	vst v10;
	v10 =	vor.u32 s7, v7  }
0x4cf: {  	[tilespmem:s24+$0xFFFFFE50] =	vst v11;
	v11 =	vmul.f32 v18, v18;
	v14 =	vld.idx.msk [tilespmem:v15+s17+$0x0], $0xffff;
	v10 =	vand.u32 $0x3F0, v10  }
0x4d0: {  	v12 =	vld.idx.msk [tilespmem:v12+s17+$0x0], $0xffff;
	[tilespmem:s23+$0x160] =	vst v13;
	v15 =	vor.u32 v63, v10;
	v16 =	vor.u32 v5, v10  }
0x4d1: {  	[tilespmem:s24+$0xFFFFFF50] =	vst v11;
	v11 =	vmul.f32 v26, v26  }
0x4d2: {  	v6 =	vmul.f32 v6, v6;
	v0 =	vld.idx.msk [tilespmem:v0+s17+$0x0], $0xffff;
	[tilespmem:s26+$0xF0] =	vst v26  }
0x4d3: {  	[tilespmem:s28+$0xF0] =	vst v11  }
0x4d4: {  	[tilespmem:s28+$0xFFFFFFB0] =	vst v6  }
0x4d5: {  	v6 =	vmul.f32 v14, v14;
	[tilespmem:s23+$0x60] =	vst v14;
	v11 =	vld.idx.msk [tilespmem:v15+s17+$0x0], $0xffff  }
0x4d6: {  	[tilespmem:s23+$0xFFFFFE60] =	vst v12;
	v12 =	vmul.f32 v12, v12  }
0x4d7: {  	[tilespmem:s24+$0x60] =	vst v6;
	v6 =	vmul.f32 v13, v13  }
0x4d8: {  	[tilespmem:s24+$0xFFFFFE60] =	vst v12;
	v12 =	vmul.f32 v0, v0  }
0x4d9: {  	v13 =	vld.idx.msk [tilespmem:v9+s17+$0x0], $0xffff;
	[tilespmem:s24+$0x160] =	vst v6;
	v6 =	vor.u32 v2, v10  }
0x4da: {  	s7 =	sadd.s32 $0xFFFFFFF3, s6;
	[tilespmem:s23+$0xFFFFFF60] =	vst v0;
	v0 =	vld.idx.msk [tilespmem:v19+s17+$0x0], $0xffff  }
0x4db: {  	v9 =	vor.u32 s7, v7;
	s7 =	sadd.s32 $0xFFFFFFFB, s6;
	v14 =	vmul.f32 v11, v11;
	[tilespmem:s24+$0xFFFFFF60] =	vst v12;
	v12 =	vld.idx.msk [tilespmem:v17+s17+$0x0], $0xffff  }
0x4dc: {  	v15 =	vand.u32 $0x3F0, v9;
	v17 =	vor.u32 s7, v7;
	v8 =	vld.idx.msk [tilespmem:v8+s17+$0x0], $0xffff;
	[tilespmem:s26+$0xFFFFFFC0] =	vst v11  }
0x4dd: {  	v9 =	vor.u32 v59, v15;
	s7 =	sadd.s32 $0xFFFFFFF7, s6;
	v11 =	vor.u32 v52, v15;
	v17 =	vand.u32 $0x3F8, v17;
	[tilespmem:s28+$0xFFFFFFC0] =	vst v14  }
0x4de: {  	v14 =	vor.u32 s7, v7;
	v18 =	vor.u32 v52, v17;
	v19 =	vld.idx.msk [tilespmem:v6+s17+$0x0], $0xffff  }
0x4df: {  	v6 =	vand.u32 $0x3F0, v14;
	[tilespmem:s23+$0xFFFFFE70] =	vst v13;
	v13 =	vmul.f32 v13, v13  }
0x4e0: {  	v14 =	vor.u32 v53, v6;
	[tilespmem:s23+$0x70] =	vst v0;
	v0 =	vmul.f32 v0, v0  }
0x4e1: {  	[tilespmem:s24+$0xFFFFFE70] =	vst v13  }
0x4e2: {  	v13 =	vmul.f32 v8, v8;
	v11 =	vld.idx.msk [tilespmem:v11+s17+$0x0], $0xffff;
	[tilespmem:s24+$0x70] =	vst v0  }
0x4e3: {  	[tilespmem:s23+$0xFFFFFF70] =	vst v8;
	v0 =	vld.idx.msk [tilespmem:v18+s17+$0x0], $0xffff;
	v8 =	vor.u32 v4, v10  }
0x4e4: {  	[tilespmem:s24+$0xFFFFFF70] =	vst v13  }
0x4e5: {  	v13 =	vmul.f32 v19, v19;
	v10 =	vld.idx.msk [tilespmem:v14+s17+$0x0], $0xffff;
	[tilespmem:s23+$0x170] =	vst v12  }
0x4e6: {  	v14 =	vor.u32 v54, v15;
	[tilespmem:s26+$0xFFFFFFD0] =	vst v19  }
0x4e7: {  	s7 =	sadd.s32 $0xFFFFFFFF, s6;
	v18 =	vor.u32 v54, v17;
	[tilespmem:s28+$0xFFFFFFD0] =	vst v13  }
0x4e8: {  	v13 =	vor.u32 s7, v7;
	[tilespmem:s23+$0xFFFFFE80] =	vst v11;
	v11 =	vmul.f32 v11, v11;
	v19 =	vld.idx.msk [tilespmem:v8+s17+$0x0], $0xffff  }
0x4e9: {  	v20 =	vor.u32 v55, v6;
	v8 =	vand.u32 $0x3F8, v13;
	[tilespmem:s23+$0x80] =	vst v0;
	v0 =	vmul.f32 v0, v0  }
0x4ea: {  	[tilespmem:s24+$0xFFFFFE80] =	vst v11;
	v11 =	vor.u32 v53, v8  }
0x4eb: {  	v13 =	vld.idx.msk [tilespmem:v14+s17+$0x0], $0xffff;
	v14 =	vmul.f32 v10, v10;
	[tilespmem:s24+$0x80] =	vst v0  }
0x4ec: {  	[tilespmem:s23+$0xFFFFFF80] =	vst v10;
	v0 =	vld.idx.msk [tilespmem:v18+s17+$0x0], $0xffff;
	v10 =	vmul.f32 v12, v12  }
0x4ed: {  	[tilespmem:s24+$0xFFFFFF80] =	vst v14  }
0x4ee: {  	v12 =	vld.idx.msk [tilespmem:v20+s17+$0x0], $0xffff;
	[tilespmem:s24+$0x170] =	vst v10;
	v10 =	vmul.f32 v19, v19  }
0x4ef: {  	v14 =	vor.u32 v56, v15;
	v15 =	vld.idx.msk [tilespmem:v11+s17+$0x0], $0xffff;
	[tilespmem:s26+$0xFFFFFFE0] =	vst v19  }
0x4f0: {  	v18 =	vor.u32 v56, v17;
	[tilespmem:s28+$0xFFFFFFE0] =	vst v10  }
0x4f1: {  	v10 =	vmul.f32 v13, v13;
	[tilespmem:s23+$0xFFFFFE90] =	vst v13;
	v16 =	vld.idx.msk [tilespmem:v16+s17+$0x0], $0xffff  }
0x4f2: {  	v19 =	vor.u32 v57, v6;
	[tilespmem:s23+$0x90] =	vst v0;
	v0 =	vmul.f32 v0, v0  }
0x4f3: {  	[tilespmem:s24+$0xFFFFFE90] =	vst v10  }
0x4f4: {  	v10 =	vmul.f32 v12, v12;
	v11 =	vld.idx.msk [tilespmem:v14+s17+$0x0], $0xffff;
	[tilespmem:s24+$0x90] =	vst v0  }
.Ltmp5:
0x4f5: {  	[tilespmem:s23+$0xFFFFFF90] =	vst v12;
	v12 =	vld.idx.msk [tilespmem:v18+s17+$0x0], $0xffff;
	(pc) =	sbr.rel @p0 .LBB2_12-.Ltmp5, $4  }
0x4f6: {  	v13 =	vor.u32 v55, v8;
	[tilespmem:s24+$0xFFFFFF90] =	vst v10  }
0x4f7: {  	v18 =	vmul.f32 v16, v16;
	v10 =	vld.idx.msk [tilespmem:v19+s17+$0x0], $0xffff;
	[tilespmem:s23+$0x180] =	vst v15  }
0x4f8: {  	v14 =	vmul.f32 v15, v15;
	[tilespmem:s26+$0xFFFFFFF0] =	vst v16;
	s26 =	smov.u32 s23  }
0x4f9: {  	s6 =	sadd.s32 $0x10, s6;
	v0 =	vor.u32 v59, v17;
	[tilespmem:s28+$0xFFFFFFF0] =	vst v18;
	s28 =	smov.u32 s24  }
0x4fa: {  	_ =	sdelay $0x2  }
0x4fb: {  	[tilespmem:s24+$0x180] =	vst v14  }
0x4fc: {  	v13 =	vld.idx.msk [tilespmem:v13+s17+$0x0], $0xffff;
	_ =	sdelay $0x2  }
0x4fd: {  	v38 =	vor.u32 v57, v8;
	_ =	sdelay $0x1  }
0x4fe: {  	v15 =	vmul.f32 v13, v13  }
0x4ff: {  	[tilespmem:s23+$0x190] =	vst v13  }
0x500: {  	[tilespmem:s24+$0x190] =	vst v15  }
0x501: {  	v13 =	vld.idx.msk [tilespmem:v38+s17+$0x0], $0xffff;
	_ =	sdelay $0x2  }
0x502: {  	v39 =	vmul.f32 v11, v11;
	v8 =	vor.u32 v58, v8  }
0x503: {  	[tilespmem:s23+$0xFFFFFEA0] =	vst v11  }
0x504: {  	[tilespmem:s24+$0xFFFFFEA0] =	vst v39;
	v40 =	vmul.f32 v13, v13  }
0x505: {  	s6 =	sadd.s32 $0xFFFFFFF4, s15;
	v9 =	vld.idx.msk [tilespmem:v9+s17+$0x0], $0xffff;
	[tilespmem:s26+$0x1A0] =	vst v13  }
0x506: {  	v41 =	vmul.f32 v12, v12;
	v6 =	vor.u32 v58, v6;
	v42 =	vor.u32 s6, v7;
	[tilespmem:s28+$0x1A0] =	vst v40  }
0x507: {  	[tilespmem:s23+$0xA0] =	vst v12;
	v43 =	vand.u32 $0x3F0, v42;
	v8 =	vld.idx.msk [tilespmem:v8+s17+$0x0], $0xffff  }
0x508: {  	v46 =	vor.u32 s15, v7;
	[tilespmem:s24+$0xA0] =	vst v41;
	v44 =	vmul.f32 v10, v10;
	v45 =	vor.u32 v60, v43  }
0x509: {  	s16 =	sadd.s32 $0xFFFFFFFC, s15;
	v47 =	vand.u32 $0x3F8, v46;
	[tilespmem:s23+$0xFFFFFFA0] =	vst v10;
	v0 =	vld.idx.msk [tilespmem:v0+s17+$0x0], $0xffff  }
0x50a: {  	v48 =	vor.u32 s16, v7;
	v50 =	vor.u32 v63, v47;
	[tilespmem:s24+$0xFFFFFFA0] =	vst v44;
	v49 =	vmul.f32 v9, v9  }
0x50b: {  	s7 =	sadd.s32 $0xFFFFFFF8, s15;
	v14 =	vand.u32 $0x3F8, v48;
	v6 =	vld.idx.msk [tilespmem:v6+s17+$0x0], $0xffff;
	[tilespmem:s26+$0xFFFFFEB0] =	vst v9  }
0x50c: {  	v51 =	vor.u32 s7, v7;
	v16 =	vor.u32 v60, v14;
	[tilespmem:s24+$0xFFFFFEB0] =	vst v49;
	v52 =	vmul.f32 v8, v8  }
0x50d: {  	v13 =	vld.idx.msk [tilespmem:v45+s17+$0x0], $0xffff;
	[tilespmem:s26+$0x1B0] =	vst v8;
	v8 =	vand.u32 $0x3F0, v51  }
0x50e: {  	v53 =	vmul.f32 v0, v0;
	v54 =	vor.u32 v63, v8;
	[tilespmem:s28+$0x1B0] =	vst v52  }
0x50f: {  	[tilespmem:s23+$0xB0] =	vst v0;
	v0 =	vld.idx.msk [tilespmem:v50+s17+$0x0], $0xffff  }
0x510: {  	v55 =	vor.u32 v61, v43;
	[tilespmem:s24+$0xB0] =	vst v53;
	v56 =	vmul.f32 v6, v6  }
0x511: {  	[tilespmem:s26+$0xFFFFFFB0] =	vst v6;
	v16 =	vld.idx.msk [tilespmem:v16+s17+$0x0], $0xffff  }
0x512: {  	v17 =	vor.u32 v2, v47;
	[tilespmem:s28+$0xFFFFFFB0] =	vst v56;
	v6 =	vmul.f32 v13, v13  }
0x513: {  	[tilespmem:s26+$0xFFFFFEC0] =	vst v13;
	v12 =	vld.idx.msk [tilespmem:v54+s17+$0x0], $0xffff  }
0x514: {  	v57 =	vor.u32 v61, v14;
	[tilespmem:s28+$0xFFFFFEC0] =	vst v6;
	v6 =	vmul.f32 v0, v0  }
0x515: {  	v9 =	vld.idx.msk [tilespmem:v55+s17+$0x0], $0xffff;
	[tilespmem:s26+$0x1C0] =	vst v0  }
0x516: {  	v2 =	vor.u32 v2, v8;
	v0 =	vmul.f32 v16, v16;
	[tilespmem:s28+$0x1C0] =	vst v6  }
0x517: {  	[tilespmem:s26+$0xC0] =	vst v16;
	v6 =	vld.idx.msk [tilespmem:v17+s17+$0x0], $0xffff  }
0x518: {  	[tilespmem:s28+$0xC0] =	vst v0;
	v0 =	vor.u32 v62, v43;
	v58 =	vmul.f32 v12, v12  }
0x519: {  	v13 =	vld.idx.msk [tilespmem:v57+s17+$0x0], $0xffff;
	[tilespmem:s26+$0xFFFFFFC0] =	vst v12  }
0x51a: {  	v60 =	vor.u32 v4, v47;
	v59 =	vmul.f32 v9, v9;
	[tilespmem:s28+$0xFFFFFFC0] =	vst v58  }
0x51b: {  	[tilespmem:s26+$0xFFFFFED0] =	vst v9;
	v2 =	vld.idx.msk [tilespmem:v2+s17+$0x0], $0xffff  }
0x51c: {  	v61 =	vor.u32 v62, v14;
	[tilespmem:s28+$0xFFFFFED0] =	vst v59;
	v62 =	vmul.f32 v6, v6  }
0x51d: {  	v0 =	vld.idx.msk [tilespmem:v0+s17+$0x0], $0xffff;
	[tilespmem:s26+$0x1D0] =	vst v6  }
0x51e: {  	v4 =	vor.u32 v4, v8;
	v6 =	vmul.f32 v13, v13;
	[tilespmem:s28+$0x1D0] =	vst v62  }
0x51f: {  	[tilespmem:s26+$0xD0] =	vst v13;
	v12 =	vld.idx.msk [tilespmem:v60+s17+$0x0], $0xffff  }
0x520: {  	[tilespmem:s28+$0xD0] =	vst v6;
	v6 =	vor.u32 v1, v43;
	v63 =	vmul.f32 v2, v2  }
0x521: {  	v9 =	vld.idx.msk [tilespmem:v61+s17+$0x0], $0xffff;
	[tilespmem:s26+$0xFFFFFFD0] =	vst v2  }
0x522: {  	v10 =	vor.u32 v5, v47;
	v2 =	vmul.f32 v0, v0;
	[tilespmem:s28+$0xFFFFFFD0] =	vst v63  }
0x523: {  	[tilespmem:s26+$0xFFFFFEE0] =	vst v0;
	v0 =	vld.idx.msk [tilespmem:v4+s17+$0x0], $0xffff  }
0x524: {  	v1 =	vor.u32 v1, v14;
	[tilespmem:s28+$0xFFFFFEE0] =	vst v2;
	v2 =	vmul.f32 v12, v12  }
0x525: {  	v4 =	vld.idx.msk [tilespmem:v6+s17+$0x0], $0xffff;
	[tilespmem:s26+$0x1E0] =	vst v12  }
0x526: {  	v6 =	vmul.f32 v9, v9;
	[tilespmem:s28+$0x1E0] =	vst v2;
	v2 =	vor.u32 v5, v8  }
0x527: {  	[tilespmem:s26+$0xE0] =	vst v9;
	v5 =	vld.idx.msk [tilespmem:v10+s17+$0x0], $0xffff  }
0x528: {  	[tilespmem:s28+$0xE0] =	vst v6;
	v6 =	vmul.f32 v0, v0  }
0x529: {  	v1 =	vld.idx.msk [tilespmem:v1+s17+$0x0], $0xffff;
	[tilespmem:s26+$0xFFFFFFE0] =	vst v0  }
0x52a: {  	v0 =	vmul.f32 v4, v4;
	[tilespmem:s28+$0xFFFFFFE0] =	vst v6  }
0x52b: {  	[tilespmem:s26+$0xFFFFFEF0] =	vst v4;
	v2 =	vld.idx.msk [tilespmem:v2+s17+$0x0], $0xffff  }
0x52c: {  	[tilespmem:s28+$0xFFFFFEF0] =	vst v0;
	v0 =	vmul.f32 v5, v5  }
0x52d: {  	[tilespmem:s26+$0x1F0] =	vst v5  }
0x52e: {  	[tilespmem:s28+$0x1F0] =	vst v0;
	v0 =	vmul.f32 v1, v1  }
0x52f: {  	[tilespmem:s26+$0xF0] =	vst v1  }
0x530: {  	[tilespmem:s28+$0xF0] =	vst v0;
	v0 =	vmul.f32 v2, v2  }
0x531: {  	[tilespmem:s26+$0xFFFFFFF0] =	vst v2  }
0x532: {  	s11 =	simm.s32 $0xA200;
	[tilespmem:s28+$0xFFFFFFF0] =	vst v0  }
0x533: {  	[spmem:s1] =	stream.indirect.scatter.add.f32 [tilespmem:s11], [sflag:$0x4], $0x40, s0, s22, $0xb8;
	[tilespmem:$0x14A00] =	vst v63  }
0x534: {  	s12 =	simm.s32 $0xE200  }
0x535: {  	[spmem:s3] =	stream.indirect.scatter.add.f32 [tilespmem:s12], [sflag:$0x4], $0x40, s0, s22, $0xb8;
	[tilespmem:$0x14A00] =	vst v63  }
0x536: {  	_ = 	snop  }
0x537: {  	[spmem:s4] =	stream.indirect.scatter.add.f32 [tilespmem:s25], [sflag:$0x2], $0x10, s0, s22, $0xb8;
	[tilespmem:$0x14A00] =	vst v63  }
0x538: {  	_ =	swait.ge [sflag:s29], $0x2000  }
0x539: {  	[sflag:s29] =	ssyncset.done $0x0  }
0x53a: {  	[sflag:s29] =	ssyncadd.s32 $0xFFFFE000  }
0x53b: {  	_ =	swait.ge [sflag:s29], $0x2000  }
0x53c: {  	[sflag:s29] =	ssyncset.done $0x0  }
0x53d: {  	[sflag:s29] =	ssyncadd.s32 $0xFFFFE000  }
0x53e: {  	_ =	swait.ge [sflag:s31], $0x2000  }
0x53f: {  	[sflag:s31] =	ssyncset.done $0x0  }
0x540: {  	[sflag:s31] =	ssyncadd.s32 $0xFFFFE000  }
0x541: {  	_ =	swait.ge [sflag:s31], $0x2000  }
0x542: {  	[sflag:s31] =	ssyncset.done $0x0  }
0x543: {  	[sflag:s31] =	ssyncadd.s32 $0xFFFFE000  }
0x544: {  	_ =	swait.ge [sflag:s20], $0x800  }
0x545: {  	[sflag:s20] =	ssyncset.done $0x0  }
0x546: {  	[sflag:s20] =	ssyncadd.s32 $0xFFFFF800  }
0x547: {  	_ =	swait.ge [sflag:s20], $0x800  }
0x548: {  	[sflag:s20] =	ssyncset.done $0x0  }
0x549: {  	[sflag:s20] =	ssyncadd.s32 $0xFFFFF800  }
0x54a: {  	_ =	swait.ge [sflag:s20], $0x800  }
0x54b: {  	[sflag:s20] =	ssyncset.done $0x0  }
0x54c: {  	[sflag:s20] =	ssyncadd.s32 $0xFFFFF800  }
0x54d: {  	_ =	swait.ge [sflag:s20], $0x800  }
0x54e: {  	s13 =	stileid.u32;
	[sflag:s20] =	ssyncset.done $0x0  }
0x54f: {  	s6 =	sshll.u32 s13, $0x6;
	[sflag:s20] =	ssyncadd.s32 $0xFFFFF800  }
0x550: {  	s7 =	sshrl.u32 s8, $0x3;
	s13 =	simm.s32 $0x8;
	[bflag:$0x0] =	sbarrier.arrive $0xFFFF  }
0x551: {  	s6 =	sor.u32 $0x1C05, s6;
	s12 =	simm.s32 $0x10;
	s11 =	rddreg [dreg:$0x9]  }
0x552: {  	[hbm:s11@s12], [sflag:s6] =	dma.strided [spmem:s7@s13], $0x200, s21, $0x8   }
0x553: {  	s15 =	sshrl.u32 s9, $0x3;
	s16 =	simm.s32 $0x11E00;
	s11 =	rddreg [dreg:$0xa]  }
0x554: {  	[hbm:s11@s12], [sflag:s6] =	dma.strided [spmem:s15@s13], $0x200, s21, $0x8   }
0x555: {  	[tilespmem:s16], [sflag:$0x6] =	stream.linear.gather [spmem:s10], $0x400, $0x38;
	[tilespmem:$0x14A00] =	vst v63  }
0x556: {  	_ =	swait.ge [sflag:s19], $0x400  }
0x557: {  	[sflag:s19] =	ssyncset.done $0x0  }
0x558: {  	s26 =	simm.s32 $0x0;
	[sflag:s19] =	ssyncadd.s32 $0xFFFFFC00  }
0x559: {  	s23 =	simm.s32 $0x0;
	v0 =	vld [tilespmem:s26+$0x11E00]  }
0x55a: {  	s24 =	sand.u32 $0xE00, s23;
	v26 =	vld [tilespmem:$0x1FF40]  }
0x55b: {  	s28 =	sand.u32 $0x70, s23;
	s7 =	sshrl.u32 s24, $0x2  }
0x55c: {  	s6 =	simm.s32 $0x10;
	s11 =	sor.u32 s28, s7;
	s7 =	simm.s32 $0x40  }
.LBB2_14:
0x55d: {  	s12 =	sshra.s32 s7, $0x2  }
0x55e: {  	p0 =	sne.s32 s6, $0x3F0;
	[tilespmem:s11+$0x12200] =	vst v0;
	s11 =	smov.u32 s6;
	s6 =	sadd.s32 $0x10, s6  }
.Ltmp6:
0x55f: {  	v0 =	vld [tilespmem:s12+$0x11E00];
	(pc) =	sbr.rel @p0 .LBB2_14-.Ltmp6, $4  }
0x560: {  	_ = 	snop  }
0x561: {  	s12 =	sand.u32 $0xE00, s7  }
0x562: {  	s11 =	sand.u32 $0x70, s11;
	s12 =	sshrl.u32 s12, $0x2  }
0x563: {  	s7 =	sadd.s32 $0x40, s7;
	s11 =	sor.u32 s11, s12  }
0x564: {  	[tilespmem:s11+$0x12200] =	vst v0;
	s6 =	rddreg [dreg:$0xb];
	s7 =	simm.s32 $0x12200  }
0x565: {  	[hbm4b:s6+s5] =	stream.linear.scatter [tilespmem:s7], [sflag:$0x5], $0x400, $0x38;
	[tilespmem:$0x14A00] =	vst v63  }
0x566: {  	_ =	swait.ge [sflag:s2], $0x200  }
0x567: {  	[sflag:s2] =	ssyncset.done $0x0  }
0x568: {  	[sflag:s2] =	ssyncadd.s32 $0xFFFFFE00  }
0x569: {  	_ =	swait.ge [sflag:s2], $0x200  }
0x56a: {  	[sflag:s2] =	ssyncset.done $0x0  }
0x56b: {  	[sflag:s2] =	ssyncadd.s32 $0xFFFFFE00  }
0x56c: {  	_ =	swait.ge [sflag:s2], $0x400  }
0x56d: {  	v15 =	vld [tilespmem:$0x1FE90]  }
0x56e: {  	v16 =	vld [tilespmem:$0x1FEA0]  }
0x56f: {  	v17 =	vld [tilespmem:$0x1FEB0]  }
0x570: {  	v18 =	vld [tilespmem:$0x1FEC0]  }
0x571: {  	v19 =	vld [tilespmem:$0x1FED0]  }
0x572: {  	v20 =	vld [tilespmem:$0x1FEE0]  }
0x573: {  	v21 =	vld [tilespmem:$0x1FEF0]  }
0x574: {  	v22 =	vld [tilespmem:$0x1FF00]  }
0x575: {  	v23 =	vld [tilespmem:$0x1FF10]  }
0x576: {  	v24 =	vld [tilespmem:$0x1FF20]  }
0x577: {  	v25 =	vld [tilespmem:$0x1FF30]  }
0x578: {  	v43 =	vld [tilespmem:$0x1FF50]  }
0x579: {  	v44 =	vld [tilespmem:$0x1FF60]  }
0x57a: {  	v45 =	vld [tilespmem:$0x1FF70]  }
0x57b: {  	v46 =	vld [tilespmem:$0x1FF80]  }
0x57c: {  	s18 =	sadd.s32 $0x1, s18;
	v47 =	vld [tilespmem:$0x1FF90]  }
0x57d: {  	p0 =	sne.s32 s18, s14;
	v48 =	vld [tilespmem:$0x1FFA0]  }
.Ltmp7:
0x57e: {  	v49 =	vld [tilespmem:$0x1FFB0];
	(pc) =	sbr.rel @p0 .LBB2_1-.Ltmp7, $4  }
0x57f: {  	v50 =	vld [tilespmem:$0x1FFC0]  }
0x580: {  	v51 =	vld [tilespmem:$0x1FFD0]  }
0x581: {  	[sflag:s2] =	ssyncset.done $0x0;
	v52 =	vld [tilespmem:$0x1FFE0]  }
0x582: {  	v2 =	vimm.f32 $0.0e+00;
	v4 =	vimm.f32 $1.000000000e+00;
	v53 =	vld [tilespmem:$0x1FFF0];
	[sflag:s2] =	ssyncadd.s32 $0xFFFFFC00  }
0x583: {  	_ =	sfence.sel $0x180000  }
0x584: {  	[bflag:$0x0] =	sbarrier.arrive $0xFFFF  }
0x585: {  	_ =	strace $0x90000047  }
0x586: {  	s0 =	stileid.u32;
	[bflag:$0x2] =	sbarrier.arrive $0xFFFF  }
0x587: {  	p0 =	sne.s32 s0, $0x0;
	s0 =	rddreg [dreg:$0x6]  }
0x588: {  	s0 =	sadd.s32 @!p0 $0x100000, s0  }
0x589: {  	[sflag:s0] =	ssyncadd.tile.s32 @!p0 $0x1;
	_ =	shalt  }
.Lfunc_end2:
_tile_overlayer_lowered:
.L_overlay_start_2:
0x58a: {  	(tag) =	ssettag $0x2  }
0x58b: {  	s0 =	rddreg [dreg:$0x0];
	s2 =	stileid.u32  }
0x58c: {  	s1 =	rddreg [dreg:$0x1];
	p0 =	sne.s32 s2, $0x0  }
0x58d: {  	s3 =	rddreg [dreg:$0x2];
	[bflag:$0x3] =	sbarrier.arrive $0xFFFF;
	s2 =	simm.s32 @!p0 $0x1C06  }
0x58e: {  	[timem:s3], [sflag:s2] =	dma.local @!p0 [hbm:s0], s1  }
0x58f: {  	s0 =	simm.s32 @!p0 $0x6  }
0x590: {  	_ =	swait.ge @!p0 [sflag:s0], s1  }
0x591: {  	s1 =	ssub.s32 @!p0 $0x0, s1;
	[sflag:s0] =	ssyncset.done @!p0 $0x0  }
0x592: {  	[sflag:s0] =	ssyncadd.s32 @!p0 s1  }
0x593: {  	[bflag:$0x3] =	sbarrier.arrive $0xFFFF  }
0x594: {  	_ =	shalt  }

</sc_bundles>
